<compile_context>
chip_gen: v7x
topology: tpu7x:2x2x1
jax: 0.10.2.dev20260603
libtpu: 0.0.44.dev20260713+nightly
codegen_flags: <defaults>
</compile_context>

<pallas_src>
import math

import jax
import jax.numpy as jnp
from jax import lax
from jax.experimental import pallas as pl
from jax.experimental.pallas import tpu as pltpu
from jax.experimental.pallas import tpu_sc as plsc

N = 10000
E = 320000
B = 64
D = 128
NF = 64
H = 4
MAXEL = 100

NP = 10240
NW = 32
CH = 512
NCHUNK = E // CH
NWN = NP // NW
TE = 512
TN = 2048
INV_SQRT_HD = 1.0 / math.sqrt(D // H)
F32 = jnp.float32

_SC_MESH = plsc.VectorSubcoreMesh(core_axis_name="c", subcore_axis_name="s")


def _nchunks(wid, nchunk):
    rem = nchunk - NW * (nchunk // NW)
    return jnp.where(wid < rem, nchunk // NW + 1, nchunk // NW)


def _dot(a, b):
    return jnp.dot(a, b, preferred_element_type=F32)


def _ln_tc(x, g, b):
    m = jnp.mean(x, axis=-1, keepdims=True)
    v = jnp.mean((x - m) ** 2, axis=-1, keepdims=True)
    return (x - m) / jnp.sqrt(v + 1e-5) * g + b


def _prep_body(emb_ref, nw1_ref, lat_ref, nw2_ref, nb_ref, a_ref, bl_ref):
    hp = lax.Precision.HIGHEST
    a_ref[...] = jnp.dot(emb_ref[...], nw1_ref[...],
                         preferred_element_type=F32, precision=hp)
    lat = lat_ref[...]
    cols = []
    for (i, k) in ((0, 0), (0, 1), (0, 2), (1, 1), (1, 2), (2, 2)):
        c = (lat[:, 0 + i:1 + i] * lat[:, 0 + k:1 + k]
             + lat[:, 3 + i:4 + i] * lat[:, 3 + k:4 + k]
             + lat[:, 6 + i:7 + i] * lat[:, 6 + k:7 + k])
        cols.append(c)
    lf = jnp.concatenate(cols, axis=1)
    bl_ref[...] = jnp.dot(lf, nw2_ref[...], preferred_element_type=F32,
                          precision=hp) + nb_ref[...]


def _prep_call(embP, nw1, lat9, nw2, nb):
    return pl.pallas_call(
        _prep_body,
        out_shape=(jax.ShapeDtypeStruct((D, D), F32),
                   jax.ShapeDtypeStruct((B, D), F32)),
    )(embP, nw1, lat9, nw2, nb)


def _k1_body(typesP, batchP, a_t, bl_t, fc_flat, src, dst, shifts, hn0, disp_flat,
             idxn_v, rows_a, rows_b, fc_v, idxs_v, idxd_v, sh_v, out_v, sem):
    cc = lax.axis_index("c")
    ss = lax.axis_index("s")
    wid = cc * 16 + ss

    nbase = wid * NWN
    pltpu.sync_copy(typesP.at[pl.ds(nbase, NWN)], idxn_v)
    pltpu.async_copy(a_t.at[idxn_v], rows_a, sem).wait()
    pltpu.sync_copy(batchP.at[pl.ds(nbase, NWN)], idxn_v)
    pltpu.async_copy(bl_t.at[idxn_v], rows_b, sem).wait()

    def nbody(r, carry):
        for kk in range(D // 16):
            sl = pl.ds(kk * 16, 16)
            rows_a[r, sl] = rows_a[r, sl] + rows_b[r, sl]
        return carry

    lax.fori_loop(0, NWN, nbody, 0)
    pltpu.sync_copy(rows_a, hn0.at[pl.ds(nbase, NWN), :])

    pltpu.sync_copy(fc_flat, fc_v)
    z16 = jnp.zeros((16,), F32)

    def zout(kk, carry):
        out_v[pl.ds(kk * 16, 16)] = z16
        return carry

    lax.fori_loop(0, (CH * 16) // 16, zout, 0)
    iota = lax.iota(jnp.int32, 16)

    def ebody(i, carry):
        base = (wid + i * NW) * CH
        pltpu.sync_copy(src.at[pl.ds(base, CH)], idxs_v)
        pltpu.sync_copy(dst.at[pl.ds(base, CH)], idxd_v)
        pltpu.sync_copy(shifts.at[pl.ds(base * 3, CH * 3)], sh_v)

        def jbody(j, jcarry):
            sl = pl.ds(j * 16, 16)
            s16 = idxs_v[sl]
            d16 = idxd_v[sl]
            e16 = j * 16 + iota
            for comp in range(3):
                fs = plsc.load_gather(fc_v, [s16 * 3 + comp])
                fd = plsc.load_gather(fc_v, [d16 * 3 + comp])
                sh = plsc.load_gather(sh_v, [e16 * 3 + comp])
                dv = fd - fs + sh
                ti = dv.astype(jnp.int32).astype(F32)
                fl = jnp.where(dv < ti, ti - 1.0, ti)
                plsc.store_scatter(out_v, [e16 * 16 + comp], dv - fl)
            return jcarry

        lax.fori_loop(0, CH // 16, jbody, 0)
        pltpu.sync_copy(out_v, disp_flat.at[pl.ds(base * 16, CH * 16)])
        return carry

    lax.fori_loop(0, _nchunks(wid, NCHUNK), ebody, 0)


def _k1_call(typesP, batchP, a_t, bl_t, fcp, src, dst, shifts):
    return pl.kernel(
        _k1_body,
        out_type=(jax.ShapeDtypeStruct((NP, D), F32),
                  jax.ShapeDtypeStruct((E * 16,), F32)),
        mesh=_SC_MESH,
        compiler_params=pltpu.CompilerParams(needs_layout_passes=False),
        scratch_types=[
            pltpu.VMEM((NWN,), jnp.int32),
            pltpu.VMEM((NWN, D), F32),
            pltpu.VMEM((NWN, D), F32),
            pltpu.VMEM((N * 3,), F32),
            pltpu.VMEM((CH,), jnp.int32),
            pltpu.VMEM((CH,), jnp.int32),
            pltpu.VMEM((CH * 3,), F32),
            pltpu.VMEM((CH * 16,), F32),
            pltpu.SemaphoreType.DMA,
        ],
    )(typesP, batchP, a_t, bl_t, fcp, src, dst, shifts)


_SIN_C = (6.2831855, -41.3417, 81.60525, -76.70578, 42.057533, -15.085474,
          3.7785523, -0.6179781)
_COS_C = (1.0, -19.739208, 64.93939, -85.45682, 60.244595, -26.425692,
          7.8995357, -1.6978502, 0.24478738)


def _k2_body(disp_ref, e16_ref, fint_ref, w1_ref, w2_ref, eb_ref, he_ref):
    d16 = disp_ref[...]
    f0 = _dot(d16, e16_ref[...])
    x = f0 * fint_ref[...]
    t = (x + 0.5).astype(jnp.int32).astype(F32)
    u = x - t
    v = u * u
    sp = jnp.full_like(v, _SIN_C[-1])
    for c in _SIN_C[-2::-1]:
        sp = sp * v + c
    sp = sp * u
    cp = jnp.full_like(v, _COS_C[-1])
    for c in _COS_C[-2::-1]:
        cp = cp * v + c
    he_ref[...] = (_dot(sp, w1_ref[...]) + _dot(cp, w2_ref[...]) + eb_ref[...])


def _k2_call(dispP, e16, fint, w1, w2, eb):
    return pl.pallas_call(
        _k2_body,
        grid=(E // TE,),
        in_specs=[
            pl.BlockSpec((TE, 16), lambda i: (i, 0)),
            pl.BlockSpec((16, 3 * NF), lambda i: (0, 0)),
            pl.BlockSpec((1, 3 * NF), lambda i: (0, 0)),
            pl.BlockSpec((3 * NF, D), lambda i: (0, 0)),
            pl.BlockSpec((3 * NF, D), lambda i: (0, 0)),
            pl.BlockSpec((1, D), lambda i: (0, 0)),
        ],
        out_specs=pl.BlockSpec((TE, D), lambda i: (i, 0)),
        out_shape=jax.ShapeDtypeStruct((E, D), F32),
    )(dispP, e16, fint, w1, w2, eb)


def _k3_body(hn, src, dst, hs, hd, idx_v, rows_v, sem):
    wid = lax.axis_index("c") * 16 + lax.axis_index("s")

    def body(i, carry):
        base = (wid + i * NW) * CH
        pltpu.sync_copy(src.at[pl.ds(base, CH)], idx_v)
        pltpu.async_copy(hn.at[idx_v], rows_v, sem).wait()
        pltpu.sync_copy(rows_v, hs.at[pl.ds(base, CH), :])
        pltpu.sync_copy(dst.at[pl.ds(base, CH)], idx_v)
        pltpu.async_copy(hn.at[idx_v], rows_v, sem).wait()
        pltpu.sync_copy(rows_v, hd.at[pl.ds(base, CH), :])
        return carry

    lax.fori_loop(0, _nchunks(wid, NCHUNK), body, 0)


def _k3_call(hn, src, dst):
    return pl.kernel(
        _k3_body,
        out_type=(jax.ShapeDtypeStruct((E, D), F32),
                  jax.ShapeDtypeStruct((E, D), F32)),
        mesh=_SC_MESH,
        scratch_types=[
            pltpu.VMEM((CH,), jnp.int32),
            pltpu.VMEM((CH, D), F32),
            pltpu.SemaphoreType.DMA,
        ],
    )(hn, src, dst)


def _k4_body(hs_ref, hd_ref, he_ref, ssel_ref, wq1, wq2, bq, wk1, wk2, bk,
             wv1, wv2, bv, w_ref, ex_ref):
    hs = hs_ref[...]
    hd = hd_ref[...]
    he = he_ref[...]
    q = _dot(hs, wq1[...]) + _dot(he, wq2[...]) + bq[...]
    k = _dot(hd, wk1[...]) + _dot(he, wk2[...]) + bk[...]
    v = _dot(hd, wv1[...]) + _dot(he, wv2[...]) + bv[...]
    qk = q * k
    sb = _dot(qk, ssel_ref[...])
    exb = jnp.exp(jnp.minimum(sb, 60.0))
    w_ref[...] = exb * v
    ex_ref[...] = exb


def _k4_call(hs, hd, he, ssel, wq1, wq2, bq, wk1, wk2, bk, wv1, wv2, bv):
    wspec = pl.BlockSpec((D, D), lambda i: (0, 0))
    bspec = pl.BlockSpec((1, D), lambda i: (0, 0))
    espec = pl.BlockSpec((TE, D), lambda i: (i, 0))
    return pl.pallas_call(
        _k4_body,
        grid=(E // TE,),
        in_specs=[espec, espec, espec, wspec,
                  wspec, wspec, bspec, wspec, wspec, bspec,
                  wspec, wspec, bspec],
        out_specs=(pl.BlockSpec((TE, D), lambda i: (i, 0)),
                   pl.BlockSpec((TE, D), lambda i: (i, 0))),
        out_shape=(jax.ShapeDtypeStruct((E, D), F32),
                   jax.ShapeDtypeStruct((E, D), F32)),
    )(hs, hd, he, ssel, wq1, wq2, bq, wk1, wk2, bk, wv1, wv2, bv)


CH5 = 256
NCHUNK5 = E // CH5


def _k5_body(w, x2, src, u, dens, idx_v, idxr_v, w_v, acc, sem):
    cc = lax.axis_index("c")
    ss = lax.axis_index("s")
    wid = cc * 16 + ss
    z16 = jnp.zeros((16,), F32)
    iota = lax.iota(jnp.int32, 16)

    def _zero_wv():
        def zrow(r, carry):
            for kk in range(D // 16):
                w_v[r, pl.ds(kk * 16, 16)] = z16
            return carry

        lax.fori_loop(0, 128, zrow, 0)

    def _set_own_rows(kk):
        row0 = ss * (NP // 16) + kk * 128

        def seti(j, c2):
            idxr_v[pl.ds(j * 16, 16)] = row0 + j * 16 + iota
            return c2

        lax.fori_loop(0, 128 // 16, seti, 0)
        return row0

    def _zero_acc():
        def initkk(kk, carry):
            _set_own_rows(kk)
            pltpu.sync_copy(w_v.at[pl.ds(0, 128), :], acc.at[idxr_v])
            return carry

        lax.fori_loop(0, NP // 16 // 128, initkk, 0)

    def _accum(ref):
        def body(i, carry):
            base = (wid + i * NW) * CH5
            pltpu.sync_copy(src.at[pl.ds(base, CH5)], idx_v)
            pltpu.sync_copy(ref.at[pl.ds(base, CH5), :], w_v)
            pltpu.sync_copy(w_v, acc.at[idx_v], add=True)
            return carry

        lax.fori_loop(0, _nchunks(wid, NCHUNK5), body, 0)

    def _readback(out3):
        def outkk(kk, carry):
            row0 = _set_own_rows(kk)
            pltpu.async_copy(acc.at[idxr_v], w_v.at[pl.ds(0, 128), :],
                             sem).wait()
            pltpu.sync_copy(w_v.at[pl.ds(0, 128), :],
                            out3.at[cc, pl.ds(row0, 128), :])
            return carry

        lax.fori_loop(0, NP // 16 // 128, outkk, 0)

    _zero_wv()
    _zero_acc()
    plsc.subcore_barrier()
    _accum(w)
    plsc.subcore_barrier()
    _readback(u)
    _zero_wv()
    _zero_acc()
    plsc.subcore_barrier()
    _accum(x2)
    plsc.subcore_barrier()
    _readback(dens)


def _k5_call(w, x2, src):
    return pl.kernel(
        _k5_body,
        out_type=(jax.ShapeDtypeStruct((2, NP, D), F32),
                  jax.ShapeDtypeStruct((2, NP, D), F32)),
        mesh=_SC_MESH,
        compiler_params=pltpu.CompilerParams(needs_layout_passes=False),
        scratch_types=[
            pltpu.VMEM((CH5,), jnp.int32),
            pltpu.VMEM((128,), jnp.int32),
            pltpu.VMEM((CH5, D), F32),
            pltpu.VMEM_SHARED((NP, D), F32),
            pltpu.SemaphoreType.DMA,
        ],
    )(w, x2, src)


def _k6_body(hn_ref, u0_ref, u1_ref, d0_ref, d1_ref, ow, ob, n1g, n1b,
             f1, f1b, f2, f2b, n2g, n2b, out_ref):
    denb = d0_ref[...] + d1_ref[...]
    agg = (u0_ref[...] + u1_ref[...]) / (denb + 1e-16)
    o = _dot(agg, ow[...]) + ob[...]
    x = hn_ref[...] + o
    h1 = _ln_tc(x, n1g[...], n1b[...])
    ffh = _dot(h1, f1[...]) + f1b[...]
    gg = 0.5 * ffh * (1.0 + lax.erf(ffh * (1.0 / math.sqrt(2.0))))
    ff = _dot(gg, f2[...]) + f2b[...]
    out_ref[...] = _ln_tc(h1 + ff, n2g[...], n2b[...])


def _k6_call(hn, u2, dens2, ow, ob, n1g, n1b, f1, f1b, f2, f2b, n2g, n2b):
    nspec = pl.BlockSpec((TN, D), lambda i: (i, 0))
    return pl.pallas_call(
        _k6_body,
        grid=(NP // TN,),
        in_specs=[
            nspec,
            pl.BlockSpec((TN, D), lambda i: (i, 0)),
            pl.BlockSpec((TN, D), lambda i: (i + NP // TN, 0)),
            pl.BlockSpec((TN, D), lambda i: (i, 0)),
            pl.BlockSpec((TN, D), lambda i: (i + NP // TN, 0)),
            pl.BlockSpec((D, D), lambda i: (0, 0)),
            pl.BlockSpec((1, D), lambda i: (0, 0)),
            pl.BlockSpec((1, D), lambda i: (0, 0)),
            pl.BlockSpec((1, D), lambda i: (0, 0)),
            pl.BlockSpec((D, 4 * D), lambda i: (0, 0)),
            pl.BlockSpec((1, 4 * D), lambda i: (0, 0)),
            pl.BlockSpec((4 * D, D), lambda i: (0, 0)),
            pl.BlockSpec((1, D), lambda i: (0, 0)),
            pl.BlockSpec((1, D), lambda i: (0, 0)),
            pl.BlockSpec((1, D), lambda i: (0, 0)),
        ],
        out_specs=nspec,
        out_shape=jax.ShapeDtypeStruct((NP, D), F32),
    )(hn, u2, u2, dens2, dens2, ow, ob, n1g, n1b, f1, f1b, f2, f2b, n2g, n2b)


def kernel(atom_types, lattices, batch_idx, frac_coords, edge_index,
           edge_unit_shifts, num_atoms, token_idx, atom_emb, node_w, node_b,
           edge_w, edge_b, wq_w, wq_b, wkv_w, wkv_b, out_w, out_b, n1_g, n1_b,
           f1_w, f1_b, f2_w, f2_b, n2_g, n2_b):
    src = edge_index[0].astype(jnp.int32)
    dst = edge_index[1].astype(jnp.int32)
    typesP = jnp.pad(atom_types.astype(jnp.int32), (0, NP - N))
    batchP = jnp.pad(batch_idx.astype(jnp.int32), (0, NP - N))
    fcp = frac_coords.astype(F32).reshape(-1)
    shifts = edge_unit_shifts.astype(F32).reshape(-1)
    embP = jnp.pad(atom_emb.astype(F32), ((0, D - MAXEL), (0, 0)))
    lat9 = lattices.astype(F32).reshape(B, 9)

    cols = jnp.arange(3 * NF, dtype=jnp.int32)
    e16 = (cols[None, :] // NF == jnp.arange(16, dtype=jnp.int32)[:, None]
           ).astype(F32)
    fint = (cols % NF).astype(F32)[None, :]
    dcol = jnp.arange(D, dtype=jnp.int32)
    ssel = jnp.where(dcol[:, None] // 32 == dcol[None, :] // 32,
                     INV_SQRT_HD, 0.0).astype(F32)

    a_t, bl_t = _prep_call(embP, node_w[:D], lat9, node_w[D:], node_b[None, :])
    hn0, disp_flat = _k1_call(typesP, batchP, a_t, bl_t, fcp, src, dst, shifts)
    h_e = _k2_call(disp_flat.reshape(E, 16), e16, fint, edge_w[:3 * NF],
                   edge_w[3 * NF:], edge_b[None, :])

    hn = hn0
    for li in range(2):
        hs_, hd_ = _k3_call(hn, src, dst)
        w_, exp_ = _k4_call(
            hs_, hd_, h_e, ssel,
            wq_w[li, :D], wq_w[li, D:], wq_b[li][None, :],
            wkv_w[li, :D, :D], wkv_w[li, D:, :D], wkv_b[li][None, :D],
            wkv_w[li, :D, D:], wkv_w[li, D:, D:], wkv_b[li][None, D:])
        u_, dens_ = _k5_call(w_, exp_, src)
        hn = _k6_call(
            hn, u_.reshape(2 * NP, D), dens_.reshape(2 * NP, D),
            out_w[li], out_b[li][None, :], n1_g[li][None, :], n1_b[li][None, :],
            f1_w[li], f1_b[li][None, :], f2_w[li], f2_b[li][None, :],
            n2_g[li][None, :], n2_b[li][None, :])
    return hn[:N]

# --- scband reference (transcript-rebuilt; emitter-appended) ---
"""Pipeline reference for scband-crystal-transformer-encoder-11063835755127 (READ-ONLY COPY).

The authoritative reference and input builder live on the scoring server;
editing this copy changes nothing except your own understanding.
"""

import jax, jax.numpy as jnp
import numpy as np

N = 10000
E = 320000
B = 64
D = 128
NF = 64
H = 4
L = 2
MAXEL = 100
FDIM = NF * 2 * 3


def _linear(x, w, b):
    return x @ w + b


def _ln(x, g, b, eps=1e-5):
    m = x.mean(-1, keepdims=True)
    v = ((x - m) ** 2).mean(-1, keepdims=True)
    return (x - m) / jnp.sqrt(v + eps) * g + b


def setup_inputs(seed: int = 0) -> dict:
    key = jax.random.key(seed)
    ks = jax.random.split(key, 32)
    s = 0.02
    inp = {}
    inp['atom_types'] = jax.random.randint(ks[0], (N,), 0, MAXEL)
    inp['lattices'] = jax.random.normal(ks[1], (B, 3, 3), dtype=jnp.float32)
    inp['batch_idx'] = jnp.sort(jax.random.randint(ks[2], (N,), 0, B))
    inp['frac_coords'] = jax.random.uniform(ks[3], (N, 3), dtype=jnp.float32)
    inp['edge_index'] = jax.random.randint(ks[4], (2, E), 0, N)
    inp['edge_unit_shifts'] = jax.random.normal(ks[5], (E, 3), dtype=jnp.float32)
    inp['num_atoms'] = jax.random.randint(ks[6], (B,), 0, 200)
    inp['token_idx'] = jnp.arange(N)
    inp['atom_emb'] = jax.random.normal(ks[7], (MAXEL, D), dtype=jnp.float32) * s
    inp['node_w'] = jax.random.normal(ks[8], (D + 6, D), dtype=jnp.float32) * s
    inp['node_b'] = jnp.zeros((D,), jnp.float32)
    inp['edge_w'] = jax.random.normal(ks[9], (FDIM, D), dtype=jnp.float32) * s
    inp['edge_b'] = jnp.zeros((D,), jnp.float32)
    inp['wq_w'] = jax.random.normal(ks[10], (L, 2 * D, D), dtype=jnp.float32) * s
    inp['wq_b'] = jnp.zeros((L, D), jnp.float32)
    inp['wkv_w'] = jax.random.normal(ks[11], (L, 2 * D, 2 * D), dtype=jnp.float32) * s
    inp['wkv_b'] = jnp.zeros((L, 2 * D), jnp.float32)
    inp['out_w'] = jax.random.normal(ks[12], (L, D, D), dtype=jnp.float32) * s
    inp['out_b'] = jnp.zeros((L, D), jnp.float32)
    inp['n1_g'] = jnp.ones((L, D), jnp.float32)
    inp['n1_b'] = jnp.zeros((L, D), jnp.float32)
    inp['f1_w'] = jax.random.normal(ks[13], (L, D, 4 * D), dtype=jnp.float32) * s
    inp['f1_b'] = jnp.zeros((L, 4 * D), jnp.float32)
    inp['f2_w'] = jax.random.normal(ks[14], (L, 4 * D, D), dtype=jnp.float32) * s
    inp['f2_b'] = jnp.zeros((L, D), jnp.float32)
    inp['n2_g'] = jnp.ones((L, D), jnp.float32)
    inp['n2_b'] = jnp.zeros((L, D), jnp.float32)
    return inp


def reference(atom_types, lattices, batch_idx, frac_coords, edge_index, edge_unit_shifts,
              num_atoms, token_idx, atom_emb, node_w, node_b, edge_w, edge_b,
              wq_w, wq_b, wkv_w, wkv_b, out_w, out_b, n1_g, n1_b,
              f1_w, f1_b, f2_w, f2_b, n2_g, n2_b):
    freqs = 2.0 * jnp.pi * jnp.arange(NF, dtype=jnp.float32)
    # atom embedding lookup (gather)
    e_a = atom_emb[atom_types]
    # lattice invariant features: upper triangle of L^T L
    LTL = jnp.einsum('bji,bjk->bik', lattices, lattices)
    iu = jnp.triu_indices(3)
    l_feat = LTL[:, iu[0], iu[1]]
    node_feat = jnp.concatenate([e_a, l_feat[batch_idx]], axis=-1)
    h_n = _linear(node_feat, node_w, node_b)
    src, dst = edge_index[0], edge_index[1]
    # relative edge features + fourier embedding
    disp = jnp.mod(frac_coords[dst] - frac_coords[src] + edge_unit_shifts, 1.0)
    emb = (disp[..., None] * freqs[None, None, :]).reshape(-1, NF * 3)
    edge_feat = jnp.concatenate([jnp.sin(emb), jnp.cos(emb)], axis=-1)
    h_e = _linear(edge_feat, edge_w, edge_b)
    hd = D // H
    for li in range(L):
        q_in = jnp.concatenate([h_n[src], h_e], axis=-1)
        kv_in = jnp.concatenate([h_n[dst], h_e], axis=-1)
        Q = _linear(q_in, wq_w[li], wq_b[li]).reshape(-1, H, hd)
        KV = _linear(kv_in, wkv_w[li], wkv_b[li])
        K = KV[:, :D].reshape(-1, H, hd)
        V = KV[:, D:].reshape(-1, H, hd)
        scores = (Q * K).sum(-1) / jnp.sqrt(float(hd))
        # scatter_softmax over edges grouped by src node
        m = jax.ops.segment_max(scores, src, num_segments=N)
        m = jnp.where(jnp.isfinite(m), m, 0.0)
        ex = jnp.exp(scores - m[src])
        den = jax.ops.segment_sum(ex, src, num_segments=N)
        aw = ex / (den[src] + 1e-16)
        out = jax.ops.segment_sum(aw[..., None] * V, src, num_segments=N).reshape(N, D)
        out = _linear(out, out_w[li], out_b[li])
        h_n = _ln(h_n + out, n1_g[li], n1_b[li])
        ff = _linear(jax.nn.gelu(_linear(h_n, f1_w[li], f1_b[li]), approximate=False), f2_w[li], f2_b[li])
        h_n = _ln(h_n + ff, n2_g[li], n2_b[li])
    return h_n

if __name__ == "__main__":
    import jax
    _d = setup_inputs()
    print(jax.jit(kernel)(*tuple(_d.values())))

</pallas_src>

<mosaic_0001>
#map = affine_map<(d0, d1) -> (0, 0)>
#map1 = affine_map<(d0, d1) -> (0)>
#map2 = affine_map<(d0, d1) -> (0, 0, 0)>
module attributes {stable_mosaic.version = 14 : i64} {
  func.func @_k5_body(%arg0: i32, %arg1: i32, %arg2: memref<320000x128xf32, #tpu.memory_space<hbm>>, %arg3: memref<320000x128xf32, #tpu.memory_space<hbm>>, %arg4: memref<320000xi32, #tpu.memory_space<hbm>>, %arg5: memref<2x10240x128xf32, #tpu.memory_space<hbm>>, %arg6: memref<2x10240x128xf32, #tpu.memory_space<hbm>>, %arg7: memref<256xi32, #tpu.memory_space<vmem>>, %arg8: memref<128xi32, #tpu.memory_space<vmem>>, %arg9: memref<256x128xf32, #tpu.memory_space<vmem>>, %arg10: memref<10240x128xf32, #tpu.memory_space<vmem_shared>>, %arg11: memref<!tpu.dma_semaphore, #tpu.memory_space<semaphore_mem>>) attributes {dimension_semantics = [#tpu.dimension_semantics<core_parallel>, #tpu.dimension_semantics<subcore_parallel>], iteration_bounds = array<i64: 2, 16>, scalar_prefetch = 0 : i64, scratch_operands = 5 : i64, tpu.core_type = #tpu.core_type<sc_vector_subcore>, window_params = [{transform_indices = #map}, {transform_indices = #map}, {transform_indices = #map1}, {transform_indices = #map2}, {transform_indices = #map2}]} {
    %mul3A = arith.constant 16 : i32
    %mul3A_0 = arith.muli %arg0, %mul3A : i32
    %add3A = arith.addi %mul3A_0, %arg1 : i32
    %broadcast_in_dim3A = arith.constant 0.000000e+00 : f32
    %broadcast_in_dim3A_1 = vector.broadcast %broadcast_in_dim3A : f32 to vector<16xf32>
    %iota3A = tpu.iota {dimensions = array<i32: 0>} : vector<16xi32>
    %scan3A = arith.constant 0 : i32
    %scan3A_2 = arith.constant 0 : i32
    %scan3A_3 = arith.constant 128 : i32
    %scan3A_4 = arith.addi %scan3A_2, %scan3A_3 : i32
    %scan3A_5 = arith.constant 1 : i32
    scf.for %scan3A_66 = %scan3A_2 to %scan3A_4 step %scan3A_5  : i32 {
      %swap3A = arith.index_cast %scan3A_66 : i32 to index
      %swap3A_67 = arith.constant 0 : index
      %swap3A_68 = tpu.vector_load %arg9[%swap3A, %swap3A_67] {strides = array<i32>} : memref<256x128xf32, #tpu.memory_space<vmem>>, vector<16xf32>,
      tpu.vector_store %arg9[%swap3A, %swap3A_67], %broadcast_in_dim3A_1 {strides = array<i32>} : memref<256x128xf32, #tpu.memory_space<vmem>>, vector<16xf32>,
      %swap3A_69 = arith.index_cast %scan3A_66 : i32 to index
      %swap3A_70 = arith.constant 16 : index
      %swap3A_71 = tpu.vector_load %arg9[%swap3A_69, %swap3A_70] {strides = array<i32>} : memref<256x128xf32, #tpu.memory_space<vmem>>, vector<16xf32>,
      tpu.vector_store %arg9[%swap3A_69, %swap3A_70], %broadcast_in_dim3A_1 {strides = array<i32>} : memref<256x128xf32, #tpu.memory_space<vmem>>, vector<16xf32>,
      %swap3A_72 = arith.index_cast %scan3A_66 : i32 to index
      %swap3A_73 = arith.constant 32 : index
      %swap3A_74 = tpu.vector_load %arg9[%swap3A_72, %swap3A_73] {strides = array<i32>} : memref<256x128xf32, #tpu.memory_space<vmem>>, vector<16xf32>,
      tpu.vector_store %arg9[%swap3A_72, %swap3A_73], %broadcast_in_dim3A_1 {strides = array<i32>} : memref<256x128xf32, #tpu.memory_space<vmem>>, vector<16xf32>,
      %swap3A_75 = arith.index_cast %scan3A_66 : i32 to index
      %swap3A_76 = arith.constant 48 : index
      %swap3A_77 = tpu.vector_load %arg9[%swap3A_75, %swap3A_76] {strides = array<i32>} : memref<256x128xf32, #tpu.memory_space<vmem>>, vector<16xf32>,
      tpu.vector_store %arg9[%swap3A_75, %swap3A_76], %broadcast_in_dim3A_1 {strides = array<i32>} : memref<256x128xf32, #tpu.memory_space<vmem>>, vector<16xf32>,
      %swap3A_78 = arith.index_cast %scan3A_66 : i32 to index
      %swap3A_79 = arith.constant 64 : index
      %swap3A_80 = tpu.vector_load %arg9[%swap3A_78, %swap3A_79] {strides = array<i32>} : memref<256x128xf32, #tpu.memory_space<vmem>>, vector<16xf32>,
      tpu.vector_store %arg9[%swap3A_78, %swap3A_79], %broadcast_in_dim3A_1 {strides = array<i32>} : memref<256x128xf32, #tpu.memory_space<vmem>>, vector<16xf32>,
      %swap3A_81 = arith.index_cast %scan3A_66 : i32 to index
      %swap3A_82 = arith.constant 80 : index
      %swap3A_83 = tpu.vector_load %arg9[%swap3A_81, %swap3A_82] {strides = array<i32>} : memref<256x128xf32, #tpu.memory_space<vmem>>, vector<16xf32>,
      tpu.vector_store %arg9[%swap3A_81, %swap3A_82], %broadcast_in_dim3A_1 {strides = array<i32>} : memref<256x128xf32, #tpu.memory_space<vmem>>, vector<16xf32>,
      %swap3A_84 = arith.index_cast %scan3A_66 : i32 to index
      %swap3A_85 = arith.constant 96 : index
      %swap3A_86 = tpu.vector_load %arg9[%swap3A_84, %swap3A_85] {strides = array<i32>} : memref<256x128xf32, #tpu.memory_space<vmem>>, vector<16xf32>,
      tpu.vector_store %arg9[%swap3A_84, %swap3A_85], %broadcast_in_dim3A_1 {strides = array<i32>} : memref<256x128xf32, #tpu.memory_space<vmem>>, vector<16xf32>,
      %swap3A_87 = arith.index_cast %scan3A_66 : i32 to index
      %swap3A_88 = arith.constant 112 : index
      %swap3A_89 = tpu.vector_load %arg9[%swap3A_87, %swap3A_88] {strides = array<i32>} : memref<256x128xf32, #tpu.memory_space<vmem>>, vector<16xf32>,
      tpu.vector_store %arg9[%swap3A_87, %swap3A_88], %broadcast_in_dim3A_1 {strides = array<i32>} : memref<256x128xf32, #tpu.memory_space<vmem>>, vector<16xf32>,
    }
    %scan3A_6 = arith.constant 128 : i32
    %scan3A_7 = arith.constant 0 : i32
    %scan3A_8 = arith.constant 0 : i32
    %scan3A_9 = arith.constant 5 : i32
    %scan3A_10 = arith.addi %scan3A_8, %scan3A_9 : i32
    %scan3A_11 = arith.constant 1 : i32
    scf.for %scan3A_66 = %scan3A_8 to %scan3A_10 step %scan3A_11  : i32 {
      %mul3A_67 = arith.constant 640 : i32
      %mul3A_68 = arith.muli %arg1, %mul3A_67 : i32
      %mul3A_69 = arith.constant 128 : i32
      %mul3A_70 = arith.muli %scan3A_66, %mul3A_69 : i32
      %add3A_71 = arith.addi %mul3A_68, %mul3A_70 : i32
      %scan3A_72 = arith.constant 0 : i32
      %scan3A_73 = arith.constant 0 : i32
      %scan3A_74 = arith.constant 8 : i32
      %scan3A_75 = arith.addi %scan3A_73, %scan3A_74 : i32
      %scan3A_76 = arith.constant 1 : i32
      scf.for %scan3A_78 = %scan3A_73 to %scan3A_75 step %scan3A_76  : i32 {
        %mul3A_79 = arith.constant 16 : i32
        %mul3A_80 = arith.muli %scan3A_78, %mul3A_79 : i32
        %add3A_81 = arith.addi %add3A_71, %mul3A_80 : i32
        %add3A_82 = vector.broadcast %add3A_81 : i32 to vector<16xi32>
        %add3A_83 = arith.addi %add3A_82, %iota3A : vector<16xi32>
        %mul3A_84 = arith.constant 16 : i32
        %mul3A_85 = arith.muli %scan3A_78, %mul3A_84 : i32
        %swap3A = arith.index_cast %mul3A_85 : i32 to index
        %swap3A_86 = tpu.vector_load %arg8[%swap3A] {strides = array<i32>} : memref<128xi32, #tpu.memory_space<vmem>>, vector<16xi32>,
        tpu.vector_store %arg8[%swap3A], %add3A_83 {strides = array<i32>} : memref<128xi32, #tpu.memory_space<vmem>>, vector<16xi32>,
      }
      %scan3A_77 = arith.constant 8 : i32
      "tpu.region"() ({
        %run_scoped3A = tpu.sem_alloc : memref<!tpu.dma_semaphore, #tpu.memory_space<semaphore_mem>>
        %dma_start3A = arith.constant 0 : i32
        %dma_start3A_78 = arith.constant 0 : i32
        %dma_start3A_79 = tpu.memref_slice %arg9[%dma_start3A, %dma_start3A_78] : memref<256x128xf32, #tpu.memory_space<vmem>> -> memref<128x128xf32, #tpu.memory_space<vmem>>
        %dma_start3A_80 = arith.constant 0 : i32
        %dma_start3A_81 = arith.constant 0 : i32
        %dma_start3A_82 = tpu.memref_slice %arg10[%dma_start3A_80, %dma_start3A_81] : memref<10240x128xf32, #tpu.memory_space<vmem_shared>> -> memref<10240x128xf32, #tpu.memory_space<vmem_shared>>
        tpu.enqueue_indirect_dma source(%dma_start3A_79 : memref<128x128xf32, #tpu.memory_space<vmem>>) target(%dma_start3A_82 : memref<10240x128xf32, #tpu.memory_space<vmem_shared>>) offsets(%arg8 : memref<128xi32, #tpu.memory_space<vmem>>) semaphore(%run_scoped3A : memref<!tpu.dma_semaphore, #tpu.memory_space<semaphore_mem>>)
        %dma_wait3A = arith.constant 0 : i32
        %dma_wait3A_83 = arith.constant 0 : i32
        %dma_wait3A_84 = tpu.memref_slice %arg9[%dma_wait3A, %dma_wait3A_83] : memref<256x128xf32, #tpu.memory_space<vmem>> -> memref<128x128xf32, #tpu.memory_space<vmem>>
        %dma_wait3A_85 = arith.constant 0 : i32
        %dma_wait3A_86 = arith.constant 0 : i32
        %dma_wait3A_87 = tpu.memref_slice %arg10[%dma_wait3A_85, %dma_wait3A_86] : memref<10240x128xf32, #tpu.memory_space<vmem_shared>> -> memref<10240x128xf32, #tpu.memory_space<vmem_shared>>
        tpu.wait_indirect_dma semaphore(%run_scoped3A : memref<!tpu.dma_semaphore, #tpu.memory_space<semaphore_mem>>) src(%dma_wait3A_84 : memref<128x128xf32, #tpu.memory_space<vmem>>) dst(%dma_wait3A_87 : memref<10240x128xf32, #tpu.memory_space<vmem_shared>>)
        tpu.yield
      }) : () -> ()
    }
    %scan3A_12 = arith.constant 5 : i32
    %barrier3A = arith.constant 0 : index
    tpu.barrier barrier_id(%barrier3A)
    %lt3A = arith.constant 2 : i32
    %lt3A_13 = arith.cmpi slt, %add3A, %lt3A : i32
    %jit3A = arith.constant 40 : i32
    %jit3A_14 = arith.constant 39 : i32
    %select_n3A = arith.select %lt3A_13, %jit3A, %jit3A_14 : i32
    %while3A = arith.constant 0 : i32
    %while3A_15 = arith.constant 0 : i32
    %while3A_16 = arith.subi %select_n3A, %while3A_15 : i32
    %while3A_17 = arith.addi %while3A_15, %while3A_16 : i32
    %while3A_18 = arith.constant 1 : i32
    %while3A_19 = arith.divsi %while3A_16, %while3A_18 : i32
    %while3A_20 = arith.muli %while3A_19, %while3A_18 : i32
    %while3A_21 = arith.addi %while3A_15, %while3A_20 : i32
    %while3A_22 = arith.constant 1 : i32
    scf.for %while3A_66 = %while3A_15 to %while3A_21 step %while3A_22  : i32 {
      %mul3A_67 = arith.constant 32 : i32
      %mul3A_68 = arith.muli %while3A_66, %mul3A_67 : i32
      %add3A_69 = arith.addi %add3A, %mul3A_68 : i32
      %mul3A_70 = arith.constant 256 : i32
      %mul3A_71 = arith.muli %add3A_69, %mul3A_70 : i32
      "tpu.region"() ({
        %run_scoped3A = tpu.sem_alloc : memref<!tpu.dma_semaphore, #tpu.memory_space<semaphore_mem>>
        %dma_start3A = tpu.memref_slice %arg4[%mul3A_71] : memref<320000xi32, #tpu.memory_space<hbm>> -> memref<256xi32, #tpu.memory_space<hbm>>
        %dma_start3A_72 = tpu.memref_slice %arg4[%mul3A_71] : memref<320000xi32, #tpu.memory_space<hbm>> -> memref<256xi32, #tpu.memory_space<hbm>>
        tpu.enqueue_dma source(%dma_start3A_72 : memref<256xi32, #tpu.memory_space<hbm>>) target(%arg7 : memref<256xi32, #tpu.memory_space<vmem>>) target_semaphore(%run_scoped3A : memref<!tpu.dma_semaphore, #tpu.memory_space<semaphore_mem>>)
        %dma_wait3A = tpu.memref_slice %arg4[%mul3A_71] : memref<320000xi32, #tpu.memory_space<hbm>> -> memref<256xi32, #tpu.memory_space<hbm>>
        %dma_wait3A_73 = tpu.memref_slice %arg4[%mul3A_71] : memref<320000xi32, #tpu.memory_space<hbm>> -> memref<256xi32, #tpu.memory_space<hbm>>
        tpu.wait_dma2 semaphore(%run_scoped3A : memref<!tpu.dma_semaphore, #tpu.memory_space<semaphore_mem>>) src(%dma_wait3A_73 : memref<256xi32, #tpu.memory_space<hbm>>) dst(%arg7 : memref<256xi32, #tpu.memory_space<vmem>>)
        tpu.yield
      }) : () -> ()
      "tpu.region"() ({
        %run_scoped3A = tpu.sem_alloc : memref<!tpu.dma_semaphore, #tpu.memory_space<semaphore_mem>>
        %dma_start3A = arith.constant 0 : i32
        %dma_start3A_72 = tpu.memref_slice %arg2[%mul3A_71, %dma_start3A] : memref<320000x128xf32, #tpu.memory_space<hbm>> -> memref<256x128xf32, #tpu.memory_space<hbm>>
        %dma_start3A_73 = arith.constant 0 : i32
        %dma_start3A_74 = tpu.memref_slice %arg2[%mul3A_71, %dma_start3A_73] : memref<320000x128xf32, #tpu.memory_space<hbm>> -> memref<256x128xf32, #tpu.memory_space<hbm>>
        tpu.enqueue_dma source(%dma_start3A_74 : memref<256x128xf32, #tpu.memory_space<hbm>>) target(%arg9 : memref<256x128xf32, #tpu.memory_space<vmem>>) target_semaphore(%run_scoped3A : memref<!tpu.dma_semaphore, #tpu.memory_space<semaphore_mem>>)
        %dma_wait3A = arith.constant 0 : i32
        %dma_wait3A_75 = tpu.memref_slice %arg2[%mul3A_71, %dma_wait3A] : memref<320000x128xf32, #tpu.memory_space<hbm>> -> memref<256x128xf32, #tpu.memory_space<hbm>>
        %dma_wait3A_76 = arith.constant 0 : i32
        %dma_wait3A_77 = tpu.memref_slice %arg2[%mul3A_71, %dma_wait3A_76] : memref<320000x128xf32, #tpu.memory_space<hbm>> -> memref<256x128xf32, #tpu.memory_space<hbm>>
        tpu.wait_dma2 semaphore(%run_scoped3A : memref<!tpu.dma_semaphore, #tpu.memory_space<semaphore_mem>>) src(%dma_wait3A_77 : memref<256x128xf32, #tpu.memory_space<hbm>>) dst(%arg9 : memref<256x128xf32, #tpu.memory_space<vmem>>)
        tpu.yield
      }) : () -> ()
      "tpu.region"() ({
        %run_scoped3A = tpu.sem_alloc : memref<!tpu.dma_semaphore, #tpu.memory_space<semaphore_mem>>
        %dma_start3A = arith.constant 0 : i32
        %dma_start3A_72 = arith.constant 0 : i32
        %dma_start3A_73 = tpu.memref_slice %arg10[%dma_start3A, %dma_start3A_72] : memref<10240x128xf32, #tpu.memory_space<vmem_shared>> -> memref<10240x128xf32, #tpu.memory_space<vmem_shared>>
        tpu.enqueue_indirect_dma source(%arg9 : memref<256x128xf32, #tpu.memory_space<vmem>>) target(%dma_start3A_73 : memref<10240x128xf32, #tpu.memory_space<vmem_shared>>) offsets(%arg7 : memref<256xi32, #tpu.memory_space<vmem>>) semaphore(%run_scoped3A : memref<!tpu.dma_semaphore, #tpu.memory_space<semaphore_mem>>) {add = true}
        %dma_wait3A = arith.constant 0 : i32
        %dma_wait3A_74 = arith.constant 0 : i32
        %dma_wait3A_75 = tpu.memref_slice %arg10[%dma_wait3A, %dma_wait3A_74] : memref<10240x128xf32, #tpu.memory_space<vmem_shared>> -> memref<10240x128xf32, #tpu.memory_space<vmem_shared>>
        tpu.wait_indirect_dma semaphore(%run_scoped3A : memref<!tpu.dma_semaphore, #tpu.memory_space<semaphore_mem>>) src(%arg9 : memref<256x128xf32, #tpu.memory_space<vmem>>) dst(%dma_wait3A_75 : memref<10240x128xf32, #tpu.memory_space<vmem_shared>>)
        tpu.yield
      }) : () -> ()
    }
    %while3A_23 = arith.constant 1 : i32
    scf.for %while3A_66 = %while3A_21 to %while3A_17 step %while3A_23  : i32 {
      %mul3A_67 = arith.constant 32 : i32
      %mul3A_68 = arith.muli %while3A_66, %mul3A_67 : i32
      %add3A_69 = arith.addi %add3A, %mul3A_68 : i32
      %mul3A_70 = arith.constant 256 : i32
      %mul3A_71 = arith.muli %add3A_69, %mul3A_70 : i32
      "tpu.region"() ({
        %run_scoped3A = tpu.sem_alloc : memref<!tpu.dma_semaphore, #tpu.memory_space<semaphore_mem>>
        %dma_start3A = tpu.memref_slice %arg4[%mul3A_71] : memref<320000xi32, #tpu.memory_space<hbm>> -> memref<256xi32, #tpu.memory_space<hbm>>
        %dma_start3A_72 = tpu.memref_slice %arg4[%mul3A_71] : memref<320000xi32, #tpu.memory_space<hbm>> -> memref<256xi32, #tpu.memory_space<hbm>>
        tpu.enqueue_dma source(%dma_start3A_72 : memref<256xi32, #tpu.memory_space<hbm>>) target(%arg7 : memref<256xi32, #tpu.memory_space<vmem>>) target_semaphore(%run_scoped3A : memref<!tpu.dma_semaphore, #tpu.memory_space<semaphore_mem>>)
        %dma_wait3A = tpu.memref_slice %arg4[%mul3A_71] : memref<320000xi32, #tpu.memory_space<hbm>> -> memref<256xi32, #tpu.memory_space<hbm>>
        %dma_wait3A_73 = tpu.memref_slice %arg4[%mul3A_71] : memref<320000xi32, #tpu.memory_space<hbm>> -> memref<256xi32, #tpu.memory_space<hbm>>
        tpu.wait_dma2 semaphore(%run_scoped3A : memref<!tpu.dma_semaphore, #tpu.memory_space<semaphore_mem>>) src(%dma_wait3A_73 : memref<256xi32, #tpu.memory_space<hbm>>) dst(%arg7 : memref<256xi32, #tpu.memory_space<vmem>>)
        tpu.yield
      }) : () -> ()
      "tpu.region"() ({
        %run_scoped3A = tpu.sem_alloc : memref<!tpu.dma_semaphore, #tpu.memory_space<semaphore_mem>>
        %dma_start3A = arith.constant 0 : i32
        %dma_start3A_72 = tpu.memref_slice %arg2[%mul3A_71, %dma_start3A] : memref<320000x128xf32, #tpu.memory_space<hbm>> -> memref<256x128xf32, #tpu.memory_space<hbm>>
        %dma_start3A_73 = arith.constant 0 : i32
        %dma_start3A_74 = tpu.memref_slice %arg2[%mul3A_71, %dma_start3A_73] : memref<320000x128xf32, #tpu.memory_space<hbm>> -> memref<256x128xf32, #tpu.memory_space<hbm>>
        tpu.enqueue_dma source(%dma_start3A_74 : memref<256x128xf32, #tpu.memory_space<hbm>>) target(%arg9 : memref<256x128xf32, #tpu.memory_space<vmem>>) target_semaphore(%run_scoped3A : memref<!tpu.dma_semaphore, #tpu.memory_space<semaphore_mem>>)
        %dma_wait3A = arith.constant 0 : i32
        %dma_wait3A_75 = tpu.memref_slice %arg2[%mul3A_71, %dma_wait3A] : memref<320000x128xf32, #tpu.memory_space<hbm>> -> memref<256x128xf32, #tpu.memory_space<hbm>>
        %dma_wait3A_76 = arith.constant 0 : i32
        %dma_wait3A_77 = tpu.memref_slice %arg2[%mul3A_71, %dma_wait3A_76] : memref<320000x128xf32, #tpu.memory_space<hbm>> -> memref<256x128xf32, #tpu.memory_space<hbm>>
        tpu.wait_dma2 semaphore(%run_scoped3A : memref<!tpu.dma_semaphore, #tpu.memory_space<semaphore_mem>>) src(%dma_wait3A_77 : memref<256x128xf32, #tpu.memory_space<hbm>>) dst(%arg9 : memref<256x128xf32, #tpu.memory_space<vmem>>)
        tpu.yield
      }) : () -> ()
      "tpu.region"() ({
        %run_scoped3A = tpu.sem_alloc : memref<!tpu.dma_semaphore, #tpu.memory_space<semaphore_mem>>
        %dma_start3A = arith.constant 0 : i32
        %dma_start3A_72 = arith.constant 0 : i32
        %dma_start3A_73 = tpu.memref_slice %arg10[%dma_start3A, %dma_start3A_72] : memref<10240x128xf32, #tpu.memory_space<vmem_shared>> -> memref<10240x128xf32, #tpu.memory_space<vmem_shared>>
        tpu.enqueue_indirect_dma source(%arg9 : memref<256x128xf32, #tpu.memory_space<vmem>>) target(%dma_start3A_73 : memref<10240x128xf32, #tpu.memory_space<vmem_shared>>) offsets(%arg7 : memref<256xi32, #tpu.memory_space<vmem>>) semaphore(%run_scoped3A : memref<!tpu.dma_semaphore, #tpu.memory_space<semaphore_mem>>) {add = true}
        %dma_wait3A = arith.constant 0 : i32
        %dma_wait3A_74 = arith.constant 0 : i32
        %dma_wait3A_75 = tpu.memref_slice %arg10[%dma_wait3A, %dma_wait3A_74] : memref<10240x128xf32, #tpu.memory_space<vmem_shared>> -> memref<10240x128xf32, #tpu.memory_space<vmem_shared>>
        tpu.wait_indirect_dma semaphore(%run_scoped3A : memref<!tpu.dma_semaphore, #tpu.memory_space<semaphore_mem>>) src(%arg9 : memref<256x128xf32, #tpu.memory_space<vmem>>) dst(%dma_wait3A_75 : memref<10240x128xf32, #tpu.memory_space<vmem_shared>>)
        tpu.yield
      }) : () -> ()
    }
    %barrier3A_24 = arith.constant 0 : index
    tpu.barrier barrier_id(%barrier3A_24)
    %scan3A_25 = arith.constant 0 : i32
    %scan3A_26 = arith.constant 0 : i32
    %scan3A_27 = arith.constant 5 : i32
    %scan3A_28 = arith.addi %scan3A_26, %scan3A_27 : i32
    %scan3A_29 = arith.constant 1 : i32
    scf.for %scan3A_66 = %scan3A_26 to %scan3A_28 step %scan3A_29  : i32 {
      %mul3A_67 = arith.constant 640 : i32
      %mul3A_68 = arith.muli %arg1, %mul3A_67 : i32
      %mul3A_69 = arith.constant 128 : i32
      %mul3A_70 = arith.muli %scan3A_66, %mul3A_69 : i32
      %add3A_71 = arith.addi %mul3A_68, %mul3A_70 : i32
      %scan3A_72 = arith.constant 0 : i32
      %scan3A_73 = arith.constant 0 : i32
      %scan3A_74 = arith.constant 8 : i32
      %scan3A_75 = arith.addi %scan3A_73, %scan3A_74 : i32
      %scan3A_76 = arith.constant 1 : i32
      scf.for %scan3A_88 = %scan3A_73 to %scan3A_75 step %scan3A_76  : i32 {
        %mul3A_89 = arith.constant 16 : i32
        %mul3A_90 = arith.muli %scan3A_88, %mul3A_89 : i32
        %add3A_91 = arith.addi %add3A_71, %mul3A_90 : i32
        %add3A_92 = vector.broadcast %add3A_91 : i32 to vector<16xi32>
        %add3A_93 = arith.addi %add3A_92, %iota3A : vector<16xi32>
        %mul3A_94 = arith.constant 16 : i32
        %mul3A_95 = arith.muli %scan3A_88, %mul3A_94 : i32
        %swap3A = arith.index_cast %mul3A_95 : i32 to index
        %swap3A_96 = tpu.vector_load %arg8[%swap3A] {strides = array<i32>} : memref<128xi32, #tpu.memory_space<vmem>>, vector<16xi32>,
        tpu.vector_store %arg8[%swap3A], %add3A_93 {strides = array<i32>} : memref<128xi32, #tpu.memory_space<vmem>>, vector<16xi32>,
      }
      %scan3A_77 = arith.constant 8 : i32
      %dma_start3A = arith.constant 0 : i32
      %dma_start3A_78 = arith.constant 0 : i32
      %dma_start3A_79 = tpu.memref_slice %arg9[%dma_start3A, %dma_start3A_78] : memref<256x128xf32, #tpu.memory_space<vmem>> -> memref<128x128xf32, #tpu.memory_space<vmem>>
      %dma_start3A_80 = arith.constant 0 : i32
      %dma_start3A_81 = arith.constant 0 : i32
      %dma_start3A_82 = tpu.memref_slice %arg10[%dma_start3A_80, %dma_start3A_81] : memref<10240x128xf32, #tpu.memory_space<vmem_shared>> -> memref<10240x128xf32, #tpu.memory_space<vmem_shared>>
      tpu.enqueue_indirect_dma source(%dma_start3A_82 : memref<10240x128xf32, #tpu.memory_space<vmem_shared>>) target(%dma_start3A_79 : memref<128x128xf32, #tpu.memory_space<vmem>>) offsets(%arg8 : memref<128xi32, #tpu.memory_space<vmem>>) semaphore(%arg11 : memref<!tpu.dma_semaphore, #tpu.memory_space<semaphore_mem>>)
      %dma_wait3A = arith.constant 0 : i32
      %dma_wait3A_83 = arith.constant 0 : i32
      %dma_wait3A_84 = tpu.memref_slice %arg9[%dma_wait3A, %dma_wait3A_83] : memref<256x128xf32, #tpu.memory_space<vmem>> -> memref<128x128xf32, #tpu.memory_space<vmem>>
      %dma_wait3A_85 = arith.constant 0 : i32
      %dma_wait3A_86 = arith.constant 0 : i32
      %dma_wait3A_87 = tpu.memref_slice %arg10[%dma_wait3A_85, %dma_wait3A_86] : memref<10240x128xf32, #tpu.memory_space<vmem_shared>> -> memref<10240x128xf32, #tpu.memory_space<vmem_shared>>
      tpu.wait_indirect_dma semaphore(%arg11 : memref<!tpu.dma_semaphore, #tpu.memory_space<semaphore_mem>>) src(%dma_wait3A_87 : memref<10240x128xf32, #tpu.memory_space<vmem_shared>>) dst(%dma_wait3A_84 : memref<128x128xf32, #tpu.memory_space<vmem>>)
      "tpu.region"() ({
        %run_scoped3A = tpu.sem_alloc : memref<!tpu.dma_semaphore, #tpu.memory_space<semaphore_mem>>
        %dma_start3A_88 = arith.constant 0 : i32
        %dma_start3A_89 = arith.constant 0 : i32
        %dma_start3A_90 = tpu.memref_slice %arg9[%dma_start3A_88, %dma_start3A_89] : memref<256x128xf32, #tpu.memory_space<vmem>> -> memref<128x128xf32, #tpu.memory_space<vmem>>
        %dma_start3A_91 = arith.constant 0 : i32
        %dma_start3A_92 = tpu.memref_slice %arg5[%arg0, %add3A_71, %dma_start3A_91] : memref<2x10240x128xf32, #tpu.memory_space<hbm>> -> memref<1x128x128xf32, #tpu.memory_space<hbm>>
        %dma_start3A_93 = tpu.memref_squeeze %dma_start3A_92 : memref<1x128x128xf32, #tpu.memory_space<hbm>> -> memref<128x128xf32, #tpu.memory_space<hbm>>
        %dma_start3A_94 = arith.constant 0 : i32
        %dma_start3A_95 = tpu.memref_slice %arg5[%arg0, %add3A_71, %dma_start3A_94] : memref<2x10240x128xf32, #tpu.memory_space<hbm>> -> memref<1x128x128xf32, #tpu.memory_space<hbm>>
        %dma_start3A_96 = tpu.memref_squeeze %dma_start3A_95 : memref<1x128x128xf32, #tpu.memory_space<hbm>> -> memref<128x128xf32, #tpu.memory_space<hbm>>
        %dma_start3A_97 = arith.constant 0 : i32
        %dma_start3A_98 = arith.constant 0 : i32
        %dma_start3A_99 = tpu.memref_slice %arg9[%dma_start3A_97, %dma_start3A_98] : memref<256x128xf32, #tpu.memory_space<vmem>> -> memref<128x128xf32, #tpu.memory_space<vmem>>
        tpu.enqueue_dma source(%dma_start3A_99 : memref<128x128xf32, #tpu.memory_space<vmem>>) target(%dma_start3A_96 : memref<128x128xf32, #tpu.memory_space<hbm>>) target_semaphore(%run_scoped3A : memref<!tpu.dma_semaphore, #tpu.memory_space<semaphore_mem>>)
        %dma_wait3A_100 = arith.constant 0 : i32
        %dma_wait3A_101 = arith.constant 0 : i32
        %dma_wait3A_102 = tpu.memref_slice %arg9[%dma_wait3A_100, %dma_wait3A_101] : memref<256x128xf32, #tpu.memory_space<vmem>> -> memref<128x128xf32, #tpu.memory_space<vmem>>
        %dma_wait3A_103 = arith.constant 0 : i32
        %dma_wait3A_104 = tpu.memref_slice %arg5[%arg0, %add3A_71, %dma_wait3A_103] : memref<2x10240x128xf32, #tpu.memory_space<hbm>> -> memref<1x128x128xf32, #tpu.memory_space<hbm>>
        %dma_wait3A_105 = tpu.memref_squeeze %dma_wait3A_104 : memref<1x128x128xf32, #tpu.memory_space<hbm>> -> memref<128x128xf32, #tpu.memory_space<hbm>>
        %dma_wait3A_106 = arith.constant 0 : i32
        %dma_wait3A_107 = tpu.memref_slice %arg5[%arg0, %add3A_71, %dma_wait3A_106] : memref<2x10240x128xf32, #tpu.memory_space<hbm>> -> memref<1x128x128xf32, #tpu.memory_space<hbm>>
        %dma_wait3A_108 = tpu.memref_squeeze %dma_wait3A_107 : memref<1x128x128xf32, #tpu.memory_space<hbm>> -> memref<128x128xf32, #tpu.memory_space<hbm>>
        %dma_wait3A_109 = arith.constant 0 : i32
        %dma_wait3A_110 = arith.constant 0 : i32
        %dma_wait3A_111 = tpu.memref_slice %arg9[%dma_wait3A_109, %dma_wait3A_110] : memref<256x128xf32, #tpu.memory_space<vmem>> -> memref<128x128xf32, #tpu.memory_space<vmem>>
        tpu.wait_dma2 semaphore(%run_scoped3A : memref<!tpu.dma_semaphore, #tpu.memory_space<semaphore_mem>>) src(%dma_wait3A_111 : memref<128x128xf32, #tpu.memory_space<vmem>>) dst(%dma_wait3A_108 : memref<128x128xf32, #tpu.memory_space<hbm>>)
        tpu.yield
      }) : () -> ()
    }
    %scan3A_30 = arith.constant 5 : i32
    %scan3A_31 = arith.constant 0 : i32
    %scan3A_32 = arith.constant 0 : i32
    %scan3A_33 = arith.constant 128 : i32
    %scan3A_34 = arith.addi %scan3A_32, %scan3A_33 : i32
    %scan3A_35 = arith.constant 1 : i32
    scf.for %scan3A_66 = %scan3A_32 to %scan3A_34 step %scan3A_35  : i32 {
      %swap3A = arith.index_cast %scan3A_66 : i32 to index
      %swap3A_67 = arith.constant 0 : index
      %swap3A_68 = tpu.vector_load %arg9[%swap3A, %swap3A_67] {strides = array<i32>} : memref<256x128xf32, #tpu.memory_space<vmem>>, vector<16xf32>,
      tpu.vector_store %arg9[%swap3A, %swap3A_67], %broadcast_in_dim3A_1 {strides = array<i32>} : memref<256x128xf32, #tpu.memory_space<vmem>>, vector<16xf32>,
      %swap3A_69 = arith.index_cast %scan3A_66 : i32 to index
      %swap3A_70 = arith.constant 16 : index
      %swap3A_71 = tpu.vector_load %arg9[%swap3A_69, %swap3A_70] {strides = array<i32>} : memref<256x128xf32, #tpu.memory_space<vmem>>, vector<16xf32>,
      tpu.vector_store %arg9[%swap3A_69, %swap3A_70], %broadcast_in_dim3A_1 {strides = array<i32>} : memref<256x128xf32, #tpu.memory_space<vmem>>, vector<16xf32>,
      %swap3A_72 = arith.index_cast %scan3A_66 : i32 to index
      %swap3A_73 = arith.constant 32 : index
      %swap3A_74 = tpu.vector_load %arg9[%swap3A_72, %swap3A_73] {strides = array<i32>} : memref<256x128xf32, #tpu.memory_space<vmem>>, vector<16xf32>,
      tpu.vector_store %arg9[%swap3A_72, %swap3A_73], %broadcast_in_dim3A_1 {strides = array<i32>} : memref<256x128xf32, #tpu.memory_space<vmem>>, vector<16xf32>,
      %swap3A_75 = arith.index_cast %scan3A_66 : i32 to index
      %swap3A_76 = arith.constant 48 : index
      %swap3A_77 = tpu.vector_load %arg9[%swap3A_75, %swap3A_76] {strides = array<i32>} : memref<256x128xf32, #tpu.memory_space<vmem>>, vector<16xf32>,
      tpu.vector_store %arg9[%swap3A_75, %swap3A_76], %broadcast_in_dim3A_1 {strides = array<i32>} : memref<256x128xf32, #tpu.memory_space<vmem>>, vector<16xf32>,
      %swap3A_78 = arith.index_cast %scan3A_66 : i32 to index
      %swap3A_79 = arith.constant 64 : index
      %swap3A_80 = tpu.vector_load %arg9[%swap3A_78, %swap3A_79] {strides = array<i32>} : memref<256x128xf32, #tpu.memory_space<vmem>>, vector<16xf32>,
      tpu.vector_store %arg9[%swap3A_78, %swap3A_79], %broadcast_in_dim3A_1 {strides = array<i32>} : memref<256x128xf32, #tpu.memory_space<vmem>>, vector<16xf32>,
      %swap3A_81 = arith.index_cast %scan3A_66 : i32 to index
      %swap3A_82 = arith.constant 80 : index
      %swap3A_83 = tpu.vector_load %arg9[%swap3A_81, %swap3A_82] {strides = array<i32>} : memref<256x128xf32, #tpu.memory_space<vmem>>, vector<16xf32>,
      tpu.vector_store %arg9[%swap3A_81, %swap3A_82], %broadcast_in_dim3A_1 {strides = array<i32>} : memref<256x128xf32, #tpu.memory_space<vmem>>, vector<16xf32>,
      %swap3A_84 = arith.index_cast %scan3A_66 : i32 to index
      %swap3A_85 = arith.constant 96 : index
      %swap3A_86 = tpu.vector_load %arg9[%swap3A_84, %swap3A_85] {strides = array<i32>} : memref<256x128xf32, #tpu.memory_space<vmem>>, vector<16xf32>,
      tpu.vector_store %arg9[%swap3A_84, %swap3A_85], %broadcast_in_dim3A_1 {strides = array<i32>} : memref<256x128xf32, #tpu.memory_space<vmem>>, vector<16xf32>,
      %swap3A_87 = arith.index_cast %scan3A_66 : i32 to index
      %swap3A_88 = arith.constant 112 : index
      %swap3A_89 = tpu.vector_load %arg9[%swap3A_87, %swap3A_88] {strides = array<i32>} : memref<256x128xf32, #tpu.memory_space<vmem>>, vector<16xf32>,
      tpu.vector_store %arg9[%swap3A_87, %swap3A_88], %broadcast_in_dim3A_1 {strides = array<i32>} : memref<256x128xf32, #tpu.memory_space<vmem>>, vector<16xf32>,
    }
    %scan3A_36 = arith.constant 128 : i32
    %scan3A_37 = arith.constant 0 : i32
    %scan3A_38 = arith.constant 0 : i32
    %scan3A_39 = arith.constant 5 : i32
    %scan3A_40 = arith.addi %scan3A_38, %scan3A_39 : i32
    %scan3A_41 = arith.constant 1 : i32
    scf.for %scan3A_66 = %scan3A_38 to %scan3A_40 step %scan3A_41  : i32 {
      %mul3A_67 = arith.constant 640 : i32
      %mul3A_68 = arith.muli %arg1, %mul3A_67 : i32
      %mul3A_69 = arith.constant 128 : i32
      %mul3A_70 = arith.muli %scan3A_66, %mul3A_69 : i32
      %add3A_71 = arith.addi %mul3A_68, %mul3A_70 : i32
      %scan3A_72 = arith.constant 0 : i32
      %scan3A_73 = arith.constant 0 : i32
      %scan3A_74 = arith.constant 8 : i32
      %scan3A_75 = arith.addi %scan3A_73, %scan3A_74 : i32
      %scan3A_76 = arith.constant 1 : i32
      scf.for %scan3A_78 = %scan3A_73 to %scan3A_75 step %scan3A_76  : i32 {
        %mul3A_79 = arith.constant 16 : i32
        %mul3A_80 = arith.muli %scan3A_78, %mul3A_79 : i32
        %add3A_81 = arith.addi %add3A_71, %mul3A_80 : i32
        %add3A_82 = vector.broadcast %add3A_81 : i32 to vector<16xi32>
        %add3A_83 = arith.addi %add3A_82, %iota3A : vector<16xi32>
        %mul3A_84 = arith.constant 16 : i32
        %mul3A_85 = arith.muli %scan3A_78, %mul3A_84 : i32
        %swap3A = arith.index_cast %mul3A_85 : i32 to index
        %swap3A_86 = tpu.vector_load %arg8[%swap3A] {strides = array<i32>} : memref<128xi32, #tpu.memory_space<vmem>>, vector<16xi32>,
        tpu.vector_store %arg8[%swap3A], %add3A_83 {strides = array<i32>} : memref<128xi32, #tpu.memory_space<vmem>>, vector<16xi32>,
      }
      %scan3A_77 = arith.constant 8 : i32
      "tpu.region"() ({
        %run_scoped3A = tpu.sem_alloc : memref<!tpu.dma_semaphore, #tpu.memory_space<semaphore_mem>>
        %dma_start3A = arith.constant 0 : i32
        %dma_start3A_78 = arith.constant 0 : i32
        %dma_start3A_79 = tpu.memref_slice %arg9[%dma_start3A, %dma_start3A_78] : memref<256x128xf32, #tpu.memory_space<vmem>> -> memref<128x128xf32, #tpu.memory_space<vmem>>
        %dma_start3A_80 = arith.constant 0 : i32
        %dma_start3A_81 = arith.constant 0 : i32
        %dma_start3A_82 = tpu.memref_slice %arg10[%dma_start3A_80, %dma_start3A_81] : memref<10240x128xf32, #tpu.memory_space<vmem_shared>> -> memref<10240x128xf32, #tpu.memory_space<vmem_shared>>
        tpu.enqueue_indirect_dma source(%dma_start3A_79 : memref<128x128xf32, #tpu.memory_space<vmem>>) target(%dma_start3A_82 : memref<10240x128xf32, #tpu.memory_space<vmem_shared>>) offsets(%arg8 : memref<128xi32, #tpu.memory_space<vmem>>) semaphore(%run_scoped3A : memref<!tpu.dma_semaphore, #tpu.memory_space<semaphore_mem>>)
        %dma_wait3A = arith.constant 0 : i32
        %dma_wait3A_83 = arith.constant 0 : i32
        %dma_wait3A_84 = tpu.memref_slice %arg9[%dma_wait3A, %dma_wait3A_83] : memref<256x128xf32, #tpu.memory_space<vmem>> -> memref<128x128xf32, #tpu.memory_space<vmem>>
        %dma_wait3A_85 = arith.constant 0 : i32
        %dma_wait3A_86 = arith.constant 0 : i32
        %dma_wait3A_87 = tpu.memref_slice %arg10[%dma_wait3A_85, %dma_wait3A_86] : memref<10240x128xf32, #tpu.memory_space<vmem_shared>> -> memref<10240x128xf32, #tpu.memory_space<vmem_shared>>
        tpu.wait_indirect_dma semaphore(%run_scoped3A : memref<!tpu.dma_semaphore, #tpu.memory_space<semaphore_mem>>) src(%dma_wait3A_84 : memref<128x128xf32, #tpu.memory_space<vmem>>) dst(%dma_wait3A_87 : memref<10240x128xf32, #tpu.memory_space<vmem_shared>>)
        tpu.yield
      }) : () -> ()
    }
    %scan3A_42 = arith.constant 5 : i32
    %barrier3A_43 = arith.constant 0 : index
    tpu.barrier barrier_id(%barrier3A_43)
    %lt3A_44 = arith.constant 2 : i32
    %lt3A_45 = arith.cmpi slt, %add3A, %lt3A_44 : i32
    %jit3A_46 = arith.constant 40 : i32
    %jit3A_47 = arith.constant 39 : i32
    %select_n3A_48 = arith.select %lt3A_45, %jit3A_46, %jit3A_47 : i32
    %while3A_49 = arith.constant 0 : i32
    %while3A_50 = arith.constant 0 : i32
    %while3A_51 = arith.subi %select_n3A_48, %while3A_50 : i32
    %while3A_52 = arith.addi %while3A_50, %while3A_51 : i32
    %while3A_53 = arith.constant 1 : i32
    %while3A_54 = arith.divsi %while3A_51, %while3A_53 : i32
    %while3A_55 = arith.muli %while3A_54, %while3A_53 : i32
    %while3A_56 = arith.addi %while3A_50, %while3A_55 : i32
    %while3A_57 = arith.constant 1 : i32
    scf.for %while3A_66 = %while3A_50 to %while3A_56 step %while3A_57  : i32 {
      %mul3A_67 = arith.constant 32 : i32
      %mul3A_68 = arith.muli %while3A_66, %mul3A_67 : i32
      %add3A_69 = arith.addi %add3A, %mul3A_68 : i32
      %mul3A_70 = arith.constant 256 : i32
      %mul3A_71 = arith.muli %add3A_69, %mul3A_70 : i32
      "tpu.region"() ({
        %run_scoped3A = tpu.sem_alloc : memref<!tpu.dma_semaphore, #tpu.memory_space<semaphore_mem>>
        %dma_start3A = tpu.memref_slice %arg4[%mul3A_71] : memref<320000xi32, #tpu.memory_space<hbm>> -> memref<256xi32, #tpu.memory_space<hbm>>
        %dma_start3A_72 = tpu.memref_slice %arg4[%mul3A_71] : memref<320000xi32, #tpu.memory_space<hbm>> -> memref<256xi32, #tpu.memory_space<hbm>>
        tpu.enqueue_dma source(%dma_start3A_72 : memref<256xi32, #tpu.memory_space<hbm>>) target(%arg7 : memref<256xi32, #tpu.memory_space<vmem>>) target_semaphore(%run_scoped3A : memref<!tpu.dma_semaphore, #tpu.memory_space<semaphore_mem>>)
        %dma_wait3A = tpu.memref_slice %arg4[%mul3A_71] : memref<320000xi32, #tpu.memory_space<hbm>> -> memref<256xi32, #tpu.memory_space<hbm>>
        %dma_wait3A_73 = tpu.memref_slice %arg4[%mul3A_71] : memref<320000xi32, #tpu.memory_space<hbm>> -> memref<256xi32, #tpu.memory_space<hbm>>
        tpu.wait_dma2 semaphore(%run_scoped3A : memref<!tpu.dma_semaphore, #tpu.memory_space<semaphore_mem>>) src(%dma_wait3A_73 : memref<256xi32, #tpu.memory_space<hbm>>) dst(%arg7 : memref<256xi32, #tpu.memory_space<vmem>>)
        tpu.yield
      }) : () -> ()
      "tpu.region"() ({
        %run_scoped3A = tpu.sem_alloc : memref<!tpu.dma_semaphore, #tpu.memory_space<semaphore_mem>>
        %dma_start3A = arith.constant 0 : i32
        %dma_start3A_72 = tpu.memref_slice %arg3[%mul3A_71, %dma_start3A] : memref<320000x128xf32, #tpu.memory_space<hbm>> -> memref<256x128xf32, #tpu.memory_space<hbm>>
        %dma_start3A_73 = arith.constant 0 : i32
        %dma_start3A_74 = tpu.memref_slice %arg3[%mul3A_71, %dma_start3A_73] : memref<320000x128xf32, #tpu.memory_space<hbm>> -> memref<256x128xf32, #tpu.memory_space<hbm>>
        tpu.enqueue_dma source(%dma_start3A_74 : memref<256x128xf32, #tpu.memory_space<hbm>>) target(%arg9 : memref<256x128xf32, #tpu.memory_space<vmem>>) target_semaphore(%run_scoped3A : memref<!tpu.dma_semaphore, #tpu.memory_space<semaphore_mem>>)
        %dma_wait3A = arith.constant 0 : i32
        %dma_wait3A_75 = tpu.memref_slice %arg3[%mul3A_71, %dma_wait3A] : memref<320000x128xf32, #tpu.memory_space<hbm>> -> memref<256x128xf32, #tpu.memory_space<hbm>>
        %dma_wait3A_76 = arith.constant 0 : i32
        %dma_wait3A_77 = tpu.memref_slice %arg3[%mul3A_71, %dma_wait3A_76] : memref<320000x128xf32, #tpu.memory_space<hbm>> -> memref<256x128xf32, #tpu.memory_space<hbm>>
        tpu.wait_dma2 semaphore(%run_scoped3A : memref<!tpu.dma_semaphore, #tpu.memory_space<semaphore_mem>>) src(%dma_wait3A_77 : memref<256x128xf32, #tpu.memory_space<hbm>>) dst(%arg9 : memref<256x128xf32, #tpu.memory_space<vmem>>)
        tpu.yield
      }) : () -> ()
      "tpu.region"() ({
        %run_scoped3A = tpu.sem_alloc : memref<!tpu.dma_semaphore, #tpu.memory_space<semaphore_mem>>
        %dma_start3A = arith.constant 0 : i32
        %dma_start3A_72 = arith.constant 0 : i32
        %dma_start3A_73 = tpu.memref_slice %arg10[%dma_start3A, %dma_start3A_72] : memref<10240x128xf32, #tpu.memory_space<vmem_shared>> -> memref<10240x128xf32, #tpu.memory_space<vmem_shared>>
        tpu.enqueue_indirect_dma source(%arg9 : memref<256x128xf32, #tpu.memory_space<vmem>>) target(%dma_start3A_73 : memref<10240x128xf32, #tpu.memory_space<vmem_shared>>) offsets(%arg7 : memref<256xi32, #tpu.memory_space<vmem>>) semaphore(%run_scoped3A : memref<!tpu.dma_semaphore, #tpu.memory_space<semaphore_mem>>) {add = true}
        %dma_wait3A = arith.constant 0 : i32
        %dma_wait3A_74 = arith.constant 0 : i32
        %dma_wait3A_75 = tpu.memref_slice %arg10[%dma_wait3A, %dma_wait3A_74] : memref<10240x128xf32, #tpu.memory_space<vmem_shared>> -> memref<10240x128xf32, #tpu.memory_space<vmem_shared>>
        tpu.wait_indirect_dma semaphore(%run_scoped3A : memref<!tpu.dma_semaphore, #tpu.memory_space<semaphore_mem>>) src(%arg9 : memref<256x128xf32, #tpu.memory_space<vmem>>) dst(%dma_wait3A_75 : memref<10240x128xf32, #tpu.memory_space<vmem_shared>>)
        tpu.yield
      }) : () -> ()
    }
    %while3A_58 = arith.constant 1 : i32
    scf.for %while3A_66 = %while3A_56 to %while3A_52 step %while3A_58  : i32 {
      %mul3A_67 = arith.constant 32 : i32
      %mul3A_68 = arith.muli %while3A_66, %mul3A_67 : i32
      %add3A_69 = arith.addi %add3A, %mul3A_68 : i32
      %mul3A_70 = arith.constant 256 : i32
      %mul3A_71 = arith.muli %add3A_69, %mul3A_70 : i32
      "tpu.region"() ({
        %run_scoped3A = tpu.sem_alloc : memref<!tpu.dma_semaphore, #tpu.memory_space<semaphore_mem>>
        %dma_start3A = tpu.memref_slice %arg4[%mul3A_71] : memref<320000xi32, #tpu.memory_space<hbm>> -> memref<256xi32, #tpu.memory_space<hbm>>
        %dma_start3A_72 = tpu.memref_slice %arg4[%mul3A_71] : memref<320000xi32, #tpu.memory_space<hbm>> -> memref<256xi32, #tpu.memory_space<hbm>>
        tpu.enqueue_dma source(%dma_start3A_72 : memref<256xi32, #tpu.memory_space<hbm>>) target(%arg7 : memref<256xi32, #tpu.memory_space<vmem>>) target_semaphore(%run_scoped3A : memref<!tpu.dma_semaphore, #tpu.memory_space<semaphore_mem>>)
        %dma_wait3A = tpu.memref_slice %arg4[%mul3A_71] : memref<320000xi32, #tpu.memory_space<hbm>> -> memref<256xi32, #tpu.memory_space<hbm>>
        %dma_wait3A_73 = tpu.memref_slice %arg4[%mul3A_71] : memref<320000xi32, #tpu.memory_space<hbm>> -> memref<256xi32, #tpu.memory_space<hbm>>
        tpu.wait_dma2 semaphore(%run_scoped3A : memref<!tpu.dma_semaphore, #tpu.memory_space<semaphore_mem>>) src(%dma_wait3A_73 : memref<256xi32, #tpu.memory_space<hbm>>) dst(%arg7 : memref<256xi32, #tpu.memory_space<vmem>>)
        tpu.yield
      }) : () -> ()
      "tpu.region"() ({
        %run_scoped3A = tpu.sem_alloc : memref<!tpu.dma_semaphore, #tpu.memory_space<semaphore_mem>>
        %dma_start3A = arith.constant 0 : i32
        %dma_start3A_72 = tpu.memref_slice %arg3[%mul3A_71, %dma_start3A] : memref<320000x128xf32, #tpu.memory_space<hbm>> -> memref<256x128xf32, #tpu.memory_space<hbm>>
        %dma_start3A_73 = arith.constant 0 : i32
        %dma_start3A_74 = tpu.memref_slice %arg3[%mul3A_71, %dma_start3A_73] : memref<320000x128xf32, #tpu.memory_space<hbm>> -> memref<256x128xf32, #tpu.memory_space<hbm>>
        tpu.enqueue_dma source(%dma_start3A_74 : memref<256x128xf32, #tpu.memory_space<hbm>>) target(%arg9 : memref<256x128xf32, #tpu.memory_space<vmem>>) target_semaphore(%run_scoped3A : memref<!tpu.dma_semaphore, #tpu.memory_space<semaphore_mem>>)
        %dma_wait3A = arith.constant 0 : i32
        %dma_wait3A_75 = tpu.memref_slice %arg3[%mul3A_71, %dma_wait3A] : memref<320000x128xf32, #tpu.memory_space<hbm>> -> memref<256x128xf32, #tpu.memory_space<hbm>>
        %dma_wait3A_76 = arith.constant 0 : i32
        %dma_wait3A_77 = tpu.memref_slice %arg3[%mul3A_71, %dma_wait3A_76] : memref<320000x128xf32, #tpu.memory_space<hbm>> -> memref<256x128xf32, #tpu.memory_space<hbm>>
        tpu.wait_dma2 semaphore(%run_scoped3A : memref<!tpu.dma_semaphore, #tpu.memory_space<semaphore_mem>>) src(%dma_wait3A_77 : memref<256x128xf32, #tpu.memory_space<hbm>>) dst(%arg9 : memref<256x128xf32, #tpu.memory_space<vmem>>)
        tpu.yield
      }) : () -> ()
      "tpu.region"() ({
        %run_scoped3A = tpu.sem_alloc : memref<!tpu.dma_semaphore, #tpu.memory_space<semaphore_mem>>
        %dma_start3A = arith.constant 0 : i32
        %dma_start3A_72 = arith.constant 0 : i32
        %dma_start3A_73 = tpu.memref_slice %arg10[%dma_start3A, %dma_start3A_72] : memref<10240x128xf32, #tpu.memory_space<vmem_shared>> -> memref<10240x128xf32, #tpu.memory_space<vmem_shared>>
        tpu.enqueue_indirect_dma source(%arg9 : memref<256x128xf32, #tpu.memory_space<vmem>>) target(%dma_start3A_73 : memref<10240x128xf32, #tpu.memory_space<vmem_shared>>) offsets(%arg7 : memref<256xi32, #tpu.memory_space<vmem>>) semaphore(%run_scoped3A : memref<!tpu.dma_semaphore, #tpu.memory_space<semaphore_mem>>) {add = true}
        %dma_wait3A = arith.constant 0 : i32
        %dma_wait3A_74 = arith.constant 0 : i32
        %dma_wait3A_75 = tpu.memref_slice %arg10[%dma_wait3A, %dma_wait3A_74] : memref<10240x128xf32, #tpu.memory_space<vmem_shared>> -> memref<10240x128xf32, #tpu.memory_space<vmem_shared>>
        tpu.wait_indirect_dma semaphore(%run_scoped3A : memref<!tpu.dma_semaphore, #tpu.memory_space<semaphore_mem>>) src(%arg9 : memref<256x128xf32, #tpu.memory_space<vmem>>) dst(%dma_wait3A_75 : memref<10240x128xf32, #tpu.memory_space<vmem_shared>>)
        tpu.yield
      }) : () -> ()
    }
    %barrier3A_59 = arith.constant 0 : index
    tpu.barrier barrier_id(%barrier3A_59)
    %scan3A_60 = arith.constant 0 : i32
    %scan3A_61 = arith.constant 0 : i32
    %scan3A_62 = arith.constant 5 : i32
    %scan3A_63 = arith.addi %scan3A_61, %scan3A_62 : i32
    %scan3A_64 = arith.constant 1 : i32
    scf.for %scan3A_66 = %scan3A_61 to %scan3A_63 step %scan3A_64  : i32 {
      %mul3A_67 = arith.constant 640 : i32
      %mul3A_68 = arith.muli %arg1, %mul3A_67 : i32
      %mul3A_69 = arith.constant 128 : i32
      %mul3A_70 = arith.muli %scan3A_66, %mul3A_69 : i32
      %add3A_71 = arith.addi %mul3A_68, %mul3A_70 : i32
      %scan3A_72 = arith.constant 0 : i32
      %scan3A_73 = arith.constant 0 : i32
      %scan3A_74 = arith.constant 8 : i32
      %scan3A_75 = arith.addi %scan3A_73, %scan3A_74 : i32
      %scan3A_76 = arith.constant 1 : i32
      scf.for %scan3A_88 = %scan3A_73 to %scan3A_75 step %scan3A_76  : i32 {
        %mul3A_89 = arith.constant 16 : i32
        %mul3A_90 = arith.muli %scan3A_88, %mul3A_89 : i32
        %add3A_91 = arith.addi %add3A_71, %mul3A_90 : i32
        %add3A_92 = vector.broadcast %add3A_91 : i32 to vector<16xi32>
        %add3A_93 = arith.addi %add3A_92, %iota3A : vector<16xi32>
        %mul3A_94 = arith.constant 16 : i32
        %mul3A_95 = arith.muli %scan3A_88, %mul3A_94 : i32
        %swap3A = arith.index_cast %mul3A_95 : i32 to index
        %swap3A_96 = tpu.vector_load %arg8[%swap3A] {strides = array<i32>} : memref<128xi32, #tpu.memory_space<vmem>>, vector<16xi32>,
        tpu.vector_store %arg8[%swap3A], %add3A_93 {strides = array<i32>} : memref<128xi32, #tpu.memory_space<vmem>>, vector<16xi32>,
      }
      %scan3A_77 = arith.constant 8 : i32
      %dma_start3A = arith.constant 0 : i32
      %dma_start3A_78 = arith.constant 0 : i32
      %dma_start3A_79 = tpu.memref_slice %arg9[%dma_start3A, %dma_start3A_78] : memref<256x128xf32, #tpu.memory_space<vmem>> -> memref<128x128xf32, #tpu.memory_space<vmem>>
      %dma_start3A_80 = arith.constant 0 : i32
      %dma_start3A_81 = arith.constant 0 : i32
      %dma_start3A_82 = tpu.memref_slice %arg10[%dma_start3A_80, %dma_start3A_81] : memref<10240x128xf32, #tpu.memory_space<vmem_shared>> -> memref<10240x128xf32, #tpu.memory_space<vmem_shared>>
      tpu.enqueue_indirect_dma source(%dma_start3A_82 : memref<10240x128xf32, #tpu.memory_space<vmem_shared>>) target(%dma_start3A_79 : memref<128x128xf32, #tpu.memory_space<vmem>>) offsets(%arg8 : memref<128xi32, #tpu.memory_space<vmem>>) semaphore(%arg11 : memref<!tpu.dma_semaphore, #tpu.memory_space<semaphore_mem>>)
      %dma_wait3A = arith.constant 0 : i32
      %dma_wait3A_83 = arith.constant 0 : i32
      %dma_wait3A_84 = tpu.memref_slice %arg9[%dma_wait3A, %dma_wait3A_83] : memref<256x128xf32, #tpu.memory_space<vmem>> -> memref<128x128xf32, #tpu.memory_space<vmem>>
      %dma_wait3A_85 = arith.constant 0 : i32
      %dma_wait3A_86 = arith.constant 0 : i32
      %dma_wait3A_87 = tpu.memref_slice %arg10[%dma_wait3A_85, %dma_wait3A_86] : memref<10240x128xf32, #tpu.memory_space<vmem_shared>> -> memref<10240x128xf32, #tpu.memory_space<vmem_shared>>
      tpu.wait_indirect_dma semaphore(%arg11 : memref<!tpu.dma_semaphore, #tpu.memory_space<semaphore_mem>>) src(%dma_wait3A_87 : memref<10240x128xf32, #tpu.memory_space<vmem_shared>>) dst(%dma_wait3A_84 : memref<128x128xf32, #tpu.memory_space<vmem>>)
      "tpu.region"() ({
        %run_scoped3A = tpu.sem_alloc : memref<!tpu.dma_semaphore, #tpu.memory_space<semaphore_mem>>
        %dma_start3A_88 = arith.constant 0 : i32
        %dma_start3A_89 = arith.constant 0 : i32
        %dma_start3A_90 = tpu.memref_slice %arg9[%dma_start3A_88, %dma_start3A_89] : memref<256x128xf32, #tpu.memory_space<vmem>> -> memref<128x128xf32, #tpu.memory_space<vmem>>
        %dma_start3A_91 = arith.constant 0 : i32
        %dma_start3A_92 = tpu.memref_slice %arg6[%arg0, %add3A_71, %dma_start3A_91] : memref<2x10240x128xf32, #tpu.memory_space<hbm>> -> memref<1x128x128xf32, #tpu.memory_space<hbm>>
        %dma_start3A_93 = tpu.memref_squeeze %dma_start3A_92 : memref<1x128x128xf32, #tpu.memory_space<hbm>> -> memref<128x128xf32, #tpu.memory_space<hbm>>
        %dma_start3A_94 = arith.constant 0 : i32
        %dma_start3A_95 = tpu.memref_slice %arg6[%arg0, %add3A_71, %dma_start3A_94] : memref<2x10240x128xf32, #tpu.memory_space<hbm>> -> memref<1x128x128xf32, #tpu.memory_space<hbm>>
        %dma_start3A_96 = tpu.memref_squeeze %dma_start3A_95 : memref<1x128x128xf32, #tpu.memory_space<hbm>> -> memref<128x128xf32, #tpu.memory_space<hbm>>
        %dma_start3A_97 = arith.constant 0 : i32
        %dma_start3A_98 = arith.constant 0 : i32
        %dma_start3A_99 = tpu.memref_slice %arg9[%dma_start3A_97, %dma_start3A_98] : memref<256x128xf32, #tpu.memory_space<vmem>> -> memref<128x128xf32, #tpu.memory_space<vmem>>
        tpu.enqueue_dma source(%dma_start3A_99 : memref<128x128xf32, #tpu.memory_space<vmem>>) target(%dma_start3A_96 : memref<128x128xf32, #tpu.memory_space<hbm>>) target_semaphore(%run_scoped3A : memref<!tpu.dma_semaphore, #tpu.memory_space<semaphore_mem>>)
        %dma_wait3A_100 = arith.constant 0 : i32
        %dma_wait3A_101 = arith.constant 0 : i32
        %dma_wait3A_102 = tpu.memref_slice %arg9[%dma_wait3A_100, %dma_wait3A_101] : memref<256x128xf32, #tpu.memory_space<vmem>> -> memref<128x128xf32, #tpu.memory_space<vmem>>
        %dma_wait3A_103 = arith.constant 0 : i32
        %dma_wait3A_104 = tpu.memref_slice %arg6[%arg0, %add3A_71, %dma_wait3A_103] : memref<2x10240x128xf32, #tpu.memory_space<hbm>> -> memref<1x128x128xf32, #tpu.memory_space<hbm>>
        %dma_wait3A_105 = tpu.memref_squeeze %dma_wait3A_104 : memref<1x128x128xf32, #tpu.memory_space<hbm>> -> memref<128x128xf32, #tpu.memory_space<hbm>>
        %dma_wait3A_106 = arith.constant 0 : i32
        %dma_wait3A_107 = tpu.memref_slice %arg6[%arg0, %add3A_71, %dma_wait3A_106] : memref<2x10240x128xf32, #tpu.memory_space<hbm>> -> memref<1x128x128xf32, #tpu.memory_space<hbm>>
        %dma_wait3A_108 = tpu.memref_squeeze %dma_wait3A_107 : memref<1x128x128xf32, #tpu.memory_space<hbm>> -> memref<128x128xf32, #tpu.memory_space<hbm>>
        %dma_wait3A_109 = arith.constant 0 : i32
        %dma_wait3A_110 = arith.constant 0 : i32
        %dma_wait3A_111 = tpu.memref_slice %arg9[%dma_wait3A_109, %dma_wait3A_110] : memref<256x128xf32, #tpu.memory_space<vmem>> -> memref<128x128xf32, #tpu.memory_space<vmem>>
        tpu.wait_dma2 semaphore(%run_scoped3A : memref<!tpu.dma_semaphore, #tpu.memory_space<semaphore_mem>>) src(%dma_wait3A_111 : memref<128x128xf32, #tpu.memory_space<vmem>>) dst(%dma_wait3A_108 : memref<128x128xf32, #tpu.memory_space<hbm>>)
        tpu.yield
      }) : () -> ()
    }
    %scan3A_65 = arith.constant 5 : i32
    return
  }
}

#map = affine_map<(d0, d1) -> (0)>
#map1 = affine_map<(d0, d1) -> (0, 0)>
module attributes {stable_mosaic.version = 14 : i64} {
  func.func @_k1_body(%arg0: i32, %arg1: i32, %arg2: memref<10240xi32, #tpu.memory_space<hbm>>, %arg3: memref<10240xi32, #tpu.memory_space<hbm>>, %arg4: memref<128x128xf32, #tpu.memory_space<hbm>>, %arg5: memref<64x128xf32, #tpu.memory_space<hbm>>, %arg6: memref<30000xf32, #tpu.memory_space<hbm>>, %arg7: memref<320000xi32, #tpu.memory_space<hbm>>, %arg8: memref<320000xi32, #tpu.memory_space<hbm>>, %arg9: memref<960000xf32, #tpu.memory_space<hbm>>, %arg10: memref<10240x128xf32, #tpu.memory_space<hbm>>, %arg11: memref<5120000xf32, #tpu.memory_space<hbm>>, %arg12: memref<320xi32, #tpu.memory_space<vmem>>, %arg13: memref<320x128xf32, #tpu.memory_space<vmem>>, %arg14: memref<320x128xf32, #tpu.memory_space<vmem>>, %arg15: memref<30000xf32, #tpu.memory_space<vmem>>, %arg16: memref<512xi32, #tpu.memory_space<vmem>>, %arg17: memref<512xi32, #tpu.memory_space<vmem>>, %arg18: memref<1536xf32, #tpu.memory_space<vmem>>, %arg19: memref<8192xf32, #tpu.memory_space<vmem>>, %arg20: memref<!tpu.dma_semaphore, #tpu.memory_space<semaphore_mem>>) attributes {dimension_semantics = [#tpu.dimension_semantics<core_parallel>, #tpu.dimension_semantics<subcore_parallel>], iteration_bounds = array<i64: 2, 16>, scalar_prefetch = 0 : i64, scratch_operands = 9 : i64, tpu.core_type = #tpu.core_type<sc_vector_subcore>, window_params = [{transform_indices = #map}, {transform_indices = #map}, {transform_indices = #map1}, {transform_indices = #map1}, {transform_indices = #map}, {transform_indices = #map}, {transform_indices = #map}, {transform_indices = #map}, {transform_indices = #map1}, {transform_indices = #map}]} {
    %mul3A = arith.constant 16 : i32
    %mul3A_0 = arith.muli %arg0, %mul3A : i32
    %add3A = arith.addi %mul3A_0, %arg1 : i32
    %mul3A_1 = arith.constant 320 : i32
    %mul3A_2 = arith.muli %add3A, %mul3A_1 : i32
    "tpu.region"() ({
      %run_scoped3A = tpu.sem_alloc : memref<!tpu.dma_semaphore, #tpu.memory_space<semaphore_mem>>
      %dma_start3A_36 = tpu.memref_slice %arg2[%mul3A_2] : memref<10240xi32, #tpu.memory_space<hbm>> -> memref<320xi32, #tpu.memory_space<hbm>>
      %dma_start3A_37 = tpu.memref_slice %arg2[%mul3A_2] : memref<10240xi32, #tpu.memory_space<hbm>> -> memref<320xi32, #tpu.memory_space<hbm>>
      tpu.enqueue_dma source(%dma_start3A_37 : memref<320xi32, #tpu.memory_space<hbm>>) target(%arg12 : memref<320xi32, #tpu.memory_space<vmem>>) target_semaphore(%run_scoped3A : memref<!tpu.dma_semaphore, #tpu.memory_space<semaphore_mem>>)
      %dma_wait3A_38 = tpu.memref_slice %arg2[%mul3A_2] : memref<10240xi32, #tpu.memory_space<hbm>> -> memref<320xi32, #tpu.memory_space<hbm>>
      %dma_wait3A_39 = tpu.memref_slice %arg2[%mul3A_2] : memref<10240xi32, #tpu.memory_space<hbm>> -> memref<320xi32, #tpu.memory_space<hbm>>
      tpu.wait_dma2 semaphore(%run_scoped3A : memref<!tpu.dma_semaphore, #tpu.memory_space<semaphore_mem>>) src(%dma_wait3A_39 : memref<320xi32, #tpu.memory_space<hbm>>) dst(%arg12 : memref<320xi32, #tpu.memory_space<vmem>>)
      tpu.yield
    }) : () -> ()
    %dma_start3A = arith.constant 0 : i32
    %dma_start3A_3 = arith.constant 0 : i32
    %dma_start3A_4 = tpu.memref_slice %arg4[%dma_start3A, %dma_start3A_3] : memref<128x128xf32, #tpu.memory_space<hbm>> -> memref<128x128xf32, #tpu.memory_space<hbm>>
    tpu.enqueue_indirect_dma source(%dma_start3A_4 : memref<128x128xf32, #tpu.memory_space<hbm>>) target(%arg13 : memref<320x128xf32, #tpu.memory_space<vmem>>) offsets(%arg12 : memref<320xi32, #tpu.memory_space<vmem>>) semaphore(%arg20 : memref<!tpu.dma_semaphore, #tpu.memory_space<semaphore_mem>>)
    %dma_wait3A = arith.constant 0 : i32
    %dma_wait3A_5 = arith.constant 0 : i32
    %dma_wait3A_6 = tpu.memref_slice %arg4[%dma_wait3A, %dma_wait3A_5] : memref<128x128xf32, #tpu.memory_space<hbm>> -> memref<128x128xf32, #tpu.memory_space<hbm>>
    tpu.wait_indirect_dma semaphore(%arg20 : memref<!tpu.dma_semaphore, #tpu.memory_space<semaphore_mem>>) src(%dma_wait3A_6 : memref<128x128xf32, #tpu.memory_space<hbm>>) dst(%arg13 : memref<320x128xf32, #tpu.memory_space<vmem>>)
    "tpu.region"() ({
      %run_scoped3A = tpu.sem_alloc : memref<!tpu.dma_semaphore, #tpu.memory_space<semaphore_mem>>
      %dma_start3A_36 = tpu.memref_slice %arg3[%mul3A_2] : memref<10240xi32, #tpu.memory_space<hbm>> -> memref<320xi32, #tpu.memory_space<hbm>>
      %dma_start3A_37 = tpu.memref_slice %arg3[%mul3A_2] : memref<10240xi32, #tpu.memory_space<hbm>> -> memref<320xi32, #tpu.memory_space<hbm>>
      tpu.enqueue_dma source(%dma_start3A_37 : memref<320xi32, #tpu.memory_space<hbm>>) target(%arg12 : memref<320xi32, #tpu.memory_space<vmem>>) target_semaphore(%run_scoped3A : memref<!tpu.dma_semaphore, #tpu.memory_space<semaphore_mem>>)
      %dma_wait3A_38 = tpu.memref_slice %arg3[%mul3A_2] : memref<10240xi32, #tpu.memory_space<hbm>> -> memref<320xi32, #tpu.memory_space<hbm>>
      %dma_wait3A_39 = tpu.memref_slice %arg3[%mul3A_2] : memref<10240xi32, #tpu.memory_space<hbm>> -> memref<320xi32, #tpu.memory_space<hbm>>
      tpu.wait_dma2 semaphore(%run_scoped3A : memref<!tpu.dma_semaphore, #tpu.memory_space<semaphore_mem>>) src(%dma_wait3A_39 : memref<320xi32, #tpu.memory_space<hbm>>) dst(%arg12 : memref<320xi32, #tpu.memory_space<vmem>>)
      tpu.yield
    }) : () -> ()
    %dma_start3A_7 = arith.constant 0 : i32
    %dma_start3A_8 = arith.constant 0 : i32
    %dma_start3A_9 = tpu.memref_slice %arg5[%dma_start3A_7, %dma_start3A_8] : memref<64x128xf32, #tpu.memory_space<hbm>> -> memref<64x128xf32, #tpu.memory_space<hbm>>
    tpu.enqueue_indirect_dma source(%dma_start3A_9 : memref<64x128xf32, #tpu.memory_space<hbm>>) target(%arg14 : memref<320x128xf32, #tpu.memory_space<vmem>>) offsets(%arg12 : memref<320xi32, #tpu.memory_space<vmem>>) semaphore(%arg20 : memref<!tpu.dma_semaphore, #tpu.memory_space<semaphore_mem>>)
    %dma_wait3A_10 = arith.constant 0 : i32
    %dma_wait3A_11 = arith.constant 0 : i32
    %dma_wait3A_12 = tpu.memref_slice %arg5[%dma_wait3A_10, %dma_wait3A_11] : memref<64x128xf32, #tpu.memory_space<hbm>> -> memref<64x128xf32, #tpu.memory_space<hbm>>
    tpu.wait_indirect_dma semaphore(%arg20 : memref<!tpu.dma_semaphore, #tpu.memory_space<semaphore_mem>>) src(%dma_wait3A_12 : memref<64x128xf32, #tpu.memory_space<hbm>>) dst(%arg14 : memref<320x128xf32, #tpu.memory_space<vmem>>)
    %scan3A = arith.constant 0 : i32
    %scan3A_13 = arith.constant 0 : i32
    %scan3A_14 = arith.constant 320 : i32
    %scan3A_15 = arith.addi %scan3A_13, %scan3A_14 : i32
    %scan3A_16 = arith.constant 1 : i32
    scf.for %scan3A_36 = %scan3A_13 to %scan3A_15 step %scan3A_16  : i32 {
      %get3A = arith.index_cast %scan3A_36 : i32 to index
      %get3A_37 = arith.constant 0 : index
      %get3A_38 = tpu.vector_load %arg13[%get3A, %get3A_37] {strides = array<i32>} : memref<320x128xf32, #tpu.memory_space<vmem>>, vector<16xf32>,
      %get3A_39 = arith.index_cast %scan3A_36 : i32 to index
      %get3A_40 = arith.constant 0 : index
      %get3A_41 = tpu.vector_load %arg14[%get3A_39, %get3A_40] {strides = array<i32>} : memref<320x128xf32, #tpu.memory_space<vmem>>, vector<16xf32>,
      %add3A_42 = arith.addf %get3A_38, %get3A_41 : vector<16xf32>
      %swap3A = arith.index_cast %scan3A_36 : i32 to index
      %swap3A_43 = arith.constant 0 : index
      %swap3A_44 = tpu.vector_load %arg13[%swap3A, %swap3A_43] {strides = array<i32>} : memref<320x128xf32, #tpu.memory_space<vmem>>, vector<16xf32>,
      tpu.vector_store %arg13[%swap3A, %swap3A_43], %add3A_42 {strides = array<i32>} : memref<320x128xf32, #tpu.memory_space<vmem>>, vector<16xf32>,
      %get3A_45 = arith.index_cast %scan3A_36 : i32 to index
      %get3A_46 = arith.constant 16 : index
      %get3A_47 = tpu.vector_load %arg13[%get3A_45, %get3A_46] {strides = array<i32>} : memref<320x128xf32, #tpu.memory_space<vmem>>, vector<16xf32>,
      %get3A_48 = arith.index_cast %scan3A_36 : i32 to index
      %get3A_49 = arith.constant 16 : index
      %get3A_50 = tpu.vector_load %arg14[%get3A_48, %get3A_49] {strides = array<i32>} : memref<320x128xf32, #tpu.memory_space<vmem>>, vector<16xf32>,
      %add3A_51 = arith.addf %get3A_47, %get3A_50 : vector<16xf32>
      %swap3A_52 = arith.index_cast %scan3A_36 : i32 to index
      %swap3A_53 = arith.constant 16 : index
      %swap3A_54 = tpu.vector_load %arg13[%swap3A_52, %swap3A_53] {strides = array<i32>} : memref<320x128xf32, #tpu.memory_space<vmem>>, vector<16xf32>,
      tpu.vector_store %arg13[%swap3A_52, %swap3A_53], %add3A_51 {strides = array<i32>} : memref<320x128xf32, #tpu.memory_space<vmem>>, vector<16xf32>,
      %get3A_55 = arith.index_cast %scan3A_36 : i32 to index
      %get3A_56 = arith.constant 32 : index
      %get3A_57 = tpu.vector_load %arg13[%get3A_55, %get3A_56] {strides = array<i32>} : memref<320x128xf32, #tpu.memory_space<vmem>>, vector<16xf32>,
      %get3A_58 = arith.index_cast %scan3A_36 : i32 to index
      %get3A_59 = arith.constant 32 : index
      %get3A_60 = tpu.vector_load %arg14[%get3A_58, %get3A_59] {strides = array<i32>} : memref<320x128xf32, #tpu.memory_space<vmem>>, vector<16xf32>,
      %add3A_61 = arith.addf %get3A_57, %get3A_60 : vector<16xf32>
      %swap3A_62 = arith.index_cast %scan3A_36 : i32 to index
      %swap3A_63 = arith.constant 32 : index
      %swap3A_64 = tpu.vector_load %arg13[%swap3A_62, %swap3A_63] {strides = array<i32>} : memref<320x128xf32, #tpu.memory_space<vmem>>, vector<16xf32>,
      tpu.vector_store %arg13[%swap3A_62, %swap3A_63], %add3A_61 {strides = array<i32>} : memref<320x128xf32, #tpu.memory_space<vmem>>, vector<16xf32>,
      %get3A_65 = arith.index_cast %scan3A_36 : i32 to index
      %get3A_66 = arith.constant 48 : index
      %get3A_67 = tpu.vector_load %arg13[%get3A_65, %get3A_66] {strides = array<i32>} : memref<320x128xf32, #tpu.memory_space<vmem>>, vector<16xf32>,
      %get3A_68 = arith.index_cast %scan3A_36 : i32 to index
      %get3A_69 = arith.constant 48 : index
      %get3A_70 = tpu.vector_load %arg14[%get3A_68, %get3A_69] {strides = array<i32>} : memref<320x128xf32, #tpu.memory_space<vmem>>, vector<16xf32>,
      %add3A_71 = arith.addf %get3A_67, %get3A_70 : vector<16xf32>
      %swap3A_72 = arith.index_cast %scan3A_36 : i32 to index
      %swap3A_73 = arith.constant 48 : index
      %swap3A_74 = tpu.vector_load %arg13[%swap3A_72, %swap3A_73] {strides = array<i32>} : memref<320x128xf32, #tpu.memory_space<vmem>>, vector<16xf32>,
      tpu.vector_store %arg13[%swap3A_72, %swap3A_73], %add3A_71 {strides = array<i32>} : memref<320x128xf32, #tpu.memory_space<vmem>>, vector<16xf32>,
      %get3A_75 = arith.index_cast %scan3A_36 : i32 to index
      %get3A_76 = arith.constant 64 : index
      %get3A_77 = tpu.vector_load %arg13[%get3A_75, %get3A_76] {strides = array<i32>} : memref<320x128xf32, #tpu.memory_space<vmem>>, vector<16xf32>,
      %get3A_78 = arith.index_cast %scan3A_36 : i32 to index
      %get3A_79 = arith.constant 64 : index
      %get3A_80 = tpu.vector_load %arg14[%get3A_78, %get3A_79] {strides = array<i32>} : memref<320x128xf32, #tpu.memory_space<vmem>>, vector<16xf32>,
      %add3A_81 = arith.addf %get3A_77, %get3A_80 : vector<16xf32>
      %swap3A_82 = arith.index_cast %scan3A_36 : i32 to index
      %swap3A_83 = arith.constant 64 : index
      %swap3A_84 = tpu.vector_load %arg13[%swap3A_82, %swap3A_83] {strides = array<i32>} : memref<320x128xf32, #tpu.memory_space<vmem>>, vector<16xf32>,
      tpu.vector_store %arg13[%swap3A_82, %swap3A_83], %add3A_81 {strides = array<i32>} : memref<320x128xf32, #tpu.memory_space<vmem>>, vector<16xf32>,
      %get3A_85 = arith.index_cast %scan3A_36 : i32 to index
      %get3A_86 = arith.constant 80 : index
      %get3A_87 = tpu.vector_load %arg13[%get3A_85, %get3A_86] {strides = array<i32>} : memref<320x128xf32, #tpu.memory_space<vmem>>, vector<16xf32>,
      %get3A_88 = arith.index_cast %scan3A_36 : i32 to index
      %get3A_89 = arith.constant 80 : index
      %get3A_90 = tpu.vector_load %arg14[%get3A_88, %get3A_89] {strides = array<i32>} : memref<320x128xf32, #tpu.memory_space<vmem>>, vector<16xf32>,
      %add3A_91 = arith.addf %get3A_87, %get3A_90 : vector<16xf32>
      %swap3A_92 = arith.index_cast %scan3A_36 : i32 to index
      %swap3A_93 = arith.constant 80 : index
      %swap3A_94 = tpu.vector_load %arg13[%swap3A_92, %swap3A_93] {strides = array<i32>} : memref<320x128xf32, #tpu.memory_space<vmem>>, vector<16xf32>,
      tpu.vector_store %arg13[%swap3A_92, %swap3A_93], %add3A_91 {strides = array<i32>} : memref<320x128xf32, #tpu.memory_space<vmem>>, vector<16xf32>,
      %get3A_95 = arith.index_cast %scan3A_36 : i32 to index
      %get3A_96 = arith.constant 96 : index
      %get3A_97 = tpu.vector_load %arg13[%get3A_95, %get3A_96] {strides = array<i32>} : memref<320x128xf32, #tpu.memory_space<vmem>>, vector<16xf32>,
      %get3A_98 = arith.index_cast %scan3A_36 : i32 to index
      %get3A_99 = arith.constant 96 : index
      %get3A_100 = tpu.vector_load %arg14[%get3A_98, %get3A_99] {strides = array<i32>} : memref<320x128xf32, #tpu.memory_space<vmem>>, vector<16xf32>,
      %add3A_101 = arith.addf %get3A_97, %get3A_100 : vector<16xf32>
      %swap3A_102 = arith.index_cast %scan3A_36 : i32 to index
      %swap3A_103 = arith.constant 96 : index
      %swap3A_104 = tpu.vector_load %arg13[%swap3A_102, %swap3A_103] {strides = array<i32>} : memref<320x128xf32, #tpu.memory_space<vmem>>, vector<16xf32>,
      tpu.vector_store %arg13[%swap3A_102, %swap3A_103], %add3A_101 {strides = array<i32>} : memref<320x128xf32, #tpu.memory_space<vmem>>, vector<16xf32>,
      %get3A_105 = arith.index_cast %scan3A_36 : i32 to index
      %get3A_106 = arith.constant 112 : index
      %get3A_107 = tpu.vector_load %arg13[%get3A_105, %get3A_106] {strides = array<i32>} : memref<320x128xf32, #tpu.memory_space<vmem>>, vector<16xf32>,
      %get3A_108 = arith.index_cast %scan3A_36 : i32 to index
      %get3A_109 = arith.constant 112 : index
      %get3A_110 = tpu.vector_load %arg14[%get3A_108, %get3A_109] {strides = array<i32>} : memref<320x128xf32, #tpu.memory_space<vmem>>, vector<16xf32>,
      %add3A_111 = arith.addf %get3A_107, %get3A_110 : vector<16xf32>
      %swap3A_112 = arith.index_cast %scan3A_36 : i32 to index
      %swap3A_113 = arith.constant 112 : index
      %swap3A_114 = tpu.vector_load %arg13[%swap3A_112, %swap3A_113] {strides = array<i32>} : memref<320x128xf32, #tpu.memory_space<vmem>>, vector<16xf32>,
      tpu.vector_store %arg13[%swap3A_112, %swap3A_113], %add3A_111 {strides = array<i32>} : memref<320x128xf32, #tpu.memory_space<vmem>>, vector<16xf32>,
    }
    %scan3A_17 = arith.constant 320 : i32
    "tpu.region"() ({
      %run_scoped3A = tpu.sem_alloc : memref<!tpu.dma_semaphore, #tpu.memory_space<semaphore_mem>>
      %dma_start3A_36 = arith.constant 0 : i32
      %dma_start3A_37 = tpu.memref_slice %arg10[%mul3A_2, %dma_start3A_36] : memref<10240x128xf32, #tpu.memory_space<hbm>> -> memref<320x128xf32, #tpu.memory_space<hbm>>
      %dma_start3A_38 = arith.constant 0 : i32
      %dma_start3A_39 = tpu.memref_slice %arg10[%mul3A_2, %dma_start3A_38] : memref<10240x128xf32, #tpu.memory_space<hbm>> -> memref<320x128xf32, #tpu.memory_space<hbm>>
      tpu.enqueue_dma source(%arg13 : memref<320x128xf32, #tpu.memory_space<vmem>>) target(%dma_start3A_39 : memref<320x128xf32, #tpu.memory_space<hbm>>) target_semaphore(%run_scoped3A : memref<!tpu.dma_semaphore, #tpu.memory_space<semaphore_mem>>)
      %dma_wait3A_40 = arith.constant 0 : i32
      %dma_wait3A_41 = tpu.memref_slice %arg10[%mul3A_2, %dma_wait3A_40] : memref<10240x128xf32, #tpu.memory_space<hbm>> -> memref<320x128xf32, #tpu.memory_space<hbm>>
      %dma_wait3A_42 = arith.constant 0 : i32
      %dma_wait3A_43 = tpu.memref_slice %arg10[%mul3A_2, %dma_wait3A_42] : memref<10240x128xf32, #tpu.memory_space<hbm>> -> memref<320x128xf32, #tpu.memory_space<hbm>>
      tpu.wait_dma2 semaphore(%run_scoped3A : memref<!tpu.dma_semaphore, #tpu.memory_space<semaphore_mem>>) src(%arg13 : memref<320x128xf32, #tpu.memory_space<vmem>>) dst(%dma_wait3A_43 : memref<320x128xf32, #tpu.memory_space<hbm>>)
      tpu.yield
    }) : () -> ()
    "tpu.region"() ({
      %run_scoped3A = tpu.sem_alloc : memref<!tpu.dma_semaphore, #tpu.memory_space<semaphore_mem>>
      tpu.enqueue_dma source(%arg6 : memref<30000xf32, #tpu.memory_space<hbm>>) target(%arg15 : memref<30000xf32, #tpu.memory_space<vmem>>) target_semaphore(%run_scoped3A : memref<!tpu.dma_semaphore, #tpu.memory_space<semaphore_mem>>)
      tpu.wait_dma2 semaphore(%run_scoped3A : memref<!tpu.dma_semaphore, #tpu.memory_space<semaphore_mem>>) src(%arg6 : memref<30000xf32, #tpu.memory_space<hbm>>) dst(%arg15 : memref<30000xf32, #tpu.memory_space<vmem>>)
      tpu.yield
    }) : () -> ()
    %broadcast_in_dim3A = arith.constant 0.000000e+00 : f32
    %broadcast_in_dim3A_18 = vector.broadcast %broadcast_in_dim3A : f32 to vector<16xf32>
    %scan3A_19 = arith.constant 0 : i32
    %scan3A_20 = arith.constant 0 : i32
    %scan3A_21 = arith.constant 512 : i32
    %scan3A_22 = arith.addi %scan3A_20, %scan3A_21 : i32
    %scan3A_23 = arith.constant 1 : i32
    scf.for %scan3A_36 = %scan3A_20 to %scan3A_22 step %scan3A_23  : i32 {
      %mul3A_37 = arith.constant 16 : i32
      %mul3A_38 = arith.muli %scan3A_36, %mul3A_37 : i32
      %swap3A = arith.index_cast %mul3A_38 : i32 to index
      %swap3A_39 = tpu.vector_load %arg19[%swap3A] {strides = array<i32>} : memref<8192xf32, #tpu.memory_space<vmem>>, vector<16xf32>,
      tpu.vector_store %arg19[%swap3A], %broadcast_in_dim3A_18 {strides = array<i32>} : memref<8192xf32, #tpu.memory_space<vmem>>, vector<16xf32>,
    }
    %scan3A_24 = arith.constant 512 : i32
    %iota3A = tpu.iota {dimensions = array<i32: 0>} : vector<16xi32>
    %lt3A = arith.constant 17 : i32
    %lt3A_25 = arith.cmpi slt, %add3A, %lt3A : i32
    %jit3A = arith.constant 20 : i32
    %jit3A_26 = arith.constant 19 : i32
    %select_n3A = arith.select %lt3A_25, %jit3A, %jit3A_26 : i32
    %while3A = arith.constant 0 : i32
    %while3A_27 = arith.constant 0 : i32
    %while3A_28 = arith.subi %select_n3A, %while3A_27 : i32
    %while3A_29 = arith.addi %while3A_27, %while3A_28 : i32
    %while3A_30 = arith.constant 1 : i32
    %while3A_31 = arith.divsi %while3A_28, %while3A_30 : i32
    %while3A_32 = arith.muli %while3A_31, %while3A_30 : i32
    %while3A_33 = arith.addi %while3A_27, %while3A_32 : i32
    %while3A_34 = arith.constant 1 : i32
    scf.for %while3A_36 = %while3A_27 to %while3A_33 step %while3A_34  : i32 {
      %mul3A_37 = arith.constant 32 : i32
      %mul3A_38 = arith.muli %while3A_36, %mul3A_37 : i32
      %add3A_39 = arith.addi %add3A, %mul3A_38 : i32
      %mul3A_40 = arith.constant 512 : i32
      %mul3A_41 = arith.muli %add3A_39, %mul3A_40 : i32
      "tpu.region"() ({
        %run_scoped3A = tpu.sem_alloc : memref<!tpu.dma_semaphore, #tpu.memory_space<semaphore_mem>>
        %dma_start3A_52 = tpu.memref_slice %arg7[%mul3A_41] : memref<320000xi32, #tpu.memory_space<hbm>> -> memref<512xi32, #tpu.memory_space<hbm>>
        %dma_start3A_53 = tpu.memref_slice %arg7[%mul3A_41] : memref<320000xi32, #tpu.memory_space<hbm>> -> memref<512xi32, #tpu.memory_space<hbm>>
        tpu.enqueue_dma source(%dma_start3A_53 : memref<512xi32, #tpu.memory_space<hbm>>) target(%arg16 : memref<512xi32, #tpu.memory_space<vmem>>) target_semaphore(%run_scoped3A : memref<!tpu.dma_semaphore, #tpu.memory_space<semaphore_mem>>)
        %dma_wait3A_54 = tpu.memref_slice %arg7[%mul3A_41] : memref<320000xi32, #tpu.memory_space<hbm>> -> memref<512xi32, #tpu.memory_space<hbm>>
        %dma_wait3A_55 = tpu.memref_slice %arg7[%mul3A_41] : memref<320000xi32, #tpu.memory_space<hbm>> -> memref<512xi32, #tpu.memory_space<hbm>>
        tpu.wait_dma2 semaphore(%run_scoped3A : memref<!tpu.dma_semaphore, #tpu.memory_space<semaphore_mem>>) src(%dma_wait3A_55 : memref<512xi32, #tpu.memory_space<hbm>>) dst(%arg16 : memref<512xi32, #tpu.memory_space<vmem>>)
        tpu.yield
      }) : () -> ()
      "tpu.region"() ({
        %run_scoped3A = tpu.sem_alloc : memref<!tpu.dma_semaphore, #tpu.memory_space<semaphore_mem>>
        %dma_start3A_52 = tpu.memref_slice %arg8[%mul3A_41] : memref<320000xi32, #tpu.memory_space<hbm>> -> memref<512xi32, #tpu.memory_space<hbm>>
        %dma_start3A_53 = tpu.memref_slice %arg8[%mul3A_41] : memref<320000xi32, #tpu.memory_space<hbm>> -> memref<512xi32, #tpu.memory_space<hbm>>
        tpu.enqueue_dma source(%dma_start3A_53 : memref<512xi32, #tpu.memory_space<hbm>>) target(%arg17 : memref<512xi32, #tpu.memory_space<vmem>>) target_semaphore(%run_scoped3A : memref<!tpu.dma_semaphore, #tpu.memory_space<semaphore_mem>>)
        %dma_wait3A_54 = tpu.memref_slice %arg8[%mul3A_41] : memref<320000xi32, #tpu.memory_space<hbm>> -> memref<512xi32, #tpu.memory_space<hbm>>
        %dma_wait3A_55 = tpu.memref_slice %arg8[%mul3A_41] : memref<320000xi32, #tpu.memory_space<hbm>> -> memref<512xi32, #tpu.memory_space<hbm>>
        tpu.wait_dma2 semaphore(%run_scoped3A : memref<!tpu.dma_semaphore, #tpu.memory_space<semaphore_mem>>) src(%dma_wait3A_55 : memref<512xi32, #tpu.memory_space<hbm>>) dst(%arg17 : memref<512xi32, #tpu.memory_space<vmem>>)
        tpu.yield
      }) : () -> ()
      %mul3A_42 = arith.constant 3 : i32
      %mul3A_43 = arith.muli %mul3A_41, %mul3A_42 : i32
      "tpu.region"() ({
        %run_scoped3A = tpu.sem_alloc : memref<!tpu.dma_semaphore, #tpu.memory_space<semaphore_mem>>
        %dma_start3A_52 = tpu.memref_slice %arg9[%mul3A_43] : memref<960000xf32, #tpu.memory_space<hbm>> -> memref<1536xf32, #tpu.memory_space<hbm>>
        %dma_start3A_53 = tpu.memref_slice %arg9[%mul3A_43] : memref<960000xf32, #tpu.memory_space<hbm>> -> memref<1536xf32, #tpu.memory_space<hbm>>
        tpu.enqueue_dma source(%dma_start3A_53 : memref<1536xf32, #tpu.memory_space<hbm>>) target(%arg18 : memref<1536xf32, #tpu.memory_space<vmem>>) target_semaphore(%run_scoped3A : memref<!tpu.dma_semaphore, #tpu.memory_space<semaphore_mem>>)
        %dma_wait3A_54 = tpu.memref_slice %arg9[%mul3A_43] : memref<960000xf32, #tpu.memory_space<hbm>> -> memref<1536xf32, #tpu.memory_space<hbm>>
        %dma_wait3A_55 = tpu.memref_slice %arg9[%mul3A_43] : memref<960000xf32, #tpu.memory_space<hbm>> -> memref<1536xf32, #tpu.memory_space<hbm>>
        tpu.wait_dma2 semaphore(%run_scoped3A : memref<!tpu.dma_semaphore, #tpu.memory_space<semaphore_mem>>) src(%dma_wait3A_55 : memref<1536xf32, #tpu.memory_space<hbm>>) dst(%arg18 : memref<1536xf32, #tpu.memory_space<vmem>>)
        tpu.yield
      }) : () -> ()
      %scan3A_44 = arith.constant 0 : i32
      %scan3A_45 = arith.constant 0 : i32
      %scan3A_46 = arith.constant 32 : i32
      %scan3A_47 = arith.addi %scan3A_45, %scan3A_46 : i32
      %scan3A_48 = arith.constant 1 : i32
      scf.for %scan3A_52 = %scan3A_45 to %scan3A_47 step %scan3A_48  : i32 {
        %mul3A_53 = arith.constant 16 : i32
        %mul3A_54 = arith.muli %scan3A_52, %mul3A_53 : i32
        %get3A = arith.index_cast %mul3A_54 : i32 to index
        %get3A_55 = tpu.vector_load %arg16[%get3A] {strides = array<i32>} : memref<512xi32, #tpu.memory_space<vmem>>, vector<16xi32>,
        %get3A_56 = arith.index_cast %mul3A_54 : i32 to index
        %get3A_57 = tpu.vector_load %arg17[%get3A_56] {strides = array<i32>} : memref<512xi32, #tpu.memory_space<vmem>>, vector<16xi32>,
        %mul3A_58 = arith.constant 16 : i32
        %mul3A_59 = arith.muli %scan3A_52, %mul3A_58 : i32
        %add3A_60 = vector.broadcast %mul3A_59 : i32 to vector<16xi32>
        %add3A_61 = arith.addi %add3A_60, %iota3A : vector<16xi32>
        %mul3A_62 = arith.constant 3 : i32
        %mul3A_63 = vector.broadcast %mul3A_62 : i32 to vector<16xi32>
        %mul3A_64 = arith.muli %get3A_55, %mul3A_63 : vector<16xi32>
        %add3A_65 = arith.constant 0 : i32
        %add3A_66 = vector.broadcast %add3A_65 : i32 to vector<16xi32>
        %add3A_67 = arith.addi %mul3A_64, %add3A_66 : vector<16xi32>
        %gather3A = tpu.vector_load_idx %arg15[%add3A_67] : memref<30000xf32, #tpu.memory_space<vmem>>[vector<16xi32>], vector<16xf32>,
        %mul3A_68 = arith.constant 3 : i32
        %mul3A_69 = vector.broadcast %mul3A_68 : i32 to vector<16xi32>
        %mul3A_70 = arith.muli %get3A_57, %mul3A_69 : vector<16xi32>
        %add3A_71 = arith.constant 0 : i32
        %add3A_72 = vector.broadcast %add3A_71 : i32 to vector<16xi32>
        %add3A_73 = arith.addi %mul3A_70, %add3A_72 : vector<16xi32>
        %gather3A_74 = tpu.vector_load_idx %arg15[%add3A_73] : memref<30000xf32, #tpu.memory_space<vmem>>[vector<16xi32>], vector<16xf32>,
        %mul3A_75 = arith.constant 3 : i32
        %mul3A_76 = vector.broadcast %mul3A_75 : i32 to vector<16xi32>
        %mul3A_77 = arith.muli %add3A_61, %mul3A_76 : vector<16xi32>
        %add3A_78 = arith.constant 0 : i32
        %add3A_79 = vector.broadcast %add3A_78 : i32 to vector<16xi32>
        %add3A_80 = arith.addi %mul3A_77, %add3A_79 : vector<16xi32>
        %gather3A_81 = tpu.vector_load_idx %arg18[%add3A_80] : memref<1536xf32, #tpu.memory_space<vmem>>[vector<16xi32>], vector<16xf32>,
        %sub3A = arith.subf %gather3A_74, %gather3A : vector<16xf32>
        %add3A_82 = arith.addf %sub3A, %gather3A_81 : vector<16xf32>
        %convert_element_type3A = arith.fptosi %add3A_82 : vector<16xf32> to vector<16xi32>
        %convert_element_type3A_83 = arith.sitofp %convert_element_type3A : vector<16xi32> to vector<16xf32>
        %lt3A_84 = arith.cmpf olt, %add3A_82, %convert_element_type3A_83 : vector<16xf32>
        %sub3A_85 = arith.constant 1.000000e+00 : f32
        %sub3A_86 = vector.broadcast %sub3A_85 : f32 to vector<16xf32>
        %sub3A_87 = arith.subf %convert_element_type3A_83, %sub3A_86 : vector<16xf32>
        %select_n3A_88 = arith.select %lt3A_84, %sub3A_87, %convert_element_type3A_83 : vector<16xi1>, vector<16xf32>
        %mul3A_89 = arith.constant 16 : i32
        %mul3A_90 = vector.broadcast %mul3A_89 : i32 to vector<16xi32>
        %mul3A_91 = arith.muli %add3A_61, %mul3A_90 : vector<16xi32>
        %add3A_92 = arith.constant 0 : i32
        %add3A_93 = vector.broadcast %add3A_92 : i32 to vector<16xi32>
        %add3A_94 = arith.addi %mul3A_91, %add3A_93 : vector<16xi32>
        %sub3A_95 = arith.subf %add3A_82, %select_n3A_88 : vector<16xf32>
        tpu.vector_store_idx %arg19[%add3A_94], %sub3A_95 : memref<8192xf32, #tpu.memory_space<vmem>>[vector<16xi32>], vector<16xf32>,
        %mul3A_96 = arith.constant 3 : i32
        %mul3A_97 = vector.broadcast %mul3A_96 : i32 to vector<16xi32>
        %mul3A_98 = arith.muli %get3A_55, %mul3A_97 : vector<16xi32>
        %add3A_99 = arith.constant 1 : i32
        %add3A_100 = vector.broadcast %add3A_99 : i32 to vector<16xi32>
        %add3A_101 = arith.addi %mul3A_98, %add3A_100 : vector<16xi32>
        %gather3A_102 = tpu.vector_load_idx %arg15[%add3A_101] : memref<30000xf32, #tpu.memory_space<vmem>>[vector<16xi32>], vector<16xf32>,
        %mul3A_103 = arith.constant 3 : i32
        %mul3A_104 = vector.broadcast %mul3A_103 : i32 to vector<16xi32>
        %mul3A_105 = arith.muli %get3A_57, %mul3A_104 : vector<16xi32>
        %add3A_106 = arith.constant 1 : i32
        %add3A_107 = vector.broadcast %add3A_106 : i32 to vector<16xi32>
        %add3A_108 = arith.addi %mul3A_105, %add3A_107 : vector<16xi32>
        %gather3A_109 = tpu.vector_load_idx %arg15[%add3A_108] : memref<30000xf32, #tpu.memory_space<vmem>>[vector<16xi32>], vector<16xf32>,
        %mul3A_110 = arith.constant 3 : i32
        %mul3A_111 = vector.broadcast %mul3A_110 : i32 to vector<16xi32>
        %mul3A_112 = arith.muli %add3A_61, %mul3A_111 : vector<16xi32>
        %add3A_113 = arith.constant 1 : i32
        %add3A_114 = vector.broadcast %add3A_113 : i32 to vector<16xi32>
        %add3A_115 = arith.addi %mul3A_112, %add3A_114 : vector<16xi32>
        %gather3A_116 = tpu.vector_load_idx %arg18[%add3A_115] : memref<1536xf32, #tpu.memory_space<vmem>>[vector<16xi32>], vector<16xf32>,
        %sub3A_117 = arith.subf %gather3A_109, %gather3A_102 : vector<16xf32>
        %add3A_118 = arith.addf %sub3A_117, %gather3A_116 : vector<16xf32>
        %convert_element_type3A_119 = arith.fptosi %add3A_118 : vector<16xf32> to vector<16xi32>
        %convert_element_type3A_120 = arith.sitofp %convert_element_type3A_119 : vector<16xi32> to vector<16xf32>
        %lt3A_121 = arith.cmpf olt, %add3A_118, %convert_element_type3A_120 : vector<16xf32>
        %sub3A_122 = arith.constant 1.000000e+00 : f32
        %sub3A_123 = vector.broadcast %sub3A_122 : f32 to vector<16xf32>
        %sub3A_124 = arith.subf %convert_element_type3A_120, %sub3A_123 : vector<16xf32>
        %select_n3A_125 = arith.select %lt3A_121, %sub3A_124, %convert_element_type3A_120 : vector<16xi1>, vector<16xf32>
        %mul3A_126 = arith.constant 16 : i32
        %mul3A_127 = vector.broadcast %mul3A_126 : i32 to vector<16xi32>
        %mul3A_128 = arith.muli %add3A_61, %mul3A_127 : vector<16xi32>
        %add3A_129 = arith.constant 1 : i32
        %add3A_130 = vector.broadcast %add3A_129 : i32 to vector<16xi32>
        %add3A_131 = arith.addi %mul3A_128, %add3A_130 : vector<16xi32>
        %sub3A_132 = arith.subf %add3A_118, %select_n3A_125 : vector<16xf32>
        tpu.vector_store_idx %arg19[%add3A_131], %sub3A_132 : memref<8192xf32, #tpu.memory_space<vmem>>[vector<16xi32>], vector<16xf32>,
        %mul3A_133 = arith.constant 3 : i32
        %mul3A_134 = vector.broadcast %mul3A_133 : i32 to vector<16xi32>
        %mul3A_135 = arith.muli %get3A_55, %mul3A_134 : vector<16xi32>
        %add3A_136 = arith.constant 2 : i32
        %add3A_137 = vector.broadcast %add3A_136 : i32 to vector<16xi32>
        %add3A_138 = arith.addi %mul3A_135, %add3A_137 : vector<16xi32>
        %gather3A_139 = tpu.vector_load_idx %arg15[%add3A_138] : memref<30000xf32, #tpu.memory_space<vmem>>[vector<16xi32>], vector<16xf32>,
        %mul3A_140 = arith.constant 3 : i32
        %mul3A_141 = vector.broadcast %mul3A_140 : i32 to vector<16xi32>
        %mul3A_142 = arith.muli %get3A_57, %mul3A_141 : vector<16xi32>
        %add3A_143 = arith.constant 2 : i32
        %add3A_144 = vector.broadcast %add3A_143 : i32 to vector<16xi32>
        %add3A_145 = arith.addi %mul3A_142, %add3A_144 : vector<16xi32>
        %gather3A_146 = tpu.vector_load_idx %arg15[%add3A_145] : memref<30000xf32, #tpu.memory_space<vmem>>[vector<16xi32>], vector<16xf32>,
        %mul3A_147 = arith.constant 3 : i32
        %mul3A_148 = vector.broadcast %mul3A_147 : i32 to vector<16xi32>
        %mul3A_149 = arith.muli %add3A_61, %mul3A_148 : vector<16xi32>
        %add3A_150 = arith.constant 2 : i32
        %add3A_151 = vector.broadcast %add3A_150 : i32 to vector<16xi32>
        %add3A_152 = arith.addi %mul3A_149, %add3A_151 : vector<16xi32>
        %gather3A_153 = tpu.vector_load_idx %arg18[%add3A_152] : memref<1536xf32, #tpu.memory_space<vmem>>[vector<16xi32>], vector<16xf32>,
        %sub3A_154 = arith.subf %gather3A_146, %gather3A_139 : vector<16xf32>
        %add3A_155 = arith.addf %sub3A_154, %gather3A_153 : vector<16xf32>
        %convert_element_type3A_156 = arith.fptosi %add3A_155 : vector<16xf32> to vector<16xi32>
        %convert_element_type3A_157 = arith.sitofp %convert_element_type3A_156 : vector<16xi32> to vector<16xf32>
        %lt3A_158 = arith.cmpf olt, %add3A_155, %convert_element_type3A_157 : vector<16xf32>
        %sub3A_159 = arith.constant 1.000000e+00 : f32
        %sub3A_160 = vector.broadcast %sub3A_159 : f32 to vector<16xf32>
        %sub3A_161 = arith.subf %convert_element_type3A_157, %sub3A_160 : vector<16xf32>
        %select_n3A_162 = arith.select %lt3A_158, %sub3A_161, %convert_element_type3A_157 : vector<16xi1>, vector<16xf32>
        %mul3A_163 = arith.constant 16 : i32
        %mul3A_164 = vector.broadcast %mul3A_163 : i32 to vector<16xi32>
        %mul3A_165 = arith.muli %add3A_61, %mul3A_164 : vector<16xi32>
        %add3A_166 = arith.constant 2 : i32
        %add3A_167 = vector.broadcast %add3A_166 : i32 to vector<16xi32>
        %add3A_168 = arith.addi %mul3A_165, %add3A_167 : vector<16xi32>
        %sub3A_169 = arith.subf %add3A_155, %select_n3A_162 : vector<16xf32>
        tpu.vector_store_idx %arg19[%add3A_168], %sub3A_169 : memref<8192xf32, #tpu.memory_space<vmem>>[vector<16xi32>], vector<16xf32>,
      }
      %scan3A_49 = arith.constant 32 : i32
      %mul3A_50 = arith.constant 16 : i32
      %mul3A_51 = arith.muli %mul3A_41, %mul3A_50 : i32
      "tpu.region"() ({
        %run_scoped3A = tpu.sem_alloc : memref<!tpu.dma_semaphore, #tpu.memory_space<semaphore_mem>>
        %dma_start3A_52 = tpu.memref_slice %arg11[%mul3A_51] : memref<5120000xf32, #tpu.memory_space<hbm>> -> memref<8192xf32, #tpu.memory_space<hbm>>
        %dma_start3A_53 = tpu.memref_slice %arg11[%mul3A_51] : memref<5120000xf32, #tpu.memory_space<hbm>> -> memref<8192xf32, #tpu.memory_space<hbm>>
        tpu.enqueue_dma source(%arg19 : memref<8192xf32, #tpu.memory_space<vmem>>) target(%dma_start3A_53 : memref<8192xf32, #tpu.memory_space<hbm>>) target_semaphore(%run_scoped3A : memref<!tpu.dma_semaphore, #tpu.memory_space<semaphore_mem>>)
        %dma_wait3A_54 = tpu.memref_slice %arg11[%mul3A_51] : memref<5120000xf32, #tpu.memory_space<hbm>> -> memref<8192xf32, #tpu.memory_space<hbm>>
        %dma_wait3A_55 = tpu.memref_slice %arg11[%mul3A_51] : memref<5120000xf32, #tpu.memory_space<hbm>> -> memref<8192xf32, #tpu.memory_space<hbm>>
        tpu.wait_dma2 semaphore(%run_scoped3A : memref<!tpu.dma_semaphore, #tpu.memory_space<semaphore_mem>>) src(%arg19 : memref<8192xf32, #tpu.memory_space<vmem>>) dst(%dma_wait3A_55 : memref<8192xf32, #tpu.memory_space<hbm>>)
        tpu.yield
      }) : () -> ()
    }
    %while3A_35 = arith.constant 1 : i32
    scf.for %while3A_36 = %while3A_33 to %while3A_29 step %while3A_35  : i32 {
      %mul3A_37 = arith.constant 32 : i32
      %mul3A_38 = arith.muli %while3A_36, %mul3A_37 : i32
      %add3A_39 = arith.addi %add3A, %mul3A_38 : i32
      %mul3A_40 = arith.constant 512 : i32
      %mul3A_41 = arith.muli %add3A_39, %mul3A_40 : i32
      "tpu.region"() ({
        %run_scoped3A = tpu.sem_alloc : memref<!tpu.dma_semaphore, #tpu.memory_space<semaphore_mem>>
        %dma_start3A_52 = tpu.memref_slice %arg7[%mul3A_41] : memref<320000xi32, #tpu.memory_space<hbm>> -> memref<512xi32, #tpu.memory_space<hbm>>
        %dma_start3A_53 = tpu.memref_slice %arg7[%mul3A_41] : memref<320000xi32, #tpu.memory_space<hbm>> -> memref<512xi32, #tpu.memory_space<hbm>>
        tpu.enqueue_dma source(%dma_start3A_53 : memref<512xi32, #tpu.memory_space<hbm>>) target(%arg16 : memref<512xi32, #tpu.memory_space<vmem>>) target_semaphore(%run_scoped3A : memref<!tpu.dma_semaphore, #tpu.memory_space<semaphore_mem>>)
        %dma_wait3A_54 = tpu.memref_slice %arg7[%mul3A_41] : memref<320000xi32, #tpu.memory_space<hbm>> -> memref<512xi32, #tpu.memory_space<hbm>>
        %dma_wait3A_55 = tpu.memref_slice %arg7[%mul3A_41] : memref<320000xi32, #tpu.memory_space<hbm>> -> memref<512xi32, #tpu.memory_space<hbm>>
        tpu.wait_dma2 semaphore(%run_scoped3A : memref<!tpu.dma_semaphore, #tpu.memory_space<semaphore_mem>>) src(%dma_wait3A_55 : memref<512xi32, #tpu.memory_space<hbm>>) dst(%arg16 : memref<512xi32, #tpu.memory_space<vmem>>)
        tpu.yield
      }) : () -> ()
      "tpu.region"() ({
        %run_scoped3A = tpu.sem_alloc : memref<!tpu.dma_semaphore, #tpu.memory_space<semaphore_mem>>
        %dma_start3A_52 = tpu.memref_slice %arg8[%mul3A_41] : memref<320000xi32, #tpu.memory_space<hbm>> -> memref<512xi32, #tpu.memory_space<hbm>>
        %dma_start3A_53 = tpu.memref_slice %arg8[%mul3A_41] : memref<320000xi32, #tpu.memory_space<hbm>> -> memref<512xi32, #tpu.memory_space<hbm>>
        tpu.enqueue_dma source(%dma_start3A_53 : memref<512xi32, #tpu.memory_space<hbm>>) target(%arg17 : memref<512xi32, #tpu.memory_space<vmem>>) target_semaphore(%run_scoped3A : memref<!tpu.dma_semaphore, #tpu.memory_space<semaphore_mem>>)
        %dma_wait3A_54 = tpu.memref_slice %arg8[%mul3A_41] : memref<320000xi32, #tpu.memory_space<hbm>> -> memref<512xi32, #tpu.memory_space<hbm>>
        %dma_wait3A_55 = tpu.memref_slice %arg8[%mul3A_41] : memref<320000xi32, #tpu.memory_space<hbm>> -> memref<512xi32, #tpu.memory_space<hbm>>
        tpu.wait_dma2 semaphore(%run_scoped3A : memref<!tpu.dma_semaphore, #tpu.memory_space<semaphore_mem>>) src(%dma_wait3A_55 : memref<512xi32, #tpu.memory_space<hbm>>) dst(%arg17 : memref<512xi32, #tpu.memory_space<vmem>>)
        tpu.yield
      }) : () -> ()
      %mul3A_42 = arith.constant 3 : i32
      %mul3A_43 = arith.muli %mul3A_41, %mul3A_42 : i32
      "tpu.region"() ({
        %run_scoped3A = tpu.sem_alloc : memref<!tpu.dma_semaphore, #tpu.memory_space<semaphore_mem>>
        %dma_start3A_52 = tpu.memref_slice %arg9[%mul3A_43] : memref<960000xf32, #tpu.memory_space<hbm>> -> memref<1536xf32, #tpu.memory_space<hbm>>
        %dma_start3A_53 = tpu.memref_slice %arg9[%mul3A_43] : memref<960000xf32, #tpu.memory_space<hbm>> -> memref<1536xf32, #tpu.memory_space<hbm>>
        tpu.enqueue_dma source(%dma_start3A_53 : memref<1536xf32, #tpu.memory_space<hbm>>) target(%arg18 : memref<1536xf32, #tpu.memory_space<vmem>>) target_semaphore(%run_scoped3A : memref<!tpu.dma_semaphore, #tpu.memory_space<semaphore_mem>>)
        %dma_wait3A_54 = tpu.memref_slice %arg9[%mul3A_43] : memref<960000xf32, #tpu.memory_space<hbm>> -> memref<1536xf32, #tpu.memory_space<hbm>>
        %dma_wait3A_55 = tpu.memref_slice %arg9[%mul3A_43] : memref<960000xf32, #tpu.memory_space<hbm>> -> memref<1536xf32, #tpu.memory_space<hbm>>
        tpu.wait_dma2 semaphore(%run_scoped3A : memref<!tpu.dma_semaphore, #tpu.memory_space<semaphore_mem>>) src(%dma_wait3A_55 : memref<1536xf32, #tpu.memory_space<hbm>>) dst(%arg18 : memref<1536xf32, #tpu.memory_space<vmem>>)
        tpu.yield
      }) : () -> ()
      %scan3A_44 = arith.constant 0 : i32
      %scan3A_45 = arith.constant 0 : i32
      %scan3A_46 = arith.constant 32 : i32
      %scan3A_47 = arith.addi %scan3A_45, %scan3A_46 : i32
      %scan3A_48 = arith.constant 1 : i32
      scf.for %scan3A_52 = %scan3A_45 to %scan3A_47 step %scan3A_48  : i32 {
        %mul3A_53 = arith.constant 16 : i32
        %mul3A_54 = arith.muli %scan3A_52, %mul3A_53 : i32
        %get3A = arith.index_cast %mul3A_54 : i32 to index
        %get3A_55 = tpu.vector_load %arg16[%get3A] {strides = array<i32>} : memref<512xi32, #tpu.memory_space<vmem>>, vector<16xi32>,
        %get3A_56 = arith.index_cast %mul3A_54 : i32 to index
        %get3A_57 = tpu.vector_load %arg17[%get3A_56] {strides = array<i32>} : memref<512xi32, #tpu.memory_space<vmem>>, vector<16xi32>,
        %mul3A_58 = arith.constant 16 : i32
        %mul3A_59 = arith.muli %scan3A_52, %mul3A_58 : i32
        %add3A_60 = vector.broadcast %mul3A_59 : i32 to vector<16xi32>
        %add3A_61 = arith.addi %add3A_60, %iota3A : vector<16xi32>
        %mul3A_62 = arith.constant 3 : i32
        %mul3A_63 = vector.broadcast %mul3A_62 : i32 to vector<16xi32>
        %mul3A_64 = arith.muli %get3A_55, %mul3A_63 : vector<16xi32>
        %add3A_65 = arith.constant 0 : i32
        %add3A_66 = vector.broadcast %add3A_65 : i32 to vector<16xi32>
        %add3A_67 = arith.addi %mul3A_64, %add3A_66 : vector<16xi32>
        %gather3A = tpu.vector_load_idx %arg15[%add3A_67] : memref<30000xf32, #tpu.memory_space<vmem>>[vector<16xi32>], vector<16xf32>,
        %mul3A_68 = arith.constant 3 : i32
        %mul3A_69 = vector.broadcast %mul3A_68 : i32 to vector<16xi32>
        %mul3A_70 = arith.muli %get3A_57, %mul3A_69 : vector<16xi32>
        %add3A_71 = arith.constant 0 : i32
        %add3A_72 = vector.broadcast %add3A_71 : i32 to vector<16xi32>
        %add3A_73 = arith.addi %mul3A_70, %add3A_72 : vector<16xi32>
        %gather3A_74 = tpu.vector_load_idx %arg15[%add3A_73] : memref<30000xf32, #tpu.memory_space<vmem>>[vector<16xi32>], vector<16xf32>,
        %mul3A_75 = arith.constant 3 : i32
        %mul3A_76 = vector.broadcast %mul3A_75 : i32 to vector<16xi32>
        %mul3A_77 = arith.muli %add3A_61, %mul3A_76 : vector<16xi32>
        %add3A_78 = arith.constant 0 : i32
        %add3A_79 = vector.broadcast %add3A_78 : i32 to vector<16xi32>
        %add3A_80 = arith.addi %mul3A_77, %add3A_79 : vector<16xi32>
        %gather3A_81 = tpu.vector_load_idx %arg18[%add3A_80] : memref<1536xf32, #tpu.memory_space<vmem>>[vector<16xi32>], vector<16xf32>,
        %sub3A = arith.subf %gather3A_74, %gather3A : vector<16xf32>
        %add3A_82 = arith.addf %sub3A, %gather3A_81 : vector<16xf32>
        %convert_element_type3A = arith.fptosi %add3A_82 : vector<16xf32> to vector<16xi32>
        %convert_element_type3A_83 = arith.sitofp %convert_element_type3A : vector<16xi32> to vector<16xf32>
        %lt3A_84 = arith.cmpf olt, %add3A_82, %convert_element_type3A_83 : vector<16xf32>
        %sub3A_85 = arith.constant 1.000000e+00 : f32
        %sub3A_86 = vector.broadcast %sub3A_85 : f32 to vector<16xf32>
        %sub3A_87 = arith.subf %convert_element_type3A_83, %sub3A_86 : vector<16xf32>
        %select_n3A_88 = arith.select %lt3A_84, %sub3A_87, %convert_element_type3A_83 : vector<16xi1>, vector<16xf32>
        %mul3A_89 = arith.constant 16 : i32
        %mul3A_90 = vector.broadcast %mul3A_89 : i32 to vector<16xi32>
        %mul3A_91 = arith.muli %add3A_61, %mul3A_90 : vector<16xi32>
        %add3A_92 = arith.constant 0 : i32
        %add3A_93 = vector.broadcast %add3A_92 : i32 to vector<16xi32>
        %add3A_94 = arith.addi %mul3A_91, %add3A_93 : vector<16xi32>
        %sub3A_95 = arith.subf %add3A_82, %select_n3A_88 : vector<16xf32>
        tpu.vector_store_idx %arg19[%add3A_94], %sub3A_95 : memref<8192xf32, #tpu.memory_space<vmem>>[vector<16xi32>], vector<16xf32>,
        %mul3A_96 = arith.constant 3 : i32
        %mul3A_97 = vector.broadcast %mul3A_96 : i32 to vector<16xi32>
        %mul3A_98 = arith.muli %get3A_55, %mul3A_97 : vector<16xi32>
        %add3A_99 = arith.constant 1 : i32
        %add3A_100 = vector.broadcast %add3A_99 : i32 to vector<16xi32>
        %add3A_101 = arith.addi %mul3A_98, %add3A_100 : vector<16xi32>
        %gather3A_102 = tpu.vector_load_idx %arg15[%add3A_101] : memref<30000xf32, #tpu.memory_space<vmem>>[vector<16xi32>], vector<16xf32>,
        %mul3A_103 = arith.constant 3 : i32
        %mul3A_104 = vector.broadcast %mul3A_103 : i32 to vector<16xi32>
        %mul3A_105 = arith.muli %get3A_57, %mul3A_104 : vector<16xi32>
        %add3A_106 = arith.constant 1 : i32
        %add3A_107 = vector.broadcast %add3A_106 : i32 to vector<16xi32>
        %add3A_108 = arith.addi %mul3A_105, %add3A_107 : vector<16xi32>
        %gather3A_109 = tpu.vector_load_idx %arg15[%add3A_108] : memref<30000xf32, #tpu.memory_space<vmem>>[vector<16xi32>], vector<16xf32>,
        %mul3A_110 = arith.constant 3 : i32
        %mul3A_111 = vector.broadcast %mul3A_110 : i32 to vector<16xi32>
        %mul3A_112 = arith.muli %add3A_61, %mul3A_111 : vector<16xi32>
        %add3A_113 = arith.constant 1 : i32
        %add3A_114 = vector.broadcast %add3A_113 : i32 to vector<16xi32>
        %add3A_115 = arith.addi %mul3A_112, %add3A_114 : vector<16xi32>
        %gather3A_116 = tpu.vector_load_idx %arg18[%add3A_115] : memref<1536xf32, #tpu.memory_space<vmem>>[vector<16xi32>], vector<16xf32>,
        %sub3A_117 = arith.subf %gather3A_109, %gather3A_102 : vector<16xf32>
        %add3A_118 = arith.addf %sub3A_117, %gather3A_116 : vector<16xf32>
        %convert_element_type3A_119 = arith.fptosi %add3A_118 : vector<16xf32> to vector<16xi32>
        %convert_element_type3A_120 = arith.sitofp %convert_element_type3A_119 : vector<16xi32> to vector<16xf32>
        %lt3A_121 = arith.cmpf olt, %add3A_118, %convert_element_type3A_120 : vector<16xf32>
        %sub3A_122 = arith.constant 1.000000e+00 : f32
        %sub3A_123 = vector.broadcast %sub3A_122 : f32 to vector<16xf32>
        %sub3A_124 = arith.subf %convert_element_type3A_120, %sub3A_123 : vector<16xf32>
        %select_n3A_125 = arith.select %lt3A_121, %sub3A_124, %convert_element_type3A_120 : vector<16xi1>, vector<16xf32>
        %mul3A_126 = arith.constant 16 : i32
        %mul3A_127 = vector.broadcast %mul3A_126 : i32 to vector<16xi32>
        %mul3A_128 = arith.muli %add3A_61, %mul3A_127 : vector<16xi32>
        %add3A_129 = arith.constant 1 : i32
        %add3A_130 = vector.broadcast %add3A_129 : i32 to vector<16xi32>
        %add3A_131 = arith.addi %mul3A_128, %add3A_130 : vector<16xi32>
        %sub3A_132 = arith.subf %add3A_118, %select_n3A_125 : vector<16xf32>
        tpu.vector_store_idx %arg19[%add3A_131], %sub3A_132 : memref<8192xf32, #tpu.memory_space<vmem>>[vector<16xi32>], vector<16xf32>,
        %mul3A_133 = arith.constant 3 : i32
        %mul3A_134 = vector.broadcast %mul3A_133 : i32 to vector<16xi32>
        %mul3A_135 = arith.muli %get3A_55, %mul3A_134 : vector<16xi32>
        %add3A_136 = arith.constant 2 : i32
        %add3A_137 = vector.broadcast %add3A_136 : i32 to vector<16xi32>
        %add3A_138 = arith.addi %mul3A_135, %add3A_137 : vector<16xi32>
        %gather3A_139 = tpu.vector_load_idx %arg15[%add3A_138] : memref<30000xf32, #tpu.memory_space<vmem>>[vector<16xi32>], vector<16xf32>,
        %mul3A_140 = arith.constant 3 : i32
        %mul3A_141 = vector.broadcast %mul3A_140 : i32 to vector<16xi32>
        %mul3A_142 = arith.muli %get3A_57, %mul3A_141 : vector<16xi32>
        %add3A_143 = arith.constant 2 : i32
        %add3A_144 = vector.broadcast %add3A_143 : i32 to vector<16xi32>
        %add3A_145 = arith.addi %mul3A_142, %add3A_144 : vector<16xi32>
        %gather3A_146 = tpu.vector_load_idx %arg15[%add3A_145] : memref<30000xf32, #tpu.memory_space<vmem>>[vector<16xi32>], vector<16xf32>,
        %mul3A_147 = arith.constant 3 : i32
        %mul3A_148 = vector.broadcast %mul3A_147 : i32 to vector<16xi32>
        %mul3A_149 = arith.muli %add3A_61, %mul3A_148 : vector<16xi32>
        %add3A_150 = arith.constant 2 : i32
        %add3A_151 = vector.broadcast %add3A_150 : i32 to vector<16xi32>
        %add3A_152 = arith.addi %mul3A_149, %add3A_151 : vector<16xi32>
        %gather3A_153 = tpu.vector_load_idx %arg18[%add3A_152] : memref<1536xf32, #tpu.memory_space<vmem>>[vector<16xi32>], vector<16xf32>,
        %sub3A_154 = arith.subf %gather3A_146, %gather3A_139 : vector<16xf32>
        %add3A_155 = arith.addf %sub3A_154, %gather3A_153 : vector<16xf32>
        %convert_element_type3A_156 = arith.fptosi %add3A_155 : vector<16xf32> to vector<16xi32>
        %convert_element_type3A_157 = arith.sitofp %convert_element_type3A_156 : vector<16xi32> to vector<16xf32>
        %lt3A_158 = arith.cmpf olt, %add3A_155, %convert_element_type3A_157 : vector<16xf32>
        %sub3A_159 = arith.constant 1.000000e+00 : f32
        %sub3A_160 = vector.broadcast %sub3A_159 : f32 to vector<16xf32>
        %sub3A_161 = arith.subf %convert_element_type3A_157, %sub3A_160 : vector<16xf32>
        %select_n3A_162 = arith.select %lt3A_158, %sub3A_161, %convert_element_type3A_157 : vector<16xi1>, vector<16xf32>
        %mul3A_163 = arith.constant 16 : i32
        %mul3A_164 = vector.broadcast %mul3A_163 : i32 to vector<16xi32>
        %mul3A_165 = arith.muli %add3A_61, %mul3A_164 : vector<16xi32>
        %add3A_166 = arith.constant 2 : i32
        %add3A_167 = vector.broadcast %add3A_166 : i32 to vector<16xi32>
        %add3A_168 = arith.addi %mul3A_165, %add3A_167 : vector<16xi32>
        %sub3A_169 = arith.subf %add3A_155, %select_n3A_162 : vector<16xf32>
        tpu.vector_store_idx %arg19[%add3A_168], %sub3A_169 : memref<8192xf32, #tpu.memory_space<vmem>>[vector<16xi32>], vector<16xf32>,
      }
      %scan3A_49 = arith.constant 32 : i32
      %mul3A_50 = arith.constant 16 : i32
      %mul3A_51 = arith.muli %mul3A_41, %mul3A_50 : i32
      "tpu.region"() ({
        %run_scoped3A = tpu.sem_alloc : memref<!tpu.dma_semaphore, #tpu.memory_space<semaphore_mem>>
        %dma_start3A_52 = tpu.memref_slice %arg11[%mul3A_51] : memref<5120000xf32, #tpu.memory_space<hbm>> -> memref<8192xf32, #tpu.memory_space<hbm>>
        %dma_start3A_53 = tpu.memref_slice %arg11[%mul3A_51] : memref<5120000xf32, #tpu.memory_space<hbm>> -> memref<8192xf32, #tpu.memory_space<hbm>>
        tpu.enqueue_dma source(%arg19 : memref<8192xf32, #tpu.memory_space<vmem>>) target(%dma_start3A_53 : memref<8192xf32, #tpu.memory_space<hbm>>) target_semaphore(%run_scoped3A : memref<!tpu.dma_semaphore, #tpu.memory_space<semaphore_mem>>)
        %dma_wait3A_54 = tpu.memref_slice %arg11[%mul3A_51] : memref<5120000xf32, #tpu.memory_space<hbm>> -> memref<8192xf32, #tpu.memory_space<hbm>>
        %dma_wait3A_55 = tpu.memref_slice %arg11[%mul3A_51] : memref<5120000xf32, #tpu.memory_space<hbm>> -> memref<8192xf32, #tpu.memory_space<hbm>>
        tpu.wait_dma2 semaphore(%run_scoped3A : memref<!tpu.dma_semaphore, #tpu.memory_space<semaphore_mem>>) src(%arg19 : memref<8192xf32, #tpu.memory_space<vmem>>) dst(%dma_wait3A_55 : memref<8192xf32, #tpu.memory_space<hbm>>)
        tpu.yield
      }) : () -> ()
    }
    return
  }
}

#map = affine_map<(d0, d1) -> (0, 0)>
#map1 = affine_map<(d0, d1) -> (0)>
module attributes {stable_mosaic.version = 14 : i64} {
  func.func @_k3_body(%arg0: i32, %arg1: i32, %arg2: memref<10240x128xf32, #tpu.memory_space<hbm>>, %arg3: memref<320000xi32, #tpu.memory_space<hbm>>, %arg4: memref<320000xi32, #tpu.memory_space<hbm>>, %arg5: memref<320000x128xf32, #tpu.memory_space<hbm>>, %arg6: memref<320000x128xf32, #tpu.memory_space<hbm>>, %arg7: memref<512xi32, #tpu.memory_space<vmem>>, %arg8: memref<512x128xf32, #tpu.memory_space<vmem>>, %arg9: memref<!tpu.dma_semaphore, #tpu.memory_space<semaphore_mem>>) attributes {dimension_semantics = [#tpu.dimension_semantics<core_parallel>, #tpu.dimension_semantics<subcore_parallel>], iteration_bounds = array<i64: 2, 16>, scalar_prefetch = 0 : i64, scratch_operands = 3 : i64, tpu.core_type = #tpu.core_type<sc_vector_subcore>, window_params = [{transform_indices = #map}, {transform_indices = #map1}, {transform_indices = #map1}, {transform_indices = #map}, {transform_indices = #map}]} {
    %mul3A = arith.constant 16 : i32
    %mul3A_0 = arith.muli %arg0, %mul3A : i32
    %add3A = arith.addi %mul3A_0, %arg1 : i32
    %lt3A = arith.constant 17 : i32
    %lt3A_1 = arith.cmpi slt, %add3A, %lt3A : i32
    %jit3A = arith.constant 20 : i32
    %jit3A_2 = arith.constant 19 : i32
    %select_n3A = arith.select %lt3A_1, %jit3A, %jit3A_2 : i32
    %while3A = arith.constant 0 : i32
    %while3A_3 = arith.constant 0 : i32
    %while3A_4 = arith.subi %select_n3A, %while3A_3 : i32
    %while3A_5 = arith.addi %while3A_3, %while3A_4 : i32
    %while3A_6 = arith.constant 1 : i32
    %while3A_7 = arith.divsi %while3A_4, %while3A_6 : i32
    %while3A_8 = arith.muli %while3A_7, %while3A_6 : i32
    %while3A_9 = arith.addi %while3A_3, %while3A_8 : i32
    %while3A_10 = arith.constant 1 : i32
    scf.for %while3A_12 = %while3A_3 to %while3A_9 step %while3A_10  : i32 {
      %mul3A_13 = arith.constant 32 : i32
      %mul3A_14 = arith.muli %while3A_12, %mul3A_13 : i32
      %add3A_15 = arith.addi %add3A, %mul3A_14 : i32
      %mul3A_16 = arith.constant 512 : i32
      %mul3A_17 = arith.muli %add3A_15, %mul3A_16 : i32
      "tpu.region"() ({
        %run_scoped3A = tpu.sem_alloc : memref<!tpu.dma_semaphore, #tpu.memory_space<semaphore_mem>>
        %dma_start3A_28 = tpu.memref_slice %arg3[%mul3A_17] : memref<320000xi32, #tpu.memory_space<hbm>> -> memref<512xi32, #tpu.memory_space<hbm>>
        %dma_start3A_29 = tpu.memref_slice %arg3[%mul3A_17] : memref<320000xi32, #tpu.memory_space<hbm>> -> memref<512xi32, #tpu.memory_space<hbm>>
        tpu.enqueue_dma source(%dma_start3A_29 : memref<512xi32, #tpu.memory_space<hbm>>) target(%arg7 : memref<512xi32, #tpu.memory_space<vmem>>) target_semaphore(%run_scoped3A : memref<!tpu.dma_semaphore, #tpu.memory_space<semaphore_mem>>)
        %dma_wait3A_30 = tpu.memref_slice %arg3[%mul3A_17] : memref<320000xi32, #tpu.memory_space<hbm>> -> memref<512xi32, #tpu.memory_space<hbm>>
        %dma_wait3A_31 = tpu.memref_slice %arg3[%mul3A_17] : memref<320000xi32, #tpu.memory_space<hbm>> -> memref<512xi32, #tpu.memory_space<hbm>>
        tpu.wait_dma2 semaphore(%run_scoped3A : memref<!tpu.dma_semaphore, #tpu.memory_space<semaphore_mem>>) src(%dma_wait3A_31 : memref<512xi32, #tpu.memory_space<hbm>>) dst(%arg7 : memref<512xi32, #tpu.memory_space<vmem>>)
        tpu.yield
      }) : () -> ()
      %dma_start3A = arith.constant 0 : i32
      %dma_start3A_18 = arith.constant 0 : i32
      %dma_start3A_19 = tpu.memref_slice %arg2[%dma_start3A, %dma_start3A_18] : memref<10240x128xf32, #tpu.memory_space<hbm>> -> memref<10240x128xf32, #tpu.memory_space<hbm>>
      tpu.enqueue_indirect_dma source(%dma_start3A_19 : memref<10240x128xf32, #tpu.memory_space<hbm>>) target(%arg8 : memref<512x128xf32, #tpu.memory_space<vmem>>) offsets(%arg7 : memref<512xi32, #tpu.memory_space<vmem>>) semaphore(%arg9 : memref<!tpu.dma_semaphore, #tpu.memory_space<semaphore_mem>>)
      %dma_wait3A = arith.constant 0 : i32
      %dma_wait3A_20 = arith.constant 0 : i32
      %dma_wait3A_21 = tpu.memref_slice %arg2[%dma_wait3A, %dma_wait3A_20] : memref<10240x128xf32, #tpu.memory_space<hbm>> -> memref<10240x128xf32, #tpu.memory_space<hbm>>
      tpu.wait_indirect_dma semaphore(%arg9 : memref<!tpu.dma_semaphore, #tpu.memory_space<semaphore_mem>>) src(%dma_wait3A_21 : memref<10240x128xf32, #tpu.memory_space<hbm>>) dst(%arg8 : memref<512x128xf32, #tpu.memory_space<vmem>>)
      "tpu.region"() ({
        %run_scoped3A = tpu.sem_alloc : memref<!tpu.dma_semaphore, #tpu.memory_space<semaphore_mem>>
        %dma_start3A_28 = arith.constant 0 : i32
        %dma_start3A_29 = tpu.memref_slice %arg5[%mul3A_17, %dma_start3A_28] : memref<320000x128xf32, #tpu.memory_space<hbm>> -> memref<512x128xf32, #tpu.memory_space<hbm>>
        %dma_start3A_30 = arith.constant 0 : i32
        %dma_start3A_31 = tpu.memref_slice %arg5[%mul3A_17, %dma_start3A_30] : memref<320000x128xf32, #tpu.memory_space<hbm>> -> memref<512x128xf32, #tpu.memory_space<hbm>>
        tpu.enqueue_dma source(%arg8 : memref<512x128xf32, #tpu.memory_space<vmem>>) target(%dma_start3A_31 : memref<512x128xf32, #tpu.memory_space<hbm>>) target_semaphore(%run_scoped3A : memref<!tpu.dma_semaphore, #tpu.memory_space<semaphore_mem>>)
        %dma_wait3A_32 = arith.constant 0 : i32
        %dma_wait3A_33 = tpu.memref_slice %arg5[%mul3A_17, %dma_wait3A_32] : memref<320000x128xf32, #tpu.memory_space<hbm>> -> memref<512x128xf32, #tpu.memory_space<hbm>>
        %dma_wait3A_34 = arith.constant 0 : i32
        %dma_wait3A_35 = tpu.memref_slice %arg5[%mul3A_17, %dma_wait3A_34] : memref<320000x128xf32, #tpu.memory_space<hbm>> -> memref<512x128xf32, #tpu.memory_space<hbm>>
        tpu.wait_dma2 semaphore(%run_scoped3A : memref<!tpu.dma_semaphore, #tpu.memory_space<semaphore_mem>>) src(%arg8 : memref<512x128xf32, #tpu.memory_space<vmem>>) dst(%dma_wait3A_35 : memref<512x128xf32, #tpu.memory_space<hbm>>)
        tpu.yield
      }) : () -> ()
      "tpu.region"() ({
        %run_scoped3A = tpu.sem_alloc : memref<!tpu.dma_semaphore, #tpu.memory_space<semaphore_mem>>
        %dma_start3A_28 = tpu.memref_slice %arg4[%mul3A_17] : memref<320000xi32, #tpu.memory_space<hbm>> -> memref<512xi32, #tpu.memory_space<hbm>>
        %dma_start3A_29 = tpu.memref_slice %arg4[%mul3A_17] : memref<320000xi32, #tpu.memory_space<hbm>> -> memref<512xi32, #tpu.memory_space<hbm>>
        tpu.enqueue_dma source(%dma_start3A_29 : memref<512xi32, #tpu.memory_space<hbm>>) target(%arg7 : memref<512xi32, #tpu.memory_space<vmem>>) target_semaphore(%run_scoped3A : memref<!tpu.dma_semaphore, #tpu.memory_space<semaphore_mem>>)
        %dma_wait3A_30 = tpu.memref_slice %arg4[%mul3A_17] : memref<320000xi32, #tpu.memory_space<hbm>> -> memref<512xi32, #tpu.memory_space<hbm>>
        %dma_wait3A_31 = tpu.memref_slice %arg4[%mul3A_17] : memref<320000xi32, #tpu.memory_space<hbm>> -> memref<512xi32, #tpu.memory_space<hbm>>
        tpu.wait_dma2 semaphore(%run_scoped3A : memref<!tpu.dma_semaphore, #tpu.memory_space<semaphore_mem>>) src(%dma_wait3A_31 : memref<512xi32, #tpu.memory_space<hbm>>) dst(%arg7 : memref<512xi32, #tpu.memory_space<vmem>>)
        tpu.yield
      }) : () -> ()
      %dma_start3A_22 = arith.constant 0 : i32
      %dma_start3A_23 = arith.constant 0 : i32
      %dma_start3A_24 = tpu.memref_slice %arg2[%dma_start3A_22, %dma_start3A_23] : memref<10240x128xf32, #tpu.memory_space<hbm>> -> memref<10240x128xf32, #tpu.memory_space<hbm>>
      tpu.enqueue_indirect_dma source(%dma_start3A_24 : memref<10240x128xf32, #tpu.memory_space<hbm>>) target(%arg8 : memref<512x128xf32, #tpu.memory_space<vmem>>) offsets(%arg7 : memref<512xi32, #tpu.memory_space<vmem>>) semaphore(%arg9 : memref<!tpu.dma_semaphore, #tpu.memory_space<semaphore_mem>>)
      %dma_wait3A_25 = arith.constant 0 : i32
      %dma_wait3A_26 = arith.constant 0 : i32
      %dma_wait3A_27 = tpu.memref_slice %arg2[%dma_wait3A_25, %dma_wait3A_26] : memref<10240x128xf32, #tpu.memory_space<hbm>> -> memref<10240x128xf32, #tpu.memory_space<hbm>>
      tpu.wait_indirect_dma semaphore(%arg9 : memref<!tpu.dma_semaphore, #tpu.memory_space<semaphore_mem>>) src(%dma_wait3A_27 : memref<10240x128xf32, #tpu.memory_space<hbm>>) dst(%arg8 : memref<512x128xf32, #tpu.memory_space<vmem>>)
      "tpu.region"() ({
        %run_scoped3A = tpu.sem_alloc : memref<!tpu.dma_semaphore, #tpu.memory_space<semaphore_mem>>
        %dma_start3A_28 = arith.constant 0 : i32
        %dma_start3A_29 = tpu.memref_slice %arg6[%mul3A_17, %dma_start3A_28] : memref<320000x128xf32, #tpu.memory_space<hbm>> -> memref<512x128xf32, #tpu.memory_space<hbm>>
        %dma_start3A_30 = arith.constant 0 : i32
        %dma_start3A_31 = tpu.memref_slice %arg6[%mul3A_17, %dma_start3A_30] : memref<320000x128xf32, #tpu.memory_space<hbm>> -> memref<512x128xf32, #tpu.memory_space<hbm>>
        tpu.enqueue_dma source(%arg8 : memref<512x128xf32, #tpu.memory_space<vmem>>) target(%dma_start3A_31 : memref<512x128xf32, #tpu.memory_space<hbm>>) target_semaphore(%run_scoped3A : memref<!tpu.dma_semaphore, #tpu.memory_space<semaphore_mem>>)
        %dma_wait3A_32 = arith.constant 0 : i32
        %dma_wait3A_33 = tpu.memref_slice %arg6[%mul3A_17, %dma_wait3A_32] : memref<320000x128xf32, #tpu.memory_space<hbm>> -> memref<512x128xf32, #tpu.memory_space<hbm>>
        %dma_wait3A_34 = arith.constant 0 : i32
        %dma_wait3A_35 = tpu.memref_slice %arg6[%mul3A_17, %dma_wait3A_34] : memref<320000x128xf32, #tpu.memory_space<hbm>> -> memref<512x128xf32, #tpu.memory_space<hbm>>
        tpu.wait_dma2 semaphore(%run_scoped3A : memref<!tpu.dma_semaphore, #tpu.memory_space<semaphore_mem>>) src(%arg8 : memref<512x128xf32, #tpu.memory_space<vmem>>) dst(%dma_wait3A_35 : memref<512x128xf32, #tpu.memory_space<hbm>>)
        tpu.yield
      }) : () -> ()
    }
    %while3A_11 = arith.constant 1 : i32
    scf.for %while3A_12 = %while3A_9 to %while3A_5 step %while3A_11  : i32 {
      %mul3A_13 = arith.constant 32 : i32
      %mul3A_14 = arith.muli %while3A_12, %mul3A_13 : i32
      %add3A_15 = arith.addi %add3A, %mul3A_14 : i32
      %mul3A_16 = arith.constant 512 : i32
      %mul3A_17 = arith.muli %add3A_15, %mul3A_16 : i32
      "tpu.region"() ({
        %run_scoped3A = tpu.sem_alloc : memref<!tpu.dma_semaphore, #tpu.memory_space<semaphore_mem>>
        %dma_start3A_28 = tpu.memref_slice %arg3[%mul3A_17] : memref<320000xi32, #tpu.memory_space<hbm>> -> memref<512xi32, #tpu.memory_space<hbm>>
        %dma_start3A_29 = tpu.memref_slice %arg3[%mul3A_17] : memref<320000xi32, #tpu.memory_space<hbm>> -> memref<512xi32, #tpu.memory_space<hbm>>
        tpu.enqueue_dma source(%dma_start3A_29 : memref<512xi32, #tpu.memory_space<hbm>>) target(%arg7 : memref<512xi32, #tpu.memory_space<vmem>>) target_semaphore(%run_scoped3A : memref<!tpu.dma_semaphore, #tpu.memory_space<semaphore_mem>>)
        %dma_wait3A_30 = tpu.memref_slice %arg3[%mul3A_17] : memref<320000xi32, #tpu.memory_space<hbm>> -> memref<512xi32, #tpu.memory_space<hbm>>
        %dma_wait3A_31 = tpu.memref_slice %arg3[%mul3A_17] : memref<320000xi32, #tpu.memory_space<hbm>> -> memref<512xi32, #tpu.memory_space<hbm>>
        tpu.wait_dma2 semaphore(%run_scoped3A : memref<!tpu.dma_semaphore, #tpu.memory_space<semaphore_mem>>) src(%dma_wait3A_31 : memref<512xi32, #tpu.memory_space<hbm>>) dst(%arg7 : memref<512xi32, #tpu.memory_space<vmem>>)
        tpu.yield
      }) : () -> ()
      %dma_start3A = arith.constant 0 : i32
      %dma_start3A_18 = arith.constant 0 : i32
      %dma_start3A_19 = tpu.memref_slice %arg2[%dma_start3A, %dma_start3A_18] : memref<10240x128xf32, #tpu.memory_space<hbm>> -> memref<10240x128xf32, #tpu.memory_space<hbm>>
      tpu.enqueue_indirect_dma source(%dma_start3A_19 : memref<10240x128xf32, #tpu.memory_space<hbm>>) target(%arg8 : memref<512x128xf32, #tpu.memory_space<vmem>>) offsets(%arg7 : memref<512xi32, #tpu.memory_space<vmem>>) semaphore(%arg9 : memref<!tpu.dma_semaphore, #tpu.memory_space<semaphore_mem>>)
      %dma_wait3A = arith.constant 0 : i32
      %dma_wait3A_20 = arith.constant 0 : i32
      %dma_wait3A_21 = tpu.memref_slice %arg2[%dma_wait3A, %dma_wait3A_20] : memref<10240x128xf32, #tpu.memory_space<hbm>> -> memref<10240x128xf32, #tpu.memory_space<hbm>>
      tpu.wait_indirect_dma semaphore(%arg9 : memref<!tpu.dma_semaphore, #tpu.memory_space<semaphore_mem>>) src(%dma_wait3A_21 : memref<10240x128xf32, #tpu.memory_space<hbm>>) dst(%arg8 : memref<512x128xf32, #tpu.memory_space<vmem>>)
      "tpu.region"() ({
        %run_scoped3A = tpu.sem_alloc : memref<!tpu.dma_semaphore, #tpu.memory_space<semaphore_mem>>
        %dma_start3A_28 = arith.constant 0 : i32
        %dma_start3A_29 = tpu.memref_slice %arg5[%mul3A_17, %dma_start3A_28] : memref<320000x128xf32, #tpu.memory_space<hbm>> -> memref<512x128xf32, #tpu.memory_space<hbm>>
        %dma_start3A_30 = arith.constant 0 : i32
        %dma_start3A_31 = tpu.memref_slice %arg5[%mul3A_17, %dma_start3A_30] : memref<320000x128xf32, #tpu.memory_space<hbm>> -> memref<512x128xf32, #tpu.memory_space<hbm>>
        tpu.enqueue_dma source(%arg8 : memref<512x128xf32, #tpu.memory_space<vmem>>) target(%dma_start3A_31 : memref<512x128xf32, #tpu.memory_space<hbm>>) target_semaphore(%run_scoped3A : memref<!tpu.dma_semaphore, #tpu.memory_space<semaphore_mem>>)
        %dma_wait3A_32 = arith.constant 0 : i32
        %dma_wait3A_33 = tpu.memref_slice %arg5[%mul3A_17, %dma_wait3A_32] : memref<320000x128xf32, #tpu.memory_space<hbm>> -> memref<512x128xf32, #tpu.memory_space<hbm>>
        %dma_wait3A_34 = arith.constant 0 : i32
        %dma_wait3A_35 = tpu.memref_slice %arg5[%mul3A_17, %dma_wait3A_34] : memref<320000x128xf32, #tpu.memory_space<hbm>> -> memref<512x128xf32, #tpu.memory_space<hbm>>
        tpu.wait_dma2 semaphore(%run_scoped3A : memref<!tpu.dma_semaphore, #tpu.memory_space<semaphore_mem>>) src(%arg8 : memref<512x128xf32, #tpu.memory_space<vmem>>) dst(%dma_wait3A_35 : memref<512x128xf32, #tpu.memory_space<hbm>>)
        tpu.yield
      }) : () -> ()
      "tpu.region"() ({
        %run_scoped3A = tpu.sem_alloc : memref<!tpu.dma_semaphore, #tpu.memory_space<semaphore_mem>>
        %dma_start3A_28 = tpu.memref_slice %arg4[%mul3A_17] : memref<320000xi32, #tpu.memory_space<hbm>> -> memref<512xi32, #tpu.memory_space<hbm>>
        %dma_start3A_29 = tpu.memref_slice %arg4[%mul3A_17] : memref<320000xi32, #tpu.memory_space<hbm>> -> memref<512xi32, #tpu.memory_space<hbm>>
        tpu.enqueue_dma source(%dma_start3A_29 : memref<512xi32, #tpu.memory_space<hbm>>) target(%arg7 : memref<512xi32, #tpu.memory_space<vmem>>) target_semaphore(%run_scoped3A : memref<!tpu.dma_semaphore, #tpu.memory_space<semaphore_mem>>)
        %dma_wait3A_30 = tpu.memref_slice %arg4[%mul3A_17] : memref<320000xi32, #tpu.memory_space<hbm>> -> memref<512xi32, #tpu.memory_space<hbm>>
        %dma_wait3A_31 = tpu.memref_slice %arg4[%mul3A_17] : memref<320000xi32, #tpu.memory_space<hbm>> -> memref<512xi32, #tpu.memory_space<hbm>>
        tpu.wait_dma2 semaphore(%run_scoped3A : memref<!tpu.dma_semaphore, #tpu.memory_space<semaphore_mem>>) src(%dma_wait3A_31 : memref<512xi32, #tpu.memory_space<hbm>>) dst(%arg7 : memref<512xi32, #tpu.memory_space<vmem>>)
        tpu.yield
      }) : () -> ()
      %dma_start3A_22 = arith.constant 0 : i32
      %dma_start3A_23 = arith.constant 0 : i32
      %dma_start3A_24 = tpu.memref_slice %arg2[%dma_start3A_22, %dma_start3A_23] : memref<10240x128xf32, #tpu.memory_space<hbm>> -> memref<10240x128xf32, #tpu.memory_space<hbm>>
      tpu.enqueue_indirect_dma source(%dma_start3A_24 : memref<10240x128xf32, #tpu.memory_space<hbm>>) target(%arg8 : memref<512x128xf32, #tpu.memory_space<vmem>>) offsets(%arg7 : memref<512xi32, #tpu.memory_space<vmem>>) semaphore(%arg9 : memref<!tpu.dma_semaphore, #tpu.memory_space<semaphore_mem>>)
      %dma_wait3A_25 = arith.constant 0 : i32
      %dma_wait3A_26 = arith.constant 0 : i32
      %dma_wait3A_27 = tpu.memref_slice %arg2[%dma_wait3A_25, %dma_wait3A_26] : memref<10240x128xf32, #tpu.memory_space<hbm>> -> memref<10240x128xf32, #tpu.memory_space<hbm>>
      tpu.wait_indirect_dma semaphore(%arg9 : memref<!tpu.dma_semaphore, #tpu.memory_space<semaphore_mem>>) src(%dma_wait3A_27 : memref<10240x128xf32, #tpu.memory_space<hbm>>) dst(%arg8 : memref<512x128xf32, #tpu.memory_space<vmem>>)
      "tpu.region"() ({
        %run_scoped3A = tpu.sem_alloc : memref<!tpu.dma_semaphore, #tpu.memory_space<semaphore_mem>>
        %dma_start3A_28 = arith.constant 0 : i32
        %dma_start3A_29 = tpu.memref_slice %arg6[%mul3A_17, %dma_start3A_28] : memref<320000x128xf32, #tpu.memory_space<hbm>> -> memref<512x128xf32, #tpu.memory_space<hbm>>
        %dma_start3A_30 = arith.constant 0 : i32
        %dma_start3A_31 = tpu.memref_slice %arg6[%mul3A_17, %dma_start3A_30] : memref<320000x128xf32, #tpu.memory_space<hbm>> -> memref<512x128xf32, #tpu.memory_space<hbm>>
        tpu.enqueue_dma source(%arg8 : memref<512x128xf32, #tpu.memory_space<vmem>>) target(%dma_start3A_31 : memref<512x128xf32, #tpu.memory_space<hbm>>) target_semaphore(%run_scoped3A : memref<!tpu.dma_semaphore, #tpu.memory_space<semaphore_mem>>)
        %dma_wait3A_32 = arith.constant 0 : i32
        %dma_wait3A_33 = tpu.memref_slice %arg6[%mul3A_17, %dma_wait3A_32] : memref<320000x128xf32, #tpu.memory_space<hbm>> -> memref<512x128xf32, #tpu.memory_space<hbm>>
        %dma_wait3A_34 = arith.constant 0 : i32
        %dma_wait3A_35 = tpu.memref_slice %arg6[%mul3A_17, %dma_wait3A_34] : memref<320000x128xf32, #tpu.memory_space<hbm>> -> memref<512x128xf32, #tpu.memory_space<hbm>>
        tpu.wait_dma2 semaphore(%run_scoped3A : memref<!tpu.dma_semaphore, #tpu.memory_space<semaphore_mem>>) src(%arg8 : memref<512x128xf32, #tpu.memory_space<vmem>>) dst(%dma_wait3A_35 : memref<512x128xf32, #tpu.memory_space<hbm>>)
        tpu.yield
      }) : () -> ()
    }
    return
  }
}

#map = affine_map<(d0, d1) -> (0, 0)>
#map1 = affine_map<(d0, d1) -> (0)>
module attributes {stable_mosaic.version = 14 : i64} {
  func.func @_k3_body(%arg0: i32, %arg1: i32, %arg2: memref<10240x128xf32, #tpu.memory_space<hbm>>, %arg3: memref<320000xi32, #tpu.memory_space<hbm>>, %arg4: memref<320000xi32, #tpu.memory_space<hbm>>, %arg5: memref<320000x128xf32, #tpu.memory_space<hbm>>, %arg6: memref<320000x128xf32, #tpu.memory_space<hbm>>, %arg7: memref<512xi32, #tpu.memory_space<vmem>>, %arg8: memref<512x128xf32, #tpu.memory_space<vmem>>, %arg9: memref<!tpu.dma_semaphore, #tpu.memory_space<semaphore_mem>>) attributes {dimension_semantics = [#tpu.dimension_semantics<core_parallel>, #tpu.dimension_semantics<subcore_parallel>], iteration_bounds = array<i64: 2, 16>, scalar_prefetch = 0 : i64, scratch_operands = 3 : i64, tpu.core_type = #tpu.core_type<sc_vector_subcore>, window_params = [{transform_indices = #map}, {transform_indices = #map1}, {transform_indices = #map1}, {transform_indices = #map}, {transform_indices = #map}]} {
    %mul3A = arith.constant 16 : i32
    %mul3A_0 = arith.muli %arg0, %mul3A : i32
    %add3A = arith.addi %mul3A_0, %arg1 : i32
    %lt3A = arith.constant 17 : i32
    %lt3A_1 = arith.cmpi slt, %add3A, %lt3A : i32
    %jit3A = arith.constant 20 : i32
    %jit3A_2 = arith.constant 19 : i32
    %select_n3A = arith.select %lt3A_1, %jit3A, %jit3A_2 : i32
    %while3A = arith.constant 0 : i32
    %while3A_3 = arith.constant 0 : i32
    %while3A_4 = arith.subi %select_n3A, %while3A_3 : i32
    %while3A_5 = arith.addi %while3A_3, %while3A_4 : i32
    %while3A_6 = arith.constant 1 : i32
    %while3A_7 = arith.divsi %while3A_4, %while3A_6 : i32
    %while3A_8 = arith.muli %while3A_7, %while3A_6 : i32
    %while3A_9 = arith.addi %while3A_3, %while3A_8 : i32
    %while3A_10 = arith.constant 1 : i32
    scf.for %while3A_12 = %while3A_3 to %while3A_9 step %while3A_10  : i32 {
      %mul3A_13 = arith.constant 32 : i32
      %mul3A_14 = arith.muli %while3A_12, %mul3A_13 : i32
      %add3A_15 = arith.addi %add3A, %mul3A_14 : i32
      %mul3A_16 = arith.constant 512 : i32
      %mul3A_17 = arith.muli %add3A_15, %mul3A_16 : i32
      "tpu.region"() ({
        %run_scoped3A = tpu.sem_alloc : memref<!tpu.dma_semaphore, #tpu.memory_space<semaphore_mem>>
        %dma_start3A_28 = tpu.memref_slice %arg3[%mul3A_17] : memref<320000xi32, #tpu.memory_space<hbm>> -> memref<512xi32, #tpu.memory_space<hbm>>
        %dma_start3A_29 = tpu.memref_slice %arg3[%mul3A_17] : memref<320000xi32, #tpu.memory_space<hbm>> -> memref<512xi32, #tpu.memory_space<hbm>>
        tpu.enqueue_dma source(%dma_start3A_29 : memref<512xi32, #tpu.memory_space<hbm>>) target(%arg7 : memref<512xi32, #tpu.memory_space<vmem>>) target_semaphore(%run_scoped3A : memref<!tpu.dma_semaphore, #tpu.memory_space<semaphore_mem>>)
        %dma_wait3A_30 = tpu.memref_slice %arg3[%mul3A_17] : memref<320000xi32, #tpu.memory_space<hbm>> -> memref<512xi32, #tpu.memory_space<hbm>>
        %dma_wait3A_31 = tpu.memref_slice %arg3[%mul3A_17] : memref<320000xi32, #tpu.memory_space<hbm>> -> memref<512xi32, #tpu.memory_space<hbm>>
        tpu.wait_dma2 semaphore(%run_scoped3A : memref<!tpu.dma_semaphore, #tpu.memory_space<semaphore_mem>>) src(%dma_wait3A_31 : memref<512xi32, #tpu.memory_space<hbm>>) dst(%arg7 : memref<512xi32, #tpu.memory_space<vmem>>)
        tpu.yield
      }) : () -> ()
      %dma_start3A = arith.constant 0 : i32
      %dma_start3A_18 = arith.constant 0 : i32
      %dma_start3A_19 = tpu.memref_slice %arg2[%dma_start3A, %dma_start3A_18] : memref<10240x128xf32, #tpu.memory_space<hbm>> -> memref<10240x128xf32, #tpu.memory_space<hbm>>
      tpu.enqueue_indirect_dma source(%dma_start3A_19 : memref<10240x128xf32, #tpu.memory_space<hbm>>) target(%arg8 : memref<512x128xf32, #tpu.memory_space<vmem>>) offsets(%arg7 : memref<512xi32, #tpu.memory_space<vmem>>) semaphore(%arg9 : memref<!tpu.dma_semaphore, #tpu.memory_space<semaphore_mem>>)
      %dma_wait3A = arith.constant 0 : i32
      %dma_wait3A_20 = arith.constant 0 : i32
      %dma_wait3A_21 = tpu.memref_slice %arg2[%dma_wait3A, %dma_wait3A_20] : memref<10240x128xf32, #tpu.memory_space<hbm>> -> memref<10240x128xf32, #tpu.memory_space<hbm>>
      tpu.wait_indirect_dma semaphore(%arg9 : memref<!tpu.dma_semaphore, #tpu.memory_space<semaphore_mem>>) src(%dma_wait3A_21 : memref<10240x128xf32, #tpu.memory_space<hbm>>) dst(%arg8 : memref<512x128xf32, #tpu.memory_space<vmem>>)
      "tpu.region"() ({
        %run_scoped3A = tpu.sem_alloc : memref<!tpu.dma_semaphore, #tpu.memory_space<semaphore_mem>>
        %dma_start3A_28 = arith.constant 0 : i32
        %dma_start3A_29 = tpu.memref_slice %arg5[%mul3A_17, %dma_start3A_28] : memref<320000x128xf32, #tpu.memory_space<hbm>> -> memref<512x128xf32, #tpu.memory_space<hbm>>
        %dma_start3A_30 = arith.constant 0 : i32
        %dma_start3A_31 = tpu.memref_slice %arg5[%mul3A_17, %dma_start3A_30] : memref<320000x128xf32, #tpu.memory_space<hbm>> -> memref<512x128xf32, #tpu.memory_space<hbm>>
        tpu.enqueue_dma source(%arg8 : memref<512x128xf32, #tpu.memory_space<vmem>>) target(%dma_start3A_31 : memref<512x128xf32, #tpu.memory_space<hbm>>) target_semaphore(%run_scoped3A : memref<!tpu.dma_semaphore, #tpu.memory_space<semaphore_mem>>)
        %dma_wait3A_32 = arith.constant 0 : i32
        %dma_wait3A_33 = tpu.memref_slice %arg5[%mul3A_17, %dma_wait3A_32] : memref<320000x128xf32, #tpu.memory_space<hbm>> -> memref<512x128xf32, #tpu.memory_space<hbm>>
        %dma_wait3A_34 = arith.constant 0 : i32
        %dma_wait3A_35 = tpu.memref_slice %arg5[%mul3A_17, %dma_wait3A_34] : memref<320000x128xf32, #tpu.memory_space<hbm>> -> memref<512x128xf32, #tpu.memory_space<hbm>>
        tpu.wait_dma2 semaphore(%run_scoped3A : memref<!tpu.dma_semaphore, #tpu.memory_space<semaphore_mem>>) src(%arg8 : memref<512x128xf32, #tpu.memory_space<vmem>>) dst(%dma_wait3A_35 : memref<512x128xf32, #tpu.memory_space<hbm>>)
        tpu.yield
      }) : () -> ()
      "tpu.region"() ({
        %run_scoped3A = tpu.sem_alloc : memref<!tpu.dma_semaphore, #tpu.memory_space<semaphore_mem>>
        %dma_start3A_28 = tpu.memref_slice %arg4[%mul3A_17] : memref<320000xi32, #tpu.memory_space<hbm>> -> memref<512xi32, #tpu.memory_space<hbm>>
        %dma_start3A_29 = tpu.memref_slice %arg4[%mul3A_17] : memref<320000xi32, #tpu.memory_space<hbm>> -> memref<512xi32, #tpu.memory_space<hbm>>
        tpu.enqueue_dma source(%dma_start3A_29 : memref<512xi32, #tpu.memory_space<hbm>>) target(%arg7 : memref<512xi32, #tpu.memory_space<vmem>>) target_semaphore(%run_scoped3A : memref<!tpu.dma_semaphore, #tpu.memory_space<semaphore_mem>>)
        %dma_wait3A_30 = tpu.memref_slice %arg4[%mul3A_17] : memref<320000xi32, #tpu.memory_space<hbm>> -> memref<512xi32, #tpu.memory_space<hbm>>
        %dma_wait3A_31 = tpu.memref_slice %arg4[%mul3A_17] : memref<320000xi32, #tpu.memory_space<hbm>> -> memref<512xi32, #tpu.memory_space<hbm>>
        tpu.wait_dma2 semaphore(%run_scoped3A : memref<!tpu.dma_semaphore, #tpu.memory_space<semaphore_mem>>) src(%dma_wait3A_31 : memref<512xi32, #tpu.memory_space<hbm>>) dst(%arg7 : memref<512xi32, #tpu.memory_space<vmem>>)
        tpu.yield
      }) : () -> ()
      %dma_start3A_22 = arith.constant 0 : i32
      %dma_start3A_23 = arith.constant 0 : i32
      %dma_start3A_24 = tpu.memref_slice %arg2[%dma_start3A_22, %dma_start3A_23] : memref<10240x128xf32, #tpu.memory_space<hbm>> -> memref<10240x128xf32, #tpu.memory_space<hbm>>
      tpu.enqueue_indirect_dma source(%dma_start3A_24 : memref<10240x128xf32, #tpu.memory_space<hbm>>) target(%arg8 : memref<512x128xf32, #tpu.memory_space<vmem>>) offsets(%arg7 : memref<512xi32, #tpu.memory_space<vmem>>) semaphore(%arg9 : memref<!tpu.dma_semaphore, #tpu.memory_space<semaphore_mem>>)
      %dma_wait3A_25 = arith.constant 0 : i32
      %dma_wait3A_26 = arith.constant 0 : i32
      %dma_wait3A_27 = tpu.memref_slice %arg2[%dma_wait3A_25, %dma_wait3A_26] : memref<10240x128xf32, #tpu.memory_space<hbm>> -> memref<10240x128xf32, #tpu.memory_space<hbm>>
      tpu.wait_indirect_dma semaphore(%arg9 : memref<!tpu.dma_semaphore, #tpu.memory_space<semaphore_mem>>) src(%dma_wait3A_27 : memref<10240x128xf32, #tpu.memory_space<hbm>>) dst(%arg8 : memref<512x128xf32, #tpu.memory_space<vmem>>)
      "tpu.region"() ({
        %run_scoped3A = tpu.sem_alloc : memref<!tpu.dma_semaphore, #tpu.memory_space<semaphore_mem>>
        %dma_start3A_28 = arith.constant 0 : i32
        %dma_start3A_29 = tpu.memref_slice %arg6[%mul3A_17, %dma_start3A_28] : memref<320000x128xf32, #tpu.memory_space<hbm>> -> memref<512x128xf32, #tpu.memory_space<hbm>>
        %dma_start3A_30 = arith.constant 0 : i32
        %dma_start3A_31 = tpu.memref_slice %arg6[%mul3A_17, %dma_start3A_30] : memref<320000x128xf32, #tpu.memory_space<hbm>> -> memref<512x128xf32, #tpu.memory_space<hbm>>
        tpu.enqueue_dma source(%arg8 : memref<512x128xf32, #tpu.memory_space<vmem>>) target(%dma_start3A_31 : memref<512x128xf32, #tpu.memory_space<hbm>>) target_semaphore(%run_scoped3A : memref<!tpu.dma_semaphore, #tpu.memory_space<semaphore_mem>>)
        %dma_wait3A_32 = arith.constant 0 : i32
        %dma_wait3A_33 = tpu.memref_slice %arg6[%mul3A_17, %dma_wait3A_32] : memref<320000x128xf32, #tpu.memory_space<hbm>> -> memref<512x128xf32, #tpu.memory_space<hbm>>
        %dma_wait3A_34 = arith.constant 0 : i32
        %dma_wait3A_35 = tpu.memref_slice %arg6[%mul3A_17, %dma_wait3A_34] : memref<320000x128xf32, #tpu.memory_space<hbm>> -> memref<512x128xf32, #tpu.memory_space<hbm>>
        tpu.wait_dma2 semaphore(%run_scoped3A : memref<!tpu.dma_semaphore, #tpu.memory_space<semaphore_mem>>) src(%arg8 : memref<512x128xf32, #tpu.memory_space<vmem>>) dst(%dma_wait3A_35 : memref<512x128xf32, #tpu.memory_space<hbm>>)
        tpu.yield
      }) : () -> ()
    }
    %while3A_11 = arith.constant 1 : i32
    scf.for %while3A_12 = %while3A_9 to %while3A_5 step %while3A_11  : i32 {
      %mul3A_13 = arith.constant 32 : i32
      %mul3A_14 = arith.muli %while3A_12, %mul3A_13 : i32
      %add3A_15 = arith.addi %add3A, %mul3A_14 : i32
      %mul3A_16 = arith.constant 512 : i32
      %mul3A_17 = arith.muli %add3A_15, %mul3A_16 : i32
      "tpu.region"() ({
        %run_scoped3A = tpu.sem_alloc : memref<!tpu.dma_semaphore, #tpu.memory_space<semaphore_mem>>
        %dma_start3A_28 = tpu.memref_slice %arg3[%mul3A_17] : memref<320000xi32, #tpu.memory_space<hbm>> -> memref<512xi32, #tpu.memory_space<hbm>>
        %dma_start3A_29 = tpu.memref_slice %arg3[%mul3A_17] : memref<320000xi32, #tpu.memory_space<hbm>> -> memref<512xi32, #tpu.memory_space<hbm>>
        tpu.enqueue_dma source(%dma_start3A_29 : memref<512xi32, #tpu.memory_space<hbm>>) target(%arg7 : memref<512xi32, #tpu.memory_space<vmem>>) target_semaphore(%run_scoped3A : memref<!tpu.dma_semaphore, #tpu.memory_space<semaphore_mem>>)
        %dma_wait3A_30 = tpu.memref_slice %arg3[%mul3A_17] : memref<320000xi32, #tpu.memory_space<hbm>> -> memref<512xi32, #tpu.memory_space<hbm>>
        %dma_wait3A_31 = tpu.memref_slice %arg3[%mul3A_17] : memref<320000xi32, #tpu.memory_space<hbm>> -> memref<512xi32, #tpu.memory_space<hbm>>
        tpu.wait_dma2 semaphore(%run_scoped3A : memref<!tpu.dma_semaphore, #tpu.memory_space<semaphore_mem>>) src(%dma_wait3A_31 : memref<512xi32, #tpu.memory_space<hbm>>) dst(%arg7 : memref<512xi32, #tpu.memory_space<vmem>>)
        tpu.yield
      }) : () -> ()
      %dma_start3A = arith.constant 0 : i32
      %dma_start3A_18 = arith.constant 0 : i32
      %dma_start3A_19 = tpu.memref_slice %arg2[%dma_start3A, %dma_start3A_18] : memref<10240x128xf32, #tpu.memory_space<hbm>> -> memref<10240x128xf32, #tpu.memory_space<hbm>>
      tpu.enqueue_indirect_dma source(%dma_start3A_19 : memref<10240x128xf32, #tpu.memory_space<hbm>>) target(%arg8 : memref<512x128xf32, #tpu.memory_space<vmem>>) offsets(%arg7 : memref<512xi32, #tpu.memory_space<vmem>>) semaphore(%arg9 : memref<!tpu.dma_semaphore, #tpu.memory_space<semaphore_mem>>)
      %dma_wait3A = arith.constant 0 : i32
      %dma_wait3A_20 = arith.constant 0 : i32
      %dma_wait3A_21 = tpu.memref_slice %arg2[%dma_wait3A, %dma_wait3A_20] : memref<10240x128xf32, #tpu.memory_space<hbm>> -> memref<10240x128xf32, #tpu.memory_space<hbm>>
      tpu.wait_indirect_dma semaphore(%arg9 : memref<!tpu.dma_semaphore, #tpu.memory_space<semaphore_mem>>) src(%dma_wait3A_21 : memref<10240x128xf32, #tpu.memory_space<hbm>>) dst(%arg8 : memref<512x128xf32, #tpu.memory_space<vmem>>)
      "tpu.region"() ({
        %run_scoped3A = tpu.sem_alloc : memref<!tpu.dma_semaphore, #tpu.memory_space<semaphore_mem>>
        %dma_start3A_28 = arith.constant 0 : i32
        %dma_start3A_29 = tpu.memref_slice %arg5[%mul3A_17, %dma_start3A_28] : memref<320000x128xf32, #tpu.memory_space<hbm>> -> memref<512x128xf32, #tpu.memory_space<hbm>>
        %dma_start3A_30 = arith.constant 0 : i32
        %dma_start3A_31 = tpu.memref_slice %arg5[%mul3A_17, %dma_start3A_30] : memref<320000x128xf32, #tpu.memory_space<hbm>> -> memref<512x128xf32, #tpu.memory_space<hbm>>
        tpu.enqueue_dma source(%arg8 : memref<512x128xf32, #tpu.memory_space<vmem>>) target(%dma_start3A_31 : memref<512x128xf32, #tpu.memory_space<hbm>>) target_semaphore(%run_scoped3A : memref<!tpu.dma_semaphore, #tpu.memory_space<semaphore_mem>>)
        %dma_wait3A_32 = arith.constant 0 : i32
        %dma_wait3A_33 = tpu.memref_slice %arg5[%mul3A_17, %dma_wait3A_32] : memref<320000x128xf32, #tpu.memory_space<hbm>> -> memref<512x128xf32, #tpu.memory_space<hbm>>
        %dma_wait3A_34 = arith.constant 0 : i32
        %dma_wait3A_35 = tpu.memref_slice %arg5[%mul3A_17, %dma_wait3A_34] : memref<320000x128xf32, #tpu.memory_space<hbm>> -> memref<512x128xf32, #tpu.memory_space<hbm>>
        tpu.wait_dma2 semaphore(%run_scoped3A : memref<!tpu.dma_semaphore, #tpu.memory_space<semaphore_mem>>) src(%arg8 : memref<512x128xf32, #tpu.memory_space<vmem>>) dst(%dma_wait3A_35 : memref<512x128xf32, #tpu.memory_space<hbm>>)
        tpu.yield
      }) : () -> ()
      "tpu.region"() ({
        %run_scoped3A = tpu.sem_alloc : memref<!tpu.dma_semaphore, #tpu.memory_space<semaphore_mem>>
        %dma_start3A_28 = tpu.memref_slice %arg4[%mul3A_17] : memref<320000xi32, #tpu.memory_space<hbm>> -> memref<512xi32, #tpu.memory_space<hbm>>
        %dma_start3A_29 = tpu.memref_slice %arg4[%mul3A_17] : memref<320000xi32, #tpu.memory_space<hbm>> -> memref<512xi32, #tpu.memory_space<hbm>>
        tpu.enqueue_dma source(%dma_start3A_29 : memref<512xi32, #tpu.memory_space<hbm>>) target(%arg7 : memref<512xi32, #tpu.memory_space<vmem>>) target_semaphore(%run_scoped3A : memref<!tpu.dma_semaphore, #tpu.memory_space<semaphore_mem>>)
        %dma_wait3A_30 = tpu.memref_slice %arg4[%mul3A_17] : memref<320000xi32, #tpu.memory_space<hbm>> -> memref<512xi32, #tpu.memory_space<hbm>>
        %dma_wait3A_31 = tpu.memref_slice %arg4[%mul3A_17] : memref<320000xi32, #tpu.memory_space<hbm>> -> memref<512xi32, #tpu.memory_space<hbm>>
        tpu.wait_dma2 semaphore(%run_scoped3A : memref<!tpu.dma_semaphore, #tpu.memory_space<semaphore_mem>>) src(%dma_wait3A_31 : memref<512xi32, #tpu.memory_space<hbm>>) dst(%arg7 : memref<512xi32, #tpu.memory_space<vmem>>)
        tpu.yield
      }) : () -> ()
      %dma_start3A_22 = arith.constant 0 : i32
      %dma_start3A_23 = arith.constant 0 : i32
      %dma_start3A_24 = tpu.memref_slice %arg2[%dma_start3A_22, %dma_start3A_23] : memref<10240x128xf32, #tpu.memory_space<hbm>> -> memref<10240x128xf32, #tpu.memory_space<hbm>>
      tpu.enqueue_indirect_dma source(%dma_start3A_24 : memref<10240x128xf32, #tpu.memory_space<hbm>>) target(%arg8 : memref<512x128xf32, #tpu.memory_space<vmem>>) offsets(%arg7 : memref<512xi32, #tpu.memory_space<vmem>>) semaphore(%arg9 : memref<!tpu.dma_semaphore, #tpu.memory_space<semaphore_mem>>)
      %dma_wait3A_25 = arith.constant 0 : i32
      %dma_wait3A_26 = arith.constant 0 : i32
      %dma_wait3A_27 = tpu.memref_slice %arg2[%dma_wait3A_25, %dma_wait3A_26] : memref<10240x128xf32, #tpu.memory_space<hbm>> -> memref<10240x128xf32, #tpu.memory_space<hbm>>
      tpu.wait_indirect_dma semaphore(%arg9 : memref<!tpu.dma_semaphore, #tpu.memory_space<semaphore_mem>>) src(%dma_wait3A_27 : memref<10240x128xf32, #tpu.memory_space<hbm>>) dst(%arg8 : memref<512x128xf32, #tpu.memory_space<vmem>>)
      "tpu.region"() ({
        %run_scoped3A = tpu.sem_alloc : memref<!tpu.dma_semaphore, #tpu.memory_space<semaphore_mem>>
        %dma_start3A_28 = arith.constant 0 : i32
        %dma_start3A_29 = tpu.memref_slice %arg6[%mul3A_17, %dma_start3A_28] : memref<320000x128xf32, #tpu.memory_space<hbm>> -> memref<512x128xf32, #tpu.memory_space<hbm>>
        %dma_start3A_30 = arith.constant 0 : i32
        %dma_start3A_31 = tpu.memref_slice %arg6[%mul3A_17, %dma_start3A_30] : memref<320000x128xf32, #tpu.memory_space<hbm>> -> memref<512x128xf32, #tpu.memory_space<hbm>>
        tpu.enqueue_dma source(%arg8 : memref<512x128xf32, #tpu.memory_space<vmem>>) target(%dma_start3A_31 : memref<512x128xf32, #tpu.memory_space<hbm>>) target_semaphore(%run_scoped3A : memref<!tpu.dma_semaphore, #tpu.memory_space<semaphore_mem>>)
        %dma_wait3A_32 = arith.constant 0 : i32
        %dma_wait3A_33 = tpu.memref_slice %arg6[%mul3A_17, %dma_wait3A_32] : memref<320000x128xf32, #tpu.memory_space<hbm>> -> memref<512x128xf32, #tpu.memory_space<hbm>>
        %dma_wait3A_34 = arith.constant 0 : i32
        %dma_wait3A_35 = tpu.memref_slice %arg6[%mul3A_17, %dma_wait3A_34] : memref<320000x128xf32, #tpu.memory_space<hbm>> -> memref<512x128xf32, #tpu.memory_space<hbm>>
        tpu.wait_dma2 semaphore(%run_scoped3A : memref<!tpu.dma_semaphore, #tpu.memory_space<semaphore_mem>>) src(%arg8 : memref<512x128xf32, #tpu.memory_space<vmem>>) dst(%dma_wait3A_35 : memref<512x128xf32, #tpu.memory_space<hbm>>)
        tpu.yield
      }) : () -> ()
    }
    return
  }
}

#map = affine_map<(d0, d1) -> (0, 0)>
#map1 = affine_map<(d0, d1) -> (0)>
#map2 = affine_map<(d0, d1) -> (0, 0, 0)>
module attributes {stable_mosaic.version = 14 : i64} {
  func.func @_k5_body(%arg0: i32, %arg1: i32, %arg2: memref<320000x128xf32, #tpu.memory_space<hbm>>, %arg3: memref<320000x128xf32, #tpu.memory_space<hbm>>, %arg4: memref<320000xi32, #tpu.memory_space<hbm>>, %arg5: memref<2x10240x128xf32, #tpu.memory_space<hbm>>, %arg6: memref<2x10240x128xf32, #tpu.memory_space<hbm>>, %arg7: memref<256xi32, #tpu.memory_space<vmem>>, %arg8: memref<128xi32, #tpu.memory_space<vmem>>, %arg9: memref<256x128xf32, #tpu.memory_space<vmem>>, %arg10: memref<10240x128xf32, #tpu.memory_space<vmem_shared>>, %arg11: memref<!tpu.dma_semaphore, #tpu.memory_space<semaphore_mem>>) attributes {dimension_semantics = [#tpu.dimension_semantics<core_parallel>, #tpu.dimension_semantics<subcore_parallel>], iteration_bounds = array<i64: 2, 16>, scalar_prefetch = 0 : i64, scratch_operands = 5 : i64, tpu.core_type = #tpu.core_type<sc_vector_subcore>, window_params = [{transform_indices = #map}, {transform_indices = #map}, {transform_indices = #map1}, {transform_indices = #map2}, {transform_indices = #map2}]} {
    %mul3A = arith.constant 16 : i32
    %mul3A_0 = arith.muli %arg0, %mul3A : i32
    %add3A = arith.addi %mul3A_0, %arg1 : i32
    %broadcast_in_dim3A = arith.constant 0.000000e+00 : f32
    %broadcast_in_dim3A_1 = vector.broadcast %broadcast_in_dim3A : f32 to vector<16xf32>
    %iota3A = tpu.iota {dimensions = array<i32: 0>} : vector<16xi32>
    %scan3A = arith.constant 0 : i32
    %scan3A_2 = arith.constant 0 : i32
    %scan3A_3 = arith.constant 128 : i32
    %scan3A_4 = arith.addi %scan3A_2, %scan3A_3 : i32
    %scan3A_5 = arith.constant 1 : i32
    scf.for %scan3A_66 = %scan3A_2 to %scan3A_4 step %scan3A_5  : i32 {
      %swap3A = arith.index_cast %scan3A_66 : i32 to index
      %swap3A_67 = arith.constant 0 : index
      %swap3A_68 = tpu.vector_load %arg9[%swap3A, %swap3A_67] {strides = array<i32>} : memref<256x128xf32, #tpu.memory_space<vmem>>, vector<16xf32>,
      tpu.vector_store %arg9[%swap3A, %swap3A_67], %broadcast_in_dim3A_1 {strides = array<i32>} : memref<256x128xf32, #tpu.memory_space<vmem>>, vector<16xf32>,
      %swap3A_69 = arith.index_cast %scan3A_66 : i32 to index
      %swap3A_70 = arith.constant 16 : index
      %swap3A_71 = tpu.vector_load %arg9[%swap3A_69, %swap3A_70] {strides = array<i32>} : memref<256x128xf32, #tpu.memory_space<vmem>>, vector<16xf32>,
      tpu.vector_store %arg9[%swap3A_69, %swap3A_70], %broadcast_in_dim3A_1 {strides = array<i32>} : memref<256x128xf32, #tpu.memory_space<vmem>>, vector<16xf32>,
      %swap3A_72 = arith.index_cast %scan3A_66 : i32 to index
      %swap3A_73 = arith.constant 32 : index
      %swap3A_74 = tpu.vector_load %arg9[%swap3A_72, %swap3A_73] {strides = array<i32>} : memref<256x128xf32, #tpu.memory_space<vmem>>, vector<16xf32>,
      tpu.vector_store %arg9[%swap3A_72, %swap3A_73], %broadcast_in_dim3A_1 {strides = array<i32>} : memref<256x128xf32, #tpu.memory_space<vmem>>, vector<16xf32>,
      %swap3A_75 = arith.index_cast %scan3A_66 : i32 to index
      %swap3A_76 = arith.constant 48 : index
      %swap3A_77 = tpu.vector_load %arg9[%swap3A_75, %swap3A_76] {strides = array<i32>} : memref<256x128xf32, #tpu.memory_space<vmem>>, vector<16xf32>,
      tpu.vector_store %arg9[%swap3A_75, %swap3A_76], %broadcast_in_dim3A_1 {strides = array<i32>} : memref<256x128xf32, #tpu.memory_space<vmem>>, vector<16xf32>,
      %swap3A_78 = arith.index_cast %scan3A_66 : i32 to index
      %swap3A_79 = arith.constant 64 : index
      %swap3A_80 = tpu.vector_load %arg9[%swap3A_78, %swap3A_79] {strides = array<i32>} : memref<256x128xf32, #tpu.memory_space<vmem>>, vector<16xf32>,
      tpu.vector_store %arg9[%swap3A_78, %swap3A_79], %broadcast_in_dim3A_1 {strides = array<i32>} : memref<256x128xf32, #tpu.memory_space<vmem>>, vector<16xf32>,
      %swap3A_81 = arith.index_cast %scan3A_66 : i32 to index
      %swap3A_82 = arith.constant 80 : index
      %swap3A_83 = tpu.vector_load %arg9[%swap3A_81, %swap3A_82] {strides = array<i32>} : memref<256x128xf32, #tpu.memory_space<vmem>>, vector<16xf32>,
      tpu.vector_store %arg9[%swap3A_81, %swap3A_82], %broadcast_in_dim3A_1 {strides = array<i32>} : memref<256x128xf32, #tpu.memory_space<vmem>>, vector<16xf32>,
      %swap3A_84 = arith.index_cast %scan3A_66 : i32 to index
      %swap3A_85 = arith.constant 96 : index
      %swap3A_86 = tpu.vector_load %arg9[%swap3A_84, %swap3A_85] {strides = array<i32>} : memref<256x128xf32, #tpu.memory_space<vmem>>, vector<16xf32>,
      tpu.vector_store %arg9[%swap3A_84, %swap3A_85], %broadcast_in_dim3A_1 {strides = array<i32>} : memref<256x128xf32, #tpu.memory_space<vmem>>, vector<16xf32>,
      %swap3A_87 = arith.index_cast %scan3A_66 : i32 to index
      %swap3A_88 = arith.constant 112 : index
      %swap3A_89 = tpu.vector_load %arg9[%swap3A_87, %swap3A_88] {strides = array<i32>} : memref<256x128xf32, #tpu.memory_space<vmem>>, vector<16xf32>,
      tpu.vector_store %arg9[%swap3A_87, %swap3A_88], %broadcast_in_dim3A_1 {strides = array<i32>} : memref<256x128xf32, #tpu.memory_space<vmem>>, vector<16xf32>,
    }
    %scan3A_6 = arith.constant 128 : i32
    %scan3A_7 = arith.constant 0 : i32
    %scan3A_8 = arith.constant 0 : i32
    %scan3A_9 = arith.constant 5 : i32
    %scan3A_10 = arith.addi %scan3A_8, %scan3A_9 : i32
    %scan3A_11 = arith.constant 1 : i32
    scf.for %scan3A_66 = %scan3A_8 to %scan3A_10 step %scan3A_11  : i32 {
      %mul3A_67 = arith.constant 640 : i32
      %mul3A_68 = arith.muli %arg1, %mul3A_67 : i32
      %mul3A_69 = arith.constant 128 : i32
      %mul3A_70 = arith.muli %scan3A_66, %mul3A_69 : i32
      %add3A_71 = arith.addi %mul3A_68, %mul3A_70 : i32
      %scan3A_72 = arith.constant 0 : i32
      %scan3A_73 = arith.constant 0 : i32
      %scan3A_74 = arith.constant 8 : i32
      %scan3A_75 = arith.addi %scan3A_73, %scan3A_74 : i32
      %scan3A_76 = arith.constant 1 : i32
      scf.for %scan3A_78 = %scan3A_73 to %scan3A_75 step %scan3A_76  : i32 {
        %mul3A_79 = arith.constant 16 : i32
        %mul3A_80 = arith.muli %scan3A_78, %mul3A_79 : i32
        %add3A_81 = arith.addi %add3A_71, %mul3A_80 : i32
        %add3A_82 = vector.broadcast %add3A_81 : i32 to vector<16xi32>
        %add3A_83 = arith.addi %add3A_82, %iota3A : vector<16xi32>
        %mul3A_84 = arith.constant 16 : i32
        %mul3A_85 = arith.muli %scan3A_78, %mul3A_84 : i32
        %swap3A = arith.index_cast %mul3A_85 : i32 to index
        %swap3A_86 = tpu.vector_load %arg8[%swap3A] {strides = array<i32>} : memref<128xi32, #tpu.memory_space<vmem>>, vector<16xi32>,
        tpu.vector_store %arg8[%swap3A], %add3A_83 {strides = array<i32>} : memref<128xi32, #tpu.memory_space<vmem>>, vector<16xi32>,
      }
      %scan3A_77 = arith.constant 8 : i32
      "tpu.region"() ({
        %run_scoped3A = tpu.sem_alloc : memref<!tpu.dma_semaphore, #tpu.memory_space<semaphore_mem>>
        %dma_start3A = arith.constant 0 : i32
        %dma_start3A_78 = arith.constant 0 : i32
        %dma_start3A_79 = tpu.memref_slice %arg9[%dma_start3A, %dma_start3A_78] : memref<256x128xf32, #tpu.memory_space<vmem>> -> memref<128x128xf32, #tpu.memory_space<vmem>>
        %dma_start3A_80 = arith.constant 0 : i32
        %dma_start3A_81 = arith.constant 0 : i32
        %dma_start3A_82 = tpu.memref_slice %arg10[%dma_start3A_80, %dma_start3A_81] : memref<10240x128xf32, #tpu.memory_space<vmem_shared>> -> memref<10240x128xf32, #tpu.memory_space<vmem_shared>>
        tpu.enqueue_indirect_dma source(%dma_start3A_79 : memref<128x128xf32, #tpu.memory_space<vmem>>) target(%dma_start3A_82 : memref<10240x128xf32, #tpu.memory_space<vmem_shared>>) offsets(%arg8 : memref<128xi32, #tpu.memory_space<vmem>>) semaphore(%run_scoped3A : memref<!tpu.dma_semaphore, #tpu.memory_space<semaphore_mem>>)
        %dma_wait3A = arith.constant 0 : i32
        %dma_wait3A_83 = arith.constant 0 : i32
        %dma_wait3A_84 = tpu.memref_slice %arg9[%dma_wait3A, %dma_wait3A_83] : memref<256x128xf32, #tpu.memory_space<vmem>> -> memref<128x128xf32, #tpu.memory_space<vmem>>
        %dma_wait3A_85 = arith.constant 0 : i32
        %dma_wait3A_86 = arith.constant 0 : i32
        %dma_wait3A_87 = tpu.memref_slice %arg10[%dma_wait3A_85, %dma_wait3A_86] : memref<10240x128xf32, #tpu.memory_space<vmem_shared>> -> memref<10240x128xf32, #tpu.memory_space<vmem_shared>>
        tpu.wait_indirect_dma semaphore(%run_scoped3A : memref<!tpu.dma_semaphore, #tpu.memory_space<semaphore_mem>>) src(%dma_wait3A_84 : memref<128x128xf32, #tpu.memory_space<vmem>>) dst(%dma_wait3A_87 : memref<10240x128xf32, #tpu.memory_space<vmem_shared>>)
        tpu.yield
      }) : () -> ()
    }
    %scan3A_12 = arith.constant 5 : i32
    %barrier3A = arith.constant 0 : index
    tpu.barrier barrier_id(%barrier3A)
    %lt3A = arith.constant 2 : i32
    %lt3A_13 = arith.cmpi slt, %add3A, %lt3A : i32
    %jit3A = arith.constant 40 : i32
    %jit3A_14 = arith.constant 39 : i32
    %select_n3A = arith.select %lt3A_13, %jit3A, %jit3A_14 : i32
    %while3A = arith.constant 0 : i32
    %while3A_15 = arith.constant 0 : i32
    %while3A_16 = arith.subi %select_n3A, %while3A_15 : i32
    %while3A_17 = arith.addi %while3A_15, %while3A_16 : i32
    %while3A_18 = arith.constant 1 : i32
    %while3A_19 = arith.divsi %while3A_16, %while3A_18 : i32
    %while3A_20 = arith.muli %while3A_19, %while3A_18 : i32
    %while3A_21 = arith.addi %while3A_15, %while3A_20 : i32
    %while3A_22 = arith.constant 1 : i32
    scf.for %while3A_66 = %while3A_15 to %while3A_21 step %while3A_22  : i32 {
      %mul3A_67 = arith.constant 32 : i32
      %mul3A_68 = arith.muli %while3A_66, %mul3A_67 : i32
      %add3A_69 = arith.addi %add3A, %mul3A_68 : i32
      %mul3A_70 = arith.constant 256 : i32
      %mul3A_71 = arith.muli %add3A_69, %mul3A_70 : i32
      "tpu.region"() ({
        %run_scoped3A = tpu.sem_alloc : memref<!tpu.dma_semaphore, #tpu.memory_space<semaphore_mem>>
        %dma_start3A = tpu.memref_slice %arg4[%mul3A_71] : memref<320000xi32, #tpu.memory_space<hbm>> -> memref<256xi32, #tpu.memory_space<hbm>>
        %dma_start3A_72 = tpu.memref_slice %arg4[%mul3A_71] : memref<320000xi32, #tpu.memory_space<hbm>> -> memref<256xi32, #tpu.memory_space<hbm>>
        tpu.enqueue_dma source(%dma_start3A_72 : memref<256xi32, #tpu.memory_space<hbm>>) target(%arg7 : memref<256xi32, #tpu.memory_space<vmem>>) target_semaphore(%run_scoped3A : memref<!tpu.dma_semaphore, #tpu.memory_space<semaphore_mem>>)
        %dma_wait3A = tpu.memref_slice %arg4[%mul3A_71] : memref<320000xi32, #tpu.memory_space<hbm>> -> memref<256xi32, #tpu.memory_space<hbm>>
        %dma_wait3A_73 = tpu.memref_slice %arg4[%mul3A_71] : memref<320000xi32, #tpu.memory_space<hbm>> -> memref<256xi32, #tpu.memory_space<hbm>>
        tpu.wait_dma2 semaphore(%run_scoped3A : memref<!tpu.dma_semaphore, #tpu.memory_space<semaphore_mem>>) src(%dma_wait3A_73 : memref<256xi32, #tpu.memory_space<hbm>>) dst(%arg7 : memref<256xi32, #tpu.memory_space<vmem>>)
        tpu.yield
      }) : () -> ()
      "tpu.region"() ({
        %run_scoped3A = tpu.sem_alloc : memref<!tpu.dma_semaphore, #tpu.memory_space<semaphore_mem>>
        %dma_start3A = arith.constant 0 : i32
        %dma_start3A_72 = tpu.memref_slice %arg2[%mul3A_71, %dma_start3A] : memref<320000x128xf32, #tpu.memory_space<hbm>> -> memref<256x128xf32, #tpu.memory_space<hbm>>
        %dma_start3A_73 = arith.constant 0 : i32
        %dma_start3A_74 = tpu.memref_slice %arg2[%mul3A_71, %dma_start3A_73] : memref<320000x128xf32, #tpu.memory_space<hbm>> -> memref<256x128xf32, #tpu.memory_space<hbm>>
        tpu.enqueue_dma source(%dma_start3A_74 : memref<256x128xf32, #tpu.memory_space<hbm>>) target(%arg9 : memref<256x128xf32, #tpu.memory_space<vmem>>) target_semaphore(%run_scoped3A : memref<!tpu.dma_semaphore, #tpu.memory_space<semaphore_mem>>)
        %dma_wait3A = arith.constant 0 : i32
        %dma_wait3A_75 = tpu.memref_slice %arg2[%mul3A_71, %dma_wait3A] : memref<320000x128xf32, #tpu.memory_space<hbm>> -> memref<256x128xf32, #tpu.memory_space<hbm>>
        %dma_wait3A_76 = arith.constant 0 : i32
        %dma_wait3A_77 = tpu.memref_slice %arg2[%mul3A_71, %dma_wait3A_76] : memref<320000x128xf32, #tpu.memory_space<hbm>> -> memref<256x128xf32, #tpu.memory_space<hbm>>
        tpu.wait_dma2 semaphore(%run_scoped3A : memref<!tpu.dma_semaphore, #tpu.memory_space<semaphore_mem>>) src(%dma_wait3A_77 : memref<256x128xf32, #tpu.memory_space<hbm>>) dst(%arg9 : memref<256x128xf32, #tpu.memory_space<vmem>>)
        tpu.yield
      }) : () -> ()
      "tpu.region"() ({
        %run_scoped3A = tpu.sem_alloc : memref<!tpu.dma_semaphore, #tpu.memory_space<semaphore_mem>>
        %dma_start3A = arith.constant 0 : i32
        %dma_start3A_72 = arith.constant 0 : i32
        %dma_start3A_73 = tpu.memref_slice %arg10[%dma_start3A, %dma_start3A_72] : memref<10240x128xf32, #tpu.memory_space<vmem_shared>> -> memref<10240x128xf32, #tpu.memory_space<vmem_shared>>
        tpu.enqueue_indirect_dma source(%arg9 : memref<256x128xf32, #tpu.memory_space<vmem>>) target(%dma_start3A_73 : memref<10240x128xf32, #tpu.memory_space<vmem_shared>>) offsets(%arg7 : memref<256xi32, #tpu.memory_space<vmem>>) semaphore(%run_scoped3A : memref<!tpu.dma_semaphore, #tpu.memory_space<semaphore_mem>>) {add = true}
        %dma_wait3A = arith.constant 0 : i32
        %dma_wait3A_74 = arith.constant 0 : i32
        %dma_wait3A_75 = tpu.memref_slice %arg10[%dma_wait3A, %dma_wait3A_74] : memref<10240x128xf32, #tpu.memory_space<vmem_shared>> -> memref<10240x128xf32, #tpu.memory_space<vmem_shared>>
        tpu.wait_indirect_dma semaphore(%run_scoped3A : memref<!tpu.dma_semaphore, #tpu.memory_space<semaphore_mem>>) src(%arg9 : memref<256x128xf32, #tpu.memory_space<vmem>>) dst(%dma_wait3A_75 : memref<10240x128xf32, #tpu.memory_space<vmem_shared>>)
        tpu.yield
      }) : () -> ()
    }
    %while3A_23 = arith.constant 1 : i32
    scf.for %while3A_66 = %while3A_21 to %while3A_17 step %while3A_23  : i32 {
      %mul3A_67 = arith.constant 32 : i32
      %mul3A_68 = arith.muli %while3A_66, %mul3A_67 : i32
      %add3A_69 = arith.addi %add3A, %mul3A_68 : i32
      %mul3A_70 = arith.constant 256 : i32
      %mul3A_71 = arith.muli %add3A_69, %mul3A_70 : i32
      "tpu.region"() ({
        %run_scoped3A = tpu.sem_alloc : memref<!tpu.dma_semaphore, #tpu.memory_space<semaphore_mem>>
        %dma_start3A = tpu.memref_slice %arg4[%mul3A_71] : memref<320000xi32, #tpu.memory_space<hbm>> -> memref<256xi32, #tpu.memory_space<hbm>>
        %dma_start3A_72 = tpu.memref_slice %arg4[%mul3A_71] : memref<320000xi32, #tpu.memory_space<hbm>> -> memref<256xi32, #tpu.memory_space<hbm>>
        tpu.enqueue_dma source(%dma_start3A_72 : memref<256xi32, #tpu.memory_space<hbm>>) target(%arg7 : memref<256xi32, #tpu.memory_space<vmem>>) target_semaphore(%run_scoped3A : memref<!tpu.dma_semaphore, #tpu.memory_space<semaphore_mem>>)
        %dma_wait3A = tpu.memref_slice %arg4[%mul3A_71] : memref<320000xi32, #tpu.memory_space<hbm>> -> memref<256xi32, #tpu.memory_space<hbm>>
        %dma_wait3A_73 = tpu.memref_slice %arg4[%mul3A_71] : memref<320000xi32, #tpu.memory_space<hbm>> -> memref<256xi32, #tpu.memory_space<hbm>>
        tpu.wait_dma2 semaphore(%run_scoped3A : memref<!tpu.dma_semaphore, #tpu.memory_space<semaphore_mem>>) src(%dma_wait3A_73 : memref<256xi32, #tpu.memory_space<hbm>>) dst(%arg7 : memref<256xi32, #tpu.memory_space<vmem>>)
        tpu.yield
      }) : () -> ()
      "tpu.region"() ({
        %run_scoped3A = tpu.sem_alloc : memref<!tpu.dma_semaphore, #tpu.memory_space<semaphore_mem>>
        %dma_start3A = arith.constant 0 : i32
        %dma_start3A_72 = tpu.memref_slice %arg2[%mul3A_71, %dma_start3A] : memref<320000x128xf32, #tpu.memory_space<hbm>> -> memref<256x128xf32, #tpu.memory_space<hbm>>
        %dma_start3A_73 = arith.constant 0 : i32
        %dma_start3A_74 = tpu.memref_slice %arg2[%mul3A_71, %dma_start3A_73] : memref<320000x128xf32, #tpu.memory_space<hbm>> -> memref<256x128xf32, #tpu.memory_space<hbm>>
        tpu.enqueue_dma source(%dma_start3A_74 : memref<256x128xf32, #tpu.memory_space<hbm>>) target(%arg9 : memref<256x128xf32, #tpu.memory_space<vmem>>) target_semaphore(%run_scoped3A : memref<!tpu.dma_semaphore, #tpu.memory_space<semaphore_mem>>)
        %dma_wait3A = arith.constant 0 : i32
        %dma_wait3A_75 = tpu.memref_slice %arg2[%mul3A_71, %dma_wait3A] : memref<320000x128xf32, #tpu.memory_space<hbm>> -> memref<256x128xf32, #tpu.memory_space<hbm>>
        %dma_wait3A_76 = arith.constant 0 : i32
        %dma_wait3A_77 = tpu.memref_slice %arg2[%mul3A_71, %dma_wait3A_76] : memref<320000x128xf32, #tpu.memory_space<hbm>> -> memref<256x128xf32, #tpu.memory_space<hbm>>
        tpu.wait_dma2 semaphore(%run_scoped3A : memref<!tpu.dma_semaphore, #tpu.memory_space<semaphore_mem>>) src(%dma_wait3A_77 : memref<256x128xf32, #tpu.memory_space<hbm>>) dst(%arg9 : memref<256x128xf32, #tpu.memory_space<vmem>>)
        tpu.yield
      }) : () -> ()
      "tpu.region"() ({
        %run_scoped3A = tpu.sem_alloc : memref<!tpu.dma_semaphore, #tpu.memory_space<semaphore_mem>>
        %dma_start3A = arith.constant 0 : i32
        %dma_start3A_72 = arith.constant 0 : i32
        %dma_start3A_73 = tpu.memref_slice %arg10[%dma_start3A, %dma_start3A_72] : memref<10240x128xf32, #tpu.memory_space<vmem_shared>> -> memref<10240x128xf32, #tpu.memory_space<vmem_shared>>
        tpu.enqueue_indirect_dma source(%arg9 : memref<256x128xf32, #tpu.memory_space<vmem>>) target(%dma_start3A_73 : memref<10240x128xf32, #tpu.memory_space<vmem_shared>>) offsets(%arg7 : memref<256xi32, #tpu.memory_space<vmem>>) semaphore(%run_scoped3A : memref<!tpu.dma_semaphore, #tpu.memory_space<semaphore_mem>>) {add = true}
        %dma_wait3A = arith.constant 0 : i32
        %dma_wait3A_74 = arith.constant 0 : i32
        %dma_wait3A_75 = tpu.memref_slice %arg10[%dma_wait3A, %dma_wait3A_74] : memref<10240x128xf32, #tpu.memory_space<vmem_shared>> -> memref<10240x128xf32, #tpu.memory_space<vmem_shared>>
        tpu.wait_indirect_dma semaphore(%run_scoped3A : memref<!tpu.dma_semaphore, #tpu.memory_space<semaphore_mem>>) src(%arg9 : memref<256x128xf32, #tpu.memory_space<vmem>>) dst(%dma_wait3A_75 : memref<10240x128xf32, #tpu.memory_space<vmem_shared>>)
        tpu.yield
      }) : () -> ()
    }
    %barrier3A_24 = arith.constant 0 : index
    tpu.barrier barrier_id(%barrier3A_24)
    %scan3A_25 = arith.constant 0 : i32
    %scan3A_26 = arith.constant 0 : i32
    %scan3A_27 = arith.constant 5 : i32
    %scan3A_28 = arith.addi %scan3A_26, %scan3A_27 : i32
    %scan3A_29 = arith.constant 1 : i32
    scf.for %scan3A_66 = %scan3A_26 to %scan3A_28 step %scan3A_29  : i32 {
      %mul3A_67 = arith.constant 640 : i32
      %mul3A_68 = arith.muli %arg1, %mul3A_67 : i32
      %mul3A_69 = arith.constant 128 : i32
      %mul3A_70 = arith.muli %scan3A_66, %mul3A_69 : i32
      %add3A_71 = arith.addi %mul3A_68, %mul3A_70 : i32
      %scan3A_72 = arith.constant 0 : i32
      %scan3A_73 = arith.constant 0 : i32
      %scan3A_74 = arith.constant 8 : i32
      %scan3A_75 = arith.addi %scan3A_73, %scan3A_74 : i32
      %scan3A_76 = arith.constant 1 : i32
      scf.for %scan3A_88 = %scan3A_73 to %scan3A_75 step %scan3A_76  : i32 {
        %mul3A_89 = arith.constant 16 : i32
        %mul3A_90 = arith.muli %scan3A_88, %mul3A_89 : i32
        %add3A_91 = arith.addi %add3A_71, %mul3A_90 : i32
        %add3A_92 = vector.broadcast %add3A_91 : i32 to vector<16xi32>
        %add3A_93 = arith.addi %add3A_92, %iota3A : vector<16xi32>
        %mul3A_94 = arith.constant 16 : i32
        %mul3A_95 = arith.muli %scan3A_88, %mul3A_94 : i32
        %swap3A = arith.index_cast %mul3A_95 : i32 to index
        %swap3A_96 = tpu.vector_load %arg8[%swap3A] {strides = array<i32>} : memref<128xi32, #tpu.memory_space<vmem>>, vector<16xi32>,
        tpu.vector_store %arg8[%swap3A], %add3A_93 {strides = array<i32>} : memref<128xi32, #tpu.memory_space<vmem>>, vector<16xi32>,
      }
      %scan3A_77 = arith.constant 8 : i32
      %dma_start3A = arith.constant 0 : i32
      %dma_start3A_78 = arith.constant 0 : i32
      %dma_start3A_79 = tpu.memref_slice %arg9[%dma_start3A, %dma_start3A_78] : memref<256x128xf32, #tpu.memory_space<vmem>> -> memref<128x128xf32, #tpu.memory_space<vmem>>
      %dma_start3A_80 = arith.constant 0 : i32
      %dma_start3A_81 = arith.constant 0 : i32
      %dma_start3A_82 = tpu.memref_slice %arg10[%dma_start3A_80, %dma_start3A_81] : memref<10240x128xf32, #tpu.memory_space<vmem_shared>> -> memref<10240x128xf32, #tpu.memory_space<vmem_shared>>
      tpu.enqueue_indirect_dma source(%dma_start3A_82 : memref<10240x128xf32, #tpu.memory_space<vmem_shared>>) target(%dma_start3A_79 : memref<128x128xf32, #tpu.memory_space<vmem>>) offsets(%arg8 : memref<128xi32, #tpu.memory_space<vmem>>) semaphore(%arg11 : memref<!tpu.dma_semaphore, #tpu.memory_space<semaphore_mem>>)
      %dma_wait3A = arith.constant 0 : i32
      %dma_wait3A_83 = arith.constant 0 : i32
      %dma_wait3A_84 = tpu.memref_slice %arg9[%dma_wait3A, %dma_wait3A_83] : memref<256x128xf32, #tpu.memory_space<vmem>> -> memref<128x128xf32, #tpu.memory_space<vmem>>
      %dma_wait3A_85 = arith.constant 0 : i32
      %dma_wait3A_86 = arith.constant 0 : i32
      %dma_wait3A_87 = tpu.memref_slice %arg10[%dma_wait3A_85, %dma_wait3A_86] : memref<10240x128xf32, #tpu.memory_space<vmem_shared>> -> memref<10240x128xf32, #tpu.memory_space<vmem_shared>>
      tpu.wait_indirect_dma semaphore(%arg11 : memref<!tpu.dma_semaphore, #tpu.memory_space<semaphore_mem>>) src(%dma_wait3A_87 : memref<10240x128xf32, #tpu.memory_space<vmem_shared>>) dst(%dma_wait3A_84 : memref<128x128xf32, #tpu.memory_space<vmem>>)
      "tpu.region"() ({
        %run_scoped3A = tpu.sem_alloc : memref<!tpu.dma_semaphore, #tpu.memory_space<semaphore_mem>>
        %dma_start3A_88 = arith.constant 0 : i32
        %dma_start3A_89 = arith.constant 0 : i32
        %dma_start3A_90 = tpu.memref_slice %arg9[%dma_start3A_88, %dma_start3A_89] : memref<256x128xf32, #tpu.memory_space<vmem>> -> memref<128x128xf32, #tpu.memory_space<vmem>>
        %dma_start3A_91 = arith.constant 0 : i32
        %dma_start3A_92 = tpu.memref_slice %arg5[%arg0, %add3A_71, %dma_start3A_91] : memref<2x10240x128xf32, #tpu.memory_space<hbm>> -> memref<1x128x128xf32, #tpu.memory_space<hbm>>
        %dma_start3A_93 = tpu.memref_squeeze %dma_start3A_92 : memref<1x128x128xf32, #tpu.memory_space<hbm>> -> memref<128x128xf32, #tpu.memory_space<hbm>>
        %dma_start3A_94 = arith.constant 0 : i32
        %dma_start3A_95 = tpu.memref_slice %arg5[%arg0, %add3A_71, %dma_start3A_94] : memref<2x10240x128xf32, #tpu.memory_space<hbm>> -> memref<1x128x128xf32, #tpu.memory_space<hbm>>
        %dma_start3A_96 = tpu.memref_squeeze %dma_start3A_95 : memref<1x128x128xf32, #tpu.memory_space<hbm>> -> memref<128x128xf32, #tpu.memory_space<hbm>>
        %dma_start3A_97 = arith.constant 0 : i32
        %dma_start3A_98 = arith.constant 0 : i32
        %dma_start3A_99 = tpu.memref_slice %arg9[%dma_start3A_97, %dma_start3A_98] : memref<256x128xf32, #tpu.memory_space<vmem>> -> memref<128x128xf32, #tpu.memory_space<vmem>>
        tpu.enqueue_dma source(%dma_start3A_99 : memref<128x128xf32, #tpu.memory_space<vmem>>) target(%dma_start3A_96 : memref<128x128xf32, #tpu.memory_space<hbm>>) target_semaphore(%run_scoped3A : memref<!tpu.dma_semaphore, #tpu.memory_space<semaphore_mem>>)
        %dma_wait3A_100 = arith.constant 0 : i32
        %dma_wait3A_101 = arith.constant 0 : i32
        %dma_wait3A_102 = tpu.memref_slice %arg9[%dma_wait3A_100, %dma_wait3A_101] : memref<256x128xf32, #tpu.memory_space<vmem>> -> memref<128x128xf32, #tpu.memory_space<vmem>>
        %dma_wait3A_103 = arith.constant 0 : i32
        %dma_wait3A_104 = tpu.memref_slice %arg5[%arg0, %add3A_71, %dma_wait3A_103] : memref<2x10240x128xf32, #tpu.memory_space<hbm>> -> memref<1x128x128xf32, #tpu.memory_space<hbm>>
        %dma_wait3A_105 = tpu.memref_squeeze %dma_wait3A_104 : memref<1x128x128xf32, #tpu.memory_space<hbm>> -> memref<128x128xf32, #tpu.memory_space<hbm>>
        %dma_wait3A_106 = arith.constant 0 : i32
        %dma_wait3A_107 = tpu.memref_slice %arg5[%arg0, %add3A_71, %dma_wait3A_106] : memref<2x10240x128xf32, #tpu.memory_space<hbm>> -> memref<1x128x128xf32, #tpu.memory_space<hbm>>
        %dma_wait3A_108 = tpu.memref_squeeze %dma_wait3A_107 : memref<1x128x128xf32, #tpu.memory_space<hbm>> -> memref<128x128xf32, #tpu.memory_space<hbm>>
        %dma_wait3A_109 = arith.constant 0 : i32
        %dma_wait3A_110 = arith.constant 0 : i32
        %dma_wait3A_111 = tpu.memref_slice %arg9[%dma_wait3A_109, %dma_wait3A_110] : memref<256x128xf32, #tpu.memory_space<vmem>> -> memref<128x128xf32, #tpu.memory_space<vmem>>
        tpu.wait_dma2 semaphore(%run_scoped3A : memref<!tpu.dma_semaphore, #tpu.memory_space<semaphore_mem>>) src(%dma_wait3A_111 : memref<128x128xf32, #tpu.memory_space<vmem>>) dst(%dma_wait3A_108 : memref<128x128xf32, #tpu.memory_space<hbm>>)
        tpu.yield
      }) : () -> ()
    }
    %scan3A_30 = arith.constant 5 : i32
    %scan3A_31 = arith.constant 0 : i32
    %scan3A_32 = arith.constant 0 : i32
    %scan3A_33 = arith.constant 128 : i32
    %scan3A_34 = arith.addi %scan3A_32, %scan3A_33 : i32
    %scan3A_35 = arith.constant 1 : i32
    scf.for %scan3A_66 = %scan3A_32 to %scan3A_34 step %scan3A_35  : i32 {
      %swap3A = arith.index_cast %scan3A_66 : i32 to index
      %swap3A_67 = arith.constant 0 : index
      %swap3A_68 = tpu.vector_load %arg9[%swap3A, %swap3A_67] {strides = array<i32>} : memref<256x128xf32, #tpu.memory_space<vmem>>, vector<16xf32>,
      tpu.vector_store %arg9[%swap3A, %swap3A_67], %broadcast_in_dim3A_1 {strides = array<i32>} : memref<256x128xf32, #tpu.memory_space<vmem>>, vector<16xf32>,
      %swap3A_69 = arith.index_cast %scan3A_66 : i32 to index
      %swap3A_70 = arith.constant 16 : index
      %swap3A_71 = tpu.vector_load %arg9[%swap3A_69, %swap3A_70] {strides = array<i32>} : memref<256x128xf32, #tpu.memory_space<vmem>>, vector<16xf32>,
      tpu.vector_store %arg9[%swap3A_69, %swap3A_70], %broadcast_in_dim3A_1 {strides = array<i32>} : memref<256x128xf32, #tpu.memory_space<vmem>>, vector<16xf32>,
      %swap3A_72 = arith.index_cast %scan3A_66 : i32 to index
      %swap3A_73 = arith.constant 32 : index
      %swap3A_74 = tpu.vector_load %arg9[%swap3A_72, %swap3A_73] {strides = array<i32>} : memref<256x128xf32, #tpu.memory_space<vmem>>, vector<16xf32>,
      tpu.vector_store %arg9[%swap3A_72, %swap3A_73], %broadcast_in_dim3A_1 {strides = array<i32>} : memref<256x128xf32, #tpu.memory_space<vmem>>, vector<16xf32>,
      %swap3A_75 = arith.index_cast %scan3A_66 : i32 to index
      %swap3A_76 = arith.constant 48 : index
      %swap3A_77 = tpu.vector_load %arg9[%swap3A_75, %swap3A_76] {strides = array<i32>} : memref<256x128xf32, #tpu.memory_space<vmem>>, vector<16xf32>,
      tpu.vector_store %arg9[%swap3A_75, %swap3A_76], %broadcast_in_dim3A_1 {strides = array<i32>} : memref<256x128xf32, #tpu.memory_space<vmem>>, vector<16xf32>,
      %swap3A_78 = arith.index_cast %scan3A_66 : i32 to index
      %swap3A_79 = arith.constant 64 : index
      %swap3A_80 = tpu.vector_load %arg9[%swap3A_78, %swap3A_79] {strides = array<i32>} : memref<256x128xf32, #tpu.memory_space<vmem>>, vector<16xf32>,
      tpu.vector_store %arg9[%swap3A_78, %swap3A_79], %broadcast_in_dim3A_1 {strides = array<i32>} : memref<256x128xf32, #tpu.memory_space<vmem>>, vector<16xf32>,
      %swap3A_81 = arith.index_cast %scan3A_66 : i32 to index
      %swap3A_82 = arith.constant 80 : index
      %swap3A_83 = tpu.vector_load %arg9[%swap3A_81, %swap3A_82] {strides = array<i32>} : memref<256x128xf32, #tpu.memory_space<vmem>>, vector<16xf32>,
      tpu.vector_store %arg9[%swap3A_81, %swap3A_82], %broadcast_in_dim3A_1 {strides = array<i32>} : memref<256x128xf32, #tpu.memory_space<vmem>>, vector<16xf32>,
      %swap3A_84 = arith.index_cast %scan3A_66 : i32 to index
      %swap3A_85 = arith.constant 96 : index
      %swap3A_86 = tpu.vector_load %arg9[%swap3A_84, %swap3A_85] {strides = array<i32>} : memref<256x128xf32, #tpu.memory_space<vmem>>, vector<16xf32>,
      tpu.vector_store %arg9[%swap3A_84, %swap3A_85], %broadcast_in_dim3A_1 {strides = array<i32>} : memref<256x128xf32, #tpu.memory_space<vmem>>, vector<16xf32>,
      %swap3A_87 = arith.index_cast %scan3A_66 : i32 to index
      %swap3A_88 = arith.constant 112 : index
      %swap3A_89 = tpu.vector_load %arg9[%swap3A_87, %swap3A_88] {strides = array<i32>} : memref<256x128xf32, #tpu.memory_space<vmem>>, vector<16xf32>,
      tpu.vector_store %arg9[%swap3A_87, %swap3A_88], %broadcast_in_dim3A_1 {strides = array<i32>} : memref<256x128xf32, #tpu.memory_space<vmem>>, vector<16xf32>,
    }
    %scan3A_36 = arith.constant 128 : i32
    %scan3A_37 = arith.constant 0 : i32
    %scan3A_38 = arith.constant 0 : i32
    %scan3A_39 = arith.constant 5 : i32
    %scan3A_40 = arith.addi %scan3A_38, %scan3A_39 : i32
    %scan3A_41 = arith.constant 1 : i32
    scf.for %scan3A_66 = %scan3A_38 to %scan3A_40 step %scan3A_41  : i32 {
      %mul3A_67 = arith.constant 640 : i32
      %mul3A_68 = arith.muli %arg1, %mul3A_67 : i32
      %mul3A_69 = arith.constant 128 : i32
      %mul3A_70 = arith.muli %scan3A_66, %mul3A_69 : i32
      %add3A_71 = arith.addi %mul3A_68, %mul3A_70 : i32
      %scan3A_72 = arith.constant 0 : i32
      %scan3A_73 = arith.constant 0 : i32
      %scan3A_74 = arith.constant 8 : i32
      %scan3A_75 = arith.addi %scan3A_73, %scan3A_74 : i32
      %scan3A_76 = arith.constant 1 : i32
      scf.for %scan3A_78 = %scan3A_73 to %scan3A_75 step %scan3A_76  : i32 {
        %mul3A_79 = arith.constant 16 : i32
        %mul3A_80 = arith.muli %scan3A_78, %mul3A_79 : i32
        %add3A_81 = arith.addi %add3A_71, %mul3A_80 : i32
        %add3A_82 = vector.broadcast %add3A_81 : i32 to vector<16xi32>
        %add3A_83 = arith.addi %add3A_82, %iota3A : vector<16xi32>
        %mul3A_84 = arith.constant 16 : i32
        %mul3A_85 = arith.muli %scan3A_78, %mul3A_84 : i32
        %swap3A = arith.index_cast %mul3A_85 : i32 to index
        %swap3A_86 = tpu.vector_load %arg8[%swap3A] {strides = array<i32>} : memref<128xi32, #tpu.memory_space<vmem>>, vector<16xi32>,
        tpu.vector_store %arg8[%swap3A], %add3A_83 {strides = array<i32>} : memref<128xi32, #tpu.memory_space<vmem>>, vector<16xi32>,
      }
      %scan3A_77 = arith.constant 8 : i32
      "tpu.region"() ({
        %run_scoped3A = tpu.sem_alloc : memref<!tpu.dma_semaphore, #tpu.memory_space<semaphore_mem>>
        %dma_start3A = arith.constant 0 : i32
        %dma_start3A_78 = arith.constant 0 : i32
        %dma_start3A_79 = tpu.memref_slice %arg9[%dma_start3A, %dma_start3A_78] : memref<256x128xf32, #tpu.memory_space<vmem>> -> memref<128x128xf32, #tpu.memory_space<vmem>>
        %dma_start3A_80 = arith.constant 0 : i32
        %dma_start3A_81 = arith.constant 0 : i32
        %dma_start3A_82 = tpu.memref_slice %arg10[%dma_start3A_80, %dma_start3A_81] : memref<10240x128xf32, #tpu.memory_space<vmem_shared>> -> memref<10240x128xf32, #tpu.memory_space<vmem_shared>>
        tpu.enqueue_indirect_dma source(%dma_start3A_79 : memref<128x128xf32, #tpu.memory_space<vmem>>) target(%dma_start3A_82 : memref<10240x128xf32, #tpu.memory_space<vmem_shared>>) offsets(%arg8 : memref<128xi32, #tpu.memory_space<vmem>>) semaphore(%run_scoped3A : memref<!tpu.dma_semaphore, #tpu.memory_space<semaphore_mem>>)
        %dma_wait3A = arith.constant 0 : i32
        %dma_wait3A_83 = arith.constant 0 : i32
        %dma_wait3A_84 = tpu.memref_slice %arg9[%dma_wait3A, %dma_wait3A_83] : memref<256x128xf32, #tpu.memory_space<vmem>> -> memref<128x128xf32, #tpu.memory_space<vmem>>
        %dma_wait3A_85 = arith.constant 0 : i32
        %dma_wait3A_86 = arith.constant 0 : i32
        %dma_wait3A_87 = tpu.memref_slice %arg10[%dma_wait3A_85, %dma_wait3A_86] : memref<10240x128xf32, #tpu.memory_space<vmem_shared>> -> memref<10240x128xf32, #tpu.memory_space<vmem_shared>>
        tpu.wait_indirect_dma semaphore(%run_scoped3A : memref<!tpu.dma_semaphore, #tpu.memory_space<semaphore_mem>>) src(%dma_wait3A_84 : memref<128x128xf32, #tpu.memory_space<vmem>>) dst(%dma_wait3A_87 : memref<10240x128xf32, #tpu.memory_space<vmem_shared>>)
        tpu.yield
      }) : () -> ()
    }
    %scan3A_42 = arith.constant 5 : i32
    %barrier3A_43 = arith.constant 0 : index
    tpu.barrier barrier_id(%barrier3A_43)
    %lt3A_44 = arith.constant 2 : i32
    %lt3A_45 = arith.cmpi slt, %add3A, %lt3A_44 : i32
    %jit3A_46 = arith.constant 40 : i32
    %jit3A_47 = arith.constant 39 : i32
    %select_n3A_48 = arith.select %lt3A_45, %jit3A_46, %jit3A_47 : i32
    %while3A_49 = arith.constant 0 : i32
    %while3A_50 = arith.constant 0 : i32
    %while3A_51 = arith.subi %select_n3A_48, %while3A_50 : i32
    %while3A_52 = arith.addi %while3A_50, %while3A_51 : i32
    %while3A_53 = arith.constant 1 : i32
    %while3A_54 = arith.divsi %while3A_51, %while3A_53 : i32
    %while3A_55 = arith.muli %while3A_54, %while3A_53 : i32
    %while3A_56 = arith.addi %while3A_50, %while3A_55 : i32
    %while3A_57 = arith.constant 1 : i32
    scf.for %while3A_66 = %while3A_50 to %while3A_56 step %while3A_57  : i32 {
      %mul3A_67 = arith.constant 32 : i32
      %mul3A_68 = arith.muli %while3A_66, %mul3A_67 : i32
      %add3A_69 = arith.addi %add3A, %mul3A_68 : i32
      %mul3A_70 = arith.constant 256 : i32
      %mul3A_71 = arith.muli %add3A_69, %mul3A_70 : i32
      "tpu.region"() ({
        %run_scoped3A = tpu.sem_alloc : memref<!tpu.dma_semaphore, #tpu.memory_space<semaphore_mem>>
        %dma_start3A = tpu.memref_slice %arg4[%mul3A_71] : memref<320000xi32, #tpu.memory_space<hbm>> -> memref<256xi32, #tpu.memory_space<hbm>>
        %dma_start3A_72 = tpu.memref_slice %arg4[%mul3A_71] : memref<320000xi32, #tpu.memory_space<hbm>> -> memref<256xi32, #tpu.memory_space<hbm>>
        tpu.enqueue_dma source(%dma_start3A_72 : memref<256xi32, #tpu.memory_space<hbm>>) target(%arg7 : memref<256xi32, #tpu.memory_space<vmem>>) target_semaphore(%run_scoped3A : memref<!tpu.dma_semaphore, #tpu.memory_space<semaphore_mem>>)
        %dma_wait3A = tpu.memref_slice %arg4[%mul3A_71] : memref<320000xi32, #tpu.memory_space<hbm>> -> memref<256xi32, #tpu.memory_space<hbm>>
        %dma_wait3A_73 = tpu.memref_slice %arg4[%mul3A_71] : memref<320000xi32, #tpu.memory_space<hbm>> -> memref<256xi32, #tpu.memory_space<hbm>>
        tpu.wait_dma2 semaphore(%run_scoped3A : memref<!tpu.dma_semaphore, #tpu.memory_space<semaphore_mem>>) src(%dma_wait3A_73 : memref<256xi32, #tpu.memory_space<hbm>>) dst(%arg7 : memref<256xi32, #tpu.memory_space<vmem>>)
        tpu.yield
      }) : () -> ()
      "tpu.region"() ({
        %run_scoped3A = tpu.sem_alloc : memref<!tpu.dma_semaphore, #tpu.memory_space<semaphore_mem>>
        %dma_start3A = arith.constant 0 : i32
        %dma_start3A_72 = tpu.memref_slice %arg3[%mul3A_71, %dma_start3A] : memref<320000x128xf32, #tpu.memory_space<hbm>> -> memref<256x128xf32, #tpu.memory_space<hbm>>
        %dma_start3A_73 = arith.constant 0 : i32
        %dma_start3A_74 = tpu.memref_slice %arg3[%mul3A_71, %dma_start3A_73] : memref<320000x128xf32, #tpu.memory_space<hbm>> -> memref<256x128xf32, #tpu.memory_space<hbm>>
        tpu.enqueue_dma source(%dma_start3A_74 : memref<256x128xf32, #tpu.memory_space<hbm>>) target(%arg9 : memref<256x128xf32, #tpu.memory_space<vmem>>) target_semaphore(%run_scoped3A : memref<!tpu.dma_semaphore, #tpu.memory_space<semaphore_mem>>)
        %dma_wait3A = arith.constant 0 : i32
        %dma_wait3A_75 = tpu.memref_slice %arg3[%mul3A_71, %dma_wait3A] : memref<320000x128xf32, #tpu.memory_space<hbm>> -> memref<256x128xf32, #tpu.memory_space<hbm>>
        %dma_wait3A_76 = arith.constant 0 : i32
        %dma_wait3A_77 = tpu.memref_slice %arg3[%mul3A_71, %dma_wait3A_76] : memref<320000x128xf32, #tpu.memory_space<hbm>> -> memref<256x128xf32, #tpu.memory_space<hbm>>
        tpu.wait_dma2 semaphore(%run_scoped3A : memref<!tpu.dma_semaphore, #tpu.memory_space<semaphore_mem>>) src(%dma_wait3A_77 : memref<256x128xf32, #tpu.memory_space<hbm>>) dst(%arg9 : memref<256x128xf32, #tpu.memory_space<vmem>>)
        tpu.yield
      }) : () -> ()
      "tpu.region"() ({
        %run_scoped3A = tpu.sem_alloc : memref<!tpu.dma_semaphore, #tpu.memory_space<semaphore_mem>>
        %dma_start3A = arith.constant 0 : i32
        %dma_start3A_72 = arith.constant 0 : i32
        %dma_start3A_73 = tpu.memref_slice %arg10[%dma_start3A, %dma_start3A_72] : memref<10240x128xf32, #tpu.memory_space<vmem_shared>> -> memref<10240x128xf32, #tpu.memory_space<vmem_shared>>
        tpu.enqueue_indirect_dma source(%arg9 : memref<256x128xf32, #tpu.memory_space<vmem>>) target(%dma_start3A_73 : memref<10240x128xf32, #tpu.memory_space<vmem_shared>>) offsets(%arg7 : memref<256xi32, #tpu.memory_space<vmem>>) semaphore(%run_scoped3A : memref<!tpu.dma_semaphore, #tpu.memory_space<semaphore_mem>>) {add = true}
        %dma_wait3A = arith.constant 0 : i32
        %dma_wait3A_74 = arith.constant 0 : i32
        %dma_wait3A_75 = tpu.memref_slice %arg10[%dma_wait3A, %dma_wait3A_74] : memref<10240x128xf32, #tpu.memory_space<vmem_shared>> -> memref<10240x128xf32, #tpu.memory_space<vmem_shared>>
        tpu.wait_indirect_dma semaphore(%run_scoped3A : memref<!tpu.dma_semaphore, #tpu.memory_space<semaphore_mem>>) src(%arg9 : memref<256x128xf32, #tpu.memory_space<vmem>>) dst(%dma_wait3A_75 : memref<10240x128xf32, #tpu.memory_space<vmem_shared>>)
        tpu.yield
      }) : () -> ()
    }
    %while3A_58 = arith.constant 1 : i32
    scf.for %while3A_66 = %while3A_56 to %while3A_52 step %while3A_58  : i32 {
      %mul3A_67 = arith.constant 32 : i32
      %mul3A_68 = arith.muli %while3A_66, %mul3A_67 : i32
      %add3A_69 = arith.addi %add3A, %mul3A_68 : i32
      %mul3A_70 = arith.constant 256 : i32
      %mul3A_71 = arith.muli %add3A_69, %mul3A_70 : i32
      "tpu.region"() ({
        %run_scoped3A = tpu.sem_alloc : memref<!tpu.dma_semaphore, #tpu.memory_space<semaphore_mem>>
        %dma_start3A = tpu.memref_slice %arg4[%mul3A_71] : memref<320000xi32, #tpu.memory_space<hbm>> -> memref<256xi32, #tpu.memory_space<hbm>>
        %dma_start3A_72 = tpu.memref_slice %arg4[%mul3A_71] : memref<320000xi32, #tpu.memory_space<hbm>> -> memref<256xi32, #tpu.memory_space<hbm>>
        tpu.enqueue_dma source(%dma_start3A_72 : memref<256xi32, #tpu.memory_space<hbm>>) target(%arg7 : memref<256xi32, #tpu.memory_space<vmem>>) target_semaphore(%run_scoped3A : memref<!tpu.dma_semaphore, #tpu.memory_space<semaphore_mem>>)
        %dma_wait3A = tpu.memref_slice %arg4[%mul3A_71] : memref<320000xi32, #tpu.memory_space<hbm>> -> memref<256xi32, #tpu.memory_space<hbm>>
        %dma_wait3A_73 = tpu.memref_slice %arg4[%mul3A_71] : memref<320000xi32, #tpu.memory_space<hbm>> -> memref<256xi32, #tpu.memory_space<hbm>>
        tpu.wait_dma2 semaphore(%run_scoped3A : memref<!tpu.dma_semaphore, #tpu.memory_space<semaphore_mem>>) src(%dma_wait3A_73 : memref<256xi32, #tpu.memory_space<hbm>>) dst(%arg7 : memref<256xi32, #tpu.memory_space<vmem>>)
        tpu.yield
      }) : () -> ()
      "tpu.region"() ({
        %run_scoped3A = tpu.sem_alloc : memref<!tpu.dma_semaphore, #tpu.memory_space<semaphore_mem>>
        %dma_start3A = arith.constant 0 : i32
        %dma_start3A_72 = tpu.memref_slice %arg3[%mul3A_71, %dma_start3A] : memref<320000x128xf32, #tpu.memory_space<hbm>> -> memref<256x128xf32, #tpu.memory_space<hbm>>
        %dma_start3A_73 = arith.constant 0 : i32
        %dma_start3A_74 = tpu.memref_slice %arg3[%mul3A_71, %dma_start3A_73] : memref<320000x128xf32, #tpu.memory_space<hbm>> -> memref<256x128xf32, #tpu.memory_space<hbm>>
        tpu.enqueue_dma source(%dma_start3A_74 : memref<256x128xf32, #tpu.memory_space<hbm>>) target(%arg9 : memref<256x128xf32, #tpu.memory_space<vmem>>) target_semaphore(%run_scoped3A : memref<!tpu.dma_semaphore, #tpu.memory_space<semaphore_mem>>)
        %dma_wait3A = arith.constant 0 : i32
        %dma_wait3A_75 = tpu.memref_slice %arg3[%mul3A_71, %dma_wait3A] : memref<320000x128xf32, #tpu.memory_space<hbm>> -> memref<256x128xf32, #tpu.memory_space<hbm>>
        %dma_wait3A_76 = arith.constant 0 : i32
        %dma_wait3A_77 = tpu.memref_slice %arg3[%mul3A_71, %dma_wait3A_76] : memref<320000x128xf32, #tpu.memory_space<hbm>> -> memref<256x128xf32, #tpu.memory_space<hbm>>
        tpu.wait_dma2 semaphore(%run_scoped3A : memref<!tpu.dma_semaphore, #tpu.memory_space<semaphore_mem>>) src(%dma_wait3A_77 : memref<256x128xf32, #tpu.memory_space<hbm>>) dst(%arg9 : memref<256x128xf32, #tpu.memory_space<vmem>>)
        tpu.yield
      }) : () -> ()
      "tpu.region"() ({
        %run_scoped3A = tpu.sem_alloc : memref<!tpu.dma_semaphore, #tpu.memory_space<semaphore_mem>>
        %dma_start3A = arith.constant 0 : i32
        %dma_start3A_72 = arith.constant 0 : i32
        %dma_start3A_73 = tpu.memref_slice %arg10[%dma_start3A, %dma_start3A_72] : memref<10240x128xf32, #tpu.memory_space<vmem_shared>> -> memref<10240x128xf32, #tpu.memory_space<vmem_shared>>
        tpu.enqueue_indirect_dma source(%arg9 : memref<256x128xf32, #tpu.memory_space<vmem>>) target(%dma_start3A_73 : memref<10240x128xf32, #tpu.memory_space<vmem_shared>>) offsets(%arg7 : memref<256xi32, #tpu.memory_space<vmem>>) semaphore(%run_scoped3A : memref<!tpu.dma_semaphore, #tpu.memory_space<semaphore_mem>>) {add = true}
        %dma_wait3A = arith.constant 0 : i32
        %dma_wait3A_74 = arith.constant 0 : i32
        %dma_wait3A_75 = tpu.memref_slice %arg10[%dma_wait3A, %dma_wait3A_74] : memref<10240x128xf32, #tpu.memory_space<vmem_shared>> -> memref<10240x128xf32, #tpu.memory_space<vmem_shared>>
        tpu.wait_indirect_dma semaphore(%run_scoped3A : memref<!tpu.dma_semaphore, #tpu.memory_space<semaphore_mem>>) src(%arg9 : memref<256x128xf32, #tpu.memory_space<vmem>>) dst(%dma_wait3A_75 : memref<10240x128xf32, #tpu.memory_space<vmem_shared>>)
        tpu.yield
      }) : () -> ()
    }
    %barrier3A_59 = arith.constant 0 : index
    tpu.barrier barrier_id(%barrier3A_59)
    %scan3A_60 = arith.constant 0 : i32
    %scan3A_61 = arith.constant 0 : i32
    %scan3A_62 = arith.constant 5 : i32
    %scan3A_63 = arith.addi %scan3A_61, %scan3A_62 : i32
    %scan3A_64 = arith.constant 1 : i32
    scf.for %scan3A_66 = %scan3A_61 to %scan3A_63 step %scan3A_64  : i32 {
      %mul3A_67 = arith.constant 640 : i32
      %mul3A_68 = arith.muli %arg1, %mul3A_67 : i32
      %mul3A_69 = arith.constant 128 : i32
      %mul3A_70 = arith.muli %scan3A_66, %mul3A_69 : i32
      %add3A_71 = arith.addi %mul3A_68, %mul3A_70 : i32
      %scan3A_72 = arith.constant 0 : i32
      %scan3A_73 = arith.constant 0 : i32
      %scan3A_74 = arith.constant 8 : i32
      %scan3A_75 = arith.addi %scan3A_73, %scan3A_74 : i32
      %scan3A_76 = arith.constant 1 : i32
      scf.for %scan3A_88 = %scan3A_73 to %scan3A_75 step %scan3A_76  : i32 {
        %mul3A_89 = arith.constant 16 : i32
        %mul3A_90 = arith.muli %scan3A_88, %mul3A_89 : i32
        %add3A_91 = arith.addi %add3A_71, %mul3A_90 : i32
        %add3A_92 = vector.broadcast %add3A_91 : i32 to vector<16xi32>
        %add3A_93 = arith.addi %add3A_92, %iota3A : vector<16xi32>
        %mul3A_94 = arith.constant 16 : i32
        %mul3A_95 = arith.muli %scan3A_88, %mul3A_94 : i32
        %swap3A = arith.index_cast %mul3A_95 : i32 to index
        %swap3A_96 = tpu.vector_load %arg8[%swap3A] {strides = array<i32>} : memref<128xi32, #tpu.memory_space<vmem>>, vector<16xi32>,
        tpu.vector_store %arg8[%swap3A], %add3A_93 {strides = array<i32>} : memref<128xi32, #tpu.memory_space<vmem>>, vector<16xi32>,
      }
      %scan3A_77 = arith.constant 8 : i32
      %dma_start3A = arith.constant 0 : i32
      %dma_start3A_78 = arith.constant 0 : i32
      %dma_start3A_79 = tpu.memref_slice %arg9[%dma_start3A, %dma_start3A_78] : memref<256x128xf32, #tpu.memory_space<vmem>> -> memref<128x128xf32, #tpu.memory_space<vmem>>
      %dma_start3A_80 = arith.constant 0 : i32
      %dma_start3A_81 = arith.constant 0 : i32
      %dma_start3A_82 = tpu.memref_slice %arg10[%dma_start3A_80, %dma_start3A_81] : memref<10240x128xf32, #tpu.memory_space<vmem_shared>> -> memref<10240x128xf32, #tpu.memory_space<vmem_shared>>
      tpu.enqueue_indirect_dma source(%dma_start3A_82 : memref<10240x128xf32, #tpu.memory_space<vmem_shared>>) target(%dma_start3A_79 : memref<128x128xf32, #tpu.memory_space<vmem>>) offsets(%arg8 : memref<128xi32, #tpu.memory_space<vmem>>) semaphore(%arg11 : memref<!tpu.dma_semaphore, #tpu.memory_space<semaphore_mem>>)
      %dma_wait3A = arith.constant 0 : i32
      %dma_wait3A_83 = arith.constant 0 : i32
      %dma_wait3A_84 = tpu.memref_slice %arg9[%dma_wait3A, %dma_wait3A_83] : memref<256x128xf32, #tpu.memory_space<vmem>> -> memref<128x128xf32, #tpu.memory_space<vmem>>
      %dma_wait3A_85 = arith.constant 0 : i32
      %dma_wait3A_86 = arith.constant 0 : i32
      %dma_wait3A_87 = tpu.memref_slice %arg10[%dma_wait3A_85, %dma_wait3A_86] : memref<10240x128xf32, #tpu.memory_space<vmem_shared>> -> memref<10240x128xf32, #tpu.memory_space<vmem_shared>>
      tpu.wait_indirect_dma semaphore(%arg11 : memref<!tpu.dma_semaphore, #tpu.memory_space<semaphore_mem>>) src(%dma_wait3A_87 : memref<10240x128xf32, #tpu.memory_space<vmem_shared>>) dst(%dma_wait3A_84 : memref<128x128xf32, #tpu.memory_space<vmem>>)
      "tpu.region"() ({
        %run_scoped3A = tpu.sem_alloc : memref<!tpu.dma_semaphore, #tpu.memory_space<semaphore_mem>>
        %dma_start3A_88 = arith.constant 0 : i32
        %dma_start3A_89 = arith.constant 0 : i32
        %dma_start3A_90 = tpu.memref_slice %arg9[%dma_start3A_88, %dma_start3A_89] : memref<256x128xf32, #tpu.memory_space<vmem>> -> memref<128x128xf32, #tpu.memory_space<vmem>>
        %dma_start3A_91 = arith.constant 0 : i32
        %dma_start3A_92 = tpu.memref_slice %arg6[%arg0, %add3A_71, %dma_start3A_91] : memref<2x10240x128xf32, #tpu.memory_space<hbm>> -> memref<1x128x128xf32, #tpu.memory_space<hbm>>
        %dma_start3A_93 = tpu.memref_squeeze %dma_start3A_92 : memref<1x128x128xf32, #tpu.memory_space<hbm>> -> memref<128x128xf32, #tpu.memory_space<hbm>>
        %dma_start3A_94 = arith.constant 0 : i32
        %dma_start3A_95 = tpu.memref_slice %arg6[%arg0, %add3A_71, %dma_start3A_94] : memref<2x10240x128xf32, #tpu.memory_space<hbm>> -> memref<1x128x128xf32, #tpu.memory_space<hbm>>
        %dma_start3A_96 = tpu.memref_squeeze %dma_start3A_95 : memref<1x128x128xf32, #tpu.memory_space<hbm>> -> memref<128x128xf32, #tpu.memory_space<hbm>>
        %dma_start3A_97 = arith.constant 0 : i32
        %dma_start3A_98 = arith.constant 0 : i32
        %dma_start3A_99 = tpu.memref_slice %arg9[%dma_start3A_97, %dma_start3A_98] : memref<256x128xf32, #tpu.memory_space<vmem>> -> memref<128x128xf32, #tpu.memory_space<vmem>>
        tpu.enqueue_dma source(%dma_start3A_99 : memref<128x128xf32, #tpu.memory_space<vmem>>) target(%dma_start3A_96 : memref<128x128xf32, #tpu.memory_space<hbm>>) target_semaphore(%run_scoped3A : memref<!tpu.dma_semaphore, #tpu.memory_space<semaphore_mem>>)
        %dma_wait3A_100 = arith.constant 0 : i32
        %dma_wait3A_101 = arith.constant 0 : i32
        %dma_wait3A_102 = tpu.memref_slice %arg9[%dma_wait3A_100, %dma_wait3A_101] : memref<256x128xf32, #tpu.memory_space<vmem>> -> memref<128x128xf32, #tpu.memory_space<vmem>>
        %dma_wait3A_103 = arith.constant 0 : i32
        %dma_wait3A_104 = tpu.memref_slice %arg6[%arg0, %add3A_71, %dma_wait3A_103] : memref<2x10240x128xf32, #tpu.memory_space<hbm>> -> memref<1x128x128xf32, #tpu.memory_space<hbm>>
        %dma_wait3A_105 = tpu.memref_squeeze %dma_wait3A_104 : memref<1x128x128xf32, #tpu.memory_space<hbm>> -> memref<128x128xf32, #tpu.memory_space<hbm>>
        %dma_wait3A_106 = arith.constant 0 : i32
        %dma_wait3A_107 = tpu.memref_slice %arg6[%arg0, %add3A_71, %dma_wait3A_106] : memref<2x10240x128xf32, #tpu.memory_space<hbm>> -> memref<1x128x128xf32, #tpu.memory_space<hbm>>
        %dma_wait3A_108 = tpu.memref_squeeze %dma_wait3A_107 : memref<1x128x128xf32, #tpu.memory_space<hbm>> -> memref<128x128xf32, #tpu.memory_space<hbm>>
        %dma_wait3A_109 = arith.constant 0 : i32
        %dma_wait3A_110 = arith.constant 0 : i32
        %dma_wait3A_111 = tpu.memref_slice %arg9[%dma_wait3A_109, %dma_wait3A_110] : memref<256x128xf32, #tpu.memory_space<vmem>> -> memref<128x128xf32, #tpu.memory_space<vmem>>
        tpu.wait_dma2 semaphore(%run_scoped3A : memref<!tpu.dma_semaphore, #tpu.memory_space<semaphore_mem>>) src(%dma_wait3A_111 : memref<128x128xf32, #tpu.memory_space<vmem>>) dst(%dma_wait3A_108 : memref<128x128xf32, #tpu.memory_space<hbm>>)
        tpu.yield
      }) : () -> ()
    }
    %scan3A_65 = arith.constant 5 : i32
    return
  }
}

module attributes {stable_mosaic.version = 14 : i64} {
  func.func @_prep_body(%arg0: memref<128x128xf32, #tpu.memory_space<vmem>>, %arg1: memref<128x128xf32, #tpu.memory_space<vmem>>, %arg2: memref<64x9xf32, #tpu.memory_space<vmem>>, %arg3: memref<6x128xf32, #tpu.memory_space<vmem>>, %arg4: memref<1x128xf32, #tpu.memory_space<vmem>>, %arg5: memref<128x128xf32, #tpu.memory_space<vmem>>, %arg6: memref<64x128xf32, #tpu.memory_space<vmem>>) attributes {dimension_semantics = [], scalar_prefetch = 0 : i64, scratch_operands = 0 : i64, tpu.core_type = #tpu.core_type<tc>} {
    %get3A = arith.constant 0 : index
    %get3A_0 = arith.constant 0 : index
    %get3A_1 = vector.load %arg0[%get3A, %get3A_0] : memref<128x128xf32, #tpu.memory_space<vmem>>, vector<128x128xf32>
    %get3A_2 = arith.constant 0 : index
    %get3A_3 = arith.constant 0 : index
    %get3A_4 = vector.load %arg1[%get3A_2, %get3A_3] : memref<128x128xf32, #tpu.memory_space<vmem>>, vector<128x128xf32>
    %dot_general3A = arith.constant dense<0.000000e+00> : vector<128x128xf32>
    %dot_general3A_5 = tpu.matmul %get3A_1, %get3A_4, %dot_general3A {dimension_numbers = #tpu.dot_dimension_numbers<[1], [0], [0], [1], [0, 0, 1, 1], [], []>, precision = #tpu.contract_precision<fp32>, transpose_lhs_hint = false} : vector<128x128xf32>, vector<128x128xf32>, vector<128x128xf32> -> vector<128x128xf32>
    %swap3A = arith.constant 0 : index
    %swap3A_6 = arith.constant 0 : index
    %swap3A_7 = vector.load %arg5[%swap3A, %swap3A_6] : memref<128x128xf32, #tpu.memory_space<vmem>>, vector<128x128xf32>
    tpu.vector_store %arg5[%swap3A, %swap3A_6], %dot_general3A_5 {strides = array<i32>} : memref<128x128xf32, #tpu.memory_space<vmem>>, vector<128x128xf32>,
    %get3A_8 = arith.constant 0 : index
    %get3A_9 = arith.constant 0 : index
    %get3A_10 = vector.load %arg2[%get3A_8, %get3A_9] : memref<64x9xf32, #tpu.memory_space<vmem>>, vector<64x9xf32>
    %slice3A = vector.extract_strided_slice %get3A_10 {offsets = [0, 0], sizes = [64, 1], strides = [1, 1]} : vector<64x9xf32> to vector<64x1xf32>
    %slice3A_11 = vector.extract_strided_slice %get3A_10 {offsets = [0, 0], sizes = [64, 1], strides = [1, 1]} : vector<64x9xf32> to vector<64x1xf32>
    %mul3A = arith.mulf %slice3A, %slice3A_11 : vector<64x1xf32>
    %slice3A_12 = vector.extract_strided_slice %get3A_10 {offsets = [0, 3], sizes = [64, 1], strides = [1, 1]} : vector<64x9xf32> to vector<64x1xf32>
    %slice3A_13 = vector.extract_strided_slice %get3A_10 {offsets = [0, 3], sizes = [64, 1], strides = [1, 1]} : vector<64x9xf32> to vector<64x1xf32>
    %mul3A_14 = arith.mulf %slice3A_12, %slice3A_13 : vector<64x1xf32>
    %add3A = arith.addf %mul3A, %mul3A_14 : vector<64x1xf32>
    %slice3A_15 = vector.extract_strided_slice %get3A_10 {offsets = [0, 6], sizes = [64, 1], strides = [1, 1]} : vector<64x9xf32> to vector<64x1xf32>
    %slice3A_16 = vector.extract_strided_slice %get3A_10 {offsets = [0, 6], sizes = [64, 1], strides = [1, 1]} : vector<64x9xf32> to vector<64x1xf32>
    %mul3A_17 = arith.mulf %slice3A_15, %slice3A_16 : vector<64x1xf32>
    %add3A_18 = arith.addf %add3A, %mul3A_17 : vector<64x1xf32>
    %slice3A_19 = vector.extract_strided_slice %get3A_10 {offsets = [0, 0], sizes = [64, 1], strides = [1, 1]} : vector<64x9xf32> to vector<64x1xf32>
    %slice3A_20 = vector.extract_strided_slice %get3A_10 {offsets = [0, 1], sizes = [64, 1], strides = [1, 1]} : vector<64x9xf32> to vector<64x1xf32>
    %mul3A_21 = arith.mulf %slice3A_19, %slice3A_20 : vector<64x1xf32>
    %slice3A_22 = vector.extract_strided_slice %get3A_10 {offsets = [0, 3], sizes = [64, 1], strides = [1, 1]} : vector<64x9xf32> to vector<64x1xf32>
    %slice3A_23 = vector.extract_strided_slice %get3A_10 {offsets = [0, 4], sizes = [64, 1], strides = [1, 1]} : vector<64x9xf32> to vector<64x1xf32>
    %mul3A_24 = arith.mulf %slice3A_22, %slice3A_23 : vector<64x1xf32>
    %add3A_25 = arith.addf %mul3A_21, %mul3A_24 : vector<64x1xf32>
    %slice3A_26 = vector.extract_strided_slice %get3A_10 {offsets = [0, 6], sizes = [64, 1], strides = [1, 1]} : vector<64x9xf32> to vector<64x1xf32>
    %slice3A_27 = vector.extract_strided_slice %get3A_10 {offsets = [0, 7], sizes = [64, 1], strides = [1, 1]} : vector<64x9xf32> to vector<64x1xf32>
    %mul3A_28 = arith.mulf %slice3A_26, %slice3A_27 : vector<64x1xf32>
    %add3A_29 = arith.addf %add3A_25, %mul3A_28 : vector<64x1xf32>
    %slice3A_30 = vector.extract_strided_slice %get3A_10 {offsets = [0, 0], sizes = [64, 1], strides = [1, 1]} : vector<64x9xf32> to vector<64x1xf32>
    %slice3A_31 = vector.extract_strided_slice %get3A_10 {offsets = [0, 2], sizes = [64, 1], strides = [1, 1]} : vector<64x9xf32> to vector<64x1xf32>
    %mul3A_32 = arith.mulf %slice3A_30, %slice3A_31 : vector<64x1xf32>
    %slice3A_33 = vector.extract_strided_slice %get3A_10 {offsets = [0, 3], sizes = [64, 1], strides = [1, 1]} : vector<64x9xf32> to vector<64x1xf32>
    %slice3A_34 = vector.extract_strided_slice %get3A_10 {offsets = [0, 5], sizes = [64, 1], strides = [1, 1]} : vector<64x9xf32> to vector<64x1xf32>
    %mul3A_35 = arith.mulf %slice3A_33, %slice3A_34 : vector<64x1xf32>
    %add3A_36 = arith.addf %mul3A_32, %mul3A_35 : vector<64x1xf32>
    %slice3A_37 = vector.extract_strided_slice %get3A_10 {offsets = [0, 6], sizes = [64, 1], strides = [1, 1]} : vector<64x9xf32> to vector<64x1xf32>
    %slice3A_38 = vector.extract_strided_slice %get3A_10 {offsets = [0, 8], sizes = [64, 1], strides = [1, 1]} : vector<64x9xf32> to vector<64x1xf32>
    %mul3A_39 = arith.mulf %slice3A_37, %slice3A_38 : vector<64x1xf32>
    %add3A_40 = arith.addf %add3A_36, %mul3A_39 : vector<64x1xf32>
    %slice3A_41 = vector.extract_strided_slice %get3A_10 {offsets = [0, 1], sizes = [64, 1], strides = [1, 1]} : vector<64x9xf32> to vector<64x1xf32>
    %slice3A_42 = vector.extract_strided_slice %get3A_10 {offsets = [0, 1], sizes = [64, 1], strides = [1, 1]} : vector<64x9xf32> to vector<64x1xf32>
    %mul3A_43 = arith.mulf %slice3A_41, %slice3A_42 : vector<64x1xf32>
    %slice3A_44 = vector.extract_strided_slice %get3A_10 {offsets = [0, 4], sizes = [64, 1], strides = [1, 1]} : vector<64x9xf32> to vector<64x1xf32>
    %slice3A_45 = vector.extract_strided_slice %get3A_10 {offsets = [0, 4], sizes = [64, 1], strides = [1, 1]} : vector<64x9xf32> to vector<64x1xf32>
    %mul3A_46 = arith.mulf %slice3A_44, %slice3A_45 : vector<64x1xf32>
    %add3A_47 = arith.addf %mul3A_43, %mul3A_46 : vector<64x1xf32>
    %slice3A_48 = vector.extract_strided_slice %get3A_10 {offsets = [0, 7], sizes = [64, 1], strides = [1, 1]} : vector<64x9xf32> to vector<64x1xf32>
    %slice3A_49 = vector.extract_strided_slice %get3A_10 {offsets = [0, 7], sizes = [64, 1], strides = [1, 1]} : vector<64x9xf32> to vector<64x1xf32>
    %mul3A_50 = arith.mulf %slice3A_48, %slice3A_49 : vector<64x1xf32>
    %add3A_51 = arith.addf %add3A_47, %mul3A_50 : vector<64x1xf32>
    %slice3A_52 = vector.extract_strided_slice %get3A_10 {offsets = [0, 1], sizes = [64, 1], strides = [1, 1]} : vector<64x9xf32> to vector<64x1xf32>
    %slice3A_53 = vector.extract_strided_slice %get3A_10 {offsets = [0, 2], sizes = [64, 1], strides = [1, 1]} : vector<64x9xf32> to vector<64x1xf32>
    %mul3A_54 = arith.mulf %slice3A_52, %slice3A_53 : vector<64x1xf32>
    %slice3A_55 = vector.extract_strided_slice %get3A_10 {offsets = [0, 4], sizes = [64, 1], strides = [1, 1]} : vector<64x9xf32> to vector<64x1xf32>
    %slice3A_56 = vector.extract_strided_slice %get3A_10 {offsets = [0, 5], sizes = [64, 1], strides = [1, 1]} : vector<64x9xf32> to vector<64x1xf32>
    %mul3A_57 = arith.mulf %slice3A_55, %slice3A_56 : vector<64x1xf32>
    %add3A_58 = arith.addf %mul3A_54, %mul3A_57 : vector<64x1xf32>
    %slice3A_59 = vector.extract_strided_slice %get3A_10 {offsets = [0, 7], sizes = [64, 1], strides = [1, 1]} : vector<64x9xf32> to vector<64x1xf32>
    %slice3A_60 = vector.extract_strided_slice %get3A_10 {offsets = [0, 8], sizes = [64, 1], strides = [1, 1]} : vector<64x9xf32> to vector<64x1xf32>
    %mul3A_61 = arith.mulf %slice3A_59, %slice3A_60 : vector<64x1xf32>
    %add3A_62 = arith.addf %add3A_58, %mul3A_61 : vector<64x1xf32>
    %slice3A_63 = vector.extract_strided_slice %get3A_10 {offsets = [0, 2], sizes = [64, 1], strides = [1, 1]} : vector<64x9xf32> to vector<64x1xf32>
    %slice3A_64 = vector.extract_strided_slice %get3A_10 {offsets = [0, 2], sizes = [64, 1], strides = [1, 1]} : vector<64x9xf32> to vector<64x1xf32>
    %mul3A_65 = arith.mulf %slice3A_63, %slice3A_64 : vector<64x1xf32>
    %slice3A_66 = vector.extract_strided_slice %get3A_10 {offsets = [0, 5], sizes = [64, 1], strides = [1, 1]} : vector<64x9xf32> to vector<64x1xf32>
    %slice3A_67 = vector.extract_strided_slice %get3A_10 {offsets = [0, 5], sizes = [64, 1], strides = [1, 1]} : vector<64x9xf32> to vector<64x1xf32>
    %mul3A_68 = arith.mulf %slice3A_66, %slice3A_67 : vector<64x1xf32>
    %add3A_69 = arith.addf %mul3A_65, %mul3A_68 : vector<64x1xf32>
    %slice3A_70 = vector.extract_strided_slice %get3A_10 {offsets = [0, 8], sizes = [64, 1], strides = [1, 1]} : vector<64x9xf32> to vector<64x1xf32>
    %slice3A_71 = vector.extract_strided_slice %get3A_10 {offsets = [0, 8], sizes = [64, 1], strides = [1, 1]} : vector<64x9xf32> to vector<64x1xf32>
    %mul3A_72 = arith.mulf %slice3A_70, %slice3A_71 : vector<64x1xf32>
    %add3A_73 = arith.addf %add3A_69, %mul3A_72 : vector<64x1xf32>
    %concatenate3A = tpu.concatenate %add3A_18, %add3A_29, %add3A_40, %add3A_51, %add3A_62, %add3A_73 in 1 : vector<64x1xf32>, vector<64x1xf32>, vector<64x1xf32>, vector<64x1xf32>, vector<64x1xf32>, vector<64x1xf32> -> vector<64x6xf32>
    %get3A_74 = arith.constant 0 : index
    %get3A_75 = arith.constant 0 : index
    %get3A_76 = vector.load %arg3[%get3A_74, %get3A_75] : memref<6x128xf32, #tpu.memory_space<vmem>>, vector<6x128xf32>
    %dot_general3A_77 = arith.constant dense<0.000000e+00> : vector<64x128xf32>
    %dot_general3A_78 = tpu.matmul %concatenate3A, %get3A_76, %dot_general3A_77 {dimension_numbers = #tpu.dot_dimension_numbers<[1], [0], [0], [1], [0, 0, 1, 1], [], []>, precision = #tpu.contract_precision<fp32>, transpose_lhs_hint = false} : vector<64x6xf32>, vector<6x128xf32>, vector<64x128xf32> -> vector<64x128xf32>
    %get3A_79 = arith.constant 0 : index
    %get3A_80 = arith.constant 0 : index
    %get3A_81 = vector.load %arg4[%get3A_79, %get3A_80] : memref<1x128xf32, #tpu.memory_space<vmem>>, vector<1x128xf32>
    %add3A_82 = vector.broadcast %get3A_81 : vector<1x128xf32> to vector<64x128xf32>
    %add3A_83 = arith.addf %dot_general3A_78, %add3A_82 : vector<64x128xf32>
    %swap3A_84 = arith.constant 0 : index
    %swap3A_85 = arith.constant 0 : index
    %swap3A_86 = vector.load %arg6[%swap3A_84, %swap3A_85] : memref<64x128xf32, #tpu.memory_space<vmem>>, vector<64x128xf32>
    tpu.vector_store %arg6[%swap3A_84, %swap3A_85], %add3A_83 {strides = array<i32>} : memref<64x128xf32, #tpu.memory_space<vmem>>, vector<64x128xf32>,
    return
  }
}

module attributes {stable_mosaic.version = 14 : i64} {
  func.func @_k2_body(%arg0: i32, %arg1: memref<512x16xf32, #tpu.memory_space<vmem>>, %arg2: memref<16x192xf32, #tpu.memory_space<vmem>>, %arg3: memref<1x192xf32, #tpu.memory_space<vmem>>, %arg4: memref<192x128xf32, #tpu.memory_space<vmem>>, %arg5: memref<192x128xf32, #tpu.memory_space<vmem>>, %arg6: memref<1x128xf32, #tpu.memory_space<vmem>>, %arg7: memref<512x128xf32, #tpu.memory_space<vmem>>) attributes {dimension_semantics = [#tpu.dimension_semantics<arbitrary>], iteration_bounds = array<i64: 625>, scalar_prefetch = 0 : i64, scratch_operands = 0 : i64, tpu.core_type = #tpu.core_type<tc>, window_params = [{transform_indices = @transform_0, window_bounds = array<i64: 512, 16>}, {pipeline_mode = #tpu.pipeline_mode<synchronous>, transform_indices = @transform_1, window_bounds = array<i64: 16, 192>}, {pipeline_mode = #tpu.pipeline_mode<synchronous>, transform_indices = @transform_2, window_bounds = array<i64: 1, 192>}, {pipeline_mode = #tpu.pipeline_mode<synchronous>, transform_indices = @transform_3, window_bounds = array<i64: 192, 128>}, {pipeline_mode = #tpu.pipeline_mode<synchronous>, transform_indices = @transform_4, window_bounds = array<i64: 192, 128>}, {pipeline_mode = #tpu.pipeline_mode<synchronous>, transform_indices = @transform_5, window_bounds = array<i64: 1, 128>}, {transform_indices = @transform_6, window_bounds = array<i64: 512, 128>}]} {
    %get3A = arith.constant 0 : index
    %get3A_0 = arith.constant 0 : index
    %get3A_1 = vector.load %arg1[%get3A, %get3A_0] : memref<512x16xf32, #tpu.memory_space<vmem>>, vector<512x16xf32>
    %get3A_2 = arith.constant 0 : index
    %get3A_3 = arith.constant 0 : index
    %get3A_4 = vector.load %arg2[%get3A_2, %get3A_3] : memref<16x192xf32, #tpu.memory_space<vmem>>, vector<16x192xf32>
    %dot_general3A = arith.constant dense<0.000000e+00> : vector<512x192xf32>
    %dot_general3A_5 = tpu.matmul %get3A_1, %get3A_4, %dot_general3A {dimension_numbers = #tpu.dot_dimension_numbers<[1], [0], [0], [1], [0, 0, 1, 1], [], []>, transpose_lhs_hint = false} : vector<512x16xf32>, vector<16x192xf32>, vector<512x192xf32> -> vector<512x192xf32>
    %get3A_6 = arith.constant 0 : index
    %get3A_7 = arith.constant 0 : index
    %get3A_8 = vector.load %arg3[%get3A_6, %get3A_7] : memref<1x192xf32, #tpu.memory_space<vmem>>, vector<1x192xf32>
    %mul3A = vector.broadcast %get3A_8 : vector<1x192xf32> to vector<512x192xf32>
    %mul3A_9 = arith.mulf %dot_general3A_5, %mul3A : vector<512x192xf32>
    %add3A = arith.constant 5.000000e-01 : f32
    %add3A_10 = vector.broadcast %add3A : f32 to vector<512x192xf32>
    %add3A_11 = arith.addf %mul3A_9, %add3A_10 : vector<512x192xf32>
    %convert_element_type3A = arith.fptosi %add3A_11 : vector<512x192xf32> to vector<512x192xi32>
    %convert_element_type3A_12 = arith.sitofp %convert_element_type3A : vector<512x192xi32> to vector<512x192xf32>
    %sub3A = arith.subf %mul3A_9, %convert_element_type3A_12 : vector<512x192xf32>
    %mul3A_13 = arith.mulf %sub3A, %sub3A : vector<512x192xf32>
    %broadcast_in_dim3A = arith.constant -0.617978096 : f32
    %broadcast_in_dim3A_14 = vector.broadcast %broadcast_in_dim3A : f32 to vector<512x192xf32>
    %mul3A_15 = arith.mulf %broadcast_in_dim3A_14, %mul3A_13 : vector<512x192xf32>
    %add3A_16 = arith.constant 3.77855229 : f32
    %add3A_17 = vector.broadcast %add3A_16 : f32 to vector<512x192xf32>
    %add3A_18 = arith.addf %mul3A_15, %add3A_17 : vector<512x192xf32>
    %mul3A_19 = arith.mulf %add3A_18, %mul3A_13 : vector<512x192xf32>
    %add3A_20 = arith.constant -15.085474 : f32
    %add3A_21 = vector.broadcast %add3A_20 : f32 to vector<512x192xf32>
    %add3A_22 = arith.addf %mul3A_19, %add3A_21 : vector<512x192xf32>
    %mul3A_23 = arith.mulf %add3A_22, %mul3A_13 : vector<512x192xf32>
    %add3A_24 = arith.constant 42.0575333 : f32
    %add3A_25 = vector.broadcast %add3A_24 : f32 to vector<512x192xf32>
    %add3A_26 = arith.addf %mul3A_23, %add3A_25 : vector<512x192xf32>
    %mul3A_27 = arith.mulf %add3A_26, %mul3A_13 : vector<512x192xf32>
    %add3A_28 = arith.constant -76.70578 : f32
    %add3A_29 = vector.broadcast %add3A_28 : f32 to vector<512x192xf32>
    %add3A_30 = arith.addf %mul3A_27, %add3A_29 : vector<512x192xf32>
    %mul3A_31 = arith.mulf %add3A_30, %mul3A_13 : vector<512x192xf32>
    %add3A_32 = arith.constant 81.6052475 : f32
    %add3A_33 = vector.broadcast %add3A_32 : f32 to vector<512x192xf32>
    %add3A_34 = arith.addf %mul3A_31, %add3A_33 : vector<512x192xf32>
    %mul3A_35 = arith.mulf %add3A_34, %mul3A_13 : vector<512x192xf32>
    %add3A_36 = arith.constant -4.134170e+01 : f32
    %add3A_37 = vector.broadcast %add3A_36 : f32 to vector<512x192xf32>
    %add3A_38 = arith.addf %mul3A_35, %add3A_37 : vector<512x192xf32>
    %mul3A_39 = arith.mulf %add3A_38, %mul3A_13 : vector<512x192xf32>
    %add3A_40 = arith.constant 6.28318548 : f32
    %add3A_41 = vector.broadcast %add3A_40 : f32 to vector<512x192xf32>
    %add3A_42 = arith.addf %mul3A_39, %add3A_41 : vector<512x192xf32>
    %mul3A_43 = arith.mulf %add3A_42, %sub3A : vector<512x192xf32>
    %broadcast_in_dim3A_44 = arith.constant 0.24478738 : f32
    %broadcast_in_dim3A_45 = vector.broadcast %broadcast_in_dim3A_44 : f32 to vector<512x192xf32>
    %mul3A_46 = arith.mulf %broadcast_in_dim3A_45, %mul3A_13 : vector<512x192xf32>
    %add3A_47 = arith.constant -1.69785023 : f32
    %add3A_48 = vector.broadcast %add3A_47 : f32 to vector<512x192xf32>
    %add3A_49 = arith.addf %mul3A_46, %add3A_48 : vector<512x192xf32>
    %mul3A_50 = arith.mulf %add3A_49, %mul3A_13 : vector<512x192xf32>
    %add3A_51 = arith.constant 7.89953566 : f32
    %add3A_52 = vector.broadcast %add3A_51 : f32 to vector<512x192xf32>
    %add3A_53 = arith.addf %mul3A_50, %add3A_52 : vector<512x192xf32>
    %mul3A_54 = arith.mulf %add3A_53, %mul3A_13 : vector<512x192xf32>
    %add3A_55 = arith.constant -26.4256916 : f32
    %add3A_56 = vector.broadcast %add3A_55 : f32 to vector<512x192xf32>
    %add3A_57 = arith.addf %mul3A_54, %add3A_56 : vector<512x192xf32>
    %mul3A_58 = arith.mulf %add3A_57, %mul3A_13 : vector<512x192xf32>
    %add3A_59 = arith.constant 60.2445946 : f32
    %add3A_60 = vector.broadcast %add3A_59 : f32 to vector<512x192xf32>
    %add3A_61 = arith.addf %mul3A_58, %add3A_60 : vector<512x192xf32>
    %mul3A_62 = arith.mulf %add3A_61, %mul3A_13 : vector<512x192xf32>
    %add3A_63 = arith.constant -85.4568176 : f32
    %add3A_64 = vector.broadcast %add3A_63 : f32 to vector<512x192xf32>
    %add3A_65 = arith.addf %mul3A_62, %add3A_64 : vector<512x192xf32>
    %mul3A_66 = arith.mulf %add3A_65, %mul3A_13 : vector<512x192xf32>
    %add3A_67 = arith.constant 64.9393921 : f32
    %add3A_68 = vector.broadcast %add3A_67 : f32 to vector<512x192xf32>
    %add3A_69 = arith.addf %mul3A_66, %add3A_68 : vector<512x192xf32>
    %mul3A_70 = arith.mulf %add3A_69, %mul3A_13 : vector<512x192xf32>
    %add3A_71 = arith.constant -19.7392082 : f32
    %add3A_72 = vector.broadcast %add3A_71 : f32 to vector<512x192xf32>
    %add3A_73 = arith.addf %mul3A_70, %add3A_72 : vector<512x192xf32>
    %mul3A_74 = arith.mulf %add3A_73, %mul3A_13 : vector<512x192xf32>
    %add3A_75 = arith.constant 1.000000e+00 : f32
    %add3A_76 = vector.broadcast %add3A_75 : f32 to vector<512x192xf32>
    %add3A_77 = arith.addf %mul3A_74, %add3A_76 : vector<512x192xf32>
    %get3A_78 = arith.constant 0 : index
    %get3A_79 = arith.constant 0 : index
    %get3A_80 = vector.load %arg4[%get3A_78, %get3A_79] : memref<192x128xf32, #tpu.memory_space<vmem>>, vector<192x128xf32>
    %dot_general3A_81 = arith.constant dense<0.000000e+00> : vector<512x128xf32>
    %dot_general3A_82 = tpu.matmul %mul3A_43, %get3A_80, %dot_general3A_81 {dimension_numbers = #tpu.dot_dimension_numbers<[1], [0], [0], [1], [0, 0, 1, 1], [], []>, transpose_lhs_hint = false} : vector<512x192xf32>, vector<192x128xf32>, vector<512x128xf32> -> vector<512x128xf32>
    %get3A_83 = arith.constant 0 : index
    %get3A_84 = arith.constant 0 : index
    %get3A_85 = vector.load %arg5[%get3A_83, %get3A_84] : memref<192x128xf32, #tpu.memory_space<vmem>>, vector<192x128xf32>
    %dot_general3A_86 = arith.constant dense<0.000000e+00> : vector<512x128xf32>
    %dot_general3A_87 = tpu.matmul %add3A_77, %get3A_85, %dot_general3A_86 {dimension_numbers = #tpu.dot_dimension_numbers<[1], [0], [0], [1], [0, 0, 1, 1], [], []>, transpose_lhs_hint = false} : vector<512x192xf32>, vector<192x128xf32>, vector<512x128xf32> -> vector<512x128xf32>
    %add3A_88 = arith.addf %dot_general3A_82, %dot_general3A_87 : vector<512x128xf32>
    %get3A_89 = arith.constant 0 : index
    %get3A_90 = arith.constant 0 : index
    %get3A_91 = vector.load %arg6[%get3A_89, %get3A_90] : memref<1x128xf32, #tpu.memory_space<vmem>>, vector<1x128xf32>
    %add3A_92 = vector.broadcast %get3A_91 : vector<1x128xf32> to vector<512x128xf32>
    %add3A_93 = arith.addf %add3A_88, %add3A_92 : vector<512x128xf32>
    %swap3A = arith.constant 0 : index
    %swap3A_94 = arith.constant 0 : index
    %swap3A_95 = vector.load %arg7[%swap3A, %swap3A_94] : memref<512x128xf32, #tpu.memory_space<vmem>>, vector<512x128xf32>
    tpu.vector_store %arg7[%swap3A, %swap3A_94], %add3A_93 {strides = array<i32>} : memref<512x128xf32, #tpu.memory_space<vmem>>, vector<512x128xf32>,
    return
  }
  func.func @transform_0(%arg0: i32) -> (i32, i32) {
    %c0_i32 = arith.constant 0 : i32
    %c0_i32_0 = arith.constant 0 : i32
    return %arg0, %c0_i32 : i32, i32
  }
  func.func @transform_1(%arg0: i32) -> (i32, i32) {
    %c0_i32 = arith.constant 0 : i32
    %c0_i32_0 = arith.constant 0 : i32
    %c0_i32_1 = arith.constant 0 : i32
    return %c0_i32, %c0_i32_0 : i32, i32
  }
  func.func @transform_2(%arg0: i32) -> (i32, i32) {
    %c0_i32 = arith.constant 0 : i32
    %c0_i32_0 = arith.constant 0 : i32
    %c0_i32_1 = arith.constant 0 : i32
    return %c0_i32, %c0_i32_0 : i32, i32
  }
  func.func @transform_3(%arg0: i32) -> (i32, i32) {
    %c0_i32 = arith.constant 0 : i32
    %c0_i32_0 = arith.constant 0 : i32
    %c0_i32_1 = arith.constant 0 : i32
    return %c0_i32, %c0_i32_0 : i32, i32
  }
  func.func @transform_4(%arg0: i32) -> (i32, i32) {
    %c0_i32 = arith.constant 0 : i32
    %c0_i32_0 = arith.constant 0 : i32
    %c0_i32_1 = arith.constant 0 : i32
    return %c0_i32, %c0_i32_0 : i32, i32
  }
  func.func @transform_5(%arg0: i32) -> (i32, i32) {
    %c0_i32 = arith.constant 0 : i32
    %c0_i32_0 = arith.constant 0 : i32
    %c0_i32_1 = arith.constant 0 : i32
    return %c0_i32, %c0_i32_0 : i32, i32
  }
  func.func @transform_6(%arg0: i32) -> (i32, i32) {
    %c0_i32 = arith.constant 0 : i32
    %c0_i32_0 = arith.constant 0 : i32
    return %arg0, %c0_i32 : i32, i32
  }
}

module attributes {stable_mosaic.version = 14 : i64} {
  func.func @_k4_body(%arg0: i32, %arg1: memref<512x128xf32, #tpu.memory_space<vmem>>, %arg2: memref<512x128xf32, #tpu.memory_space<vmem>>, %arg3: memref<512x128xf32, #tpu.memory_space<vmem>>, %arg4: memref<128x128xf32, #tpu.memory_space<vmem>>, %arg5: memref<128x128xf32, #tpu.memory_space<vmem>>, %arg6: memref<128x128xf32, #tpu.memory_space<vmem>>, %arg7: memref<1x128xf32, #tpu.memory_space<vmem>>, %arg8: memref<128x128xf32, #tpu.memory_space<vmem>>, %arg9: memref<128x128xf32, #tpu.memory_space<vmem>>, %arg10: memref<1x128xf32, #tpu.memory_space<vmem>>, %arg11: memref<128x128xf32, #tpu.memory_space<vmem>>, %arg12: memref<128x128xf32, #tpu.memory_space<vmem>>, %arg13: memref<1x128xf32, #tpu.memory_space<vmem>>, %arg14: memref<512x128xf32, #tpu.memory_space<vmem>>, %arg15: memref<512x128xf32, #tpu.memory_space<vmem>>) attributes {dimension_semantics = [#tpu.dimension_semantics<arbitrary>], iteration_bounds = array<i64: 625>, scalar_prefetch = 0 : i64, scratch_operands = 0 : i64, tpu.core_type = #tpu.core_type<tc>, window_params = [{transform_indices = @transform_0, window_bounds = array<i64: 512, 128>}, {transform_indices = @transform_1, window_bounds = array<i64: 512, 128>}, {transform_indices = @transform_2, window_bounds = array<i64: 512, 128>}, {pipeline_mode = #tpu.pipeline_mode<synchronous>, transform_indices = @transform_3, window_bounds = array<i64: 128, 128>}, {pipeline_mode = #tpu.pipeline_mode<synchronous>, transform_indices = @transform_4, window_bounds = array<i64: 128, 128>}, {pipeline_mode = #tpu.pipeline_mode<synchronous>, transform_indices = @transform_5, window_bounds = array<i64: 128, 128>}, {pipeline_mode = #tpu.pipeline_mode<synchronous>, transform_indices = @transform_6, window_bounds = array<i64: 1, 128>}, {pipeline_mode = #tpu.pipeline_mode<synchronous>, transform_indices = @transform_7, window_bounds = array<i64: 128, 128>}, {pipeline_mode = #tpu.pipeline_mode<synchronous>, transform_indices = @transform_8, window_bounds = array<i64: 128, 128>}, {pipeline_mode = #tpu.pipeline_mode<synchronous>, transform_indices = @transform_9, window_bounds = array<i64: 1, 128>}, {pipeline_mode = #tpu.pipeline_mode<synchronous>, transform_indices = @transform_10, window_bounds = array<i64: 128, 128>}, {pipeline_mode = #tpu.pipeline_mode<synchronous>, transform_indices = @transform_11, window_bounds = array<i64: 128, 128>}, {pipeline_mode = #tpu.pipeline_mode<synchronous>, transform_indices = @transform_12, window_bounds = array<i64: 1, 128>}, {transform_indices = @transform_13, window_bounds = array<i64: 512, 128>}, {transform_indices = @transform_14, window_bounds = array<i64: 512, 128>}]} {
    %get3A = arith.constant 0 : index
    %get3A_0 = arith.constant 0 : index
    %get3A_1 = vector.load %arg1[%get3A, %get3A_0] : memref<512x128xf32, #tpu.memory_space<vmem>>, vector<512x128xf32>
    %get3A_2 = arith.constant 0 : index
    %get3A_3 = arith.constant 0 : index
    %get3A_4 = vector.load %arg2[%get3A_2, %get3A_3] : memref<512x128xf32, #tpu.memory_space<vmem>>, vector<512x128xf32>
    %get3A_5 = arith.constant 0 : index
    %get3A_6 = arith.constant 0 : index
    %get3A_7 = vector.load %arg3[%get3A_5, %get3A_6] : memref<512x128xf32, #tpu.memory_space<vmem>>, vector<512x128xf32>
    %get3A_8 = arith.constant 0 : index
    %get3A_9 = arith.constant 0 : index
    %get3A_10 = vector.load %arg5[%get3A_8, %get3A_9] : memref<128x128xf32, #tpu.memory_space<vmem>>, vector<128x128xf32>
    %dot_general3A = arith.constant dense<0.000000e+00> : vector<512x128xf32>
    %dot_general3A_11 = tpu.matmul %get3A_1, %get3A_10, %dot_general3A {dimension_numbers = #tpu.dot_dimension_numbers<[1], [0], [0], [1], [0, 0, 1, 1], [], []>, transpose_lhs_hint = false} : vector<512x128xf32>, vector<128x128xf32>, vector<512x128xf32> -> vector<512x128xf32>
    %get3A_12 = arith.constant 0 : index
    %get3A_13 = arith.constant 0 : index
    %get3A_14 = vector.load %arg6[%get3A_12, %get3A_13] : memref<128x128xf32, #tpu.memory_space<vmem>>, vector<128x128xf32>
    %dot_general3A_15 = arith.constant dense<0.000000e+00> : vector<512x128xf32>
    %dot_general3A_16 = tpu.matmul %get3A_7, %get3A_14, %dot_general3A_15 {dimension_numbers = #tpu.dot_dimension_numbers<[1], [0], [0], [1], [0, 0, 1, 1], [], []>, transpose_lhs_hint = false} : vector<512x128xf32>, vector<128x128xf32>, vector<512x128xf32> -> vector<512x128xf32>
    %add3A = arith.addf %dot_general3A_11, %dot_general3A_16 : vector<512x128xf32>
    %get3A_17 = arith.constant 0 : index
    %get3A_18 = arith.constant 0 : index
    %get3A_19 = vector.load %arg7[%get3A_17, %get3A_18] : memref<1x128xf32, #tpu.memory_space<vmem>>, vector<1x128xf32>
    %add3A_20 = vector.broadcast %get3A_19 : vector<1x128xf32> to vector<512x128xf32>
    %add3A_21 = arith.addf %add3A, %add3A_20 : vector<512x128xf32>
    %get3A_22 = arith.constant 0 : index
    %get3A_23 = arith.constant 0 : index
    %get3A_24 = vector.load %arg8[%get3A_22, %get3A_23] : memref<128x128xf32, #tpu.memory_space<vmem>>, vector<128x128xf32>
    %dot_general3A_25 = arith.constant dense<0.000000e+00> : vector<512x128xf32>
    %dot_general3A_26 = tpu.matmul %get3A_4, %get3A_24, %dot_general3A_25 {dimension_numbers = #tpu.dot_dimension_numbers<[1], [0], [0], [1], [0, 0, 1, 1], [], []>, transpose_lhs_hint = false} : vector<512x128xf32>, vector<128x128xf32>, vector<512x128xf32> -> vector<512x128xf32>
    %get3A_27 = arith.constant 0 : index
    %get3A_28 = arith.constant 0 : index
    %get3A_29 = vector.load %arg9[%get3A_27, %get3A_28] : memref<128x128xf32, #tpu.memory_space<vmem>>, vector<128x128xf32>
    %dot_general3A_30 = arith.constant dense<0.000000e+00> : vector<512x128xf32>
    %dot_general3A_31 = tpu.matmul %get3A_7, %get3A_29, %dot_general3A_30 {dimension_numbers = #tpu.dot_dimension_numbers<[1], [0], [0], [1], [0, 0, 1, 1], [], []>, transpose_lhs_hint = false} : vector<512x128xf32>, vector<128x128xf32>, vector<512x128xf32> -> vector<512x128xf32>
    %add3A_32 = arith.addf %dot_general3A_26, %dot_general3A_31 : vector<512x128xf32>
    %get3A_33 = arith.constant 0 : index
    %get3A_34 = arith.constant 0 : index
    %get3A_35 = vector.load %arg10[%get3A_33, %get3A_34] : memref<1x128xf32, #tpu.memory_space<vmem>>, vector<1x128xf32>
    %add3A_36 = vector.broadcast %get3A_35 : vector<1x128xf32> to vector<512x128xf32>
    %add3A_37 = arith.addf %add3A_32, %add3A_36 : vector<512x128xf32>
    %get3A_38 = arith.constant 0 : index
    %get3A_39 = arith.constant 0 : index
    %get3A_40 = vector.load %arg11[%get3A_38, %get3A_39] : memref<128x128xf32, #tpu.memory_space<vmem>>, vector<128x128xf32>
    %dot_general3A_41 = arith.constant dense<0.000000e+00> : vector<512x128xf32>
    %dot_general3A_42 = tpu.matmul %get3A_4, %get3A_40, %dot_general3A_41 {dimension_numbers = #tpu.dot_dimension_numbers<[1], [0], [0], [1], [0, 0, 1, 1], [], []>, transpose_lhs_hint = false} : vector<512x128xf32>, vector<128x128xf32>, vector<512x128xf32> -> vector<512x128xf32>
    %get3A_43 = arith.constant 0 : index
    %get3A_44 = arith.constant 0 : index
    %get3A_45 = vector.load %arg12[%get3A_43, %get3A_44] : memref<128x128xf32, #tpu.memory_space<vmem>>, vector<128x128xf32>
    %dot_general3A_46 = arith.constant dense<0.000000e+00> : vector<512x128xf32>
    %dot_general3A_47 = tpu.matmul %get3A_7, %get3A_45, %dot_general3A_46 {dimension_numbers = #tpu.dot_dimension_numbers<[1], [0], [0], [1], [0, 0, 1, 1], [], []>, transpose_lhs_hint = false} : vector<512x128xf32>, vector<128x128xf32>, vector<512x128xf32> -> vector<512x128xf32>
    %add3A_48 = arith.addf %dot_general3A_42, %dot_general3A_47 : vector<512x128xf32>
    %get3A_49 = arith.constant 0 : index
    %get3A_50 = arith.constant 0 : index
    %get3A_51 = vector.load %arg13[%get3A_49, %get3A_50] : memref<1x128xf32, #tpu.memory_space<vmem>>, vector<1x128xf32>
    %add3A_52 = vector.broadcast %get3A_51 : vector<1x128xf32> to vector<512x128xf32>
    %add3A_53 = arith.addf %add3A_48, %add3A_52 : vector<512x128xf32>
    %mul3A = arith.mulf %add3A_21, %add3A_37 : vector<512x128xf32>
    %get3A_54 = arith.constant 0 : index
    %get3A_55 = arith.constant 0 : index
    %get3A_56 = vector.load %arg4[%get3A_54, %get3A_55] : memref<128x128xf32, #tpu.memory_space<vmem>>, vector<128x128xf32>
    %dot_general3A_57 = arith.constant dense<0.000000e+00> : vector<512x128xf32>
    %dot_general3A_58 = tpu.matmul %mul3A, %get3A_56, %dot_general3A_57 {dimension_numbers = #tpu.dot_dimension_numbers<[1], [0], [0], [1], [0, 0, 1, 1], [], []>, transpose_lhs_hint = false} : vector<512x128xf32>, vector<128x128xf32>, vector<512x128xf32> -> vector<512x128xf32>
    %min3A = arith.constant 6.000000e+01 : f32
    %min3A_59 = vector.broadcast %min3A : f32 to vector<512x128xf32>
    %min3A_60 = arith.minimumf %dot_general3A_58, %min3A_59 : vector<512x128xf32>
    %exp3A = math.exp %min3A_60 : vector<512x128xf32>
    %mul3A_61 = arith.mulf %exp3A, %add3A_53 : vector<512x128xf32>
    %swap3A = arith.constant 0 : index
    %swap3A_62 = arith.constant 0 : index
    %swap3A_63 = vector.load %arg14[%swap3A, %swap3A_62] : memref<512x128xf32, #tpu.memory_space<vmem>>, vector<512x128xf32>
    tpu.vector_store %arg14[%swap3A, %swap3A_62], %mul3A_61 {strides = array<i32>} : memref<512x128xf32, #tpu.memory_space<vmem>>, vector<512x128xf32>,
    %swap3A_64 = arith.constant 0 : index
    %swap3A_65 = arith.constant 0 : index
    %swap3A_66 = vector.load %arg15[%swap3A_64, %swap3A_65] : memref<512x128xf32, #tpu.memory_space<vmem>>, vector<512x128xf32>
    tpu.vector_store %arg15[%swap3A_64, %swap3A_65], %exp3A {strides = array<i32>} : memref<512x128xf32, #tpu.memory_space<vmem>>, vector<512x128xf32>,
    return
  }
  func.func @transform_0(%arg0: i32) -> (i32, i32) {
    %c0_i32 = arith.constant 0 : i32
    %c0_i32_0 = arith.constant 0 : i32
    return %arg0, %c0_i32 : i32, i32
  }
  func.func @transform_1(%arg0: i32) -> (i32, i32) {
    %c0_i32 = arith.constant 0 : i32
    %c0_i32_0 = arith.constant 0 : i32
    return %arg0, %c0_i32 : i32, i32
  }
  func.func @transform_2(%arg0: i32) -> (i32, i32) {
    %c0_i32 = arith.constant 0 : i32
    %c0_i32_0 = arith.constant 0 : i32
    return %arg0, %c0_i32 : i32, i32
  }
  func.func @transform_3(%arg0: i32) -> (i32, i32) {
    %c0_i32 = arith.constant 0 : i32
    %c0_i32_0 = arith.constant 0 : i32
    %c0_i32_1 = arith.constant 0 : i32
    return %c0_i32, %c0_i32_0 : i32, i32
  }
  func.func @transform_4(%arg0: i32) -> (i32, i32) {
    %c0_i32 = arith.constant 0 : i32
    %c0_i32_0 = arith.constant 0 : i32
    %c0_i32_1 = arith.constant 0 : i32
    return %c0_i32, %c0_i32_0 : i32, i32
  }
  func.func @transform_5(%arg0: i32) -> (i32, i32) {
    %c0_i32 = arith.constant 0 : i32
    %c0_i32_0 = arith.constant 0 : i32
    %c0_i32_1 = arith.constant 0 : i32
    return %c0_i32, %c0_i32_0 : i32, i32
  }
  func.func @transform_6(%arg0: i32) -> (i32, i32) {
    %c0_i32 = arith.constant 0 : i32
    %c0_i32_0 = arith.constant 0 : i32
    %c0_i32_1 = arith.constant 0 : i32
    return %c0_i32, %c0_i32_0 : i32, i32
  }
  func.func @transform_7(%arg0: i32) -> (i32, i32) {
    %c0_i32 = arith.constant 0 : i32
    %c0_i32_0 = arith.constant 0 : i32
    %c0_i32_1 = arith.constant 0 : i32
    return %c0_i32, %c0_i32_0 : i32, i32
  }
  func.func @transform_8(%arg0: i32) -> (i32, i32) {
    %c0_i32 = arith.constant 0 : i32
    %c0_i32_0 = arith.constant 0 : i32
    %c0_i32_1 = arith.constant 0 : i32
    return %c0_i32, %c0_i32_0 : i32, i32
  }
  func.func @transform_9(%arg0: i32) -> (i32, i32) {
    %c0_i32 = arith.constant 0 : i32
    %c0_i32_0 = arith.constant 0 : i32
    %c0_i32_1 = arith.constant 0 : i32
    return %c0_i32, %c0_i32_0 : i32, i32
  }
  func.func @transform_10(%arg0: i32) -> (i32, i32) {
    %c0_i32 = arith.constant 0 : i32
    %c0_i32_0 = arith.constant 0 : i32
    %c0_i32_1 = arith.constant 0 : i32
    return %c0_i32, %c0_i32_0 : i32, i32
  }
  func.func @transform_11(%arg0: i32) -> (i32, i32) {
    %c0_i32 = arith.constant 0 : i32
    %c0_i32_0 = arith.constant 0 : i32
    %c0_i32_1 = arith.constant 0 : i32
    return %c0_i32, %c0_i32_0 : i32, i32
  }
  func.func @transform_12(%arg0: i32) -> (i32, i32) {
    %c0_i32 = arith.constant 0 : i32
    %c0_i32_0 = arith.constant 0 : i32
    %c0_i32_1 = arith.constant 0 : i32
    return %c0_i32, %c0_i32_0 : i32, i32
  }
  func.func @transform_13(%arg0: i32) -> (i32, i32) {
    %c0_i32 = arith.constant 0 : i32
    %c0_i32_0 = arith.constant 0 : i32
    return %arg0, %c0_i32 : i32, i32
  }
  func.func @transform_14(%arg0: i32) -> (i32, i32) {
    %c0_i32 = arith.constant 0 : i32
    %c0_i32_0 = arith.constant 0 : i32
    return %arg0, %c0_i32 : i32, i32
  }
}

module attributes {stable_mosaic.version = 14 : i64} {
  func.func @_k6_body(%arg0: i32, %arg1: memref<2048x128xf32, #tpu.memory_space<vmem>>, %arg2: memref<2048x128xf32, #tpu.memory_space<vmem>>, %arg3: memref<2048x128xf32, #tpu.memory_space<vmem>>, %arg4: memref<2048x128xf32, #tpu.memory_space<vmem>>, %arg5: memref<2048x128xf32, #tpu.memory_space<vmem>>, %arg6: memref<128x128xf32, #tpu.memory_space<vmem>>, %arg7: memref<1x128xf32, #tpu.memory_space<vmem>>, %arg8: memref<1x128xf32, #tpu.memory_space<vmem>>, %arg9: memref<1x128xf32, #tpu.memory_space<vmem>>, %arg10: memref<128x512xf32, #tpu.memory_space<vmem>>, %arg11: memref<1x512xf32, #tpu.memory_space<vmem>>, %arg12: memref<512x128xf32, #tpu.memory_space<vmem>>, %arg13: memref<1x128xf32, #tpu.memory_space<vmem>>, %arg14: memref<1x128xf32, #tpu.memory_space<vmem>>, %arg15: memref<1x128xf32, #tpu.memory_space<vmem>>, %arg16: memref<2048x128xf32, #tpu.memory_space<vmem>>) attributes {dimension_semantics = [#tpu.dimension_semantics<arbitrary>], iteration_bounds = array<i64: 5>, scalar_prefetch = 0 : i64, scratch_operands = 0 : i64, tpu.core_type = #tpu.core_type<tc>, window_params = [{transform_indices = @transform_0, window_bounds = array<i64: 2048, 128>}, {transform_indices = @transform_1, window_bounds = array<i64: 2048, 128>}, {transform_indices = @transform_2, window_bounds = array<i64: 2048, 128>}, {transform_indices = @transform_3, window_bounds = array<i64: 2048, 128>}, {transform_indices = @transform_4, window_bounds = array<i64: 2048, 128>}, {pipeline_mode = #tpu.pipeline_mode<synchronous>, transform_indices = @transform_5, window_bounds = array<i64: 128, 128>}, {pipeline_mode = #tpu.pipeline_mode<synchronous>, transform_indices = @transform_6, window_bounds = array<i64: 1, 128>}, {pipeline_mode = #tpu.pipeline_mode<synchronous>, transform_indices = @transform_7, window_bounds = array<i64: 1, 128>}, {pipeline_mode = #tpu.pipeline_mode<synchronous>, transform_indices = @transform_8, window_bounds = array<i64: 1, 128>}, {pipeline_mode = #tpu.pipeline_mode<synchronous>, transform_indices = @transform_9, window_bounds = array<i64: 128, 512>}, {pipeline_mode = #tpu.pipeline_mode<synchronous>, transform_indices = @transform_10, window_bounds = array<i64: 1, 512>}, {pipeline_mode = #tpu.pipeline_mode<synchronous>, transform_indices = @transform_11, window_bounds = array<i64: 512, 128>}, {pipeline_mode = #tpu.pipeline_mode<synchronous>, transform_indices = @transform_12, window_bounds = array<i64: 1, 128>}, {pipeline_mode = #tpu.pipeline_mode<synchronous>, transform_indices = @transform_13, window_bounds = array<i64: 1, 128>}, {pipeline_mode = #tpu.pipeline_mode<synchronous>, transform_indices = @transform_14, window_bounds = array<i64: 1, 128>}, {transform_indices = @transform_15, window_bounds = array<i64: 2048, 128>}]} {
    %get3A = arith.constant 0 : index
    %get3A_0 = arith.constant 0 : index
    %get3A_1 = vector.load %arg4[%get3A, %get3A_0] : memref<2048x128xf32, #tpu.memory_space<vmem>>, vector<2048x128xf32>
    %get3A_2 = arith.constant 0 : index
    %get3A_3 = arith.constant 0 : index
    %get3A_4 = vector.load %arg5[%get3A_2, %get3A_3] : memref<2048x128xf32, #tpu.memory_space<vmem>>, vector<2048x128xf32>
    %add3A = arith.addf %get3A_1, %get3A_4 : vector<2048x128xf32>
    %get3A_5 = arith.constant 0 : index
    %get3A_6 = arith.constant 0 : index
    %get3A_7 = vector.load %arg2[%get3A_5, %get3A_6] : memref<2048x128xf32, #tpu.memory_space<vmem>>, vector<2048x128xf32>
    %get3A_8 = arith.constant 0 : index
    %get3A_9 = arith.constant 0 : index
    %get3A_10 = vector.load %arg3[%get3A_8, %get3A_9] : memref<2048x128xf32, #tpu.memory_space<vmem>>, vector<2048x128xf32>
    %add3A_11 = arith.addf %get3A_7, %get3A_10 : vector<2048x128xf32>
    %add3A_12 = arith.constant 1.000000e-16 : f32
    %add3A_13 = vector.broadcast %add3A_12 : f32 to vector<2048x128xf32>
    %add3A_14 = arith.addf %add3A, %add3A_13 : vector<2048x128xf32>
    %div3A = arith.divf %add3A_11, %add3A_14 : vector<2048x128xf32>
    %get3A_15 = arith.constant 0 : index
    %get3A_16 = arith.constant 0 : index
    %get3A_17 = vector.load %arg6[%get3A_15, %get3A_16] : memref<128x128xf32, #tpu.memory_space<vmem>>, vector<128x128xf32>
    %dot_general3A = arith.constant dense<0.000000e+00> : vector<2048x128xf32>
    %dot_general3A_18 = tpu.matmul %div3A, %get3A_17, %dot_general3A {dimension_numbers = #tpu.dot_dimension_numbers<[1], [0], [0], [1], [0, 0, 1, 1], [], []>, transpose_lhs_hint = false} : vector<2048x128xf32>, vector<128x128xf32>, vector<2048x128xf32> -> vector<2048x128xf32>
    %get3A_19 = arith.constant 0 : index
    %get3A_20 = arith.constant 0 : index
    %get3A_21 = vector.load %arg7[%get3A_19, %get3A_20] : memref<1x128xf32, #tpu.memory_space<vmem>>, vector<1x128xf32>
    %add3A_22 = vector.broadcast %get3A_21 : vector<1x128xf32> to vector<2048x128xf32>
    %add3A_23 = arith.addf %dot_general3A_18, %add3A_22 : vector<2048x128xf32>
    %get3A_24 = arith.constant 0 : index
    %get3A_25 = arith.constant 0 : index
    %get3A_26 = vector.load %arg1[%get3A_24, %get3A_25] : memref<2048x128xf32, #tpu.memory_space<vmem>>, vector<2048x128xf32>
    %add3A_27 = arith.addf %get3A_26, %add3A_23 : vector<2048x128xf32>
    %get3A_28 = arith.constant 0 : index
    %get3A_29 = arith.constant 0 : index
    %get3A_30 = vector.load %arg8[%get3A_28, %get3A_29] : memref<1x128xf32, #tpu.memory_space<vmem>>, vector<1x128xf32>
    %get3A_31 = arith.constant 0 : index
    %get3A_32 = arith.constant 0 : index
    %get3A_33 = vector.load %arg9[%get3A_31, %get3A_32] : memref<1x128xf32, #tpu.memory_space<vmem>>, vector<1x128xf32>
    %reduce_sum3A = arith.constant dense<0.000000e+00> : vector<2048xf32>
    %reduce_sum3A_34 = vector.multi_reduction <add>, %add3A_27, %reduce_sum3A [1] : vector<2048x128xf32> to vector<2048xf32>
    %broadcast_in_dim3A = vector.shape_cast %reduce_sum3A_34 : vector<2048xf32> to vector<2048x1xf32>
    %div3A_35 = arith.constant 1.280000e+02 : f32
    %div3A_36 = vector.broadcast %div3A_35 : f32 to vector<2048x1xf32>
    %div3A_37 = arith.divf %broadcast_in_dim3A, %div3A_36 : vector<2048x1xf32>
    %sub3A = vector.broadcast %div3A_37 : vector<2048x1xf32> to vector<2048x128xf32>
    %sub3A_38 = arith.subf %add3A_27, %sub3A : vector<2048x128xf32>
    %integer_pow3A = arith.mulf %sub3A_38, %sub3A_38 : vector<2048x128xf32>
    %reduce_sum3A_39 = arith.constant dense<0.000000e+00> : vector<2048xf32>
    %reduce_sum3A_40 = vector.multi_reduction <add>, %integer_pow3A, %reduce_sum3A_39 [1] : vector<2048x128xf32> to vector<2048xf32>
    %broadcast_in_dim3A_41 = vector.shape_cast %reduce_sum3A_40 : vector<2048xf32> to vector<2048x1xf32>
    %div3A_42 = arith.constant 1.280000e+02 : f32
    %div3A_43 = vector.broadcast %div3A_42 : f32 to vector<2048x1xf32>
    %div3A_44 = arith.divf %broadcast_in_dim3A_41, %div3A_43 : vector<2048x1xf32>
    %sub3A_45 = vector.broadcast %div3A_37 : vector<2048x1xf32> to vector<2048x128xf32>
    %sub3A_46 = arith.subf %add3A_27, %sub3A_45 : vector<2048x128xf32>
    %add3A_47 = arith.constant 9.99999974E-6 : f32
    %add3A_48 = vector.broadcast %add3A_47 : f32 to vector<2048x1xf32>
    %add3A_49 = arith.addf %div3A_44, %add3A_48 : vector<2048x1xf32>
    %sqrt3A = math.sqrt %add3A_49 : vector<2048x1xf32>
    %div3A_50 = vector.broadcast %sqrt3A : vector<2048x1xf32> to vector<2048x128xf32>
    %div3A_51 = arith.divf %sub3A_46, %div3A_50 : vector<2048x128xf32>
    %mul3A = vector.broadcast %get3A_30 : vector<1x128xf32> to vector<2048x128xf32>
    %mul3A_52 = arith.mulf %div3A_51, %mul3A : vector<2048x128xf32>
    %add3A_53 = vector.broadcast %get3A_33 : vector<1x128xf32> to vector<2048x128xf32>
    %add3A_54 = arith.addf %mul3A_52, %add3A_53 : vector<2048x128xf32>
    %get3A_55 = arith.constant 0 : index
    %get3A_56 = arith.constant 0 : index
    %get3A_57 = vector.load %arg10[%get3A_55, %get3A_56] : memref<128x512xf32, #tpu.memory_space<vmem>>, vector<128x512xf32>
    %dot_general3A_58 = arith.constant dense<0.000000e+00> : vector<2048x512xf32>
    %dot_general3A_59 = tpu.matmul %add3A_54, %get3A_57, %dot_general3A_58 {dimension_numbers = #tpu.dot_dimension_numbers<[1], [0], [0], [1], [0, 0, 1, 1], [], []>, transpose_lhs_hint = false} : vector<2048x128xf32>, vector<128x512xf32>, vector<2048x512xf32> -> vector<2048x512xf32>
    %get3A_60 = arith.constant 0 : index
    %get3A_61 = arith.constant 0 : index
    %get3A_62 = vector.load %arg11[%get3A_60, %get3A_61] : memref<1x512xf32, #tpu.memory_space<vmem>>, vector<1x512xf32>
    %add3A_63 = vector.broadcast %get3A_62 : vector<1x512xf32> to vector<2048x512xf32>
    %add3A_64 = arith.addf %dot_general3A_59, %add3A_63 : vector<2048x512xf32>
    %mul3A_65 = arith.constant 5.000000e-01 : f32
    %mul3A_66 = vector.broadcast %mul3A_65 : f32 to vector<2048x512xf32>
    %mul3A_67 = arith.mulf %mul3A_66, %add3A_64 : vector<2048x512xf32>
    %mul3A_68 = arith.constant 0.707106769 : f32
    %mul3A_69 = vector.broadcast %mul3A_68 : f32 to vector<2048x512xf32>
    %mul3A_70 = arith.mulf %add3A_64, %mul3A_69 : vector<2048x512xf32>
    %erf3A = math.erf %mul3A_70 : vector<2048x512xf32>
    %add3A_71 = arith.constant 1.000000e+00 : f32
    %add3A_72 = vector.broadcast %add3A_71 : f32 to vector<2048x512xf32>
    %add3A_73 = arith.addf %add3A_72, %erf3A : vector<2048x512xf32>
    %mul3A_74 = arith.mulf %mul3A_67, %add3A_73 : vector<2048x512xf32>
    %get3A_75 = arith.constant 0 : index
    %get3A_76 = arith.constant 0 : index
    %get3A_77 = vector.load %arg12[%get3A_75, %get3A_76] : memref<512x128xf32, #tpu.memory_space<vmem>>, vector<512x128xf32>
    %dot_general3A_78 = arith.constant dense<0.000000e+00> : vector<2048x128xf32>
    %dot_general3A_79 = tpu.matmul %mul3A_74, %get3A_77, %dot_general3A_78 {dimension_numbers = #tpu.dot_dimension_numbers<[1], [0], [0], [1], [0, 0, 1, 1], [], []>, transpose_lhs_hint = false} : vector<2048x512xf32>, vector<512x128xf32>, vector<2048x128xf32> -> vector<2048x128xf32>
    %get3A_80 = arith.constant 0 : index
    %get3A_81 = arith.constant 0 : index
    %get3A_82 = vector.load %arg13[%get3A_80, %get3A_81] : memref<1x128xf32, #tpu.memory_space<vmem>>, vector<1x128xf32>
    %add3A_83 = vector.broadcast %get3A_82 : vector<1x128xf32> to vector<2048x128xf32>
    %add3A_84 = arith.addf %dot_general3A_79, %add3A_83 : vector<2048x128xf32>
    %add3A_85 = arith.addf %add3A_54, %add3A_84 : vector<2048x128xf32>
    %get3A_86 = arith.constant 0 : index
    %get3A_87 = arith.constant 0 : index
    %get3A_88 = vector.load %arg14[%get3A_86, %get3A_87] : memref<1x128xf32, #tpu.memory_space<vmem>>, vector<1x128xf32>
    %get3A_89 = arith.constant 0 : index
    %get3A_90 = arith.constant 0 : index
    %get3A_91 = vector.load %arg15[%get3A_89, %get3A_90] : memref<1x128xf32, #tpu.memory_space<vmem>>, vector<1x128xf32>
    %reduce_sum3A_92 = arith.constant dense<0.000000e+00> : vector<2048xf32>
    %reduce_sum3A_93 = vector.multi_reduction <add>, %add3A_85, %reduce_sum3A_92 [1] : vector<2048x128xf32> to vector<2048xf32>
    %broadcast_in_dim3A_94 = vector.shape_cast %reduce_sum3A_93 : vector<2048xf32> to vector<2048x1xf32>
    %div3A_95 = arith.constant 1.280000e+02 : f32
    %div3A_96 = vector.broadcast %div3A_95 : f32 to vector<2048x1xf32>
    %div3A_97 = arith.divf %broadcast_in_dim3A_94, %div3A_96 : vector<2048x1xf32>
    %sub3A_98 = vector.broadcast %div3A_97 : vector<2048x1xf32> to vector<2048x128xf32>
    %sub3A_99 = arith.subf %add3A_85, %sub3A_98 : vector<2048x128xf32>
    %integer_pow3A_100 = arith.mulf %sub3A_99, %sub3A_99 : vector<2048x128xf32>
    %reduce_sum3A_101 = arith.constant dense<0.000000e+00> : vector<2048xf32>
    %reduce_sum3A_102 = vector.multi_reduction <add>, %integer_pow3A_100, %reduce_sum3A_101 [1] : vector<2048x128xf32> to vector<2048xf32>
    %broadcast_in_dim3A_103 = vector.shape_cast %reduce_sum3A_102 : vector<2048xf32> to vector<2048x1xf32>
    %div3A_104 = arith.constant 1.280000e+02 : f32
    %div3A_105 = vector.broadcast %div3A_104 : f32 to vector<2048x1xf32>
    %div3A_106 = arith.divf %broadcast_in_dim3A_103, %div3A_105 : vector<2048x1xf32>
    %sub3A_107 = vector.broadcast %div3A_97 : vector<2048x1xf32> to vector<2048x128xf32>
    %sub3A_108 = arith.subf %add3A_85, %sub3A_107 : vector<2048x128xf32>
    %add3A_109 = arith.constant 9.99999974E-6 : f32
    %add3A_110 = vector.broadcast %add3A_109 : f32 to vector<2048x1xf32>
    %add3A_111 = arith.addf %div3A_106, %add3A_110 : vector<2048x1xf32>
    %sqrt3A_112 = math.sqrt %add3A_111 : vector<2048x1xf32>
    %div3A_113 = vector.broadcast %sqrt3A_112 : vector<2048x1xf32> to vector<2048x128xf32>
    %div3A_114 = arith.divf %sub3A_108, %div3A_113 : vector<2048x128xf32>
    %mul3A_115 = vector.broadcast %get3A_88 : vector<1x128xf32> to vector<2048x128xf32>
    %mul3A_116 = arith.mulf %div3A_114, %mul3A_115 : vector<2048x128xf32>
    %add3A_117 = vector.broadcast %get3A_91 : vector<1x128xf32> to vector<2048x128xf32>
    %add3A_118 = arith.addf %mul3A_116, %add3A_117 : vector<2048x128xf32>
    %swap3A = arith.constant 0 : index
    %swap3A_119 = arith.constant 0 : index
    %swap3A_120 = vector.load %arg16[%swap3A, %swap3A_119] : memref<2048x128xf32, #tpu.memory_space<vmem>>, vector<2048x128xf32>
    tpu.vector_store %arg16[%swap3A, %swap3A_119], %add3A_118 {strides = array<i32>} : memref<2048x128xf32, #tpu.memory_space<vmem>>, vector<2048x128xf32>,
    return
  }
  func.func @transform_0(%arg0: i32) -> (i32, i32) {
    %c0_i32 = arith.constant 0 : i32
    %c0_i32_0 = arith.constant 0 : i32
    return %arg0, %c0_i32 : i32, i32
  }
  func.func @transform_1(%arg0: i32) -> (i32, i32) {
    %c0_i32 = arith.constant 0 : i32
    %c0_i32_0 = arith.constant 0 : i32
    return %arg0, %c0_i32 : i32, i32
  }
  func.func @transform_2(%arg0: i32) -> (i32, i32) {
    %add3A = arith.constant 5 : i32
    %add3A_0 = arith.addi %arg0, %add3A : i32
    %c0_i32 = arith.constant 0 : i32
    %c0_i32_1 = arith.constant 0 : i32
    return %add3A_0, %c0_i32 : i32, i32
  }
  func.func @transform_3(%arg0: i32) -> (i32, i32) {
    %c0_i32 = arith.constant 0 : i32
    %c0_i32_0 = arith.constant 0 : i32
    return %arg0, %c0_i32 : i32, i32
  }
  func.func @transform_4(%arg0: i32) -> (i32, i32) {
    %add3A = arith.constant 5 : i32
    %add3A_0 = arith.addi %arg0, %add3A : i32
    %c0_i32 = arith.constant 0 : i32
    %c0_i32_1 = arith.constant 0 : i32
    return %add3A_0, %c0_i32 : i32, i32
  }
  func.func @transform_5(%arg0: i32) -> (i32, i32) {
    %c0_i32 = arith.constant 0 : i32
    %c0_i32_0 = arith.constant 0 : i32
    %c0_i32_1 = arith.constant 0 : i32
    return %c0_i32, %c0_i32_0 : i32, i32
  }
  func.func @transform_6(%arg0: i32) -> (i32, i32) {
    %c0_i32 = arith.constant 0 : i32
    %c0_i32_0 = arith.constant 0 : i32
    %c0_i32_1 = arith.constant 0 : i32
    return %c0_i32, %c0_i32_0 : i32, i32
  }
  func.func @transform_7(%arg0: i32) -> (i32, i32) {
    %c0_i32 = arith.constant 0 : i32
    %c0_i32_0 = arith.constant 0 : i32
    %c0_i32_1 = arith.constant 0 : i32
    return %c0_i32, %c0_i32_0 : i32, i32
  }
  func.func @transform_8(%arg0: i32) -> (i32, i32) {
    %c0_i32 = arith.constant 0 : i32
    %c0_i32_0 = arith.constant 0 : i32
    %c0_i32_1 = arith.constant 0 : i32
    return %c0_i32, %c0_i32_0 : i32, i32
  }
  func.func @transform_9(%arg0: i32) -> (i32, i32) {
    %c0_i32 = arith.constant 0 : i32
    %c0_i32_0 = arith.constant 0 : i32
    %c0_i32_1 = arith.constant 0 : i32
    return %c0_i32, %c0_i32_0 : i32, i32
  }
  func.func @transform_10(%arg0: i32) -> (i32, i32) {
    %c0_i32 = arith.constant 0 : i32
    %c0_i32_0 = arith.constant 0 : i32
    %c0_i32_1 = arith.constant 0 : i32
    return %c0_i32, %c0_i32_0 : i32, i32
  }
  func.func @transform_11(%arg0: i32) -> (i32, i32) {
    %c0_i32 = arith.constant 0 : i32
    %c0_i32_0 = arith.constant 0 : i32
    %c0_i32_1 = arith.constant 0 : i32
    return %c0_i32, %c0_i32_0 : i32, i32
  }
  func.func @transform_12(%arg0: i32) -> (i32, i32) {
    %c0_i32 = arith.constant 0 : i32
    %c0_i32_0 = arith.constant 0 : i32
    %c0_i32_1 = arith.constant 0 : i32
    return %c0_i32, %c0_i32_0 : i32, i32
  }
  func.func @transform_13(%arg0: i32) -> (i32, i32) {
    %c0_i32 = arith.constant 0 : i32
    %c0_i32_0 = arith.constant 0 : i32
    %c0_i32_1 = arith.constant 0 : i32
    return %c0_i32, %c0_i32_0 : i32, i32
  }
  func.func @transform_14(%arg0: i32) -> (i32, i32) {
    %c0_i32 = arith.constant 0 : i32
    %c0_i32_0 = arith.constant 0 : i32
    %c0_i32_1 = arith.constant 0 : i32
    return %c0_i32, %c0_i32_0 : i32, i32
  }
  func.func @transform_15(%arg0: i32) -> (i32, i32) {
    %c0_i32 = arith.constant 0 : i32
    %c0_i32_0 = arith.constant 0 : i32
    return %arg0, %c0_i32 : i32, i32
  }
}

</mosaic_0001>

<sc_bundles>
// kernel: kernel.13.cloned.1.call-start
scs
__scs_entry_jumppad:
0x0: {  	(pc) =	sbr.rel $0x88, $3  }
0x1: {  	(tag) =	ssettag $0x0;
	lr =	simm.s32 $0x1  }
0x2: {  	[smem:$0x3F88] =	sst lr;
	_ =	strace $0xD0000000  }
0x3: {  	_ = 	snop  }
0x4: {  	_ = 	snop  }
0x5: {  	_ = 	snop  }
0x6: {  	_ = 	snop  }
0x7: {  	_ = 	snop  }
__scs_overlays_trampoline_lowered:
0x8: {  	[smem:$0x3F97] =	sst s0  }
0x9: {  	[smem:$0x3F98] =	sst s1  }
0xa: {  	[smem:$0x3F99] =	sst s2  }
0xb: {  	[smem:$0x3F9A] =	sst s3  }
0xc: {  	[smem:$0x3F9B] =	sst s4  }
0xd: {  	[smem:$0x3F9C] =	sst s5  }
0xe: {  	[smem:$0x3F9D] =	sst s6  }
0xf: {  	[smem:$0x3F9E] =	sst s7  }
0x10: {  	[smem:$0x3F9F] =	sst s8  }
0x11: {  	[smem:$0x3FA0] =	sst s9;
	s0 =	simm.s32 @!p0 $0x0  }
0x12: {  	s1 =	sld [smem:$0x3F86];
	s0 =	simm.s32 @p0 $0x1  }
0x13: {  	[smem:$0x3FA1] =	sst s0;
	s0 =	simm.s32 @!p1 $0x0  }
0x14: {  	s2 =	sld [smem:$0x3F85];
	s0 =	simm.s32 @p1 $0x1  }
0x15: {  	[smem:$0x3FA2] =	sst s0;
	s0 =	simm.s32 @!p2 $0x0  }
0x16: {  	s3 =	sld [smem:$0x3FDB];
	s0 =	simm.s32 @p2 $0x1  }
0x17: {  	s4 =	simm.s32 $0x1BF5;
	[smem:$0x3FA4] =	sst s0  }
0x18: {  	s0 =	sld [smem:$0x3F87];
	_ =	swait.ge [sflag:s4], $0x0  }
0x19: {  	s7 =	sld [smem:$0x3F88]  }
0x1a: {  	s8 =	sadd.s32 $0xFFFFE003, lr  }
0x1b: {  	s9 =	sadd.s32 $0xFFFFFEF7, lr;
	s5 =	simm.s32 $0xFFFFFFFF;
	p2 =	slt.u32 s8, $0xFFFFF086  }
0x1c: {  	p1 =	slt.u32 s9, $0xF7A;
	s5 =	simm.s32 @!p2 $0x0  }
0x1d: {  	s5 =	simm.s32 @p1 $0x1;
	p0 =	seq.s32 s7, s2  }
0x1e: {  	s7 =	smul.u32 @!p0 $0xF7A, s2;
	p2 =	seq.s32 @!p0 s5, $0x0  }
0x1f: {  	s9 =	smul.u32 $0xF7A, s1;
	s8 =	simm.s32 @!p0 $0x1BF5;
	p2 =	por !p2, p0  }
0x20: {  	[sflag:s8] =	ssyncset.s32 @!p0 $0xFFFFF086;
	s6 =	sadd.s32 @!p0 s3, s7;
	s7 =	simm.s32 @!p0 $0x108  }
0x21: {  	s3 =	sadd.s32 s3, s9;
	s6 =	sadd.s32 @!p0 $0x88, s6;
	s7 =	simm.s32 @p2 $0x1082  }
0x22: {  	[simem:s7], [sflag:s8] =	dma.local @!p0 [hbm:s6], $0xF7A  }
0x23: {  	s9 =	sor.u32 $0xD0000000, s2;
	s6 =	simm.s32 $0x108;
	_ =	swait.ge @!p0 [sflag:s8], $0x0  }
0x24: {  	s3 =	sadd.s32 $0x88, s3;
	s6 =	simm.s32 @!p1 $0x1082;
	[sflag:s4] =	ssyncset.s32 $0xFFFFF086  }
0x25: {  	[simem:s6], [sflag:s4] =	dma.local [hbm:s3], $0xF7A  }
0x26: {  	[smem:$0x3F88] =	sst s1;
	(tag) =	ssettag s2;
	_ =	strace s9  }
0x27: {  	s1 =	sld [smem:$0x3F98]  }
0x28: {  	s2 =	sld [smem:$0x3F99]  }
0x29: {  	s4 =	sld [smem:$0x3F9B]  }
0x2a: {  	p0 =	seq.s32 s5, $0x0;
	s5 =	sld [smem:$0x3F9C]  }
0x2b: {  	s6 =	sld [smem:$0x3F9D]  }
0x2c: {  	s7 =	sld [smem:$0x3F9E]  }
0x2d: {  	s3 =	simm.s32 $0x108;
	s8 =	sld [smem:$0x3F9F]  }
0x2e: {  	s3 =	simm.s32 @!p0 $0x1082;
	s9 =	sld [smem:$0x3FA0]  }
0x2f: {  	lr =	sadd.s32 s0, s3;
	s0 =	sld [smem:$0x3F97]  }
0x30: {  	s3 =	sld [smem:$0x3F9A]  }
0x31: {  	[smem:$0x3FA3] =	sst s10  }
0x32: {  	s10 =	sld [smem:$0x3FA1];
	_ =	sdelay $0x3  }
0x33: {  	p0 =	seq.s32 s10, $0x1;
	s10 =	sld [smem:$0x3FA3];
	_ =	sdelay $0x3  }
0x34: {  	[smem:$0x3FA3] =	sst s10  }
0x35: {  	s10 =	sld [smem:$0x3FA2];
	_ =	sdelay $0x3  }
0x36: {  	p1 =	seq.s32 s10, $0x1;
	s10 =	sld [smem:$0x3FA3];
	_ =	sdelay $0x3  }
0x37: {  	[smem:$0x3FA3] =	sst s10  }
0x38: {  	s10 =	sld [smem:$0x3FA4]  }
0x39: {  	_ = 	snop;
	(pc) =	sbr.ind lr, $3  }
0x3a: {  	_ = 	snop  }
0x3b: {  	_ = 	snop  }
0x3c: {  	p2 =	seq.s32 s10, $0x1;
	s10 =	sld [smem:$0x3FA3]  }
0x3d: {  	_ =	shalt  }
0x3e: {  	_ =	shalt  }
0x3f: {  	_ =	shalt  }
0x40: {  	_ =	shalt  }
0x41: {  	_ =	shalt  }
0x42: {  	_ =	shalt  }
0x43: {  	_ =	shalt  }
0x44: {  	_ =	shalt  }
0x45: {  	_ =	shalt  }
0x46: {  	_ =	shalt  }
0x47: {  	_ =	shalt  }
0x48: {  	_ =	shalt  }
0x49: {  	_ =	shalt  }
0x4a: {  	_ =	shalt  }
0x4b: {  	_ =	shalt  }
0x4c: {  	_ =	shalt  }
0x4d: {  	_ =	shalt  }
0x4e: {  	_ =	shalt  }
0x4f: {  	_ =	shalt  }
0x50: {  	_ =	shalt  }
0x51: {  	_ =	shalt  }
0x52: {  	_ =	shalt  }
0x53: {  	_ =	shalt  }
0x54: {  	_ =	shalt  }
0x55: {  	_ =	shalt  }
0x56: {  	_ =	shalt  }
0x57: {  	_ =	shalt  }
0x58: {  	_ =	shalt  }
0x59: {  	_ =	shalt  }
0x5a: {  	_ =	shalt  }
0x5b: {  	_ =	shalt  }
0x5c: {  	_ =	shalt  }
0x5d: {  	_ =	shalt  }
0x5e: {  	_ =	shalt  }
0x5f: {  	_ =	shalt  }
0x60: {  	_ =	shalt  }
0x61: {  	_ =	shalt  }
0x62: {  	_ =	shalt  }
0x63: {  	_ =	shalt  }
0x64: {  	_ =	shalt  }
0x65: {  	_ =	shalt  }
0x66: {  	_ =	shalt  }
0x67: {  	_ =	shalt  }
0x68: {  	_ =	shalt  }
0x69: {  	_ =	shalt  }
0x6a: {  	_ =	shalt  }
0x6b: {  	_ =	shalt  }
0x6c: {  	_ =	shalt  }
0x6d: {  	_ =	shalt  }
0x6e: {  	_ =	shalt  }
0x6f: {  	_ =	shalt  }
0x70: {  	_ =	shalt  }
0x71: {  	_ =	shalt  }
0x72: {  	_ =	shalt  }
0x73: {  	_ =	shalt  }
0x74: {  	_ =	shalt  }
0x75: {  	_ =	shalt  }
0x76: {  	_ =	shalt  }
0x77: {  	_ =	shalt  }
0x78: {  	_ =	shalt  }
0x79: {  	_ =	shalt  }
0x7a: {  	_ =	shalt  }
0x7b: {  	_ =	shalt  }
0x7c: {  	_ =	shalt  }
0x7d: {  	_ =	shalt  }
0x7e: {  	_ =	shalt  }
0x7f: {  	_ =	shalt  }
0x80: {  	_ =	shalt  }
0x81: {  	_ =	shalt  }
0x82: {  	_ =	shalt  }
0x83: {  	_ =	shalt  }
0x84: {  	_ =	shalt  }
0x85: {  	_ =	shalt  }
0x86: {  	_ =	shalt  }
0x87: {  	_ =	shalt  }
.Lfunc_end0:
.L_simem_size_0:
called_computation_lowered:
.L_overlay_start_0:
0x88: {  	s2 =	sld [smem:$0x3FD9]  }
0x89: {  	s3 =	sld [smem:$0x3FFE];
	_ =	sdelay $0x1  }
0x8a: {  	s1 =	srdreg.scid  }
0x8b: {  	s0 =	sand.u32 $0x1, s1  }
0x8c: {  	s17 =	sshll.u32 s0, $0xA;
	s2 =	sadd.s32 s3, s2  }
0x8d: {  	s2 =	sadd.s32 s2, s17  }
0x8e: {  	[smem:$0x3FAF] =	sst s2  }
0x8f: {  	_ = 	snop  }
0x90: {  	s2 =	sld [smem:$0x3FD0];
	(tm) =	ssettm $0x1  }
0x91: {  	s18 =	sld [smem:$0x3FFB];
	_ =	sdelay $0x3  }
0x92: {  	_ =	strace s18  }
0x93: {  	s3 =	sld [smem:$0x3FFC];
	_ =	sdelay $0x3  }
0x94: {  	_ =	strace s3  }
0x95: {  	s3 =	sld [smem:$0x3FFD];
	_ =	sdelay $0x3  }
0x96: {  	_ =	strace s3  }
0x97: {  	_ =	strace $0x8FFFFFFF  }
0x98: {  	s19 =	sld [smem:$0x3FDB];
	_ =	sdelay $0x1  }
0x99: {  	s4 =	simm.s32 $_scs_section_size  }
0x9a: {  	s5 =	simm.s32 $_size__tile_overlayer_lowered;
	s6 =	simm.s32 $_tile_overlayer_lowered  }
0x9b: {  	s22 =	simm.s32 $0x1BFF;
	s21 =	sshll.u32 s6, $0x1;
	s3 =	sadd.s32 s4, s19  }
0x9c: {  	s7 =	simm.s32 $0x0;
	s20 =	sshll.u32 s5, $0x1;
	s5 =	sadd.s32 s21, s3  }
0x9d: {  	[timem:s7], [sflag:s22] =	dma.local [hbm:s5], s20  }
0x9e: {  	_ =	swait.ge [sflag:s22], s20  }
0x9f: {  	s4 =	ssub.s32 $0x0, s20;
	[sflag:s22] =	ssyncset.done $0x0  }
0xa0: {  	[sflag:s22] =	ssyncadd.s32 s4;
	_ =	sdelay $0x1  }
0xa1: {  	s23 =	simm.s32 $0x1B8B  }
0xa2: {  	_ =	swait.ge [sflag:s23], $0x1  }
0xa3: {  	[sflag:s23] =	ssyncset.done $0x0  }
0xa4: {  	s25 =	simm.s32 $0x1B8E;
	s24 =	sld [smem:$0x3FFE];
	[sflag:s23] =	ssyncadd.s32 $0xFFFFFFFF  }
0xa5: {  	s26 =	simm.s32 $execute0_lowered;
	[smem:$0x3FD2] =	sst s25  }
0xa6: {  	s5 =	sshll.u32 s26, $0x1;
	_ =	strace $0x80000046;
	[dreg:$0x1] =	wrdreg $0xFFFFFFFF  }
0xa7: {  	s28 =	simm.s32 $_size_execute0_lowered;
	s3 =	sadd.s32 s3, s5;
	[dreg:$0x0] =	wrdreg $0x0  }
0xa8: {  	s5 =	sshll.u32 s28, $0x1;
	[dreg:$0x2] =	wrdreg s3  }
0xa9: {  	[dreg:$0x3] =	wrdreg s5  }
0xaa: {  	[dreg:$0x4] =	wrdreg $0xC0  }
0xab: {  	_ =	task [dreg:s7], $0x5FFFF  }
0xac: {  	[dreg:$0x1] =	wrdreg $0xFFFFFFFF  }
0xad: {  	[dreg:$0x0] =	wrdreg $0x60  }
0xae: {  	[dreg:$0x2] =	wrdreg s24  }
0xaf: {  	[dreg:$0x3] =	wrdreg s2  }
0xb0: {  	[dreg:$0x4] =	wrdreg $0x9  }
0xb1: {  	_ =	task.clear_ibuf [dreg:s7], $0x5FFFF;
	_ =	strace $0x90000046  }
0xb2: {  	s29 =	simm.s32 $0x9;
	_ =	strace $0x80000048  }
0xb3: {  	_ =	swait.ge [sflag:s29], $0x1  }
0xb4: {  	[sflag:s29] =	ssyncadd.s32 $0xFFFFFFFF  }
0xb5: {  	_ =	strace $0x90000048  }
0xb6: {  	_ =	sfence  }
0xb7: {  	s30 =	sld [smem:$0x0];
	_ =	sdelay $0x2  }
0xb8: {  	s31 =	sshll.u32 s1, $0xD;
	s1 =	sshrl.u32 s1, $0x2  }
0xb9: {  	s3 =	sand.u32 $0x4000, s31;
	s1 =	sadd.s32 s1, s30  }
0xba: {  	s0 =	sor.u32 s3, s0;
	s1 =	sshll.u32 s1, $0x11  }
0xbb: {  	s0 =	sor.u32 s1, s0  }
0xbc: {  	s0 =	sadd.s32 $0x8F2B, s0  }
0xbd: {  	[sflag:s0] =	ssyncadd.remote.s32 $0x1  }
0xbe: {  	_ =	sfence.sel $0xFFFF  }
0xbf: {  	[dreg:$0x0] =	wrdreg $0xFFFFFFFF;
	(pc) =	sbr.abs _section_cstart, $3  }
0xc0: {  	[dreg:$0x1] =	wrdreg $0xFFFFFFFF  }
0xc1: {  	_ =	task.clear_ibuf [dreg:s7], $0x2FFFF;
	_ =	strace $0x9FFFFFFF  }
0xc2: {  	(tm) =	ssettm $0x7FFFFFFF  }
0xc3: {  	_ =	shalt  }
tec
execute0_lowered:
.L_overlay_start_1:
0x0: {  	(tag) =	ssettag $0x1  }
0x1: {  	s10 =	rddreg [dreg:$0x0]  }
0x2: {  	s0 =	srdreg.scid;
	s2 =	rddreg [dreg:$0x1];
	s4 =	simm.s32 $0x0  }
0x3: {  	s16 =	simm.s32 $0x2;
	s17 =	simm.s32 $0x140;
	s18 =	simm.s32 $0x180  }
0x4: {  	s19 =	simm.s32 $0x1;
	s20 =	simm.s32 $0xA180;
	s21 =	simm.s32 $0x14180  }
0x5: {  	s22 =	simm.s32 $0x1BB00;
	s23 =	simm.s32 $0x1C100;
	s24 =	simm.s32 $0x0  }
0x6: {  	s9 =	sand.u32 $0x1, s0;
	s0 =	stileid.u32;
	[smem:$0x7FF] =	sst s4  }
0x7: {  	s6 =	sadd.s32 $0x20000, s10;
	s7 =	sadd.s32 $0x1DC00, s10;
	s1 =	sshll.u32 s9, $0x4  }
0x8: {  	s8 =	sadd.s32 $0x13E00, s10;
	s13 =	ssub.s32 $0x2, s9;
	s3 =	sor.u32 s0, s1  }
0x9: {  	s9 =	sadd.s32 $0xA000, s10;
	s1 =	rddreg [dreg:$0x2];
	s5 =	smul.u32 $0x28, s3  }
0xa: {  	_ =	strace $0x80000047;
	s31 =	sshrl.u32 s13, $0x1;
	s11 =	smul.u32 $0x1400, s3  }
0xb: {  	s15 =	ssub.s32 s13, s31;
	p0 =	slt.u32 s3, $0x11;
	s13 =	simm.s32 $0x14  }
0xc: {  	s13 =	simm.s32 @!p0 $0x13;
	s15 =	smax.u32 s15, $0x1;
	s12 =	sadd.s32 s5, s10  }
0xd: {  	s5 =	sadd.s32 $0x1F800, s10;
	s14 =	sadd.s32 s11, s10;
	s10 =	sadd.s32 $0x20400, s10  }
0xe: {  	v0 =	vimm.f32 $0.0e+00;
	v1 =	vlaneseq.u32;
	s11 =	sadd.s32 $0x1EC00, s12;
	s12 =	sadd.s32 $0x1F200, s12;
	s14 =	sadd.s32 $0xBC800, s14  }
.LBB2_1:
0xf: {  	[tilespmem:s4], [sflag:$0x2] =	stream.linear.gather [hbm4b:s11+s4], $0x140, $0x38;
	[tilespmem:$0x1E100] =	vst v63  }
0x10: {  	_ =	swait.ge [sflag:s16], $0x140  }
0x11: {  	[sflag:s16] =	ssyncset.done $0x0  }
0x12: {  	[sflag:s16] =	ssyncadd.s32 $0xFFFFFEC0  }
0x13: {  	[tilespmem:s18], [sflag:$0x1] =	stream.indirect.gather [hbm4b:s5+s17], $0x80, s4, s17, $0xb8;
	[tilespmem:$0x1E100] =	vst v63  }
0x14: {  	_ =	swait.ge [sflag:s19], $0xA000  }
0x15: {  	[sflag:s19] =	ssyncset.done $0x0  }
0x16: {  	[sflag:s19] =	ssyncadd.s32 $0xFFFF6000  }
0x17: {  	[tilespmem:s4], [sflag:$0x2] =	stream.linear.gather [hbm4b:s12+s4], $0x140, $0x38;
	[tilespmem:$0x1E100] =	vst v63  }
0x18: {  	_ =	swait.ge [sflag:s16], $0x140  }
0x19: {  	[sflag:s16] =	ssyncset.done $0x0  }
0x1a: {  	[sflag:s16] =	ssyncadd.s32 $0xFFFFFEC0  }
0x1b: {  	[tilespmem:s20], [sflag:$0x1] =	stream.indirect.gather [hbm4b:s6+s17], $0x80, s4, s17, $0xb8;
	[tilespmem:$0x1E100] =	vst v63  }
0x1c: {  	_ =	swait.ge [sflag:s19], $0xA000  }
0x1d: {  	[sflag:s19] =	ssyncset.done $0x0  }
0x1e: {  	s25 =	simm.s32 $0x0;
	[sflag:s19] =	ssyncadd.s32 $0xFFFF6000  }
0x1f: {  	v9 =	vld [tilespmem:s25+$0xA180]  }
0x20: {  	v13 =	vld [tilespmem:s25+$0xA190]  }
0x21: {  	v7 =	vld [tilespmem:s25+$0xA1A0]  }
0x22: {  	v6 =	vld [tilespmem:s25+$0xA1B0]  }
0x23: {  	v5 =	vld [tilespmem:s25+$0xA1C0]  }
0x24: {  	v4 =	vld [tilespmem:s25+$0xA1D0]  }
0x25: {  	v3 =	vld [tilespmem:s25+$0xA1E0]  }
0x26: {  	v2 =	vld [tilespmem:s25+$0xA1F0]  }
0x27: {  	v14 =	vld [tilespmem:s25+$0x180]  }
0x28: {  	v15 =	vld [tilespmem:s25+$0x190]  }
0x29: {  	v12 =	vld [tilespmem:s25+$0x1A0]  }
0x2a: {  	v11 =	vld [tilespmem:s25+$0x1B0]  }
0x2b: {  	v10 =	vld [tilespmem:s25+$0x1C0]  }
0x2c: {  	v8 =	vld [tilespmem:s25+$0x1D0];
	v14 =	vadd.f32 v9, v14  }
0x2d: {  	s26 =	simm.s32 $0x200;
	v13 =	vadd.f32 v13, v15;
	v9 =	vld [tilespmem:s25+$0x1E0]  }
.LBB2_2:
0x2e: {  	s28 =	sshra.s32 s26, $0x2;
	p0 =	sne.s32 s26, $0x27E00;
	[tilespmem:s25+$0x180] =	vst v14;
	v7 =	vadd.f32 v7, v12;
	v12 =	vld [tilespmem:s25+$0x1F0]  }
0x2f: {  	v14 =	vld [tilespmem:s28+$0xA180];
	[tilespmem:s25+$0x190] =	vst v13;
	v6 =	vadd.f32 v6, v11  }
0x30: {  	v13 =	vld [tilespmem:s28+$0xA190];
	[tilespmem:s25+$0x1A0] =	vst v7;
	v5 =	vadd.f32 v5, v10  }
0x31: {  	v7 =	vld [tilespmem:s28+$0xA1A0];
	[tilespmem:s25+$0x1B0] =	vst v6;
	v4 =	vadd.f32 v4, v8  }
0x32: {  	v6 =	vld [tilespmem:s28+$0xA1B0];
	[tilespmem:s25+$0x1C0] =	vst v5;
	v3 =	vadd.f32 v3, v9  }
0x33: {  	v5 =	vld [tilespmem:s28+$0xA1C0];
	[tilespmem:s25+$0x1D0] =	vst v4;
	v2 =	vadd.f32 v2, v12  }
0x34: {  	v4 =	vld [tilespmem:s28+$0xA1D0];
	[tilespmem:s25+$0x1E0] =	vst v3  }
0x35: {  	v3 =	vld [tilespmem:s28+$0xA1E0];
	[tilespmem:s25+$0x1F0] =	vst v2;
	s25 =	smov.u32 s28  }
0x36: {  	v2 =	vld [tilespmem:s25+$0xA1F0]  }
0x37: {  	v8 =	vld [tilespmem:s25+$0x180]  }
0x38: {  	v9 =	vld [tilespmem:s25+$0x190]  }
.Ltmp0:
0x39: {  	v12 =	vld [tilespmem:s25+$0x1A0];
	(pc) =	sbr.rel @p0 .LBB2_2-.Ltmp0, $4  }
0x3a: {  	v11 =	vld [tilespmem:s25+$0x1B0]  }
0x3b: {  	v10 =	vld [tilespmem:s25+$0x1C0]  }
0x3c: {  	v14 =	vadd.f32 v14, v8;
	v8 =	vld [tilespmem:s25+$0x1D0]  }
0x3d: {  	s26 =	sadd.s32 $0x200, s26;
	v13 =	vadd.f32 v13, v9;
	v9 =	vld [tilespmem:s25+$0x1E0]  }
0x3e: {  	[tilespmem:s25+$0x180] =	vst v14;
	v7 =	vadd.f32 v7, v12;
	v63 =	vld [tilespmem:s25+$0x1F0]  }
0x3f: {  	[tilespmem:s25+$0x190] =	vst v13;
	v6 =	vadd.f32 v6, v11  }
0x40: {  	[tilespmem:s25+$0x1A0] =	vst v7;
	v5 =	vadd.f32 v5, v10  }
0x41: {  	[tilespmem:s25+$0x1B0] =	vst v6;
	v4 =	vadd.f32 v4, v8  }
0x42: {  	[tilespmem:s25+$0x1C0] =	vst v5;
	v3 =	vadd.f32 v3, v9  }
0x43: {  	[tilespmem:s25+$0x1D0] =	vst v4;
	v2 =	vadd.f32 v2, v63  }
0x44: {  	[tilespmem:s25+$0x1E0] =	vst v3  }
0x45: {  	[tilespmem:s25+$0x1F0] =	vst v2;
	s25 =	simm.s32 $0x0  }
0x46: {  	[hbm4b:s14+s25] =	stream.linear.scatter [tilespmem:s18], [sflag:$0x2], $0xA000, $0x38;
	[tilespmem:$0x1E100] =	vst v63  }
0x47: {  	_ =	swait.ge [sflag:s16], $0xA000  }
0x48: {  	[sflag:s16] =	ssyncset.done $0x0  }
0x49: {  	[sflag:s16] =	ssyncadd.s32 $0xFFFF6000  }
0x4a: {  	[tilespmem:s21], [sflag:$0x2] =	stream.linear.gather [hbm4b:s7+s25], $0x7580, $0x38;
	[tilespmem:$0x1E100] =	vst v63  }
0x4b: {  	_ =	swait.ge [sflag:s16], $0x7580  }
0x4c: {  	[sflag:s16] =	ssyncset.done $0x0  }
0x4d: {  	s26 =	simm.s32 $0x40;
	s28 =	simm.s32 $0x0;
	[sflag:s16] =	ssyncadd.s32 $0xFFFF8A80  }
.LBB2_4:
0x4e: {  	p0 =	sne.s32 s26, $0x7FC0;
	[tilespmem:s28+$0x1C100] =	vst v0;
	s28 =	smov.u32 s26;
	s26 =	sadd.s32 $0x40, s26  }
.Ltmp1:
0x4f: {  	(pc) =	sbr.rel @p0 .LBB2_4-.Ltmp1, $2  }
0x50: {  	_ =	sdelay $0x2  }
0x51: {  	s28 =	sshra.s32 s28, $0x2  }
0x52: {  	[tilespmem:s28+$0x1C100] =	vst v0  }
.LBB2_6:
0x53: {  	s26 =	sshll.u32 s25, $0x5  }
0x54: {  	s26 =	sor.u32 s3, s26  }
0x55: {  	s29 =	sshll.u32 s26, $0x6  }
0x56: {  	s31 =	simm.s32 $0x0;
	s28 =	simm.s32 $0x1B700;
	s30 =	sadd.s32 s8, s29  }
0x57: {  	[tilespmem:s28], [sflag:$0x2] =	stream.linear.gather [hbm4b:s30+s31], $0x200, $0x38;
	[tilespmem:$0x1E100] =	vst v63  }
0x58: {  	_ =	swait.ge [sflag:s16], $0x200  }
0x59: {  	[sflag:s16] =	ssyncset.done $0x0  }
0x5a: {  	s30 =	sadd.s32 s9, s29;
	s29 =	simm.s32 $0x1B900;
	[sflag:s16] =	ssyncadd.s32 $0xFFFFFE00  }
0x5b: {  	[tilespmem:s29], [sflag:$0x2] =	stream.linear.gather [hbm4b:s30+s31], $0x200, $0x38;
	[tilespmem:$0x1E100] =	vst v63  }
0x5c: {  	s30 =	smul.u32 $0x600, s26  }
0x5d: {  	_ =	swait.ge [sflag:s16], $0x200  }
0x5e: {  	[sflag:s16] =	ssyncset.done $0x0;
	s30 =	sshrl.u32 s30, $0x3  }
0x5f: {  	[sflag:s16] =	ssyncadd.s32 $0xFFFFFE00;
	s30 =	sadd.s32 s2, s30  }
0x60: {  	[tilespmem:s22], [sflag:$0x2] =	stream.linear.gather [hbm4b:s30+s31], $0x600, $0x38;
	[tilespmem:$0x1E100] =	vst v63  }
0x61: {  	_ =	swait.ge [sflag:s16], $0x600  }
0x62: {  	[sflag:s16] =	ssyncset.done $0x0  }
0x63: {  	[sflag:s16] =	ssyncadd.s32 $0xFFFFFA00  }
0x64: {  	v2 =	vld [tilespmem:s29+$0x0]  }
0x65: {  	v3 =	vld [tilespmem:s28+$0x0];
	_ =	sdelay $0x3  }
0x66: {  	v2 =	vmul.u32 $0x3, v2  }
0x67: {  	v3 =	vmul.u32 $0x3, v3  }
0x68: {  	v4 =	vor.u32 s31, v1  }
0x69: {  	v5 =	vmul.u32 $0x3, v4;
	_ =	sdelay $0x2  }
0x6a: {  	v6 =	vld.idx.msk [tilespmem:v2+s21+$0x0], $0xffff  }
0x6b: {  	v7 =	vld.idx.msk [tilespmem:v3+s21+$0x0], $0xffff;
	_ =	sdelay $0x1  }
0x6c: {  	v8 =	vld.idx.msk [tilespmem:v5+s22+$0x0], $0xffff;
	_ =	sdelay $0x2  }
0x6d: {  	v6 =	vsub.f32 v6, v7;
	_ =	sdelay $0x1  }
0x6e: {  	v6 =	vadd.f32 v8, v6;
	_ =	sdelay $0x1  }
0x6f: {  	v7 =	vtrunc.f32 v6  }
0x70: {  	v7 =	vcvt.f32.s32 v7;
	_ =	sdelay $0x1  }
0x71: {  	v7 =	vcvt.s32.f32 v7;
	_ =	sdelay $0x1  }
0x72: {  	v9 =	vshll.u32 v4, $0x4;
	v61 =	vadd.f32 $-1.000000000e+00, v7  }
0x73: {  	v4 =	vadd.s32 $0x1, v3;
	vm0 =	vlt.f32 v6, v7  }
0x74: {  	v62 =	vadd.s32 $0x1, v2;
	v7 =	vsel vm0, v61, v7  }
0x75: {  	v6 =	vsub.f32 v6, v7  }
0x76: {  	v7 =	vadd.s32 $0x1, v5  }
0x77: {  	[tilespmem:v9+s23+$0x0] =	vst.idx.msk $0xffff, v6  }
0x78: {  	v4 =	vld.idx.msk [tilespmem:v4+s21+$0x0], $0xffff  }
0x79: {  	v6 =	vld.idx.msk [tilespmem:v62+s21+$0x0], $0xffff;
	_ =	sdelay $0x1  }
0x7a: {  	v7 =	vld.idx.msk [tilespmem:v7+s22+$0x0], $0xffff;
	_ =	sdelay $0x2  }
0x7b: {  	v4 =	vsub.f32 v6, v4;
	_ =	sdelay $0x1  }
0x7c: {  	v4 =	vadd.f32 v7, v4;
	_ =	sdelay $0x1  }
0x7d: {  	v6 =	vtrunc.f32 v4  }
0x7e: {  	v6 =	vcvt.f32.s32 v6;
	_ =	sdelay $0x1  }
0x7f: {  	v6 =	vcvt.s32.f32 v6;
	_ =	sdelay $0x1  }
0x80: {  	v63 =	vor.u32 $0x1, v9;
	v7 =	vadd.f32 $-1.000000000e+00, v6  }
0x81: {  	v3 =	vadd.s32 $0x2, v3;
	vm0 =	vlt.f32 v4, v6  }
0x82: {  	v2 =	vadd.s32 $0x2, v2;
	v6 =	vsel vm0, v7, v6  }
0x83: {  	v4 =	vsub.f32 v4, v6  }
0x84: {  	v5 =	vadd.s32 $0x2, v5  }
0x85: {  	[tilespmem:v63+s23+$0x0] =	vst.idx.msk $0xffff, v4  }
0x86: {  	v3 =	vld.idx.msk [tilespmem:v3+s21+$0x0], $0xffff  }
0x87: {  	v2 =	vld.idx.msk [tilespmem:v2+s21+$0x0], $0xffff;
	_ =	sdelay $0x1  }
0x88: {  	v4 =	vld.idx.msk [tilespmem:v5+s22+$0x0], $0xffff;
	_ =	sdelay $0x2  }
0x89: {  	v2 =	vsub.f32 v2, v3;
	_ =	sdelay $0x1  }
0x8a: {  	v2 =	vadd.f32 v4, v2;
	_ =	sdelay $0x1  }
0x8b: {  	v3 =	vtrunc.f32 v2  }
0x8c: {  	v3 =	vcvt.f32.s32 v3;
	_ =	sdelay $0x1  }
0x8d: {  	v4 =	vcvt.s32.f32 v3;
	_ =	sdelay $0x1  }
0x8e: {  	s30 =	simm.s32 $0x10;
	v3 =	vor.u32 $0x2, v9;
	vm0 =	vlt.f32 v2, v4;
	v5 =	vadd.f32 $-1.000000000e+00, v4  }
.LBB2_7:
0x8f: {  	_ = 	snop  }
0x90: {  	p0 =	sne.s32 s30, $0x1F0;
	s28 =	sadd.s32 $0x10, s28;
	s29 =	sadd.s32 $0x10, s29;
	v4 =	vsel vm0, v5, v4  }
0x91: {  	s31 =	smov.u32 s30;
	s30 =	sadd.s32 $0x10, s30;
	v2 =	vsub.f32 v2, v4;
	_ =	sdelay $0x1  }
0x92: {  	[tilespmem:v3+s23+$0x0] =	vst.idx.msk $0xffff, v2  }
0x93: {  	v2 =	vld [tilespmem:s29+$0x0]  }
0x94: {  	v3 =	vld [tilespmem:s28+$0x0];
	_ =	sdelay $0x3  }
0x95: {  	v2 =	vmul.u32 $0x3, v2  }
0x96: {  	v3 =	vmul.u32 $0x3, v3  }
0x97: {  	v4 =	vor.u32 s31, v1  }
0x98: {  	v5 =	vmul.u32 $0x3, v4;
	_ =	sdelay $0x2  }
0x99: {  	v6 =	vld.idx.msk [tilespmem:v2+s21+$0x0], $0xffff  }
0x9a: {  	v7 =	vld.idx.msk [tilespmem:v3+s21+$0x0], $0xffff;
	_ =	sdelay $0x1  }
0x9b: {  	v8 =	vld.idx.msk [tilespmem:v5+s22+$0x0], $0xffff;
	_ =	sdelay $0x3  }
0x9c: {  	v6 =	vsub.f32 v6, v7;
	_ =	sdelay $0x1  }
0x9d: {  	v6 =	vadd.f32 v8, v6;
	_ =	sdelay $0x1  }
0x9e: {  	v7 =	vtrunc.f32 v6  }
0x9f: {  	v7 =	vcvt.f32.s32 v7;
	_ =	sdelay $0x1  }
0xa0: {  	v7 =	vcvt.s32.f32 v7;
	_ =	sdelay $0x1  }
0xa1: {  	v9 =	vshll.u32 v4, $0x4;
	vm0 =	vlt.f32 v6, v7;
	v8 =	vadd.f32 $-1.000000000e+00, v7  }
0xa2: {  	v4 =	vadd.s32 $0x1, v3  }
0xa3: {  	v7 =	vsel vm0, v8, v7;
	v8 =	vadd.s32 $0x1, v2  }
0xa4: {  	v6 =	vsub.f32 v6, v7  }
0xa5: {  	v7 =	vadd.s32 $0x1, v5  }
0xa6: {  	[tilespmem:v9+s23+$0x0] =	vst.idx.msk $0xffff, v6  }
0xa7: {  	v4 =	vld.idx.msk [tilespmem:v4+s21+$0x0], $0xffff  }
0xa8: {  	v6 =	vld.idx.msk [tilespmem:v8+s21+$0x0], $0xffff;
	_ =	sdelay $0x1  }
0xa9: {  	v7 =	vld.idx.msk [tilespmem:v7+s22+$0x0], $0xffff;
	_ =	sdelay $0x3  }
0xaa: {  	v4 =	vsub.f32 v6, v4;
	_ =	sdelay $0x1  }
0xab: {  	v4 =	vadd.f32 v7, v4;
	_ =	sdelay $0x1  }
0xac: {  	v6 =	vtrunc.f32 v4  }
0xad: {  	v6 =	vcvt.f32.s32 v6;
	_ =	sdelay $0x1  }
0xae: {  	v6 =	vcvt.s32.f32 v6;
	_ =	sdelay $0x1  }
0xaf: {  	v8 =	vor.u32 $0x1, v9;
	vm0 =	vlt.f32 v4, v6;
	v7 =	vadd.f32 $-1.000000000e+00, v6  }
0xb0: {  	v3 =	vadd.s32 $0x2, v3  }
0xb1: {  	v2 =	vadd.s32 $0x2, v2;
	v6 =	vsel vm0, v7, v6  }
0xb2: {  	v4 =	vsub.f32 v4, v6  }
0xb3: {  	v5 =	vadd.s32 $0x2, v5  }
0xb4: {  	[tilespmem:v8+s23+$0x0] =	vst.idx.msk $0xffff, v4  }
0xb5: {  	v3 =	vld.idx.msk [tilespmem:v3+s21+$0x0], $0xffff  }
0xb6: {  	v2 =	vld.idx.msk [tilespmem:v2+s21+$0x0], $0xffff;
	_ =	sdelay $0x1  }
0xb7: {  	v4 =	vld.idx.msk [tilespmem:v5+s22+$0x0], $0xffff;
	_ =	sdelay $0x3  }
0xb8: {  	v2 =	vsub.f32 v2, v3;
	_ =	sdelay $0x1  }
0xb9: {  	v2 =	vadd.f32 v4, v2;
	_ =	sdelay $0x1  }
0xba: {  	v3 =	vtrunc.f32 v2  }
.Ltmp2:
0xbb: {  	v3 =	vcvt.f32.s32 v3;
	(pc) =	sbr.rel @p0 .LBB2_7-.Ltmp2, $4  }
0xbc: {  	_ = 	snop  }
0xbd: {  	v4 =	vcvt.s32.f32 v3  }
0xbe: {  	v3 =	vor.u32 $0x2, v9  }
0xbf: {  	vm0 =	vlt.f32 v2, v4;
	v5 =	vadd.f32 $-1.000000000e+00, v4  }
0xc0: {  	_ = 	snop  }
0xc1: {  	v4 =	vsel vm0, v5, v4  }
0xc2: {  	s25 =	sadd.s32 $0x1, s25;
	v2 =	vsub.f32 v2, v4  }
0xc3: {  	s26 =	sshll.u32 s26, $0xA;
	p0 =	sne.s32 s25, s13  }
.Ltmp3:
0xc4: {  	s26 =	sadd.s32 s10, s26;
	[tilespmem:v3+s23+$0x0] =	vst.idx.msk $0xffff, v2;
	(pc) =	sbr.rel @p0 .LBB2_6-.Ltmp3, $4  }
0xc5: {  	[hbm4b:s26+s4] =	stream.linear.scatter [tilespmem:s23], [sflag:$0x2], $0x2000, $0x38;
	[tilespmem:$0x1E100] =	vst v63  }
0xc6: {  	_ =	swait.ge [sflag:s16], $0x2000  }
0xc7: {  	[sflag:s16] =	ssyncset.done $0x0  }
0xc8: {  	[sflag:s16] =	ssyncadd.s32 $0xFFFFE000  }
0xc9: {  	s24 =	sadd.s32 $0x1, s24  }
0xca: {  	p0 =	sne.s32 s24, s15  }
.Ltmp4:
0xcb: {  	_ = 	snop;
	(pc) =	sbr.rel @p0 .LBB2_1-.Ltmp4, $1  }
0xcc: {  	_ =	sdelay $0x3  }
0xcd: {  	_ =	sfence.sel $0x180000  }
0xce: {  	[bflag:$0x0] =	sbarrier.arrive $0xFFFF  }
0xcf: {  	p0 =	sne.s32 s0, $0x0;
	_ =	strace $0x90000047  }
0xd0: {  	s0 =	sadd.s32 @!p0 $0x100000, s1;
	[bflag:$0x2] =	sbarrier.arrive $0xFFFF  }
0xd1: {  	[sflag:s0] =	ssyncadd.tile.s32 @!p0 $0x1;
	_ =	shalt  }
.Lfunc_end2:
_tile_overlayer_lowered:
.L_overlay_start_2:
0xd2: {  	(tag) =	ssettag $0x2  }
0xd3: {  	s0 =	rddreg [dreg:$0x0];
	s2 =	stileid.u32  }
0xd4: {  	s1 =	rddreg [dreg:$0x1];
	p0 =	sne.s32 s2, $0x0  }
0xd5: {  	s3 =	rddreg [dreg:$0x2];
	[bflag:$0x3] =	sbarrier.arrive $0xFFFF;
	s2 =	simm.s32 @!p0 $0x1C02  }
0xd6: {  	[timem:s3], [sflag:s2] =	dma.local @!p0 [hbm:s0], s1  }
0xd7: {  	s0 =	simm.s32 @!p0 $0x2  }
0xd8: {  	_ =	swait.ge @!p0 [sflag:s0], s1  }
0xd9: {  	s1 =	ssub.s32 @!p0 $0x0, s1;
	[sflag:s0] =	ssyncset.done @!p0 $0x0  }
0xda: {  	[sflag:s0] =	ssyncadd.s32 @!p0 s1  }
0xdb: {  	[bflag:$0x3] =	sbarrier.arrive $0xFFFF  }
0xdc: {  	_ =	shalt  }

// kernel: kernel.16.cloned.1.call-start
scs
__scs_entry_jumppad:
0x0: {  	(pc) =	sbr.rel $0x88, $3  }
0x1: {  	(tag) =	ssettag $0x0;
	lr =	simm.s32 $0x1  }
0x2: {  	[smem:$0x3F88] =	sst lr;
	_ =	strace $0xD0000000  }
0x3: {  	_ = 	snop  }
0x4: {  	_ = 	snop  }
0x5: {  	_ = 	snop  }
0x6: {  	_ = 	snop  }
0x7: {  	_ = 	snop  }
__scs_overlays_trampoline_lowered:
0x8: {  	[smem:$0x3F97] =	sst s0  }
0x9: {  	[smem:$0x3F98] =	sst s1  }
0xa: {  	[smem:$0x3F99] =	sst s2  }
0xb: {  	[smem:$0x3F9A] =	sst s3  }
0xc: {  	[smem:$0x3F9B] =	sst s4  }
0xd: {  	[smem:$0x3F9C] =	sst s5  }
0xe: {  	[smem:$0x3F9D] =	sst s6  }
0xf: {  	[smem:$0x3F9E] =	sst s7  }
0x10: {  	[smem:$0x3F9F] =	sst s8  }
0x11: {  	[smem:$0x3FA0] =	sst s9;
	s0 =	simm.s32 @!p0 $0x0  }
0x12: {  	s1 =	sld [smem:$0x3F86];
	s0 =	simm.s32 @p0 $0x1  }
0x13: {  	[smem:$0x3FA1] =	sst s0;
	s0 =	simm.s32 @!p1 $0x0  }
0x14: {  	s2 =	sld [smem:$0x3F85];
	s0 =	simm.s32 @p1 $0x1  }
0x15: {  	[smem:$0x3FA2] =	sst s0;
	s0 =	simm.s32 @!p2 $0x0  }
0x16: {  	s3 =	sld [smem:$0x3FDB];
	s0 =	simm.s32 @p2 $0x1  }
0x17: {  	s4 =	simm.s32 $0x1BF5;
	[smem:$0x3FA4] =	sst s0  }
0x18: {  	s0 =	sld [smem:$0x3F87];
	_ =	swait.ge [sflag:s4], $0x0  }
0x19: {  	s7 =	sld [smem:$0x3F88]  }
0x1a: {  	s8 =	sadd.s32 $0xFFFFE003, lr  }
0x1b: {  	s9 =	sadd.s32 $0xFFFFFEF7, lr;
	s5 =	simm.s32 $0xFFFFFFFF;
	p2 =	slt.u32 s8, $0xFFFFF086  }
0x1c: {  	p1 =	slt.u32 s9, $0xF7A;
	s5 =	simm.s32 @!p2 $0x0  }
0x1d: {  	s5 =	simm.s32 @p1 $0x1;
	p0 =	seq.s32 s7, s2  }
0x1e: {  	s7 =	smul.u32 @!p0 $0xF7A, s2;
	p2 =	seq.s32 @!p0 s5, $0x0  }
0x1f: {  	s9 =	smul.u32 $0xF7A, s1;
	s8 =	simm.s32 @!p0 $0x1BF5;
	p2 =	por !p2, p0  }
0x20: {  	[sflag:s8] =	ssyncset.s32 @!p0 $0xFFFFF086;
	s6 =	sadd.s32 @!p0 s3, s7;
	s7 =	simm.s32 @!p0 $0x108  }
0x21: {  	s3 =	sadd.s32 s3, s9;
	s6 =	sadd.s32 @!p0 $0x88, s6;
	s7 =	simm.s32 @p2 $0x1082  }
0x22: {  	[simem:s7], [sflag:s8] =	dma.local @!p0 [hbm:s6], $0xF7A  }
0x23: {  	s9 =	sor.u32 $0xD0000000, s2;
	s6 =	simm.s32 $0x108;
	_ =	swait.ge @!p0 [sflag:s8], $0x0  }
0x24: {  	s3 =	sadd.s32 $0x88, s3;
	s6 =	simm.s32 @!p1 $0x1082;
	[sflag:s4] =	ssyncset.s32 $0xFFFFF086  }
0x25: {  	[simem:s6], [sflag:s4] =	dma.local [hbm:s3], $0xF7A  }
0x26: {  	[smem:$0x3F88] =	sst s1;
	(tag) =	ssettag s2;
	_ =	strace s9  }
0x27: {  	s1 =	sld [smem:$0x3F98]  }
0x28: {  	s2 =	sld [smem:$0x3F99]  }
0x29: {  	s4 =	sld [smem:$0x3F9B]  }
0x2a: {  	p0 =	seq.s32 s5, $0x0;
	s5 =	sld [smem:$0x3F9C]  }
0x2b: {  	s6 =	sld [smem:$0x3F9D]  }
0x2c: {  	s7 =	sld [smem:$0x3F9E]  }
0x2d: {  	s3 =	simm.s32 $0x108;
	s8 =	sld [smem:$0x3F9F]  }
0x2e: {  	s3 =	simm.s32 @!p0 $0x1082;
	s9 =	sld [smem:$0x3FA0]  }
0x2f: {  	lr =	sadd.s32 s0, s3;
	s0 =	sld [smem:$0x3F97]  }
0x30: {  	s3 =	sld [smem:$0x3F9A]  }
0x31: {  	[smem:$0x3FA3] =	sst s10  }
0x32: {  	s10 =	sld [smem:$0x3FA1];
	_ =	sdelay $0x3  }
0x33: {  	p0 =	seq.s32 s10, $0x1;
	s10 =	sld [smem:$0x3FA3];
	_ =	sdelay $0x3  }
0x34: {  	[smem:$0x3FA3] =	sst s10  }
0x35: {  	s10 =	sld [smem:$0x3FA2];
	_ =	sdelay $0x3  }
0x36: {  	p1 =	seq.s32 s10, $0x1;
	s10 =	sld [smem:$0x3FA3];
	_ =	sdelay $0x3  }
0x37: {  	[smem:$0x3FA3] =	sst s10  }
0x38: {  	s10 =	sld [smem:$0x3FA4]  }
0x39: {  	_ = 	snop;
	(pc) =	sbr.ind lr, $3  }
0x3a: {  	_ = 	snop  }
0x3b: {  	_ = 	snop  }
0x3c: {  	p2 =	seq.s32 s10, $0x1;
	s10 =	sld [smem:$0x3FA3]  }
0x3d: {  	_ =	shalt  }
0x3e: {  	_ =	shalt  }
0x3f: {  	_ =	shalt  }
0x40: {  	_ =	shalt  }
0x41: {  	_ =	shalt  }
0x42: {  	_ =	shalt  }
0x43: {  	_ =	shalt  }
0x44: {  	_ =	shalt  }
0x45: {  	_ =	shalt  }
0x46: {  	_ =	shalt  }
0x47: {  	_ =	shalt  }
0x48: {  	_ =	shalt  }
0x49: {  	_ =	shalt  }
0x4a: {  	_ =	shalt  }
0x4b: {  	_ =	shalt  }
0x4c: {  	_ =	shalt  }
0x4d: {  	_ =	shalt  }
0x4e: {  	_ =	shalt  }
0x4f: {  	_ =	shalt  }
0x50: {  	_ =	shalt  }
0x51: {  	_ =	shalt  }
0x52: {  	_ =	shalt  }
0x53: {  	_ =	shalt  }
0x54: {  	_ =	shalt  }
0x55: {  	_ =	shalt  }
0x56: {  	_ =	shalt  }
0x57: {  	_ =	shalt  }
0x58: {  	_ =	shalt  }
0x59: {  	_ =	shalt  }
0x5a: {  	_ =	shalt  }
0x5b: {  	_ =	shalt  }
0x5c: {  	_ =	shalt  }
0x5d: {  	_ =	shalt  }
0x5e: {  	_ =	shalt  }
0x5f: {  	_ =	shalt  }
0x60: {  	_ =	shalt  }
0x61: {  	_ =	shalt  }
0x62: {  	_ =	shalt  }
0x63: {  	_ =	shalt  }
0x64: {  	_ =	shalt  }
0x65: {  	_ =	shalt  }
0x66: {  	_ =	shalt  }
0x67: {  	_ =	shalt  }
0x68: {  	_ =	shalt  }
0x69: {  	_ =	shalt  }
0x6a: {  	_ =	shalt  }
0x6b: {  	_ =	shalt  }
0x6c: {  	_ =	shalt  }
0x6d: {  	_ =	shalt  }
0x6e: {  	_ =	shalt  }
0x6f: {  	_ =	shalt  }
0x70: {  	_ =	shalt  }
0x71: {  	_ =	shalt  }
0x72: {  	_ =	shalt  }
0x73: {  	_ =	shalt  }
0x74: {  	_ =	shalt  }
0x75: {  	_ =	shalt  }
0x76: {  	_ =	shalt  }
0x77: {  	_ =	shalt  }
0x78: {  	_ =	shalt  }
0x79: {  	_ =	shalt  }
0x7a: {  	_ =	shalt  }
0x7b: {  	_ =	shalt  }
0x7c: {  	_ =	shalt  }
0x7d: {  	_ =	shalt  }
0x7e: {  	_ =	shalt  }
0x7f: {  	_ =	shalt  }
0x80: {  	_ =	shalt  }
0x81: {  	_ =	shalt  }
0x82: {  	_ =	shalt  }
0x83: {  	_ =	shalt  }
0x84: {  	_ =	shalt  }
0x85: {  	_ =	shalt  }
0x86: {  	_ =	shalt  }
0x87: {  	_ =	shalt  }
.Lfunc_end0:
.L_simem_size_0:
called_computation.1_lowered:
.L_overlay_start_0:
0x88: {  	s2 =	sld [smem:$0x3FD9]  }
0x89: {  	s3 =	sld [smem:$0x3FFE];
	_ =	sdelay $0x1  }
0x8a: {  	s1 =	srdreg.scid  }
0x8b: {  	s0 =	sand.u32 $0x1, s1  }
0x8c: {  	s16 =	sshll.u32 s0, $0xA;
	s2 =	sadd.s32 s3, s2  }
0x8d: {  	s2 =	sadd.s32 s2, s16  }
0x8e: {  	[smem:$0x3FAF] =	sst s2  }
0x8f: {  	_ = 	snop  }
0x90: {  	(tm) =	ssettm $0x1  }
0x91: {  	s17 =	sld [smem:$0x3FFB];
	_ =	sdelay $0x3  }
0x92: {  	_ =	strace s17  }
0x93: {  	s2 =	sld [smem:$0x3FFC];
	_ =	sdelay $0x3  }
0x94: {  	_ =	strace s2  }
0x95: {  	s2 =	sld [smem:$0x3FFD];
	_ =	sdelay $0x3  }
0x96: {  	_ =	strace s2  }
0x97: {  	_ =	strace $0x8FFFFFFF  }
0x98: {  	s18 =	sld [smem:$0x3FDB];
	_ =	sdelay $0x1  }
0x99: {  	s19 =	simm.s32 $_scs_section_size  }
0x9a: {  	s4 =	simm.s32 $_size__tile_overlayer_lowered;
	s5 =	simm.s32 $_tile_overlayer_lowered  }
0x9b: {  	s22 =	simm.s32 $0x1BFF;
	s21 =	sshll.u32 s5, $0x1;
	s2 =	sadd.s32 s19, s18  }
0x9c: {  	s6 =	simm.s32 $0x0;
	s20 =	sshll.u32 s4, $0x1;
	s4 =	sadd.s32 s21, s2  }
0x9d: {  	[timem:s6], [sflag:s22] =	dma.local [hbm:s4], s20  }
0x9e: {  	_ =	swait.ge [sflag:s22], s20  }
0x9f: {  	s3 =	ssub.s32 $0x0, s20;
	[sflag:s22] =	ssyncset.done $0x0  }
0xa0: {  	[sflag:s22] =	ssyncadd.s32 s3;
	_ =	sdelay $0x1  }
0xa1: {  	s23 =	simm.s32 $0x1B8B  }
0xa2: {  	_ =	swait.ge [sflag:s23], $0x1  }
0xa3: {  	[sflag:s23] =	ssyncset.done $0x0  }
0xa4: {  	s25 =	simm.s32 $0x1B8E;
	s24 =	sld [smem:$0x3FFE];
	[sflag:s23] =	ssyncadd.s32 $0xFFFFFFFF  }
0xa5: {  	s26 =	simm.s32 $execute0_lowered;
	[smem:$0x3FD2] =	sst s25  }
0xa6: {  	s4 =	sshll.u32 s26, $0x1;
	_ =	strace $0x80000049;
	[dreg:$0x1] =	wrdreg $0xFFFFFFFF  }
0xa7: {  	s28 =	simm.s32 $_size_execute0_lowered;
	s2 =	sadd.s32 s2, s4;
	[dreg:$0x0] =	wrdreg $0x0  }
0xa8: {  	s4 =	sshll.u32 s28, $0x1;
	[dreg:$0x2] =	wrdreg s2  }
0xa9: {  	[dreg:$0x3] =	wrdreg s4  }
0xaa: {  	[dreg:$0x4] =	wrdreg $0xC0  }
0xab: {  	_ =	task [dreg:s6], $0x5FFFF  }
0xac: {  	[dreg:$0x1] =	wrdreg $0xFFFFFFFF  }
0xad: {  	[dreg:$0x0] =	wrdreg $0x60  }
0xae: {  	[dreg:$0x2] =	wrdreg s24  }
0xaf: {  	[dreg:$0x3] =	wrdreg $0x9  }
0xb0: {  	_ =	task.clear_ibuf [dreg:s6], $0x4FFFF;
	_ =	strace $0x90000049  }
0xb1: {  	s29 =	simm.s32 $0x9;
	_ =	strace $0x8000004B  }
0xb2: {  	_ =	swait.ge [sflag:s29], $0x1  }
0xb3: {  	[sflag:s29] =	ssyncadd.s32 $0xFFFFFFFF  }
0xb4: {  	_ =	strace $0x9000004B  }
0xb5: {  	_ =	sfence  }
0xb6: {  	s30 =	sld [smem:$0x0];
	_ =	sdelay $0x2  }
0xb7: {  	s31 =	sshll.u32 s1, $0xD;
	s1 =	sshrl.u32 s1, $0x2  }
0xb8: {  	s3 =	sand.u32 $0x4000, s31;
	s1 =	sadd.s32 s1, s30  }
0xb9: {  	s0 =	sor.u32 s3, s0;
	s1 =	sshll.u32 s1, $0x11  }
0xba: {  	s0 =	sor.u32 s1, s0  }
0xbb: {  	s0 =	sadd.s32 $0x8F2B, s0  }
0xbc: {  	[sflag:s0] =	ssyncadd.remote.s32 $0x1  }
0xbd: {  	_ =	sfence.sel $0xFFFF  }
0xbe: {  	[dreg:$0x0] =	wrdreg $0xFFFFFFFF;
	(pc) =	sbr.abs _section_cstart, $3  }
0xbf: {  	[dreg:$0x1] =	wrdreg $0xFFFFFFFF  }
0xc0: {  	_ =	task.clear_ibuf [dreg:s6], $0x2FFFF;
	_ =	strace $0x9FFFFFFF  }
0xc1: {  	(tm) =	ssettm $0x7FFFFFFF  }
tec
execute0_lowered:
.L_overlay_start_1:
0x0: {  	(tag) =	ssettag $0x1  }
0x1: {  	s1 =	srdreg.scid;
	s0 =	stileid.u32  }
0x2: {  	s5 =	rddreg [dreg:$0x0];
	s2 =	simm.s32 $0x0;
	s10 =	simm.s32 $0x2  }
0x3: {  	s11 =	simm.s32 $0x200;
	s12 =	simm.s32 $0x1;
	s13 =	simm.s32 $0x0  }
0x4: {  	s4 =	sand.u32 $0x1, s1;
	s6 =	sshll.u32 s0, $0x9;
	s1 =	rddreg [dreg:$0x1]  }
0x5: {  	[smem:$0x7FF] =	sst s2;
	s31 =	sshll.u32 s0, $0xD;
	s3 =	sshll.u32 s4, $0xD  }
0x6: {  	_ =	strace $0x8000004A;
	s29 =	sshll.u32 s4, $0x11;
	s8 =	ssub.s32 $0x2, s4  }
0x7: {  	s4 =	sshll.u32 s4, $0x4;
	s3 =	sor.u32 s6, s3;
	s9 =	sadd.s32 s29, s5  }
0x8: {  	s30 =	sshrl.u32 s8, $0x1;
	s4 =	sor.u32 s0, s4;
	s6 =	sshrl.u32 s3, $0x3  }
0x9: {  	s3 =	sadd.s32 $0xBC800, s5;
	p0 =	slt.u32 s4, $0x11;
	s4 =	simm.s32 $0x14  }
0xa: {  	s9 =	sadd.s32 s31, s9;
	s7 =	sadd.s32 s6, s5;
	s5 =	ssub.s32 s8, s30  }
0xb: {  	s4 =	simm.s32 @!p0 $0x13;
	s8 =	sadd.s32 $0xE4800, s9;
	s9 =	sadd.s32 $0x5C6800, s9  }
0xc: {  	s5 =	smax.u32 s5, $0x1;
	s6 =	sadd.s32 $0xA000, s7;
	s7 =	sadd.s32 $0x13E00, s7  }
.LBB2_1:
0xd: {  	[tilespmem:s2], [sflag:$0x2] =	stream.linear.gather [hbm4b:s7+s2], $0x200, $0x38;
	[tilespmem:$0x10200] =	vst v63  }
0xe: {  	_ =	swait.ge [sflag:s10], $0x200  }
0xf: {  	[sflag:s10] =	ssyncset.done $0x0  }
0x10: {  	[sflag:s10] =	ssyncadd.s32 $0xFFFFFE00  }
0x11: {  	[tilespmem:s11], [sflag:$0x1] =	stream.indirect.gather [hbm4b:s3+s11], $0x80, s2, s11, $0xb8;
	[tilespmem:$0x10200] =	vst v63  }
0x12: {  	_ =	swait.ge [sflag:s12], $0x10000  }
0x13: {  	[sflag:s12] =	ssyncset.done $0x0  }
0x14: {  	[sflag:s12] =	ssyncadd.s32 $0xFFFF0000  }
0x15: {  	[hbm4b:s8+s2] =	stream.linear.scatter [tilespmem:s11], [sflag:$0x2], $0x10000, $0x38;
	[tilespmem:$0x10200] =	vst v63  }
0x16: {  	_ =	swait.ge [sflag:s10], $0x10000  }
0x17: {  	[sflag:s10] =	ssyncset.done $0x0  }
0x18: {  	[sflag:s10] =	ssyncadd.s32 $0xFFFF0000  }
0x19: {  	[tilespmem:s2], [sflag:$0x2] =	stream.linear.gather [hbm4b:s6+s2], $0x200, $0x38;
	[tilespmem:$0x10200] =	vst v63  }
0x1a: {  	_ =	swait.ge [sflag:s10], $0x200  }
0x1b: {  	[sflag:s10] =	ssyncset.done $0x0  }
0x1c: {  	[sflag:s10] =	ssyncadd.s32 $0xFFFFFE00  }
0x1d: {  	[tilespmem:s11], [sflag:$0x1] =	stream.indirect.gather [hbm4b:s3+s11], $0x80, s2, s11, $0xb8;
	[tilespmem:$0x10200] =	vst v63  }
0x1e: {  	p0 =	sne.s32 s4, $0x1;
	_ =	swait.ge [sflag:s12], $0x10000  }
.Ltmp0:
0x1f: {  	[sflag:s12] =	ssyncset.done $0x0;
	(pc) =	sbr.rel @!p0 .LBB2_3-.Ltmp0, $4  }
0x20: {  	s14 =	sadd.s32 $0xFFFFFFFF, s4;
	[sflag:s12] =	ssyncadd.s32 $0xFFFF0000  }
0x21: {  	[hbm4b:s9+s2] =	stream.linear.scatter [tilespmem:s11], [sflag:$0x2], $0x10000, $0x38;
	[tilespmem:$0x10200] =	vst v63  }
0x22: {  	s15 =	sadd.s32 $0x40000, s8;
	s16 =	sadd.s32 $0x40000, s9;
	_ =	swait.ge [sflag:s10], $0x10000  }
0x23: {  	s17 =	smov.u32 s6;
	s18 =	smov.u32 s7;
	[sflag:s10] =	ssyncset.done $0x0  }
.LBB2_2:
0x24: {  	[sflag:s10] =	ssyncadd.s32 $0xFFFF0000;
	s17 =	sadd.s32 $0x800, s17;
	s18 =	sadd.s32 $0x800, s18  }
0x25: {  	[tilespmem:s2], [sflag:$0x2] =	stream.linear.gather [hbm4b:s18+s2], $0x200, $0x38;
	[tilespmem:$0x10200] =	vst v63  }
0x26: {  	p0 =	sne.s32 s14, $0x1;
	s14 =	sadd.s32 $0xFFFFFFFF, s14;
	_ =	swait.ge [sflag:s10], $0x200  }
0x27: {  	[sflag:s10] =	ssyncset.done $0x0  }
0x28: {  	[sflag:s10] =	ssyncadd.s32 $0xFFFFFE00  }
0x29: {  	[tilespmem:s11], [sflag:$0x1] =	stream.indirect.gather [hbm4b:s3+s11], $0x80, s2, s11, $0xb8;
	[tilespmem:$0x10200] =	vst v63  }
0x2a: {  	_ =	swait.ge [sflag:s12], $0x10000  }
0x2b: {  	[sflag:s12] =	ssyncset.done $0x0  }
0x2c: {  	[sflag:s12] =	ssyncadd.s32 $0xFFFF0000  }
0x2d: {  	[hbm4b:s15+s2] =	stream.linear.scatter [tilespmem:s11], [sflag:$0x2], $0x10000, $0x38;
	[tilespmem:$0x10200] =	vst v63  }
0x2e: {  	_ =	swait.ge [sflag:s10], $0x10000  }
0x2f: {  	[sflag:s10] =	ssyncset.done $0x0  }
0x30: {  	[sflag:s10] =	ssyncadd.s32 $0xFFFF0000  }
0x31: {  	[tilespmem:s2], [sflag:$0x2] =	stream.linear.gather [hbm4b:s17+s2], $0x200, $0x38;
	[tilespmem:$0x10200] =	vst v63  }
0x32: {  	_ =	swait.ge [sflag:s10], $0x200  }
0x33: {  	[sflag:s10] =	ssyncset.done $0x0  }
0x34: {  	[sflag:s10] =	ssyncadd.s32 $0xFFFFFE00  }
0x35: {  	[tilespmem:s11], [sflag:$0x1] =	stream.indirect.gather [hbm4b:s3+s11], $0x80, s2, s11, $0xb8;
	[tilespmem:$0x10200] =	vst v63  }
0x36: {  	_ =	swait.ge [sflag:s12], $0x10000  }
.Ltmp1:
0x37: {  	[sflag:s12] =	ssyncset.done $0x0;
	(pc) =	sbr.rel @p0 .LBB2_2-.Ltmp1, $4  }
0x38: {  	[sflag:s12] =	ssyncadd.s32 $0xFFFF0000  }
0x39: {  	[hbm4b:s16+s2] =	stream.linear.scatter [tilespmem:s11], [sflag:$0x2], $0x10000, $0x38;
	[tilespmem:$0x10200] =	vst v63  }
0x3a: {  	_ =	swait.ge [sflag:s10], $0x10000  }
0x3b: {  	s15 =	sadd.s32 $0x40000, s15;
	s16 =	sadd.s32 $0x40000, s16;
	[sflag:s10] =	ssyncset.done $0x0  }
.LBB2_3:
0x3c: {  	s13 =	sadd.s32 $0x1, s13  }
0x3d: {  	p0 =	sne.s32 s13, s5  }
.Ltmp2:
0x3e: {  	_ = 	snop;
	(pc) =	sbr.rel @p0 .LBB2_1-.Ltmp2, $2  }
0x3f: {  	_ =	sdelay $0x2  }
0x40: {  	[sflag:s10] =	ssyncadd.s32 $0xFFFF0000  }
0x41: {  	_ =	sfence.sel $0x180000  }
0x42: {  	[bflag:$0x0] =	sbarrier.arrive $0xFFFF  }
0x43: {  	p0 =	sne.s32 s0, $0x0;
	_ =	strace $0x9000004A  }
0x44: {  	s0 =	sadd.s32 @!p0 $0x100000, s1;
	[bflag:$0x2] =	sbarrier.arrive $0xFFFF  }
0x45: {  	[sflag:s0] =	ssyncadd.tile.s32 @!p0 $0x1;
	_ =	shalt  }
.Lfunc_end2:
_tile_overlayer_lowered:
.L_overlay_start_2:
0x46: {  	(tag) =	ssettag $0x2  }
0x47: {  	s0 =	rddreg [dreg:$0x0];
	s2 =	stileid.u32  }
0x48: {  	s1 =	rddreg [dreg:$0x1];
	p0 =	sne.s32 s2, $0x0  }
0x49: {  	s3 =	rddreg [dreg:$0x2];
	[bflag:$0x3] =	sbarrier.arrive $0xFFFF;
	s2 =	simm.s32 @!p0 $0x1C02  }
0x4a: {  	[timem:s3], [sflag:s2] =	dma.local @!p0 [hbm:s0], s1  }
0x4b: {  	s0 =	simm.s32 @!p0 $0x2  }
0x4c: {  	_ =	swait.ge @!p0 [sflag:s0], s1  }
0x4d: {  	s1 =	ssub.s32 @!p0 $0x0, s1;
	[sflag:s0] =	ssyncset.done @!p0 $0x0  }
0x4e: {  	[sflag:s0] =	ssyncadd.s32 @!p0 s1  }
0x4f: {  	[bflag:$0x3] =	sbarrier.arrive $0xFFFF  }
0x50: {  	_ =	shalt  }

// kernel: kernel.19.cloned.1.call-start
scs
__scs_entry_jumppad:
0x0: {  	(pc) =	sbr.rel $0x88, $3  }
0x1: {  	(tag) =	ssettag $0x0;
	lr =	simm.s32 $0x1  }
0x2: {  	[smem:$0x3F88] =	sst lr;
	_ =	strace $0xD0000000  }
0x3: {  	_ = 	snop  }
0x4: {  	_ = 	snop  }
0x5: {  	_ = 	snop  }
0x6: {  	_ = 	snop  }
0x7: {  	_ = 	snop  }
__scs_overlays_trampoline_lowered:
0x8: {  	[smem:$0x3F97] =	sst s0  }
0x9: {  	[smem:$0x3F98] =	sst s1  }
0xa: {  	[smem:$0x3F99] =	sst s2  }
0xb: {  	[smem:$0x3F9A] =	sst s3  }
0xc: {  	[smem:$0x3F9B] =	sst s4  }
0xd: {  	[smem:$0x3F9C] =	sst s5  }
0xe: {  	[smem:$0x3F9D] =	sst s6  }
0xf: {  	[smem:$0x3F9E] =	sst s7  }
0x10: {  	[smem:$0x3F9F] =	sst s8  }
0x11: {  	[smem:$0x3FA0] =	sst s9;
	s0 =	simm.s32 @!p0 $0x0  }
0x12: {  	s1 =	sld [smem:$0x3F86];
	s0 =	simm.s32 @p0 $0x1  }
0x13: {  	[smem:$0x3FA1] =	sst s0;
	s0 =	simm.s32 @!p1 $0x0  }
0x14: {  	s2 =	sld [smem:$0x3F85];
	s0 =	simm.s32 @p1 $0x1  }
0x15: {  	[smem:$0x3FA2] =	sst s0;
	s0 =	simm.s32 @!p2 $0x0  }
0x16: {  	s3 =	sld [smem:$0x3FDB];
	s0 =	simm.s32 @p2 $0x1  }
0x17: {  	s4 =	simm.s32 $0x1BF5;
	[smem:$0x3FA4] =	sst s0  }
0x18: {  	s0 =	sld [smem:$0x3F87];
	_ =	swait.ge [sflag:s4], $0x0  }
0x19: {  	s7 =	sld [smem:$0x3F88]  }
0x1a: {  	s8 =	sadd.s32 $0xFFFFE003, lr  }
0x1b: {  	s9 =	sadd.s32 $0xFFFFFEF7, lr;
	s5 =	simm.s32 $0xFFFFFFFF;
	p2 =	slt.u32 s8, $0xFFFFF086  }
0x1c: {  	p1 =	slt.u32 s9, $0xF7A;
	s5 =	simm.s32 @!p2 $0x0  }
0x1d: {  	s5 =	simm.s32 @p1 $0x1;
	p0 =	seq.s32 s7, s2  }
0x1e: {  	s7 =	smul.u32 @!p0 $0xF7A, s2;
	p2 =	seq.s32 @!p0 s5, $0x0  }
0x1f: {  	s9 =	smul.u32 $0xF7A, s1;
	s8 =	simm.s32 @!p0 $0x1BF5;
	p2 =	por !p2, p0  }
0x20: {  	[sflag:s8] =	ssyncset.s32 @!p0 $0xFFFFF086;
	s6 =	sadd.s32 @!p0 s3, s7;
	s7 =	simm.s32 @!p0 $0x108  }
0x21: {  	s3 =	sadd.s32 s3, s9;
	s6 =	sadd.s32 @!p0 $0x88, s6;
	s7 =	simm.s32 @p2 $0x1082  }
0x22: {  	[simem:s7], [sflag:s8] =	dma.local @!p0 [hbm:s6], $0xF7A  }
0x23: {  	s9 =	sor.u32 $0xD0000000, s2;
	s6 =	simm.s32 $0x108;
	_ =	swait.ge @!p0 [sflag:s8], $0x0  }
0x24: {  	s3 =	sadd.s32 $0x88, s3;
	s6 =	simm.s32 @!p1 $0x1082;
	[sflag:s4] =	ssyncset.s32 $0xFFFFF086  }
0x25: {  	[simem:s6], [sflag:s4] =	dma.local [hbm:s3], $0xF7A  }
0x26: {  	[smem:$0x3F88] =	sst s1;
	(tag) =	ssettag s2;
	_ =	strace s9  }
0x27: {  	s1 =	sld [smem:$0x3F98]  }
0x28: {  	s2 =	sld [smem:$0x3F99]  }
0x29: {  	s4 =	sld [smem:$0x3F9B]  }
0x2a: {  	p0 =	seq.s32 s5, $0x0;
	s5 =	sld [smem:$0x3F9C]  }
0x2b: {  	s6 =	sld [smem:$0x3F9D]  }
0x2c: {  	s7 =	sld [smem:$0x3F9E]  }
0x2d: {  	s3 =	simm.s32 $0x108;
	s8 =	sld [smem:$0x3F9F]  }
0x2e: {  	s3 =	simm.s32 @!p0 $0x1082;
	s9 =	sld [smem:$0x3FA0]  }
0x2f: {  	lr =	sadd.s32 s0, s3;
	s0 =	sld [smem:$0x3F97]  }
0x30: {  	s3 =	sld [smem:$0x3F9A]  }
0x31: {  	[smem:$0x3FA3] =	sst s10  }
0x32: {  	s10 =	sld [smem:$0x3FA1];
	_ =	sdelay $0x3  }
0x33: {  	p0 =	seq.s32 s10, $0x1;
	s10 =	sld [smem:$0x3FA3];
	_ =	sdelay $0x3  }
0x34: {  	[smem:$0x3FA3] =	sst s10  }
0x35: {  	s10 =	sld [smem:$0x3FA2];
	_ =	sdelay $0x3  }
0x36: {  	p1 =	seq.s32 s10, $0x1;
	s10 =	sld [smem:$0x3FA3];
	_ =	sdelay $0x3  }
0x37: {  	[smem:$0x3FA3] =	sst s10  }
0x38: {  	s10 =	sld [smem:$0x3FA4]  }
0x39: {  	_ = 	snop;
	(pc) =	sbr.ind lr, $3  }
0x3a: {  	_ = 	snop  }
0x3b: {  	_ = 	snop  }
0x3c: {  	p2 =	seq.s32 s10, $0x1;
	s10 =	sld [smem:$0x3FA3]  }
0x3d: {  	_ =	shalt  }
0x3e: {  	_ =	shalt  }
0x3f: {  	_ =	shalt  }
0x40: {  	_ =	shalt  }
0x41: {  	_ =	shalt  }
0x42: {  	_ =	shalt  }
0x43: {  	_ =	shalt  }
0x44: {  	_ =	shalt  }
0x45: {  	_ =	shalt  }
0x46: {  	_ =	shalt  }
0x47: {  	_ =	shalt  }
0x48: {  	_ =	shalt  }
0x49: {  	_ =	shalt  }
0x4a: {  	_ =	shalt  }
0x4b: {  	_ =	shalt  }
0x4c: {  	_ =	shalt  }
0x4d: {  	_ =	shalt  }
0x4e: {  	_ =	shalt  }
0x4f: {  	_ =	shalt  }
0x50: {  	_ =	shalt  }
0x51: {  	_ =	shalt  }
0x52: {  	_ =	shalt  }
0x53: {  	_ =	shalt  }
0x54: {  	_ =	shalt  }
0x55: {  	_ =	shalt  }
0x56: {  	_ =	shalt  }
0x57: {  	_ =	shalt  }
0x58: {  	_ =	shalt  }
0x59: {  	_ =	shalt  }
0x5a: {  	_ =	shalt  }
0x5b: {  	_ =	shalt  }
0x5c: {  	_ =	shalt  }
0x5d: {  	_ =	shalt  }
0x5e: {  	_ =	shalt  }
0x5f: {  	_ =	shalt  }
0x60: {  	_ =	shalt  }
0x61: {  	_ =	shalt  }
0x62: {  	_ =	shalt  }
0x63: {  	_ =	shalt  }
0x64: {  	_ =	shalt  }
0x65: {  	_ =	shalt  }
0x66: {  	_ =	shalt  }
0x67: {  	_ =	shalt  }
0x68: {  	_ =	shalt  }
0x69: {  	_ =	shalt  }
0x6a: {  	_ =	shalt  }
0x6b: {  	_ =	shalt  }
0x6c: {  	_ =	shalt  }
0x6d: {  	_ =	shalt  }
0x6e: {  	_ =	shalt  }
0x6f: {  	_ =	shalt  }
0x70: {  	_ =	shalt  }
0x71: {  	_ =	shalt  }
0x72: {  	_ =	shalt  }
0x73: {  	_ =	shalt  }
0x74: {  	_ =	shalt  }
0x75: {  	_ =	shalt  }
0x76: {  	_ =	shalt  }
0x77: {  	_ =	shalt  }
0x78: {  	_ =	shalt  }
0x79: {  	_ =	shalt  }
0x7a: {  	_ =	shalt  }
0x7b: {  	_ =	shalt  }
0x7c: {  	_ =	shalt  }
0x7d: {  	_ =	shalt  }
0x7e: {  	_ =	shalt  }
0x7f: {  	_ =	shalt  }
0x80: {  	_ =	shalt  }
0x81: {  	_ =	shalt  }
0x82: {  	_ =	shalt  }
0x83: {  	_ =	shalt  }
0x84: {  	_ =	shalt  }
0x85: {  	_ =	shalt  }
0x86: {  	_ =	shalt  }
0x87: {  	_ =	shalt  }
.Lfunc_end0:
.L_simem_size_0:
called_computation.2_lowered:
.L_overlay_start_0:
0x88: {  	s2 =	sld [smem:$0x3FD9]  }
0x89: {  	s3 =	sld [smem:$0x3FFE];
	_ =	sdelay $0x1  }
0x8a: {  	s1 =	srdreg.scid  }
0x8b: {  	s0 =	sand.u32 $0x1, s1  }
0x8c: {  	s16 =	sshll.u32 s0, $0xA;
	s2 =	sadd.s32 s3, s2  }
0x8d: {  	s2 =	sadd.s32 s2, s16  }
0x8e: {  	[smem:$0x3FAF] =	sst s2  }
0x8f: {  	_ = 	snop  }
0x90: {  	(tm) =	ssettm $0x1  }
0x91: {  	s17 =	sld [smem:$0x3FFB];
	_ =	sdelay $0x3  }
0x92: {  	_ =	strace s17  }
0x93: {  	s2 =	sld [smem:$0x3FFC];
	_ =	sdelay $0x3  }
0x94: {  	_ =	strace s2  }
0x95: {  	s2 =	sld [smem:$0x3FFD];
	_ =	sdelay $0x3  }
0x96: {  	_ =	strace s2  }
0x97: {  	_ =	strace $0x8FFFFFFF  }
0x98: {  	s18 =	sld [smem:$0x3FDB];
	_ =	sdelay $0x1  }
0x99: {  	s19 =	simm.s32 $_scs_section_size  }
0x9a: {  	s4 =	simm.s32 $_size__tile_overlayer_lowered;
	s5 =	simm.s32 $_tile_overlayer_lowered  }
0x9b: {  	s22 =	simm.s32 $0x1BFF;
	s21 =	sshll.u32 s5, $0x1;
	s2 =	sadd.s32 s19, s18  }
0x9c: {  	s6 =	simm.s32 $0x0;
	s20 =	sshll.u32 s4, $0x1;
	s4 =	sadd.s32 s21, s2  }
0x9d: {  	[timem:s6], [sflag:s22] =	dma.local [hbm:s4], s20  }
0x9e: {  	_ =	swait.ge [sflag:s22], s20  }
0x9f: {  	s3 =	ssub.s32 $0x0, s20;
	[sflag:s22] =	ssyncset.done $0x0  }
0xa0: {  	[sflag:s22] =	ssyncadd.s32 s3;
	_ =	sdelay $0x1  }
0xa1: {  	s23 =	simm.s32 $0x1B8B  }
0xa2: {  	_ =	swait.ge [sflag:s23], $0x1  }
0xa3: {  	[sflag:s23] =	ssyncset.done $0x0  }
0xa4: {  	s25 =	simm.s32 $0x1B8E;
	s24 =	sld [smem:$0x3FFE];
	[sflag:s23] =	ssyncadd.s32 $0xFFFFFFFF  }
0xa5: {  	s26 =	simm.s32 $execute0_lowered;
	[smem:$0x3FD2] =	sst s25  }
0xa6: {  	s4 =	sshll.u32 s26, $0x1;
	_ =	strace $0x8000004C;
	[dreg:$0x1] =	wrdreg $0xFFFFFFFF  }
0xa7: {  	s28 =	simm.s32 $_size_execute0_lowered;
	s2 =	sadd.s32 s2, s4;
	[dreg:$0x0] =	wrdreg $0x0  }
0xa8: {  	s4 =	sshll.u32 s28, $0x1;
	[dreg:$0x2] =	wrdreg s2  }
0xa9: {  	[dreg:$0x3] =	wrdreg s4  }
0xaa: {  	[dreg:$0x4] =	wrdreg $0xC0  }
0xab: {  	_ =	task [dreg:s6], $0x5FFFF  }
0xac: {  	[dreg:$0x1] =	wrdreg $0xFFFFFFFF  }
0xad: {  	[dreg:$0x0] =	wrdreg $0x60  }
0xae: {  	[dreg:$0x2] =	wrdreg s24  }
0xaf: {  	[dreg:$0x3] =	wrdreg $0x81800  }
0xb0: {  	[dreg:$0x4] =	wrdreg $0x9  }
0xb1: {  	_ =	task.clear_ibuf [dreg:s6], $0x5FFFF;
	_ =	strace $0x9000004C  }
0xb2: {  	s29 =	simm.s32 $0x9;
	_ =	strace $0x8000004E  }
0xb3: {  	_ =	swait.ge [sflag:s29], $0x1  }
0xb4: {  	[sflag:s29] =	ssyncadd.s32 $0xFFFFFFFF  }
0xb5: {  	_ =	strace $0x9000004E  }
0xb6: {  	_ =	sfence  }
0xb7: {  	s30 =	sld [smem:$0x0];
	_ =	sdelay $0x2  }
0xb8: {  	s31 =	sshll.u32 s1, $0xD;
	s1 =	sshrl.u32 s1, $0x2  }
0xb9: {  	s3 =	sand.u32 $0x4000, s31;
	s1 =	sadd.s32 s1, s30  }
0xba: {  	s0 =	sor.u32 s3, s0;
	s1 =	sshll.u32 s1, $0x11  }
0xbb: {  	s0 =	sor.u32 s1, s0  }
0xbc: {  	s0 =	sadd.s32 $0x8F2B, s0  }
0xbd: {  	[sflag:s0] =	ssyncadd.remote.s32 $0x1  }
0xbe: {  	_ =	sfence.sel $0xFFFF  }
0xbf: {  	[dreg:$0x0] =	wrdreg $0xFFFFFFFF;
	(pc) =	sbr.abs _section_cstart, $3  }
0xc0: {  	[dreg:$0x1] =	wrdreg $0xFFFFFFFF  }
0xc1: {  	_ =	task.clear_ibuf [dreg:s6], $0x2FFFF;
	_ =	strace $0x9FFFFFFF  }
0xc2: {  	(tm) =	ssettm $0x7FFFFFFF  }
0xc3: {  	_ =	shalt  }
tec
execute0_lowered:
.L_overlay_start_1:
0x0: {  	(tag) =	ssettag $0x1  }
0x1: {  	s4 =	rddreg [dreg:$0x0]  }
0x2: {  	s1 =	rddreg [dreg:$0x1]  }
0x3: {  	s0 =	rddreg [dreg:$0x2];
	s3 =	simm.s32 $0x0;
	s2 =	srdreg.scid  }
0x4: {  	s13 =	simm.s32 $0x100;
	s14 =	simm.s32 $0x180;
	s15 =	simm.s32 $0x2  }
0x5: {  	s16 =	simm.s32 $0x1;
	s17 =	simm.s32 $0x0;
	s5 =	sand.u32 $0x1, s2  }
0x6: {  	[smem:$0x7FF] =	sst s3;
	s2 =	stileid.u32;
	s6 =	sshll.u32 s5, $0xC  }
0x7: {  	s7 =	sshll.u32 s2, $0x8;
	s8 =	smul.u32 $0x140000, s5;
	s9 =	sshll.u32 s5, $0x10  }
0x8: {  	s24 =	smul.u32 $0x14000, s2;
	_ =	strace $0x8000004D;
	s26 =	ssub.s32 $0x2, s5  }
0x9: {  	s5 =	sshll.u32 s5, $0x4;
	s31 =	sshll.u32 s2, $0xC;
	s6 =	sor.u32 s7, s6  }
0xa: {  	s9 =	sadd.s32 s9, s4;
	s28 =	sshrl.u32 s26, $0x1;
	s30 =	sor.u32 s2, s5  }
0xb: {  	s5 =	smul.u32 $0x280, s2;
	s6 =	sshrl.u32 s6, $0x3;
	s25 =	sadd.s32 s24, s8  }
0xc: {  	s29 =	ssub.s32 s26, s28;
	p0 =	slt.u32 s30, $0x2;
	s12 =	sadd.s32 s31, s9  }
0xd: {  	s10 =	sadd.s32 s6, s4;
	s6 =	sshrl.u32 s25, $0x3;
	s7 =	sadd.s32 $0xAAA000, s12  }
0xe: {  	s11 =	sadd.s32 s6, s4;
	s4 =	simm.s32 $0x28;
	s6 =	smax.u32 s29, $0x1  }
0xf: {  	s8 =	sadd.s32 $0x13E00, s10;
	s10 =	sadd.s32 $0x146E000, s12;
	s12 =	simm.s32 $0x80  }
0x10: {  	v0 =	vimm.f32 $0.0e+00;
	v1 =	vlaneseq.u32;
	s4 =	simm.s32 @!p0 $0x27;
	s9 =	sadd.s32 $0x20200, s11;
	s11 =	sadd.s32 $0xE4800, s11  }
.LBB2_1:
0x11: {  	s18 =	simm.s32 $0x0;
	s19 =	simm.s32 $0x200  }
.LBB2_2:
0x12: {  	p0 =	sne.s32 s19, $0xFE00;
	[tilespmem:s18+$0x1F0] =	vst v0  }
0x13: {  	[tilespmem:s18+$0x180] =	vst v0  }
0x14: {  	[tilespmem:s18+$0x190] =	vst v0  }
.Ltmp0:
0x15: {  	[tilespmem:s18+$0x1A0] =	vst v0;
	(pc) =	sbr.rel @p0 .LBB2_2-.Ltmp0, $4  }
0x16: {  	[tilespmem:s18+$0x1B0] =	vst v0  }
0x17: {  	[tilespmem:s18+$0x1C0] =	vst v0  }
0x18: {  	[tilespmem:s18+$0x1D0] =	vst v0  }
0x19: {  	[tilespmem:s18+$0x1E0] =	vst v0;
	s18 =	sshra.s32 s19, $0x2;
	s19 =	sadd.s32 $0x200, s19  }
0x1a: {  	[tilespmem:s18+$0x1F0] =	vst v0  }
0x1b: {  	[tilespmem:s18+$0x180] =	vst v0  }
0x1c: {  	[tilespmem:s18+$0x190] =	vst v0  }
0x1d: {  	[tilespmem:s18+$0x1A0] =	vst v0  }
0x1e: {  	[tilespmem:s18+$0x1B0] =	vst v0  }
0x1f: {  	[tilespmem:s18+$0x1C0] =	vst v0  }
0x20: {  	[tilespmem:s18+$0x1D0] =	vst v0;
	s19 =	sadd.s32 $0x0, s5  }
0x21: {  	[tilespmem:s18+$0x1E0] =	vst v0;
	v2 =	vor.u32 s19, v1;
	s26 =	sadd.s32 $0x70, s19  }
0x22: {  	s20 =	sadd.s32 $0x60, s19;
	[tilespmem:$0x100] =	vst v2;
	v2 =	vor.u32 s26, v1  }
0x23: {  	s30 =	sadd.s32 $0x30, s19;
	v3 =	vor.u32 s20, v1;
	[tilespmem:$0x170] =	vst v2  }
0x24: {  	s28 =	sadd.s32 $0x50, s19;
	v4 =	vor.u32 s30, v1;
	[tilespmem:$0x160] =	vst v3  }
0x25: {  	s29 =	sadd.s32 $0x40, s19;
	v2 =	vor.u32 s28, v1;
	[tilespmem:$0x130] =	vst v4  }
0x26: {  	s31 =	sadd.s32 $0x20, s19;
	v3 =	vor.u32 s29, v1;
	[tilespmem:$0x150] =	vst v2  }
0x27: {  	s18 =	simm.s32 $0x80;
	s19 =	sadd.s32 $0x10, s19;
	[tilespmem:$0x140] =	vst v3;
	v2 =	vor.u32 s31, v1  }
.LBB2_4:
0x28: {  	p0 =	sne.s32 s18, $0x200;
	v3 =	vor.u32 s19, v1;
	[tilespmem:$0x120] =	vst v2  }
0x29: {  	[tilespmem:$0x110] =	vst v3;
	[spmem:s1] =	stream.indirect.scatter [tilespmem:s14], [sflag:$0x2], $0x80, s13, s12, $0xb8  }
0x2a: {  	_ =	swait.ge [sflag:s15], $0x4000  }
0x2b: {  	s19 =	sadd.s32 s18, s5;
	[sflag:s15] =	ssyncset.done $0x0  }
0x2c: {  	v2 =	vor.u32 s19, v1;
	s20 =	sadd.s32 $0x70, s19;
	[sflag:s15] =	ssyncadd.s32 $0xFFFFC000  }
0x2d: {  	s21 =	sadd.s32 $0x60, s19;
	[tilespmem:$0x100] =	vst v2;
	v2 =	vor.u32 s20, v1  }
.Ltmp1:
0x2e: {  	v3 =	vor.u32 s21, v1;
	s20 =	sadd.s32 $0x50, s19;
	[tilespmem:$0x170] =	vst v2;
	(pc) =	sbr.rel @p0 .LBB2_4-.Ltmp1, $4  }
0x2f: {  	s21 =	sadd.s32 $0x40, s19;
	v2 =	vor.u32 s20, v1;
	[tilespmem:$0x160] =	vst v3  }
0x30: {  	s20 =	sadd.s32 $0x30, s19;
	v3 =	vor.u32 s21, v1;
	[tilespmem:$0x150] =	vst v2  }
0x31: {  	s21 =	sadd.s32 $0x20, s19;
	v4 =	vor.u32 s20, v1;
	[tilespmem:$0x140] =	vst v3  }
0x32: {  	s18 =	sadd.s32 $0x80, s18;
	s19 =	sadd.s32 $0x10, s19;
	v2 =	vor.u32 s21, v1;
	[tilespmem:$0x130] =	vst v4  }
0x33: {  	v3 =	vor.u32 s19, v1;
	[tilespmem:$0x120] =	vst v2  }
0x34: {  	[tilespmem:$0x110] =	vst v3  }
0x35: {  	[spmem:s1] =	stream.indirect.scatter [tilespmem:s14], [sflag:$0x2], $0x80, s13, s12, $0xb8;
	[tilespmem:$0x1C180] =	vst v63  }
0x36: {  	_ =	swait.ge [sflag:s15], $0x4000  }
0x37: {  	[sflag:s15] =	ssyncset.done $0x0  }
0x38: {  	[sflag:s15] =	ssyncadd.s32 $0xFFFFC000  }
0x39: {  	[bflag:$0x0] =	sbarrier.arrive $0xFFFF  }
0x3a: {  	[tilespmem:s3], [sflag:$0x2] =	stream.linear.gather [hbm4b:s8+s3], $0x100, $0x38;
	[tilespmem:$0x1C180] =	vst v63  }
0x3b: {  	_ =	swait.ge [sflag:s15], $0x100  }
0x3c: {  	[sflag:s15] =	ssyncset.done $0x0  }
0x3d: {  	[sflag:s15] =	ssyncadd.s32 $0xFFFFFF00  }
0x3e: {  	[tilespmem:s14], [sflag:$0x2] =	stream.linear.gather [hbm4b:s7+s3], $0x8000, $0x38;
	[tilespmem:$0x1C180] =	vst v63  }
0x3f: {  	p0 =	sne.s32 s4, $0x1;
	_ =	swait.ge [sflag:s15], $0x8000  }
.Ltmp2:
0x40: {  	[sflag:s15] =	ssyncset.done $0x0;
	(pc) =	sbr.rel @!p0 .LBB2_7-.Ltmp2, $4  }
0x41: {  	[sflag:s15] =	ssyncadd.s32 $0xFFFF8000  }
0x42: {  	[spmem:s1] =	stream.indirect.scatter.add.f32 [tilespmem:s14], [sflag:$0x2], $0x80, s3, s13, $0xb8;
	[tilespmem:$0x1C180] =	vst v63  }
0x43: {  	s18 =	sadd.s32 $0xFFFFFFFF, s4;
	_ =	swait.ge [sflag:s15], $0x8000  }
0x44: {  	s19 =	smov.u32 s7;
	s20 =	smov.u32 s8;
	[sflag:s15] =	ssyncset.done $0x0  }
.LBB2_6:
0x45: {  	[sflag:s15] =	ssyncadd.s32 $0xFFFF8000;
	s19 =	sadd.s32 $0x20000, s19;
	s20 =	sadd.s32 $0x400, s20  }
0x46: {  	[tilespmem:s3], [sflag:$0x2] =	stream.linear.gather [hbm4b:s20+s3], $0x100, $0x38;
	[tilespmem:$0x1C180] =	vst v63  }
0x47: {  	p1 =	sne.s32 s18, $0x1;
	s18 =	sadd.s32 $0xFFFFFFFF, s18;
	_ =	swait.ge [sflag:s15], $0x100  }
0x48: {  	[sflag:s15] =	ssyncset.done $0x0  }
0x49: {  	[sflag:s15] =	ssyncadd.s32 $0xFFFFFF00  }
0x4a: {  	[tilespmem:s14], [sflag:$0x2] =	stream.linear.gather [hbm4b:s19+s3], $0x8000, $0x38;
	[tilespmem:$0x1C180] =	vst v63  }
0x4b: {  	_ =	swait.ge [sflag:s15], $0x8000  }
.Ltmp3:
0x4c: {  	[sflag:s15] =	ssyncset.done $0x0;
	(pc) =	sbr.rel @p1 .LBB2_6-.Ltmp3, $4  }
0x4d: {  	[sflag:s15] =	ssyncadd.s32 $0xFFFF8000  }
0x4e: {  	[spmem:s1] =	stream.indirect.scatter.add.f32 [tilespmem:s14], [sflag:$0x2], $0x80, s3, s13, $0xb8;
	[tilespmem:$0x1C180] =	vst v63  }
0x4f: {  	_ =	swait.ge [sflag:s15], $0x8000  }
0x50: {  	[sflag:s15] =	ssyncset.done $0x0  }
.LBB2_7:
0x51: {  	[sflag:s15] =	ssyncadd.s32 $0xFFFF8000;
	s18 =	sadd.s32 $0x0, s5  }
0x52: {  	[bflag:$0x0] =	sbarrier.arrive $0xFFFF;
	v2 =	vor.u32 s18, v1;
	s19 =	sadd.s32 $0x10, s18  }
0x53: {  	s20 =	sadd.s32 $0x20, s18;
	[tilespmem:$0x100] =	vst v2;
	v2 =	vor.u32 s19, v1  }
0x54: {  	s28 =	sadd.s32 $0x70, s18;
	v3 =	vor.u32 s20, v1;
	[tilespmem:$0x110] =	vst v2  }
0x55: {  	s30 =	sadd.s32 $0x40, s18;
	v2 =	vor.u32 s28, v1;
	[tilespmem:$0x120] =	vst v3  }
0x56: {  	s29 =	sadd.s32 $0x50, s18;
	v3 =	vor.u32 s30, v1;
	[tilespmem:$0x170] =	vst v2  }
0x57: {  	s31 =	sadd.s32 $0x60, s18;
	s18 =	sadd.s32 $0x30, s18;
	v2 =	vor.u32 s29, v1;
	[tilespmem:$0x140] =	vst v3  }
0x58: {  	v3 =	vor.u32 s18, v1;
	[tilespmem:$0x150] =	vst v2  }
0x59: {  	s21 =	smov.u32 s9;
	v2 =	vor.u32 s31, v1;
	[tilespmem:$0x130] =	vst v3  }
0x5a: {  	s19 =	simm.s32 $0x80;
	s20 =	smov.u32 s9;
	s18 =	simm.s32 $0x0;
	[tilespmem:$0x160] =	vst v2  }
0x5b: {  	[tilespmem:s14], [sflag:$0x1] =	stream.indirect.gather [spmem:s1], $0x80, s13, s12, $0xb8;
	[tilespmem:$0x1C180] =	vst v63  }
.LBB2_8:
0x5c: {  	p1 =	sne.s32 s19, $0x200;
	_ =	swait.ge [sflag:s16], $0x4000;
	s21 =	sadd.s32 $0x800, s21  }
0x5d: {  	s22 =	smov.u32 s19;
	s19 =	sadd.s32 $0x80, s19;
	[sflag:s16] =	ssyncset.done $0x0  }
0x5e: {  	[sflag:s16] =	ssyncadd.s32 $0xFFFFC000  }
0x5f: {  	[hbm4b:s20+s18] =	stream.linear.scatter [tilespmem:s14], [sflag:$0x2], $0x4000, $0x38;
	[tilespmem:$0x1C180] =	vst v63  }
0x60: {  	s20 =	smov.u32 s21;
	_ =	swait.ge [sflag:s15], $0x4000  }
0x61: {  	s22 =	sadd.s32 s22, s5;
	[sflag:s15] =	ssyncset.done $0x0  }
0x62: {  	v2 =	vor.u32 s22, v1;
	s23 =	sadd.s32 $0x10, s22;
	s24 =	sadd.s32 $0x20, s22;
	[sflag:s15] =	ssyncadd.s32 $0xFFFFC000  }
0x63: {  	s25 =	sadd.s32 $0x70, s22;
	v3 =	vor.u32 s24, v1;
	s24 =	sadd.s32 $0x50, s22;
	[tilespmem:$0x100] =	vst v2;
	v2 =	vor.u32 s23, v1;
	s23 =	sadd.s32 $0x40, s22  }
0x64: {  	s26 =	sadd.s32 $0x30, s22;
	v5 =	vor.u32 s25, v1;
	v4 =	vor.u32 s24, v1;
	s22 =	sadd.s32 $0x60, s22;
	[tilespmem:$0x110] =	vst v2;
	v2 =	vor.u32 s23, v1  }
0x65: {  	v6 =	vor.u32 s26, v1;
	v7 =	vor.u32 s22, v1;
	[tilespmem:$0x170] =	vst v5  }
0x66: {  	[tilespmem:$0x120] =	vst v3  }
.Ltmp4:
0x67: {  	[tilespmem:$0x150] =	vst v4;
	(pc) =	sbr.rel @p1 .LBB2_8-.Ltmp4, $4  }
0x68: {  	[tilespmem:$0x140] =	vst v2  }
0x69: {  	[tilespmem:$0x160] =	vst v7  }
0x6a: {  	[tilespmem:$0x130] =	vst v6  }
0x6b: {  	[tilespmem:s14], [sflag:$0x1] =	stream.indirect.gather [spmem:s1], $0x80, s13, s12, $0xb8;
	[tilespmem:$0x1C180] =	vst v63  }
0x6c: {  	_ =	swait.ge [sflag:s16], $0x4000  }
0x6d: {  	[sflag:s16] =	ssyncset.done $0x0  }
0x6e: {  	[sflag:s16] =	ssyncadd.s32 $0xFFFFC000  }
0x6f: {  	[hbm4b:s20+s18] =	stream.linear.scatter [tilespmem:s14], [sflag:$0x2], $0x4000, $0x38;
	[tilespmem:$0x1C180] =	vst v63  }
0x70: {  	_ =	swait.ge [sflag:s15], $0x4000  }
0x71: {  	[sflag:s15] =	ssyncset.done $0x0  }
0x72: {  	s19 =	simm.s32 $0x200;
	s18 =	simm.s32 $0x0;
	[sflag:s15] =	ssyncadd.s32 $0xFFFFC000  }
.LBB2_10:
0x73: {  	p1 =	sne.s32 s19, $0xFE00;
	[tilespmem:s18+$0x1F0] =	vst v0  }
0x74: {  	[tilespmem:s18+$0x180] =	vst v0  }
0x75: {  	[tilespmem:s18+$0x190] =	vst v0  }
.Ltmp5:
0x76: {  	[tilespmem:s18+$0x1A0] =	vst v0;
	(pc) =	sbr.rel @p1 .LBB2_10-.Ltmp5, $4  }
0x77: {  	[tilespmem:s18+$0x1B0] =	vst v0  }
0x78: {  	[tilespmem:s18+$0x1C0] =	vst v0  }
0x79: {  	[tilespmem:s18+$0x1D0] =	vst v0  }
0x7a: {  	[tilespmem:s18+$0x1E0] =	vst v0;
	s18 =	sshra.s32 s19, $0x2;
	s19 =	sadd.s32 $0x200, s19  }
0x7b: {  	[tilespmem:s18+$0x1F0] =	vst v0  }
0x7c: {  	[tilespmem:s18+$0x180] =	vst v0  }
0x7d: {  	[tilespmem:s18+$0x190] =	vst v0  }
0x7e: {  	[tilespmem:s18+$0x1A0] =	vst v0  }
0x7f: {  	[tilespmem:s18+$0x1B0] =	vst v0  }
0x80: {  	[tilespmem:s18+$0x1C0] =	vst v0  }
0x81: {  	[tilespmem:s18+$0x1D0] =	vst v0;
	s19 =	sadd.s32 $0x0, s5  }
0x82: {  	[tilespmem:s18+$0x1E0] =	vst v0;
	v2 =	vor.u32 s19, v1;
	s26 =	sadd.s32 $0x70, s19  }
0x83: {  	s20 =	sadd.s32 $0x60, s19;
	[tilespmem:$0x100] =	vst v2;
	v2 =	vor.u32 s26, v1  }
0x84: {  	s30 =	sadd.s32 $0x30, s19;
	v3 =	vor.u32 s20, v1;
	[tilespmem:$0x170] =	vst v2  }
0x85: {  	s28 =	sadd.s32 $0x50, s19;
	v4 =	vor.u32 s30, v1;
	[tilespmem:$0x160] =	vst v3  }
0x86: {  	s29 =	sadd.s32 $0x40, s19;
	v2 =	vor.u32 s28, v1;
	[tilespmem:$0x130] =	vst v4  }
0x87: {  	s31 =	sadd.s32 $0x20, s19;
	v3 =	vor.u32 s29, v1;
	[tilespmem:$0x150] =	vst v2  }
0x88: {  	s18 =	simm.s32 $0x80;
	s19 =	sadd.s32 $0x10, s19;
	[tilespmem:$0x140] =	vst v3;
	v2 =	vor.u32 s31, v1  }
.LBB2_12:
0x89: {  	p1 =	sne.s32 s18, $0x200;
	v3 =	vor.u32 s19, v1;
	[tilespmem:$0x120] =	vst v2  }
0x8a: {  	[tilespmem:$0x110] =	vst v3;
	[spmem:s1] =	stream.indirect.scatter [tilespmem:s14], [sflag:$0x2], $0x80, s13, s12, $0xb8  }
0x8b: {  	_ =	swait.ge [sflag:s15], $0x4000  }
0x8c: {  	s19 =	sadd.s32 s18, s5;
	[sflag:s15] =	ssyncset.done $0x0  }
0x8d: {  	v2 =	vor.u32 s19, v1;
	s20 =	sadd.s32 $0x70, s19;
	[sflag:s15] =	ssyncadd.s32 $0xFFFFC000  }
0x8e: {  	s21 =	sadd.s32 $0x60, s19;
	[tilespmem:$0x100] =	vst v2;
	v2 =	vor.u32 s20, v1  }
.Ltmp6:
0x8f: {  	v3 =	vor.u32 s21, v1;
	s20 =	sadd.s32 $0x50, s19;
	[tilespmem:$0x170] =	vst v2;
	(pc) =	sbr.rel @p1 .LBB2_12-.Ltmp6, $4  }
0x90: {  	s21 =	sadd.s32 $0x40, s19;
	v2 =	vor.u32 s20, v1;
	[tilespmem:$0x160] =	vst v3  }
0x91: {  	s20 =	sadd.s32 $0x30, s19;
	v3 =	vor.u32 s21, v1;
	[tilespmem:$0x150] =	vst v2  }
0x92: {  	s21 =	sadd.s32 $0x20, s19;
	v4 =	vor.u32 s20, v1;
	[tilespmem:$0x140] =	vst v3  }
0x93: {  	s18 =	sadd.s32 $0x80, s18;
	s19 =	sadd.s32 $0x10, s19;
	v2 =	vor.u32 s21, v1;
	[tilespmem:$0x130] =	vst v4  }
0x94: {  	v3 =	vor.u32 s19, v1;
	[tilespmem:$0x120] =	vst v2  }
0x95: {  	[tilespmem:$0x110] =	vst v3  }
0x96: {  	[spmem:s1] =	stream.indirect.scatter [tilespmem:s14], [sflag:$0x2], $0x80, s13, s12, $0xb8;
	[tilespmem:$0x1C180] =	vst v63  }
0x97: {  	_ =	swait.ge [sflag:s15], $0x4000  }
0x98: {  	[sflag:s15] =	ssyncset.done $0x0  }
0x99: {  	[sflag:s15] =	ssyncadd.s32 $0xFFFFC000  }
0x9a: {  	[bflag:$0x0] =	sbarrier.arrive $0xFFFF  }
0x9b: {  	[tilespmem:s3], [sflag:$0x2] =	stream.linear.gather [hbm4b:s8+s3], $0x100, $0x38;
	[tilespmem:$0x1C180] =	vst v63  }
0x9c: {  	_ =	swait.ge [sflag:s15], $0x100  }
0x9d: {  	[sflag:s15] =	ssyncset.done $0x0  }
0x9e: {  	[sflag:s15] =	ssyncadd.s32 $0xFFFFFF00  }
0x9f: {  	[tilespmem:s14], [sflag:$0x2] =	stream.linear.gather [hbm4b:s10+s3], $0x8000, $0x38;
	[tilespmem:$0x1C180] =	vst v63  }
0xa0: {  	_ =	swait.ge [sflag:s15], $0x8000  }
.Ltmp7:
0xa1: {  	[sflag:s15] =	ssyncset.done $0x0;
	(pc) =	sbr.rel @!p0 .LBB2_15-.Ltmp7, $4  }
0xa2: {  	[sflag:s15] =	ssyncadd.s32 $0xFFFF8000  }
0xa3: {  	[spmem:s1] =	stream.indirect.scatter.add.f32 [tilespmem:s14], [sflag:$0x2], $0x80, s3, s13, $0xb8;
	[tilespmem:$0x1C180] =	vst v63  }
0xa4: {  	s18 =	sadd.s32 $0xFFFFFFFF, s4;
	_ =	swait.ge [sflag:s15], $0x8000  }
0xa5: {  	s19 =	smov.u32 s10;
	s20 =	smov.u32 s8;
	[sflag:s15] =	ssyncset.done $0x0  }
.LBB2_14:
0xa6: {  	[sflag:s15] =	ssyncadd.s32 $0xFFFF8000;
	s19 =	sadd.s32 $0x20000, s19;
	s20 =	sadd.s32 $0x400, s20  }
0xa7: {  	[tilespmem:s3], [sflag:$0x2] =	stream.linear.gather [hbm4b:s20+s3], $0x100, $0x38;
	[tilespmem:$0x1C180] =	vst v63  }
0xa8: {  	p0 =	sne.s32 s18, $0x1;
	s18 =	sadd.s32 $0xFFFFFFFF, s18;
	_ =	swait.ge [sflag:s15], $0x100  }
0xa9: {  	[sflag:s15] =	ssyncset.done $0x0  }
0xaa: {  	[sflag:s15] =	ssyncadd.s32 $0xFFFFFF00  }
0xab: {  	[tilespmem:s14], [sflag:$0x2] =	stream.linear.gather [hbm4b:s19+s3], $0x8000, $0x38;
	[tilespmem:$0x1C180] =	vst v63  }
0xac: {  	_ =	swait.ge [sflag:s15], $0x8000  }
.Ltmp8:
0xad: {  	[sflag:s15] =	ssyncset.done $0x0;
	(pc) =	sbr.rel @p0 .LBB2_14-.Ltmp8, $4  }
0xae: {  	[sflag:s15] =	ssyncadd.s32 $0xFFFF8000  }
0xaf: {  	[spmem:s1] =	stream.indirect.scatter.add.f32 [tilespmem:s14], [sflag:$0x2], $0x80, s3, s13, $0xb8;
	[tilespmem:$0x1C180] =	vst v63  }
0xb0: {  	_ =	swait.ge [sflag:s15], $0x8000  }
0xb1: {  	[sflag:s15] =	ssyncset.done $0x0  }
.LBB2_15:
0xb2: {  	[sflag:s15] =	ssyncadd.s32 $0xFFFF8000;
	s18 =	sadd.s32 $0x0, s5  }
0xb3: {  	[bflag:$0x0] =	sbarrier.arrive $0xFFFF;
	v2 =	vor.u32 s18, v1;
	s19 =	sadd.s32 $0x10, s18  }
0xb4: {  	s20 =	sadd.s32 $0x20, s18;
	[tilespmem:$0x100] =	vst v2;
	v2 =	vor.u32 s19, v1  }
0xb5: {  	s28 =	sadd.s32 $0x70, s18;
	v3 =	vor.u32 s20, v1;
	[tilespmem:$0x110] =	vst v2  }
0xb6: {  	s30 =	sadd.s32 $0x40, s18;
	v2 =	vor.u32 s28, v1;
	[tilespmem:$0x120] =	vst v3  }
0xb7: {  	s29 =	sadd.s32 $0x50, s18;
	v3 =	vor.u32 s30, v1;
	[tilespmem:$0x170] =	vst v2  }
0xb8: {  	s31 =	sadd.s32 $0x60, s18;
	s18 =	sadd.s32 $0x30, s18;
	v2 =	vor.u32 s29, v1;
	[tilespmem:$0x140] =	vst v3  }
0xb9: {  	v3 =	vor.u32 s18, v1;
	[tilespmem:$0x150] =	vst v2  }
0xba: {  	v2 =	vor.u32 s31, v1;
	[tilespmem:$0x130] =	vst v3  }
0xbb: {  	s20 =	smov.u32 s11;
	s19 =	smov.u32 s11;
	s18 =	simm.s32 $0x80;
	[tilespmem:$0x160] =	vst v2  }
0xbc: {  	[tilespmem:s14], [sflag:$0x1] =	stream.indirect.gather [spmem:s1], $0x80, s13, s12, $0xb8;
	[tilespmem:$0x1C180] =	vst v63  }
.LBB2_16:
0xbd: {  	p0 =	sne.s32 s18, $0x200;
	_ =	swait.ge [sflag:s16], $0x4000;
	s20 =	sadd.s32 $0x800, s20  }
0xbe: {  	s21 =	smov.u32 s18;
	s18 =	sadd.s32 $0x80, s18;
	[sflag:s16] =	ssyncset.done $0x0  }
0xbf: {  	[sflag:s16] =	ssyncadd.s32 $0xFFFFC000  }
0xc0: {  	[hbm4b:s19+s3] =	stream.linear.scatter [tilespmem:s14], [sflag:$0x2], $0x4000, $0x38;
	[tilespmem:$0x1C180] =	vst v63  }
0xc1: {  	s19 =	smov.u32 s20;
	_ =	swait.ge [sflag:s15], $0x4000  }
0xc2: {  	s21 =	sadd.s32 s21, s5;
	[sflag:s15] =	ssyncset.done $0x0  }
0xc3: {  	v2 =	vor.u32 s21, v1;
	s22 =	sadd.s32 $0x10, s21;
	s23 =	sadd.s32 $0x20, s21;
	[sflag:s15] =	ssyncadd.s32 $0xFFFFC000  }
0xc4: {  	s24 =	sadd.s32 $0x70, s21;
	v3 =	vor.u32 s23, v1;
	s23 =	sadd.s32 $0x50, s21;
	[tilespmem:$0x100] =	vst v2;
	v2 =	vor.u32 s22, v1;
	s22 =	sadd.s32 $0x40, s21  }
0xc5: {  	s25 =	sadd.s32 $0x30, s21;
	v5 =	vor.u32 s24, v1;
	v4 =	vor.u32 s23, v1;
	s21 =	sadd.s32 $0x60, s21;
	[tilespmem:$0x110] =	vst v2;
	v2 =	vor.u32 s22, v1  }
0xc6: {  	v6 =	vor.u32 s25, v1;
	v7 =	vor.u32 s21, v1;
	[tilespmem:$0x170] =	vst v5  }
0xc7: {  	[tilespmem:$0x120] =	vst v3  }
.Ltmp9:
0xc8: {  	[tilespmem:$0x150] =	vst v4;
	(pc) =	sbr.rel @p0 .LBB2_16-.Ltmp9, $4  }
0xc9: {  	[tilespmem:$0x140] =	vst v2  }
0xca: {  	[tilespmem:$0x160] =	vst v7  }
0xcb: {  	[tilespmem:$0x130] =	vst v6  }
0xcc: {  	[tilespmem:s14], [sflag:$0x1] =	stream.indirect.gather [spmem:s1], $0x80, s13, s12, $0xb8;
	[tilespmem:$0x1C180] =	vst v63  }
0xcd: {  	_ =	swait.ge [sflag:s16], $0x4000;
	s17 =	sadd.s32 $0x1, s17  }
0xce: {  	[sflag:s16] =	ssyncset.done $0x0;
	p0 =	sne.s32 s17, s6  }
.Ltmp10:
0xcf: {  	[sflag:s16] =	ssyncadd.s32 $0xFFFFC000;
	(pc) =	sbr.rel @p0 .LBB2_1-.Ltmp10, $4  }
0xd0: {  	[hbm4b:s19+s3] =	stream.linear.scatter [tilespmem:s14], [sflag:$0x2], $0x4000, $0x38;
	[tilespmem:$0x1C180] =	vst v63  }
0xd1: {  	_ =	swait.ge [sflag:s15], $0x4000  }
0xd2: {  	[sflag:s15] =	ssyncset.done $0x0  }
0xd3: {  	[sflag:s15] =	ssyncadd.s32 $0xFFFFC000  }
0xd4: {  	_ =	sfence.sel $0x180000  }
0xd5: {  	[bflag:$0x0] =	sbarrier.arrive $0xFFFF  }
0xd6: {  	p0 =	sne.s32 s2, $0x0;
	_ =	strace $0x9000004D  }
0xd7: {  	s0 =	sadd.s32 @!p0 $0x100000, s0;
	[bflag:$0x2] =	sbarrier.arrive $0xFFFF  }
0xd8: {  	[sflag:s0] =	ssyncadd.tile.s32 @!p0 $0x1;
	_ =	shalt  }
.Lfunc_end2:
_tile_overlayer_lowered:
.L_overlay_start_2:
0xd9: {  	(tag) =	ssettag $0x2  }
0xda: {  	s0 =	rddreg [dreg:$0x0];
	s2 =	stileid.u32  }
0xdb: {  	s1 =	rddreg [dreg:$0x1];
	p0 =	sne.s32 s2, $0x0  }
0xdc: {  	s3 =	rddreg [dreg:$0x2];
	[bflag:$0x3] =	sbarrier.arrive $0xFFFF;
	s2 =	simm.s32 @!p0 $0x1C02  }
0xdd: {  	[timem:s3], [sflag:s2] =	dma.local @!p0 [hbm:s0], s1  }
0xde: {  	s0 =	simm.s32 @!p0 $0x2  }
0xdf: {  	_ =	swait.ge @!p0 [sflag:s0], s1  }
0xe0: {  	s1 =	ssub.s32 @!p0 $0x0, s1;
	[sflag:s0] =	ssyncset.done @!p0 $0x0  }
0xe1: {  	[sflag:s0] =	ssyncadd.s32 @!p0 s1  }
0xe2: {  	[bflag:$0x3] =	sbarrier.arrive $0xFFFF  }
0xe3: {  	_ =	shalt  }

// kernel: kernel.22.cloned.1.call-start
scs
__scs_entry_jumppad:
0x0: {  	(pc) =	sbr.rel $0x88, $3  }
0x1: {  	(tag) =	ssettag $0x0;
	lr =	simm.s32 $0x1  }
0x2: {  	[smem:$0x3F88] =	sst lr;
	_ =	strace $0xD0000000  }
0x3: {  	_ = 	snop  }
0x4: {  	_ = 	snop  }
0x5: {  	_ = 	snop  }
0x6: {  	_ = 	snop  }
0x7: {  	_ = 	snop  }
__scs_overlays_trampoline_lowered:
0x8: {  	[smem:$0x3F97] =	sst s0  }
0x9: {  	[smem:$0x3F98] =	sst s1  }
0xa: {  	[smem:$0x3F99] =	sst s2  }
0xb: {  	[smem:$0x3F9A] =	sst s3  }
0xc: {  	[smem:$0x3F9B] =	sst s4  }
0xd: {  	[smem:$0x3F9C] =	sst s5  }
0xe: {  	[smem:$0x3F9D] =	sst s6  }
0xf: {  	[smem:$0x3F9E] =	sst s7  }
0x10: {  	[smem:$0x3F9F] =	sst s8  }
0x11: {  	[smem:$0x3FA0] =	sst s9;
	s0 =	simm.s32 @!p0 $0x0  }
0x12: {  	s1 =	sld [smem:$0x3F86];
	s0 =	simm.s32 @p0 $0x1  }
0x13: {  	[smem:$0x3FA1] =	sst s0;
	s0 =	simm.s32 @!p1 $0x0  }
0x14: {  	s2 =	sld [smem:$0x3F85];
	s0 =	simm.s32 @p1 $0x1  }
0x15: {  	[smem:$0x3FA2] =	sst s0;
	s0 =	simm.s32 @!p2 $0x0  }
0x16: {  	s3 =	sld [smem:$0x3FDB];
	s0 =	simm.s32 @p2 $0x1  }
0x17: {  	s4 =	simm.s32 $0x1BF5;
	[smem:$0x3FA4] =	sst s0  }
0x18: {  	s0 =	sld [smem:$0x3F87];
	_ =	swait.ge [sflag:s4], $0x0  }
0x19: {  	s7 =	sld [smem:$0x3F88]  }
0x1a: {  	s8 =	sadd.s32 $0xFFFFE003, lr  }
0x1b: {  	s9 =	sadd.s32 $0xFFFFFEF7, lr;
	s5 =	simm.s32 $0xFFFFFFFF;
	p2 =	slt.u32 s8, $0xFFFFF086  }
0x1c: {  	p1 =	slt.u32 s9, $0xF7A;
	s5 =	simm.s32 @!p2 $0x0  }
0x1d: {  	s5 =	simm.s32 @p1 $0x1;
	p0 =	seq.s32 s7, s2  }
0x1e: {  	s7 =	smul.u32 @!p0 $0xF7A, s2;
	p2 =	seq.s32 @!p0 s5, $0x0  }
0x1f: {  	s9 =	smul.u32 $0xF7A, s1;
	s8 =	simm.s32 @!p0 $0x1BF5;
	p2 =	por !p2, p0  }
0x20: {  	[sflag:s8] =	ssyncset.s32 @!p0 $0xFFFFF086;
	s6 =	sadd.s32 @!p0 s3, s7;
	s7 =	simm.s32 @!p0 $0x108  }
0x21: {  	s3 =	sadd.s32 s3, s9;
	s6 =	sadd.s32 @!p0 $0x88, s6;
	s7 =	simm.s32 @p2 $0x1082  }
0x22: {  	[simem:s7], [sflag:s8] =	dma.local @!p0 [hbm:s6], $0xF7A  }
0x23: {  	s9 =	sor.u32 $0xD0000000, s2;
	s6 =	simm.s32 $0x108;
	_ =	swait.ge @!p0 [sflag:s8], $0x0  }
0x24: {  	s3 =	sadd.s32 $0x88, s3;
	s6 =	simm.s32 @!p1 $0x1082;
	[sflag:s4] =	ssyncset.s32 $0xFFFFF086  }
0x25: {  	[simem:s6], [sflag:s4] =	dma.local [hbm:s3], $0xF7A  }
0x26: {  	[smem:$0x3F88] =	sst s1;
	(tag) =	ssettag s2;
	_ =	strace s9  }
0x27: {  	s1 =	sld [smem:$0x3F98]  }
0x28: {  	s2 =	sld [smem:$0x3F99]  }
0x29: {  	s4 =	sld [smem:$0x3F9B]  }
0x2a: {  	p0 =	seq.s32 s5, $0x0;
	s5 =	sld [smem:$0x3F9C]  }
0x2b: {  	s6 =	sld [smem:$0x3F9D]  }
0x2c: {  	s7 =	sld [smem:$0x3F9E]  }
0x2d: {  	s3 =	simm.s32 $0x108;
	s8 =	sld [smem:$0x3F9F]  }
0x2e: {  	s3 =	simm.s32 @!p0 $0x1082;
	s9 =	sld [smem:$0x3FA0]  }
0x2f: {  	lr =	sadd.s32 s0, s3;
	s0 =	sld [smem:$0x3F97]  }
0x30: {  	s3 =	sld [smem:$0x3F9A]  }
0x31: {  	[smem:$0x3FA3] =	sst s10  }
0x32: {  	s10 =	sld [smem:$0x3FA1];
	_ =	sdelay $0x3  }
0x33: {  	p0 =	seq.s32 s10, $0x1;
	s10 =	sld [smem:$0x3FA3];
	_ =	sdelay $0x3  }
0x34: {  	[smem:$0x3FA3] =	sst s10  }
0x35: {  	s10 =	sld [smem:$0x3FA2];
	_ =	sdelay $0x3  }
0x36: {  	p1 =	seq.s32 s10, $0x1;
	s10 =	sld [smem:$0x3FA3];
	_ =	sdelay $0x3  }
0x37: {  	[smem:$0x3FA3] =	sst s10  }
0x38: {  	s10 =	sld [smem:$0x3FA4]  }
0x39: {  	_ = 	snop;
	(pc) =	sbr.ind lr, $3  }
0x3a: {  	_ = 	snop  }
0x3b: {  	_ = 	snop  }
0x3c: {  	p2 =	seq.s32 s10, $0x1;
	s10 =	sld [smem:$0x3FA3]  }
0x3d: {  	_ =	shalt  }
0x3e: {  	_ =	shalt  }
0x3f: {  	_ =	shalt  }
0x40: {  	_ =	shalt  }
0x41: {  	_ =	shalt  }
0x42: {  	_ =	shalt  }
0x43: {  	_ =	shalt  }
0x44: {  	_ =	shalt  }
0x45: {  	_ =	shalt  }
0x46: {  	_ =	shalt  }
0x47: {  	_ =	shalt  }
0x48: {  	_ =	shalt  }
0x49: {  	_ =	shalt  }
0x4a: {  	_ =	shalt  }
0x4b: {  	_ =	shalt  }
0x4c: {  	_ =	shalt  }
0x4d: {  	_ =	shalt  }
0x4e: {  	_ =	shalt  }
0x4f: {  	_ =	shalt  }
0x50: {  	_ =	shalt  }
0x51: {  	_ =	shalt  }
0x52: {  	_ =	shalt  }
0x53: {  	_ =	shalt  }
0x54: {  	_ =	shalt  }
0x55: {  	_ =	shalt  }
0x56: {  	_ =	shalt  }
0x57: {  	_ =	shalt  }
0x58: {  	_ =	shalt  }
0x59: {  	_ =	shalt  }
0x5a: {  	_ =	shalt  }
0x5b: {  	_ =	shalt  }
0x5c: {  	_ =	shalt  }
0x5d: {  	_ =	shalt  }
0x5e: {  	_ =	shalt  }
0x5f: {  	_ =	shalt  }
0x60: {  	_ =	shalt  }
0x61: {  	_ =	shalt  }
0x62: {  	_ =	shalt  }
0x63: {  	_ =	shalt  }
0x64: {  	_ =	shalt  }
0x65: {  	_ =	shalt  }
0x66: {  	_ =	shalt  }
0x67: {  	_ =	shalt  }
0x68: {  	_ =	shalt  }
0x69: {  	_ =	shalt  }
0x6a: {  	_ =	shalt  }
0x6b: {  	_ =	shalt  }
0x6c: {  	_ =	shalt  }
0x6d: {  	_ =	shalt  }
0x6e: {  	_ =	shalt  }
0x6f: {  	_ =	shalt  }
0x70: {  	_ =	shalt  }
0x71: {  	_ =	shalt  }
0x72: {  	_ =	shalt  }
0x73: {  	_ =	shalt  }
0x74: {  	_ =	shalt  }
0x75: {  	_ =	shalt  }
0x76: {  	_ =	shalt  }
0x77: {  	_ =	shalt  }
0x78: {  	_ =	shalt  }
0x79: {  	_ =	shalt  }
0x7a: {  	_ =	shalt  }
0x7b: {  	_ =	shalt  }
0x7c: {  	_ =	shalt  }
0x7d: {  	_ =	shalt  }
0x7e: {  	_ =	shalt  }
0x7f: {  	_ =	shalt  }
0x80: {  	_ =	shalt  }
0x81: {  	_ =	shalt  }
0x82: {  	_ =	shalt  }
0x83: {  	_ =	shalt  }
0x84: {  	_ =	shalt  }
0x85: {  	_ =	shalt  }
0x86: {  	_ =	shalt  }
0x87: {  	_ =	shalt  }
.Lfunc_end0:
.L_simem_size_0:
called_computation.3_lowered:
.L_overlay_start_0:
0x88: {  	s2 =	sld [smem:$0x3FD9]  }
0x89: {  	s3 =	sld [smem:$0x3FFE];
	_ =	sdelay $0x1  }
0x8a: {  	s1 =	srdreg.scid  }
0x8b: {  	s0 =	sand.u32 $0x1, s1  }
0x8c: {  	s16 =	sshll.u32 s0, $0xA;
	s2 =	sadd.s32 s3, s2  }
0x8d: {  	s2 =	sadd.s32 s2, s16  }
0x8e: {  	[smem:$0x3FAF] =	sst s2  }
0x8f: {  	_ = 	snop  }
0x90: {  	(tm) =	ssettm $0x1  }
0x91: {  	s17 =	sld [smem:$0x3FFB];
	_ =	sdelay $0x3  }
0x92: {  	_ =	strace s17  }
0x93: {  	s2 =	sld [smem:$0x3FFC];
	_ =	sdelay $0x3  }
0x94: {  	_ =	strace s2  }
0x95: {  	s2 =	sld [smem:$0x3FFD];
	_ =	sdelay $0x3  }
0x96: {  	_ =	strace s2  }
0x97: {  	_ =	strace $0x8FFFFFFF  }
0x98: {  	s18 =	sld [smem:$0x3FDB];
	_ =	sdelay $0x1  }
0x99: {  	s19 =	simm.s32 $_scs_section_size  }
0x9a: {  	s4 =	simm.s32 $_size__tile_overlayer_lowered;
	s5 =	simm.s32 $_tile_overlayer_lowered  }
0x9b: {  	s22 =	simm.s32 $0x1BFF;
	s21 =	sshll.u32 s5, $0x1;
	s2 =	sadd.s32 s19, s18  }
0x9c: {  	s6 =	simm.s32 $0x0;
	s20 =	sshll.u32 s4, $0x1;
	s4 =	sadd.s32 s21, s2  }
0x9d: {  	[timem:s6], [sflag:s22] =	dma.local [hbm:s4], s20  }
0x9e: {  	_ =	swait.ge [sflag:s22], s20  }
0x9f: {  	s3 =	ssub.s32 $0x0, s20;
	[sflag:s22] =	ssyncset.done $0x0  }
0xa0: {  	[sflag:s22] =	ssyncadd.s32 s3;
	_ =	sdelay $0x1  }
0xa1: {  	s23 =	simm.s32 $0x1B8B  }
0xa2: {  	_ =	swait.ge [sflag:s23], $0x1  }
0xa3: {  	[sflag:s23] =	ssyncset.done $0x0  }
0xa4: {  	s25 =	simm.s32 $0x1B8E;
	s24 =	sld [smem:$0x3FFE];
	[sflag:s23] =	ssyncadd.s32 $0xFFFFFFFF  }
0xa5: {  	s26 =	simm.s32 $execute0_lowered;
	[smem:$0x3FD2] =	sst s25  }
0xa6: {  	s4 =	sshll.u32 s26, $0x1;
	_ =	strace $0x8000004F;
	[dreg:$0x1] =	wrdreg $0xFFFFFFFF  }
0xa7: {  	s28 =	simm.s32 $_size_execute0_lowered;
	s2 =	sadd.s32 s2, s4;
	[dreg:$0x0] =	wrdreg $0x0  }
0xa8: {  	s4 =	sshll.u32 s28, $0x1;
	[dreg:$0x2] =	wrdreg s2  }
0xa9: {  	[dreg:$0x3] =	wrdreg s4  }
0xaa: {  	[dreg:$0x4] =	wrdreg $0xC0  }
0xab: {  	_ =	task [dreg:s6], $0x5FFFF  }
0xac: {  	[dreg:$0x1] =	wrdreg $0xFFFFFFFF  }
0xad: {  	[dreg:$0x0] =	wrdreg $0x60  }
0xae: {  	[dreg:$0x2] =	wrdreg s24  }
0xaf: {  	[dreg:$0x3] =	wrdreg $0x9  }
0xb0: {  	_ =	task.clear_ibuf [dreg:s6], $0x4FFFF;
	_ =	strace $0x9000004F  }
0xb1: {  	s29 =	simm.s32 $0x9;
	_ =	strace $0x80000051  }
0xb2: {  	_ =	swait.ge [sflag:s29], $0x1  }
0xb3: {  	[sflag:s29] =	ssyncadd.s32 $0xFFFFFFFF  }
0xb4: {  	_ =	strace $0x90000051  }
0xb5: {  	_ =	sfence  }
0xb6: {  	s30 =	sld [smem:$0x0];
	_ =	sdelay $0x2  }
0xb7: {  	s31 =	sshll.u32 s1, $0xD;
	s1 =	sshrl.u32 s1, $0x2  }
0xb8: {  	s3 =	sand.u32 $0x4000, s31;
	s1 =	sadd.s32 s1, s30  }
0xb9: {  	s0 =	sor.u32 s3, s0;
	s1 =	sshll.u32 s1, $0x11  }
0xba: {  	s0 =	sor.u32 s1, s0  }
0xbb: {  	s0 =	sadd.s32 $0x8F2B, s0  }
0xbc: {  	[sflag:s0] =	ssyncadd.remote.s32 $0x1  }
0xbd: {  	_ =	sfence.sel $0xFFFF  }
0xbe: {  	[dreg:$0x0] =	wrdreg $0xFFFFFFFF;
	(pc) =	sbr.abs _section_cstart, $3  }
0xbf: {  	[dreg:$0x1] =	wrdreg $0xFFFFFFFF  }
0xc0: {  	_ =	task.clear_ibuf [dreg:s6], $0x2FFFF;
	_ =	strace $0x9FFFFFFF  }
0xc1: {  	(tm) =	ssettm $0x7FFFFFFF  }
tec
execute0_lowered:
.L_overlay_start_1:
0x0: {  	(tag) =	ssettag $0x1  }
0x1: {  	s1 =	srdreg.scid;
	s0 =	stileid.u32  }
0x2: {  	s5 =	rddreg [dreg:$0x0];
	s2 =	simm.s32 $0x0;
	s10 =	simm.s32 $0x2  }
0x3: {  	s11 =	simm.s32 $0x200;
	s12 =	simm.s32 $0x1;
	s13 =	simm.s32 $0x0  }
0x4: {  	s4 =	sand.u32 $0x1, s1;
	s6 =	sshll.u32 s0, $0x9;
	s1 =	rddreg [dreg:$0x1]  }
0x5: {  	[smem:$0x7FF] =	sst s2;
	s31 =	sshll.u32 s0, $0xD;
	s3 =	sshll.u32 s4, $0xD  }
0x6: {  	_ =	strace $0x80000050;
	s29 =	sshll.u32 s4, $0x11;
	s8 =	ssub.s32 $0x2, s4  }
0x7: {  	s4 =	sshll.u32 s4, $0x4;
	s3 =	sor.u32 s6, s3;
	s9 =	sadd.s32 s29, s5  }
0x8: {  	s30 =	sshrl.u32 s8, $0x1;
	s4 =	sor.u32 s0, s4;
	s6 =	sshrl.u32 s3, $0x3  }
0x9: {  	s3 =	sadd.s32 $0x20200, s5;
	p0 =	slt.u32 s4, $0x11;
	s4 =	simm.s32 $0x14  }
0xa: {  	s9 =	sadd.s32 s31, s9;
	s7 =	sadd.s32 s6, s5;
	s5 =	ssub.s32 s8, s30  }
0xb: {  	s4 =	simm.s32 @!p0 $0x13;
	s8 =	sadd.s32 $0xAAA000, s9;
	s9 =	sadd.s32 $0x73800, s9  }
0xc: {  	s5 =	smax.u32 s5, $0x1;
	s6 =	sadd.s32 $0xA000, s7;
	s7 =	sadd.s32 $0x13E00, s7  }
.LBB2_1:
0xd: {  	[tilespmem:s2], [sflag:$0x2] =	stream.linear.gather [hbm4b:s7+s2], $0x200, $0x38;
	[tilespmem:$0x10200] =	vst v63  }
0xe: {  	_ =	swait.ge [sflag:s10], $0x200  }
0xf: {  	[sflag:s10] =	ssyncset.done $0x0  }
0x10: {  	[sflag:s10] =	ssyncadd.s32 $0xFFFFFE00  }
0x11: {  	[tilespmem:s11], [sflag:$0x1] =	stream.indirect.gather [hbm4b:s3+s11], $0x80, s2, s11, $0xb8;
	[tilespmem:$0x10200] =	vst v63  }
0x12: {  	_ =	swait.ge [sflag:s12], $0x10000  }
0x13: {  	[sflag:s12] =	ssyncset.done $0x0  }
0x14: {  	[sflag:s12] =	ssyncadd.s32 $0xFFFF0000  }
0x15: {  	[hbm4b:s8+s2] =	stream.linear.scatter [tilespmem:s11], [sflag:$0x2], $0x10000, $0x38;
	[tilespmem:$0x10200] =	vst v63  }
0x16: {  	_ =	swait.ge [sflag:s10], $0x10000  }
0x17: {  	[sflag:s10] =	ssyncset.done $0x0  }
0x18: {  	[sflag:s10] =	ssyncadd.s32 $0xFFFF0000  }
0x19: {  	[tilespmem:s2], [sflag:$0x2] =	stream.linear.gather [hbm4b:s6+s2], $0x200, $0x38;
	[tilespmem:$0x10200] =	vst v63  }
0x1a: {  	_ =	swait.ge [sflag:s10], $0x200  }
0x1b: {  	[sflag:s10] =	ssyncset.done $0x0  }
0x1c: {  	[sflag:s10] =	ssyncadd.s32 $0xFFFFFE00  }
0x1d: {  	[tilespmem:s11], [sflag:$0x1] =	stream.indirect.gather [hbm4b:s3+s11], $0x80, s2, s11, $0xb8;
	[tilespmem:$0x10200] =	vst v63  }
0x1e: {  	p0 =	sne.s32 s4, $0x1;
	_ =	swait.ge [sflag:s12], $0x10000  }
.Ltmp0:
0x1f: {  	[sflag:s12] =	ssyncset.done $0x0;
	(pc) =	sbr.rel @!p0 .LBB2_3-.Ltmp0, $4  }
0x20: {  	s14 =	sadd.s32 $0xFFFFFFFF, s4;
	[sflag:s12] =	ssyncadd.s32 $0xFFFF0000  }
0x21: {  	[hbm4b:s9+s2] =	stream.linear.scatter [tilespmem:s11], [sflag:$0x2], $0x10000, $0x38;
	[tilespmem:$0x10200] =	vst v63  }
0x22: {  	s15 =	sadd.s32 $0x40000, s8;
	s16 =	sadd.s32 $0x40000, s9;
	_ =	swait.ge [sflag:s10], $0x10000  }
0x23: {  	s17 =	smov.u32 s6;
	s18 =	smov.u32 s7;
	[sflag:s10] =	ssyncset.done $0x0  }
.LBB2_2:
0x24: {  	[sflag:s10] =	ssyncadd.s32 $0xFFFF0000;
	s17 =	sadd.s32 $0x800, s17;
	s18 =	sadd.s32 $0x800, s18  }
0x25: {  	[tilespmem:s2], [sflag:$0x2] =	stream.linear.gather [hbm4b:s18+s2], $0x200, $0x38;
	[tilespmem:$0x10200] =	vst v63  }
0x26: {  	p0 =	sne.s32 s14, $0x1;
	s14 =	sadd.s32 $0xFFFFFFFF, s14;
	_ =	swait.ge [sflag:s10], $0x200  }
0x27: {  	[sflag:s10] =	ssyncset.done $0x0  }
0x28: {  	[sflag:s10] =	ssyncadd.s32 $0xFFFFFE00  }
0x29: {  	[tilespmem:s11], [sflag:$0x1] =	stream.indirect.gather [hbm4b:s3+s11], $0x80, s2, s11, $0xb8;
	[tilespmem:$0x10200] =	vst v63  }
0x2a: {  	_ =	swait.ge [sflag:s12], $0x10000  }
0x2b: {  	[sflag:s12] =	ssyncset.done $0x0  }
0x2c: {  	[sflag:s12] =	ssyncadd.s32 $0xFFFF0000  }
0x2d: {  	[hbm4b:s15+s2] =	stream.linear.scatter [tilespmem:s11], [sflag:$0x2], $0x10000, $0x38;
	[tilespmem:$0x10200] =	vst v63  }
0x2e: {  	_ =	swait.ge [sflag:s10], $0x10000  }
0x2f: {  	[sflag:s10] =	ssyncset.done $0x0  }
0x30: {  	[sflag:s10] =	ssyncadd.s32 $0xFFFF0000  }
0x31: {  	[tilespmem:s2], [sflag:$0x2] =	stream.linear.gather [hbm4b:s17+s2], $0x200, $0x38;
	[tilespmem:$0x10200] =	vst v63  }
0x32: {  	_ =	swait.ge [sflag:s10], $0x200  }
0x33: {  	[sflag:s10] =	ssyncset.done $0x0  }
0x34: {  	[sflag:s10] =	ssyncadd.s32 $0xFFFFFE00  }
0x35: {  	[tilespmem:s11], [sflag:$0x1] =	stream.indirect.gather [hbm4b:s3+s11], $0x80, s2, s11, $0xb8;
	[tilespmem:$0x10200] =	vst v63  }
0x36: {  	_ =	swait.ge [sflag:s12], $0x10000  }
.Ltmp1:
0x37: {  	[sflag:s12] =	ssyncset.done $0x0;
	(pc) =	sbr.rel @p0 .LBB2_2-.Ltmp1, $4  }
0x38: {  	[sflag:s12] =	ssyncadd.s32 $0xFFFF0000  }
0x39: {  	[hbm4b:s16+s2] =	stream.linear.scatter [tilespmem:s11], [sflag:$0x2], $0x10000, $0x38;
	[tilespmem:$0x10200] =	vst v63  }
0x3a: {  	_ =	swait.ge [sflag:s10], $0x10000  }
0x3b: {  	s15 =	sadd.s32 $0x40000, s15;
	s16 =	sadd.s32 $0x40000, s16;
	[sflag:s10] =	ssyncset.done $0x0  }
.LBB2_3:
0x3c: {  	s13 =	sadd.s32 $0x1, s13  }
0x3d: {  	p0 =	sne.s32 s13, s5  }
.Ltmp2:
0x3e: {  	_ = 	snop;
	(pc) =	sbr.rel @p0 .LBB2_1-.Ltmp2, $2  }
0x3f: {  	_ =	sdelay $0x2  }
0x40: {  	[sflag:s10] =	ssyncadd.s32 $0xFFFF0000  }
0x41: {  	_ =	sfence.sel $0x180000  }
0x42: {  	[bflag:$0x0] =	sbarrier.arrive $0xFFFF  }
0x43: {  	p0 =	sne.s32 s0, $0x0;
	_ =	strace $0x90000050  }
0x44: {  	s0 =	sadd.s32 @!p0 $0x100000, s1;
	[bflag:$0x2] =	sbarrier.arrive $0xFFFF  }
0x45: {  	[sflag:s0] =	ssyncadd.tile.s32 @!p0 $0x1;
	_ =	shalt  }
.Lfunc_end2:
_tile_overlayer_lowered:
.L_overlay_start_2:
0x46: {  	(tag) =	ssettag $0x2  }
0x47: {  	s0 =	rddreg [dreg:$0x0];
	s2 =	stileid.u32  }
0x48: {  	s1 =	rddreg [dreg:$0x1];
	p0 =	sne.s32 s2, $0x0  }
0x49: {  	s3 =	rddreg [dreg:$0x2];
	[bflag:$0x3] =	sbarrier.arrive $0xFFFF;
	s2 =	simm.s32 @!p0 $0x1C02  }
0x4a: {  	[timem:s3], [sflag:s2] =	dma.local @!p0 [hbm:s0], s1  }
0x4b: {  	s0 =	simm.s32 @!p0 $0x2  }
0x4c: {  	_ =	swait.ge @!p0 [sflag:s0], s1  }
0x4d: {  	s1 =	ssub.s32 @!p0 $0x0, s1;
	[sflag:s0] =	ssyncset.done @!p0 $0x0  }
0x4e: {  	[sflag:s0] =	ssyncadd.s32 @!p0 s1  }
0x4f: {  	[bflag:$0x3] =	sbarrier.arrive $0xFFFF  }
0x50: {  	_ =	shalt  }

// kernel: kernel.25.cloned.1.call-start
scs
__scs_entry_jumppad:
0x0: {  	(pc) =	sbr.rel $0x88, $3  }
0x1: {  	(tag) =	ssettag $0x0;
	lr =	simm.s32 $0x1  }
0x2: {  	[smem:$0x3F88] =	sst lr;
	_ =	strace $0xD0000000  }
0x3: {  	_ = 	snop  }
0x4: {  	_ = 	snop  }
0x5: {  	_ = 	snop  }
0x6: {  	_ = 	snop  }
0x7: {  	_ = 	snop  }
__scs_overlays_trampoline_lowered:
0x8: {  	[smem:$0x3F97] =	sst s0  }
0x9: {  	[smem:$0x3F98] =	sst s1  }
0xa: {  	[smem:$0x3F99] =	sst s2  }
0xb: {  	[smem:$0x3F9A] =	sst s3  }
0xc: {  	[smem:$0x3F9B] =	sst s4  }
0xd: {  	[smem:$0x3F9C] =	sst s5  }
0xe: {  	[smem:$0x3F9D] =	sst s6  }
0xf: {  	[smem:$0x3F9E] =	sst s7  }
0x10: {  	[smem:$0x3F9F] =	sst s8  }
0x11: {  	[smem:$0x3FA0] =	sst s9;
	s0 =	simm.s32 @!p0 $0x0  }
0x12: {  	s1 =	sld [smem:$0x3F86];
	s0 =	simm.s32 @p0 $0x1  }
0x13: {  	[smem:$0x3FA1] =	sst s0;
	s0 =	simm.s32 @!p1 $0x0  }
0x14: {  	s2 =	sld [smem:$0x3F85];
	s0 =	simm.s32 @p1 $0x1  }
0x15: {  	[smem:$0x3FA2] =	sst s0;
	s0 =	simm.s32 @!p2 $0x0  }
0x16: {  	s3 =	sld [smem:$0x3FDB];
	s0 =	simm.s32 @p2 $0x1  }
0x17: {  	s4 =	simm.s32 $0x1BF5;
	[smem:$0x3FA4] =	sst s0  }
0x18: {  	s0 =	sld [smem:$0x3F87];
	_ =	swait.ge [sflag:s4], $0x0  }
0x19: {  	s7 =	sld [smem:$0x3F88]  }
0x1a: {  	s8 =	sadd.s32 $0xFFFFE003, lr  }
0x1b: {  	s9 =	sadd.s32 $0xFFFFFEF7, lr;
	s5 =	simm.s32 $0xFFFFFFFF;
	p2 =	slt.u32 s8, $0xFFFFF086  }
0x1c: {  	p1 =	slt.u32 s9, $0xF7A;
	s5 =	simm.s32 @!p2 $0x0  }
0x1d: {  	s5 =	simm.s32 @p1 $0x1;
	p0 =	seq.s32 s7, s2  }
0x1e: {  	s7 =	smul.u32 @!p0 $0xF7A, s2;
	p2 =	seq.s32 @!p0 s5, $0x0  }
0x1f: {  	s9 =	smul.u32 $0xF7A, s1;
	s8 =	simm.s32 @!p0 $0x1BF5;
	p2 =	por !p2, p0  }
0x20: {  	[sflag:s8] =	ssyncset.s32 @!p0 $0xFFFFF086;
	s6 =	sadd.s32 @!p0 s3, s7;
	s7 =	simm.s32 @!p0 $0x108  }
0x21: {  	s3 =	sadd.s32 s3, s9;
	s6 =	sadd.s32 @!p0 $0x88, s6;
	s7 =	simm.s32 @p2 $0x1082  }
0x22: {  	[simem:s7], [sflag:s8] =	dma.local @!p0 [hbm:s6], $0xF7A  }
0x23: {  	s9 =	sor.u32 $0xD0000000, s2;
	s6 =	simm.s32 $0x108;
	_ =	swait.ge @!p0 [sflag:s8], $0x0  }
0x24: {  	s3 =	sadd.s32 $0x88, s3;
	s6 =	simm.s32 @!p1 $0x1082;
	[sflag:s4] =	ssyncset.s32 $0xFFFFF086  }
0x25: {  	[simem:s6], [sflag:s4] =	dma.local [hbm:s3], $0xF7A  }
0x26: {  	[smem:$0x3F88] =	sst s1;
	(tag) =	ssettag s2;
	_ =	strace s9  }
0x27: {  	s1 =	sld [smem:$0x3F98]  }
0x28: {  	s2 =	sld [smem:$0x3F99]  }
0x29: {  	s4 =	sld [smem:$0x3F9B]  }
0x2a: {  	p0 =	seq.s32 s5, $0x0;
	s5 =	sld [smem:$0x3F9C]  }
0x2b: {  	s6 =	sld [smem:$0x3F9D]  }
0x2c: {  	s7 =	sld [smem:$0x3F9E]  }
0x2d: {  	s3 =	simm.s32 $0x108;
	s8 =	sld [smem:$0x3F9F]  }
0x2e: {  	s3 =	simm.s32 @!p0 $0x1082;
	s9 =	sld [smem:$0x3FA0]  }
0x2f: {  	lr =	sadd.s32 s0, s3;
	s0 =	sld [smem:$0x3F97]  }
0x30: {  	s3 =	sld [smem:$0x3F9A]  }
0x31: {  	[smem:$0x3FA3] =	sst s10  }
0x32: {  	s10 =	sld [smem:$0x3FA1];
	_ =	sdelay $0x3  }
0x33: {  	p0 =	seq.s32 s10, $0x1;
	s10 =	sld [smem:$0x3FA3];
	_ =	sdelay $0x3  }
0x34: {  	[smem:$0x3FA3] =	sst s10  }
0x35: {  	s10 =	sld [smem:$0x3FA2];
	_ =	sdelay $0x3  }
0x36: {  	p1 =	seq.s32 s10, $0x1;
	s10 =	sld [smem:$0x3FA3];
	_ =	sdelay $0x3  }
0x37: {  	[smem:$0x3FA3] =	sst s10  }
0x38: {  	s10 =	sld [smem:$0x3FA4]  }
0x39: {  	_ = 	snop;
	(pc) =	sbr.ind lr, $3  }
0x3a: {  	_ = 	snop  }
0x3b: {  	_ = 	snop  }
0x3c: {  	p2 =	seq.s32 s10, $0x1;
	s10 =	sld [smem:$0x3FA3]  }
0x3d: {  	_ =	shalt  }
0x3e: {  	_ =	shalt  }
0x3f: {  	_ =	shalt  }
0x40: {  	_ =	shalt  }
0x41: {  	_ =	shalt  }
0x42: {  	_ =	shalt  }
0x43: {  	_ =	shalt  }
0x44: {  	_ =	shalt  }
0x45: {  	_ =	shalt  }
0x46: {  	_ =	shalt  }
0x47: {  	_ =	shalt  }
0x48: {  	_ =	shalt  }
0x49: {  	_ =	shalt  }
0x4a: {  	_ =	shalt  }
0x4b: {  	_ =	shalt  }
0x4c: {  	_ =	shalt  }
0x4d: {  	_ =	shalt  }
0x4e: {  	_ =	shalt  }
0x4f: {  	_ =	shalt  }
0x50: {  	_ =	shalt  }
0x51: {  	_ =	shalt  }
0x52: {  	_ =	shalt  }
0x53: {  	_ =	shalt  }
0x54: {  	_ =	shalt  }
0x55: {  	_ =	shalt  }
0x56: {  	_ =	shalt  }
0x57: {  	_ =	shalt  }
0x58: {  	_ =	shalt  }
0x59: {  	_ =	shalt  }
0x5a: {  	_ =	shalt  }
0x5b: {  	_ =	shalt  }
0x5c: {  	_ =	shalt  }
0x5d: {  	_ =	shalt  }
0x5e: {  	_ =	shalt  }
0x5f: {  	_ =	shalt  }
0x60: {  	_ =	shalt  }
0x61: {  	_ =	shalt  }
0x62: {  	_ =	shalt  }
0x63: {  	_ =	shalt  }
0x64: {  	_ =	shalt  }
0x65: {  	_ =	shalt  }
0x66: {  	_ =	shalt  }
0x67: {  	_ =	shalt  }
0x68: {  	_ =	shalt  }
0x69: {  	_ =	shalt  }
0x6a: {  	_ =	shalt  }
0x6b: {  	_ =	shalt  }
0x6c: {  	_ =	shalt  }
0x6d: {  	_ =	shalt  }
0x6e: {  	_ =	shalt  }
0x6f: {  	_ =	shalt  }
0x70: {  	_ =	shalt  }
0x71: {  	_ =	shalt  }
0x72: {  	_ =	shalt  }
0x73: {  	_ =	shalt  }
0x74: {  	_ =	shalt  }
0x75: {  	_ =	shalt  }
0x76: {  	_ =	shalt  }
0x77: {  	_ =	shalt  }
0x78: {  	_ =	shalt  }
0x79: {  	_ =	shalt  }
0x7a: {  	_ =	shalt  }
0x7b: {  	_ =	shalt  }
0x7c: {  	_ =	shalt  }
0x7d: {  	_ =	shalt  }
0x7e: {  	_ =	shalt  }
0x7f: {  	_ =	shalt  }
0x80: {  	_ =	shalt  }
0x81: {  	_ =	shalt  }
0x82: {  	_ =	shalt  }
0x83: {  	_ =	shalt  }
0x84: {  	_ =	shalt  }
0x85: {  	_ =	shalt  }
0x86: {  	_ =	shalt  }
0x87: {  	_ =	shalt  }
.Lfunc_end0:
.L_simem_size_0:
called_computation.4_lowered:
.L_overlay_start_0:
0x88: {  	s2 =	sld [smem:$0x3FD9]  }
0x89: {  	s3 =	sld [smem:$0x3FFE];
	_ =	sdelay $0x1  }
0x8a: {  	s1 =	srdreg.scid  }
0x8b: {  	s0 =	sand.u32 $0x1, s1  }
0x8c: {  	s16 =	sshll.u32 s0, $0xA;
	s2 =	sadd.s32 s3, s2  }
0x8d: {  	s2 =	sadd.s32 s2, s16  }
0x8e: {  	[smem:$0x3FAF] =	sst s2  }
0x8f: {  	_ = 	snop  }
0x90: {  	(tm) =	ssettm $0x1  }
0x91: {  	s17 =	sld [smem:$0x3FFB];
	_ =	sdelay $0x3  }
0x92: {  	_ =	strace s17  }
0x93: {  	s2 =	sld [smem:$0x3FFC];
	_ =	sdelay $0x3  }
0x94: {  	_ =	strace s2  }
0x95: {  	s2 =	sld [smem:$0x3FFD];
	_ =	sdelay $0x3  }
0x96: {  	_ =	strace s2  }
0x97: {  	_ =	strace $0x8FFFFFFF  }
0x98: {  	s18 =	sld [smem:$0x3FDB];
	_ =	sdelay $0x1  }
0x99: {  	s19 =	simm.s32 $_scs_section_size  }
0x9a: {  	s4 =	simm.s32 $_size__tile_overlayer_lowered;
	s5 =	simm.s32 $_tile_overlayer_lowered  }
0x9b: {  	s22 =	simm.s32 $0x1BFF;
	s21 =	sshll.u32 s5, $0x1;
	s2 =	sadd.s32 s19, s18  }
0x9c: {  	s6 =	simm.s32 $0x0;
	s20 =	sshll.u32 s4, $0x1;
	s4 =	sadd.s32 s21, s2  }
0x9d: {  	[timem:s6], [sflag:s22] =	dma.local [hbm:s4], s20  }
0x9e: {  	_ =	swait.ge [sflag:s22], s20  }
0x9f: {  	s3 =	ssub.s32 $0x0, s20;
	[sflag:s22] =	ssyncset.done $0x0  }
0xa0: {  	[sflag:s22] =	ssyncadd.s32 s3;
	_ =	sdelay $0x1  }
0xa1: {  	s23 =	simm.s32 $0x1B8B  }
0xa2: {  	_ =	swait.ge [sflag:s23], $0x1  }
0xa3: {  	[sflag:s23] =	ssyncset.done $0x0  }
0xa4: {  	s25 =	simm.s32 $0x1B8E;
	s24 =	sld [smem:$0x3FFE];
	[sflag:s23] =	ssyncadd.s32 $0xFFFFFFFF  }
0xa5: {  	s26 =	simm.s32 $execute0_lowered;
	[smem:$0x3FD2] =	sst s25  }
0xa6: {  	s4 =	sshll.u32 s26, $0x1;
	_ =	strace $0x80000052;
	[dreg:$0x1] =	wrdreg $0xFFFFFFFF  }
0xa7: {  	s28 =	simm.s32 $_size_execute0_lowered;
	s2 =	sadd.s32 s2, s4;
	[dreg:$0x0] =	wrdreg $0x0  }
0xa8: {  	s4 =	sshll.u32 s28, $0x1;
	[dreg:$0x2] =	wrdreg s2  }
0xa9: {  	[dreg:$0x3] =	wrdreg s4  }
0xaa: {  	[dreg:$0x4] =	wrdreg $0xC0  }
0xab: {  	_ =	task [dreg:s6], $0x5FFFF  }
0xac: {  	[dreg:$0x1] =	wrdreg $0xFFFFFFFF  }
0xad: {  	[dreg:$0x0] =	wrdreg $0x60  }
0xae: {  	[dreg:$0x2] =	wrdreg s24  }
0xaf: {  	[dreg:$0x3] =	wrdreg $0x81800  }
0xb0: {  	[dreg:$0x4] =	wrdreg $0x9  }
0xb1: {  	_ =	task.clear_ibuf [dreg:s6], $0x5FFFF;
	_ =	strace $0x90000052  }
0xb2: {  	s29 =	simm.s32 $0x9;
	_ =	strace $0x80000054  }
0xb3: {  	_ =	swait.ge [sflag:s29], $0x1  }
0xb4: {  	[sflag:s29] =	ssyncadd.s32 $0xFFFFFFFF  }
0xb5: {  	_ =	strace $0x90000054  }
0xb6: {  	_ =	sfence  }
0xb7: {  	s30 =	sld [smem:$0x0];
	_ =	sdelay $0x2  }
0xb8: {  	s31 =	sshll.u32 s1, $0xD;
	s1 =	sshrl.u32 s1, $0x2  }
0xb9: {  	s3 =	sand.u32 $0x4000, s31;
	s1 =	sadd.s32 s1, s30  }
0xba: {  	s0 =	sor.u32 s3, s0;
	s1 =	sshll.u32 s1, $0x11  }
0xbb: {  	s0 =	sor.u32 s1, s0  }
0xbc: {  	s0 =	sadd.s32 $0x8F2B, s0  }
0xbd: {  	[sflag:s0] =	ssyncadd.remote.s32 $0x1  }
0xbe: {  	_ =	sfence.sel $0xFFFF  }
0xbf: {  	[dreg:$0x0] =	wrdreg $0xFFFFFFFF;
	(pc) =	sbr.abs _section_cstart, $3  }
0xc0: {  	[dreg:$0x1] =	wrdreg $0xFFFFFFFF  }
0xc1: {  	_ =	task.clear_ibuf [dreg:s6], $0x2FFFF;
	_ =	strace $0x9FFFFFFF  }
0xc2: {  	(tm) =	ssettm $0x7FFFFFFF  }
0xc3: {  	_ =	shalt  }
tec
execute0_lowered:
.L_overlay_start_1:
0x0: {  	(tag) =	ssettag $0x1  }
0x1: {  	s4 =	rddreg [dreg:$0x0]  }
0x2: {  	s1 =	rddreg [dreg:$0x1]  }
0x3: {  	s0 =	rddreg [dreg:$0x2];
	s3 =	simm.s32 $0x0;
	s2 =	srdreg.scid  }
0x4: {  	s13 =	simm.s32 $0x100;
	s14 =	simm.s32 $0x180;
	s15 =	simm.s32 $0x2  }
0x5: {  	s16 =	simm.s32 $0x1;
	s17 =	simm.s32 $0x0;
	s5 =	sand.u32 $0x1, s2  }
0x6: {  	[smem:$0x7FF] =	sst s3;
	s2 =	stileid.u32;
	s6 =	sshll.u32 s5, $0xC  }
0x7: {  	s7 =	sshll.u32 s2, $0x8;
	s8 =	smul.u32 $0x140000, s5;
	s9 =	sshll.u32 s5, $0x10  }
0x8: {  	s24 =	smul.u32 $0x14000, s2;
	_ =	strace $0x80000053;
	s26 =	ssub.s32 $0x2, s5  }
0x9: {  	s5 =	sshll.u32 s5, $0x4;
	s31 =	sshll.u32 s2, $0xC;
	s6 =	sor.u32 s7, s6  }
0xa: {  	s9 =	sadd.s32 s9, s4;
	s28 =	sshrl.u32 s26, $0x1;
	s30 =	sor.u32 s2, s5  }
0xb: {  	s5 =	smul.u32 $0x280, s2;
	s6 =	sshrl.u32 s6, $0x3;
	s25 =	sadd.s32 s24, s8  }
0xc: {  	s29 =	ssub.s32 s26, s28;
	p0 =	slt.u32 s30, $0x2;
	s12 =	sadd.s32 s31, s9  }
0xd: {  	s10 =	sadd.s32 s6, s4;
	s6 =	sshrl.u32 s25, $0x3;
	s7 =	sadd.s32 $0x555800, s12  }
0xe: {  	s11 =	sadd.s32 s6, s4;
	s4 =	simm.s32 $0x28;
	s6 =	smax.u32 s29, $0x1  }
0xf: {  	s8 =	sadd.s32 $0x13E00, s10;
	s10 =	sadd.s32 $0x146E000, s12;
	s12 =	simm.s32 $0x80  }
0x10: {  	v0 =	vimm.f32 $0.0e+00;
	v1 =	vlaneseq.u32;
	s4 =	simm.s32 @!p0 $0x27;
	s9 =	sadd.s32 $0x73800, s11;
	s11 =	sadd.s32 $0xC3800, s11  }
.LBB2_1:
0x11: {  	s18 =	simm.s32 $0x0;
	s19 =	simm.s32 $0x200  }
.LBB2_2:
0x12: {  	p0 =	sne.s32 s19, $0xFE00;
	[tilespmem:s18+$0x1F0] =	vst v0  }
0x13: {  	[tilespmem:s18+$0x180] =	vst v0  }
0x14: {  	[tilespmem:s18+$0x190] =	vst v0  }
.Ltmp0:
0x15: {  	[tilespmem:s18+$0x1A0] =	vst v0;
	(pc) =	sbr.rel @p0 .LBB2_2-.Ltmp0, $4  }
0x16: {  	[tilespmem:s18+$0x1B0] =	vst v0  }
0x17: {  	[tilespmem:s18+$0x1C0] =	vst v0  }
0x18: {  	[tilespmem:s18+$0x1D0] =	vst v0  }
0x19: {  	[tilespmem:s18+$0x1E0] =	vst v0;
	s18 =	sshra.s32 s19, $0x2;
	s19 =	sadd.s32 $0x200, s19  }
0x1a: {  	[tilespmem:s18+$0x1F0] =	vst v0  }
0x1b: {  	[tilespmem:s18+$0x180] =	vst v0  }
0x1c: {  	[tilespmem:s18+$0x190] =	vst v0  }
0x1d: {  	[tilespmem:s18+$0x1A0] =	vst v0  }
0x1e: {  	[tilespmem:s18+$0x1B0] =	vst v0  }
0x1f: {  	[tilespmem:s18+$0x1C0] =	vst v0  }
0x20: {  	[tilespmem:s18+$0x1D0] =	vst v0;
	s19 =	sadd.s32 $0x0, s5  }
0x21: {  	[tilespmem:s18+$0x1E0] =	vst v0;
	v2 =	vor.u32 s19, v1;
	s26 =	sadd.s32 $0x70, s19  }
0x22: {  	s20 =	sadd.s32 $0x60, s19;
	[tilespmem:$0x100] =	vst v2;
	v2 =	vor.u32 s26, v1  }
0x23: {  	s30 =	sadd.s32 $0x30, s19;
	v3 =	vor.u32 s20, v1;
	[tilespmem:$0x170] =	vst v2  }
0x24: {  	s28 =	sadd.s32 $0x50, s19;
	v4 =	vor.u32 s30, v1;
	[tilespmem:$0x160] =	vst v3  }
0x25: {  	s29 =	sadd.s32 $0x40, s19;
	v2 =	vor.u32 s28, v1;
	[tilespmem:$0x130] =	vst v4  }
0x26: {  	s31 =	sadd.s32 $0x20, s19;
	v3 =	vor.u32 s29, v1;
	[tilespmem:$0x150] =	vst v2  }
0x27: {  	s18 =	simm.s32 $0x80;
	s19 =	sadd.s32 $0x10, s19;
	[tilespmem:$0x140] =	vst v3;
	v2 =	vor.u32 s31, v1  }
.LBB2_4:
0x28: {  	p0 =	sne.s32 s18, $0x200;
	v3 =	vor.u32 s19, v1;
	[tilespmem:$0x120] =	vst v2  }
0x29: {  	[tilespmem:$0x110] =	vst v3;
	[spmem:s1] =	stream.indirect.scatter [tilespmem:s14], [sflag:$0x2], $0x80, s13, s12, $0xb8  }
0x2a: {  	_ =	swait.ge [sflag:s15], $0x4000  }
0x2b: {  	s19 =	sadd.s32 s18, s5;
	[sflag:s15] =	ssyncset.done $0x0  }
0x2c: {  	v2 =	vor.u32 s19, v1;
	s20 =	sadd.s32 $0x70, s19;
	[sflag:s15] =	ssyncadd.s32 $0xFFFFC000  }
0x2d: {  	s21 =	sadd.s32 $0x60, s19;
	[tilespmem:$0x100] =	vst v2;
	v2 =	vor.u32 s20, v1  }
.Ltmp1:
0x2e: {  	v3 =	vor.u32 s21, v1;
	s20 =	sadd.s32 $0x50, s19;
	[tilespmem:$0x170] =	vst v2;
	(pc) =	sbr.rel @p0 .LBB2_4-.Ltmp1, $4  }
0x2f: {  	s21 =	sadd.s32 $0x40, s19;
	v2 =	vor.u32 s20, v1;
	[tilespmem:$0x160] =	vst v3  }
0x30: {  	s20 =	sadd.s32 $0x30, s19;
	v3 =	vor.u32 s21, v1;
	[tilespmem:$0x150] =	vst v2  }
0x31: {  	s21 =	sadd.s32 $0x20, s19;
	v4 =	vor.u32 s20, v1;
	[tilespmem:$0x140] =	vst v3  }
0x32: {  	s18 =	sadd.s32 $0x80, s18;
	s19 =	sadd.s32 $0x10, s19;
	v2 =	vor.u32 s21, v1;
	[tilespmem:$0x130] =	vst v4  }
0x33: {  	v3 =	vor.u32 s19, v1;
	[tilespmem:$0x120] =	vst v2  }
0x34: {  	[tilespmem:$0x110] =	vst v3  }
0x35: {  	[spmem:s1] =	stream.indirect.scatter [tilespmem:s14], [sflag:$0x2], $0x80, s13, s12, $0xb8;
	[tilespmem:$0x1C180] =	vst v63  }
0x36: {  	_ =	swait.ge [sflag:s15], $0x4000  }
0x37: {  	[sflag:s15] =	ssyncset.done $0x0  }
0x38: {  	[sflag:s15] =	ssyncadd.s32 $0xFFFFC000  }
0x39: {  	[bflag:$0x0] =	sbarrier.arrive $0xFFFF  }
0x3a: {  	[tilespmem:s3], [sflag:$0x2] =	stream.linear.gather [hbm4b:s8+s3], $0x100, $0x38;
	[tilespmem:$0x1C180] =	vst v63  }
0x3b: {  	_ =	swait.ge [sflag:s15], $0x100  }
0x3c: {  	[sflag:s15] =	ssyncset.done $0x0  }
0x3d: {  	[sflag:s15] =	ssyncadd.s32 $0xFFFFFF00  }
0x3e: {  	[tilespmem:s14], [sflag:$0x2] =	stream.linear.gather [hbm4b:s7+s3], $0x8000, $0x38;
	[tilespmem:$0x1C180] =	vst v63  }
0x3f: {  	p0 =	sne.s32 s4, $0x1;
	_ =	swait.ge [sflag:s15], $0x8000  }
.Ltmp2:
0x40: {  	[sflag:s15] =	ssyncset.done $0x0;
	(pc) =	sbr.rel @!p0 .LBB2_7-.Ltmp2, $4  }
0x41: {  	[sflag:s15] =	ssyncadd.s32 $0xFFFF8000  }
0x42: {  	[spmem:s1] =	stream.indirect.scatter.add.f32 [tilespmem:s14], [sflag:$0x2], $0x80, s3, s13, $0xb8;
	[tilespmem:$0x1C180] =	vst v63  }
0x43: {  	s18 =	sadd.s32 $0xFFFFFFFF, s4;
	_ =	swait.ge [sflag:s15], $0x8000  }
0x44: {  	s19 =	smov.u32 s7;
	s20 =	smov.u32 s8;
	[sflag:s15] =	ssyncset.done $0x0  }
.LBB2_6:
0x45: {  	[sflag:s15] =	ssyncadd.s32 $0xFFFF8000;
	s19 =	sadd.s32 $0x20000, s19;
	s20 =	sadd.s32 $0x400, s20  }
0x46: {  	[tilespmem:s3], [sflag:$0x2] =	stream.linear.gather [hbm4b:s20+s3], $0x100, $0x38;
	[tilespmem:$0x1C180] =	vst v63  }
0x47: {  	p1 =	sne.s32 s18, $0x1;
	s18 =	sadd.s32 $0xFFFFFFFF, s18;
	_ =	swait.ge [sflag:s15], $0x100  }
0x48: {  	[sflag:s15] =	ssyncset.done $0x0  }
0x49: {  	[sflag:s15] =	ssyncadd.s32 $0xFFFFFF00  }
0x4a: {  	[tilespmem:s14], [sflag:$0x2] =	stream.linear.gather [hbm4b:s19+s3], $0x8000, $0x38;
	[tilespmem:$0x1C180] =	vst v63  }
0x4b: {  	_ =	swait.ge [sflag:s15], $0x8000  }
.Ltmp3:
0x4c: {  	[sflag:s15] =	ssyncset.done $0x0;
	(pc) =	sbr.rel @p1 .LBB2_6-.Ltmp3, $4  }
0x4d: {  	[sflag:s15] =	ssyncadd.s32 $0xFFFF8000  }
0x4e: {  	[spmem:s1] =	stream.indirect.scatter.add.f32 [tilespmem:s14], [sflag:$0x2], $0x80, s3, s13, $0xb8;
	[tilespmem:$0x1C180] =	vst v63  }
0x4f: {  	_ =	swait.ge [sflag:s15], $0x8000  }
0x50: {  	[sflag:s15] =	ssyncset.done $0x0  }
.LBB2_7:
0x51: {  	[sflag:s15] =	ssyncadd.s32 $0xFFFF8000;
	s18 =	sadd.s32 $0x0, s5  }
0x52: {  	[bflag:$0x0] =	sbarrier.arrive $0xFFFF;
	v2 =	vor.u32 s18, v1;
	s19 =	sadd.s32 $0x10, s18  }
0x53: {  	s20 =	sadd.s32 $0x20, s18;
	[tilespmem:$0x100] =	vst v2;
	v2 =	vor.u32 s19, v1  }
0x54: {  	s28 =	sadd.s32 $0x70, s18;
	v3 =	vor.u32 s20, v1;
	[tilespmem:$0x110] =	vst v2  }
0x55: {  	s30 =	sadd.s32 $0x40, s18;
	v2 =	vor.u32 s28, v1;
	[tilespmem:$0x120] =	vst v3  }
0x56: {  	s29 =	sadd.s32 $0x50, s18;
	v3 =	vor.u32 s30, v1;
	[tilespmem:$0x170] =	vst v2  }
0x57: {  	s31 =	sadd.s32 $0x60, s18;
	s18 =	sadd.s32 $0x30, s18;
	v2 =	vor.u32 s29, v1;
	[tilespmem:$0x140] =	vst v3  }
0x58: {  	v3 =	vor.u32 s18, v1;
	[tilespmem:$0x150] =	vst v2  }
0x59: {  	s21 =	smov.u32 s9;
	v2 =	vor.u32 s31, v1;
	[tilespmem:$0x130] =	vst v3  }
0x5a: {  	s19 =	simm.s32 $0x80;
	s20 =	smov.u32 s9;
	s18 =	simm.s32 $0x0;
	[tilespmem:$0x160] =	vst v2  }
0x5b: {  	[tilespmem:s14], [sflag:$0x1] =	stream.indirect.gather [spmem:s1], $0x80, s13, s12, $0xb8;
	[tilespmem:$0x1C180] =	vst v63  }
.LBB2_8:
0x5c: {  	p1 =	sne.s32 s19, $0x200;
	_ =	swait.ge [sflag:s16], $0x4000;
	s21 =	sadd.s32 $0x800, s21  }
0x5d: {  	s22 =	smov.u32 s19;
	s19 =	sadd.s32 $0x80, s19;
	[sflag:s16] =	ssyncset.done $0x0  }
0x5e: {  	[sflag:s16] =	ssyncadd.s32 $0xFFFFC000  }
0x5f: {  	[hbm4b:s20+s18] =	stream.linear.scatter [tilespmem:s14], [sflag:$0x2], $0x4000, $0x38;
	[tilespmem:$0x1C180] =	vst v63  }
0x60: {  	s20 =	smov.u32 s21;
	_ =	swait.ge [sflag:s15], $0x4000  }
0x61: {  	s22 =	sadd.s32 s22, s5;
	[sflag:s15] =	ssyncset.done $0x0  }
0x62: {  	v2 =	vor.u32 s22, v1;
	s23 =	sadd.s32 $0x10, s22;
	s24 =	sadd.s32 $0x20, s22;
	[sflag:s15] =	ssyncadd.s32 $0xFFFFC000  }
0x63: {  	s25 =	sadd.s32 $0x70, s22;
	v3 =	vor.u32 s24, v1;
	s24 =	sadd.s32 $0x50, s22;
	[tilespmem:$0x100] =	vst v2;
	v2 =	vor.u32 s23, v1;
	s23 =	sadd.s32 $0x40, s22  }
0x64: {  	s26 =	sadd.s32 $0x30, s22;
	v5 =	vor.u32 s25, v1;
	v4 =	vor.u32 s24, v1;
	s22 =	sadd.s32 $0x60, s22;
	[tilespmem:$0x110] =	vst v2;
	v2 =	vor.u32 s23, v1  }
0x65: {  	v6 =	vor.u32 s26, v1;
	v7 =	vor.u32 s22, v1;
	[tilespmem:$0x170] =	vst v5  }
0x66: {  	[tilespmem:$0x120] =	vst v3  }
.Ltmp4:
0x67: {  	[tilespmem:$0x150] =	vst v4;
	(pc) =	sbr.rel @p1 .LBB2_8-.Ltmp4, $4  }
0x68: {  	[tilespmem:$0x140] =	vst v2  }
0x69: {  	[tilespmem:$0x160] =	vst v7  }
0x6a: {  	[tilespmem:$0x130] =	vst v6  }
0x6b: {  	[tilespmem:s14], [sflag:$0x1] =	stream.indirect.gather [spmem:s1], $0x80, s13, s12, $0xb8;
	[tilespmem:$0x1C180] =	vst v63  }
0x6c: {  	_ =	swait.ge [sflag:s16], $0x4000  }
0x6d: {  	[sflag:s16] =	ssyncset.done $0x0  }
0x6e: {  	[sflag:s16] =	ssyncadd.s32 $0xFFFFC000  }
0x6f: {  	[hbm4b:s20+s18] =	stream.linear.scatter [tilespmem:s14], [sflag:$0x2], $0x4000, $0x38;
	[tilespmem:$0x1C180] =	vst v63  }
0x70: {  	_ =	swait.ge [sflag:s15], $0x4000  }
0x71: {  	[sflag:s15] =	ssyncset.done $0x0  }
0x72: {  	s19 =	simm.s32 $0x200;
	s18 =	simm.s32 $0x0;
	[sflag:s15] =	ssyncadd.s32 $0xFFFFC000  }
.LBB2_10:
0x73: {  	p1 =	sne.s32 s19, $0xFE00;
	[tilespmem:s18+$0x1F0] =	vst v0  }
0x74: {  	[tilespmem:s18+$0x180] =	vst v0  }
0x75: {  	[tilespmem:s18+$0x190] =	vst v0  }
.Ltmp5:
0x76: {  	[tilespmem:s18+$0x1A0] =	vst v0;
	(pc) =	sbr.rel @p1 .LBB2_10-.Ltmp5, $4  }
0x77: {  	[tilespmem:s18+$0x1B0] =	vst v0  }
0x78: {  	[tilespmem:s18+$0x1C0] =	vst v0  }
0x79: {  	[tilespmem:s18+$0x1D0] =	vst v0  }
0x7a: {  	[tilespmem:s18+$0x1E0] =	vst v0;
	s18 =	sshra.s32 s19, $0x2;
	s19 =	sadd.s32 $0x200, s19  }
0x7b: {  	[tilespmem:s18+$0x1F0] =	vst v0  }
0x7c: {  	[tilespmem:s18+$0x180] =	vst v0  }
0x7d: {  	[tilespmem:s18+$0x190] =	vst v0  }
0x7e: {  	[tilespmem:s18+$0x1A0] =	vst v0  }
0x7f: {  	[tilespmem:s18+$0x1B0] =	vst v0  }
0x80: {  	[tilespmem:s18+$0x1C0] =	vst v0  }
0x81: {  	[tilespmem:s18+$0x1D0] =	vst v0;
	s19 =	sadd.s32 $0x0, s5  }
0x82: {  	[tilespmem:s18+$0x1E0] =	vst v0;
	v2 =	vor.u32 s19, v1;
	s26 =	sadd.s32 $0x70, s19  }
0x83: {  	s20 =	sadd.s32 $0x60, s19;
	[tilespmem:$0x100] =	vst v2;
	v2 =	vor.u32 s26, v1  }
0x84: {  	s30 =	sadd.s32 $0x30, s19;
	v3 =	vor.u32 s20, v1;
	[tilespmem:$0x170] =	vst v2  }
0x85: {  	s28 =	sadd.s32 $0x50, s19;
	v4 =	vor.u32 s30, v1;
	[tilespmem:$0x160] =	vst v3  }
0x86: {  	s29 =	sadd.s32 $0x40, s19;
	v2 =	vor.u32 s28, v1;
	[tilespmem:$0x130] =	vst v4  }
0x87: {  	s31 =	sadd.s32 $0x20, s19;
	v3 =	vor.u32 s29, v1;
	[tilespmem:$0x150] =	vst v2  }
0x88: {  	s18 =	simm.s32 $0x80;
	s19 =	sadd.s32 $0x10, s19;
	[tilespmem:$0x140] =	vst v3;
	v2 =	vor.u32 s31, v1  }
.LBB2_12:
0x89: {  	p1 =	sne.s32 s18, $0x200;
	v3 =	vor.u32 s19, v1;
	[tilespmem:$0x120] =	vst v2  }
0x8a: {  	[tilespmem:$0x110] =	vst v3;
	[spmem:s1] =	stream.indirect.scatter [tilespmem:s14], [sflag:$0x2], $0x80, s13, s12, $0xb8  }
0x8b: {  	_ =	swait.ge [sflag:s15], $0x4000  }
0x8c: {  	s19 =	sadd.s32 s18, s5;
	[sflag:s15] =	ssyncset.done $0x0  }
0x8d: {  	v2 =	vor.u32 s19, v1;
	s20 =	sadd.s32 $0x70, s19;
	[sflag:s15] =	ssyncadd.s32 $0xFFFFC000  }
0x8e: {  	s21 =	sadd.s32 $0x60, s19;
	[tilespmem:$0x100] =	vst v2;
	v2 =	vor.u32 s20, v1  }
.Ltmp6:
0x8f: {  	v3 =	vor.u32 s21, v1;
	s20 =	sadd.s32 $0x50, s19;
	[tilespmem:$0x170] =	vst v2;
	(pc) =	sbr.rel @p1 .LBB2_12-.Ltmp6, $4  }
0x90: {  	s21 =	sadd.s32 $0x40, s19;
	v2 =	vor.u32 s20, v1;
	[tilespmem:$0x160] =	vst v3  }
0x91: {  	s20 =	sadd.s32 $0x30, s19;
	v3 =	vor.u32 s21, v1;
	[tilespmem:$0x150] =	vst v2  }
0x92: {  	s21 =	sadd.s32 $0x20, s19;
	v4 =	vor.u32 s20, v1;
	[tilespmem:$0x140] =	vst v3  }
0x93: {  	s18 =	sadd.s32 $0x80, s18;
	s19 =	sadd.s32 $0x10, s19;
	v2 =	vor.u32 s21, v1;
	[tilespmem:$0x130] =	vst v4  }
0x94: {  	v3 =	vor.u32 s19, v1;
	[tilespmem:$0x120] =	vst v2  }
0x95: {  	[tilespmem:$0x110] =	vst v3  }
0x96: {  	[spmem:s1] =	stream.indirect.scatter [tilespmem:s14], [sflag:$0x2], $0x80, s13, s12, $0xb8;
	[tilespmem:$0x1C180] =	vst v63  }
0x97: {  	_ =	swait.ge [sflag:s15], $0x4000  }
0x98: {  	[sflag:s15] =	ssyncset.done $0x0  }
0x99: {  	[sflag:s15] =	ssyncadd.s32 $0xFFFFC000  }
0x9a: {  	[bflag:$0x0] =	sbarrier.arrive $0xFFFF  }
0x9b: {  	[tilespmem:s3], [sflag:$0x2] =	stream.linear.gather [hbm4b:s8+s3], $0x100, $0x38;
	[tilespmem:$0x1C180] =	vst v63  }
0x9c: {  	_ =	swait.ge [sflag:s15], $0x100  }
0x9d: {  	[sflag:s15] =	ssyncset.done $0x0  }
0x9e: {  	[sflag:s15] =	ssyncadd.s32 $0xFFFFFF00  }
0x9f: {  	[tilespmem:s14], [sflag:$0x2] =	stream.linear.gather [hbm4b:s10+s3], $0x8000, $0x38;
	[tilespmem:$0x1C180] =	vst v63  }
0xa0: {  	_ =	swait.ge [sflag:s15], $0x8000  }
.Ltmp7:
0xa1: {  	[sflag:s15] =	ssyncset.done $0x0;
	(pc) =	sbr.rel @!p0 .LBB2_15-.Ltmp7, $4  }
0xa2: {  	[sflag:s15] =	ssyncadd.s32 $0xFFFF8000  }
0xa3: {  	[spmem:s1] =	stream.indirect.scatter.add.f32 [tilespmem:s14], [sflag:$0x2], $0x80, s3, s13, $0xb8;
	[tilespmem:$0x1C180] =	vst v63  }
0xa4: {  	s18 =	sadd.s32 $0xFFFFFFFF, s4;
	_ =	swait.ge [sflag:s15], $0x8000  }
0xa5: {  	s19 =	smov.u32 s10;
	s20 =	smov.u32 s8;
	[sflag:s15] =	ssyncset.done $0x0  }
.LBB2_14:
0xa6: {  	[sflag:s15] =	ssyncadd.s32 $0xFFFF8000;
	s19 =	sadd.s32 $0x20000, s19;
	s20 =	sadd.s32 $0x400, s20  }
0xa7: {  	[tilespmem:s3], [sflag:$0x2] =	stream.linear.gather [hbm4b:s20+s3], $0x100, $0x38;
	[tilespmem:$0x1C180] =	vst v63  }
0xa8: {  	p0 =	sne.s32 s18, $0x1;
	s18 =	sadd.s32 $0xFFFFFFFF, s18;
	_ =	swait.ge [sflag:s15], $0x100  }
0xa9: {  	[sflag:s15] =	ssyncset.done $0x0  }
0xaa: {  	[sflag:s15] =	ssyncadd.s32 $0xFFFFFF00  }
0xab: {  	[tilespmem:s14], [sflag:$0x2] =	stream.linear.gather [hbm4b:s19+s3], $0x8000, $0x38;
	[tilespmem:$0x1C180] =	vst v63  }
0xac: {  	_ =	swait.ge [sflag:s15], $0x8000  }
.Ltmp8:
0xad: {  	[sflag:s15] =	ssyncset.done $0x0;
	(pc) =	sbr.rel @p0 .LBB2_14-.Ltmp8, $4  }
0xae: {  	[sflag:s15] =	ssyncadd.s32 $0xFFFF8000  }
0xaf: {  	[spmem:s1] =	stream.indirect.scatter.add.f32 [tilespmem:s14], [sflag:$0x2], $0x80, s3, s13, $0xb8;
	[tilespmem:$0x1C180] =	vst v63  }
0xb0: {  	_ =	swait.ge [sflag:s15], $0x8000  }
0xb1: {  	[sflag:s15] =	ssyncset.done $0x0  }
.LBB2_15:
0xb2: {  	[sflag:s15] =	ssyncadd.s32 $0xFFFF8000;
	s18 =	sadd.s32 $0x0, s5  }
0xb3: {  	[bflag:$0x0] =	sbarrier.arrive $0xFFFF;
	v2 =	vor.u32 s18, v1;
	s19 =	sadd.s32 $0x10, s18  }
0xb4: {  	s20 =	sadd.s32 $0x20, s18;
	[tilespmem:$0x100] =	vst v2;
	v2 =	vor.u32 s19, v1  }
0xb5: {  	s28 =	sadd.s32 $0x70, s18;
	v3 =	vor.u32 s20, v1;
	[tilespmem:$0x110] =	vst v2  }
0xb6: {  	s30 =	sadd.s32 $0x40, s18;
	v2 =	vor.u32 s28, v1;
	[tilespmem:$0x120] =	vst v3  }
0xb7: {  	s29 =	sadd.s32 $0x50, s18;
	v3 =	vor.u32 s30, v1;
	[tilespmem:$0x170] =	vst v2  }
0xb8: {  	s31 =	sadd.s32 $0x60, s18;
	s18 =	sadd.s32 $0x30, s18;
	v2 =	vor.u32 s29, v1;
	[tilespmem:$0x140] =	vst v3  }
0xb9: {  	v3 =	vor.u32 s18, v1;
	[tilespmem:$0x150] =	vst v2  }
0xba: {  	v2 =	vor.u32 s31, v1;
	[tilespmem:$0x130] =	vst v3  }
0xbb: {  	s20 =	smov.u32 s11;
	s19 =	smov.u32 s11;
	s18 =	simm.s32 $0x80;
	[tilespmem:$0x160] =	vst v2  }
0xbc: {  	[tilespmem:s14], [sflag:$0x1] =	stream.indirect.gather [spmem:s1], $0x80, s13, s12, $0xb8;
	[tilespmem:$0x1C180] =	vst v63  }
.LBB2_16:
0xbd: {  	p0 =	sne.s32 s18, $0x200;
	_ =	swait.ge [sflag:s16], $0x4000;
	s20 =	sadd.s32 $0x800, s20  }
0xbe: {  	s21 =	smov.u32 s18;
	s18 =	sadd.s32 $0x80, s18;
	[sflag:s16] =	ssyncset.done $0x0  }
0xbf: {  	[sflag:s16] =	ssyncadd.s32 $0xFFFFC000  }
0xc0: {  	[hbm4b:s19+s3] =	stream.linear.scatter [tilespmem:s14], [sflag:$0x2], $0x4000, $0x38;
	[tilespmem:$0x1C180] =	vst v63  }
0xc1: {  	s19 =	smov.u32 s20;
	_ =	swait.ge [sflag:s15], $0x4000  }
0xc2: {  	s21 =	sadd.s32 s21, s5;
	[sflag:s15] =	ssyncset.done $0x0  }
0xc3: {  	v2 =	vor.u32 s21, v1;
	s22 =	sadd.s32 $0x10, s21;
	s23 =	sadd.s32 $0x20, s21;
	[sflag:s15] =	ssyncadd.s32 $0xFFFFC000  }
0xc4: {  	s24 =	sadd.s32 $0x70, s21;
	v3 =	vor.u32 s23, v1;
	s23 =	sadd.s32 $0x50, s21;
	[tilespmem:$0x100] =	vst v2;
	v2 =	vor.u32 s22, v1;
	s22 =	sadd.s32 $0x40, s21  }
0xc5: {  	s25 =	sadd.s32 $0x30, s21;
	v5 =	vor.u32 s24, v1;
	v4 =	vor.u32 s23, v1;
	s21 =	sadd.s32 $0x60, s21;
	[tilespmem:$0x110] =	vst v2;
	v2 =	vor.u32 s22, v1  }
0xc6: {  	v6 =	vor.u32 s25, v1;
	v7 =	vor.u32 s21, v1;
	[tilespmem:$0x170] =	vst v5  }
0xc7: {  	[tilespmem:$0x120] =	vst v3  }
.Ltmp9:
0xc8: {  	[tilespmem:$0x150] =	vst v4;
	(pc) =	sbr.rel @p0 .LBB2_16-.Ltmp9, $4  }
0xc9: {  	[tilespmem:$0x140] =	vst v2  }
0xca: {  	[tilespmem:$0x160] =	vst v7  }
0xcb: {  	[tilespmem:$0x130] =	vst v6  }
0xcc: {  	[tilespmem:s14], [sflag:$0x1] =	stream.indirect.gather [spmem:s1], $0x80, s13, s12, $0xb8;
	[tilespmem:$0x1C180] =	vst v63  }
0xcd: {  	_ =	swait.ge [sflag:s16], $0x4000;
	s17 =	sadd.s32 $0x1, s17  }
0xce: {  	[sflag:s16] =	ssyncset.done $0x0;
	p0 =	sne.s32 s17, s6  }
.Ltmp10:
0xcf: {  	[sflag:s16] =	ssyncadd.s32 $0xFFFFC000;
	(pc) =	sbr.rel @p0 .LBB2_1-.Ltmp10, $4  }
0xd0: {  	[hbm4b:s19+s3] =	stream.linear.scatter [tilespmem:s14], [sflag:$0x2], $0x4000, $0x38;
	[tilespmem:$0x1C180] =	vst v63  }
0xd1: {  	_ =	swait.ge [sflag:s15], $0x4000  }
0xd2: {  	[sflag:s15] =	ssyncset.done $0x0  }
0xd3: {  	[sflag:s15] =	ssyncadd.s32 $0xFFFFC000  }
0xd4: {  	_ =	sfence.sel $0x180000  }
0xd5: {  	[bflag:$0x0] =	sbarrier.arrive $0xFFFF  }
0xd6: {  	p0 =	sne.s32 s2, $0x0;
	_ =	strace $0x90000053  }
0xd7: {  	s0 =	sadd.s32 @!p0 $0x100000, s0;
	[bflag:$0x2] =	sbarrier.arrive $0xFFFF  }
0xd8: {  	[sflag:s0] =	ssyncadd.tile.s32 @!p0 $0x1;
	_ =	shalt  }
.Lfunc_end2:
_tile_overlayer_lowered:
.L_overlay_start_2:
0xd9: {  	(tag) =	ssettag $0x2  }
0xda: {  	s0 =	rddreg [dreg:$0x0];
	s2 =	stileid.u32  }
0xdb: {  	s1 =	rddreg [dreg:$0x1];
	p0 =	sne.s32 s2, $0x0  }
0xdc: {  	s3 =	rddreg [dreg:$0x2];
	[bflag:$0x3] =	sbarrier.arrive $0xFFFF;
	s2 =	simm.s32 @!p0 $0x1C02  }
0xdd: {  	[timem:s3], [sflag:s2] =	dma.local @!p0 [hbm:s0], s1  }
0xde: {  	s0 =	simm.s32 @!p0 $0x2  }
0xdf: {  	_ =	swait.ge @!p0 [sflag:s0], s1  }
0xe0: {  	s1 =	ssub.s32 @!p0 $0x0, s1;
	[sflag:s0] =	ssyncset.done @!p0 $0x0  }
0xe1: {  	[sflag:s0] =	ssyncadd.s32 @!p0 s1  }
0xe2: {  	[bflag:$0x3] =	sbarrier.arrive $0xFFFF  }
0xe3: {  	_ =	shalt  }

</sc_bundles>
